<compile_context>
chip_gen: v7x
topology: tpu7x:2x2x1
jax: 0.10.2.dev20260603
libtpu: 0.0.44.dev20260713+nightly
codegen_flags: <defaults>
</compile_context>

<pallas_src>
import functools

import jax
import jax.numpy as jnp
from jax import lax
from jax.experimental import pallas as pl
from jax.experimental.pallas import tpu as pltpu
from jax.experimental.pallas import tpu_sc as plsc

N = 10000
E = 320000
D = 128

NC = 2
NS = 16
NW = NC * NS

GB = 50
RPC = 8
CHUNK = GB * RPC
IDX_ROWS = E // GB
CPW = IDX_ROWS // RPC // NW

CH2 = 128
IDX2_ROWS = E // 16
NCHUNK2 = E // CH2
CNT2_BASE = NCHUNK2 // NW
CNT2_REM = NCHUNK2 % NW

CR = 1280
AGG_STRIPE = 632
AGG_LAST = N - 15 * AGG_STRIPE
CACC_STRIPE = CR // NS

_mesh = plsc.VectorSubcoreMesh(core_axis_name="c", subcore_axis_name="s")


def _silu(x):
    return x / (1.0 + jnp.exp(-x))


@functools.partial(
    pl.kernel,
    out_type=[
        jax.ShapeDtypeStruct((E, D), jnp.float32),
        jax.ShapeDtypeStruct((E, D), jnp.float32),
    ],
    mesh=_mesh,
    scratch_types=[
        pltpu.VMEM((RPC, GB), jnp.int32),
        pltpu.VMEM((RPC, GB), jnp.int32),
        pltpu.VMEM((CHUNK, D), jnp.float32),
        pltpu.VMEM((CHUNK, D), jnp.float32),
        pltpu.SemaphoreType.DMA,
    ],
)
def _gather_kernel(h_hbm, row2_hbm, col2_hbm, hrow_hbm, hcol_hbm,
                   idxr_v, idxc_v, hrow_v, hcol_v, sem):
    wid = lax.axis_index("s") * NC + lax.axis_index("c")

    def step(t, carry):
        c = wid * CPW + t
        r0 = c * RPC
        pltpu.sync_copy(row2_hbm.at[pl.ds(r0, RPC)], idxr_v)
        pltpu.sync_copy(col2_hbm.at[pl.ds(r0, RPC)], idxc_v)
        cps = []
        for j in range(RPC):
            dst = pl.ds(j * GB, GB)
            cps.append(pltpu.async_copy(h_hbm.at[idxr_v.at[j]], hrow_v.at[dst], sem))
            cps.append(pltpu.async_copy(h_hbm.at[idxc_v.at[j]], hcol_v.at[dst], sem))
        for cp in cps:
            cp.wait()
        e0 = c * CHUNK
        pltpu.sync_copy(hrow_v, hrow_hbm.at[pl.ds(e0, CHUNK)])
        pltpu.sync_copy(hcol_v, hcol_hbm.at[pl.ds(e0, CHUNK)])
        return carry

    lax.fori_loop(0, CPW, step, 0)


@functools.partial(
    pl.kernel,
    out_type=jax.ShapeDtypeStruct((E * 16,), jnp.float32),
    mesh=_mesh,
    compiler_params=pltpu.CompilerParams(needs_layout_passes=False),
    scratch_types=[
        pltpu.VMEM((N,), jnp.float32),
        pltpu.VMEM((N,), jnp.float32),
        pltpu.VMEM((N,), jnp.float32),
        pltpu.VMEM((8, 16), jnp.int32),
        pltpu.VMEM((8, 16), jnp.int32),
        pltpu.VMEM((CH2 * 16,), jnp.float32),
    ],
)
def _rel_kernel(cx_hbm, cy_hbm, cz_hbm, row16_hbm, col16_hbm, rel_hbm,
                cx_v, cy_v, cz_v, idxr_v, idxc_v, rel_v):
    wid = lax.axis_index("s") * NC + lax.axis_index("c")
    pltpu.sync_copy(cx_hbm, cx_v)
    pltpu.sync_copy(cy_hbm, cy_v)
    pltpu.sync_copy(cz_hbm, cz_v)

    zero16 = jnp.zeros((16,), jnp.float32)

    def zstep(i, carry):
        rel_v[pl.ds(i * 16, 16)] = zero16
        return carry

    lax.fori_loop(0, CH2, zstep, 0)

    lanes = lax.iota(jnp.int32, 16)
    cnt = CNT2_BASE + jnp.where(wid < CNT2_REM, 1, 0)

    def step(t, carry):
        c = wid + t * NW
        rr = c * 8
        pltpu.sync_copy(row16_hbm.at[pl.ds(rr, 8)], idxr_v)
        pltpu.sync_copy(col16_hbm.at[pl.ds(rr, 8)], idxc_v)
        for j in range(8):
            ri = idxr_v.at[j][...]
            ci = idxc_v.at[j][...]
            relx = plsc.load_gather(cx_v, [ri]) - plsc.load_gather(cx_v, [ci])
            rely = plsc.load_gather(cy_v, [ri]) - plsc.load_gather(cy_v, [ci])
            relz = plsc.load_gather(cz_v, [ri]) - plsc.load_gather(cz_v, [ci])
            base = lanes * 16 + (j * 16 * 16)
            plsc.store_scatter(rel_v, [base], relx)
            plsc.store_scatter(rel_v, [base + 1], rely)
            plsc.store_scatter(rel_v, [base + 2], relz)
        pltpu.sync_copy(rel_v, rel_hbm.at[pl.ds(c * (CH2 * 16), CH2 * 16)])
        return carry

    lax.fori_loop(0, cnt, step, 0)


BE = 1000


def _edge_body(hrow, hcol, relc,
               We1a, We1b, we1d, be1, We2, be2, We3, be3, Wc1, bc1, wc2t,
               msg_o, cw_o):
    rel = relc[...]
    dist2 = jnp.sum(rel * rel, axis=1, keepdims=True)
    m1 = _silu(jnp.dot(hrow[...], We1a[...], preferred_element_type=jnp.float32)
               + jnp.dot(hcol[...], We1b[...], preferred_element_type=jnp.float32)
               + dist2 * we1d[...] + be1[...])
    m2 = _silu(jnp.dot(m1, We2[...], preferred_element_type=jnp.float32) + be2[...])
    msg = jnp.dot(m2, We3[...], preferred_element_type=jnp.float32) + be3[...]
    t = _silu(jnp.dot(msg, Wc1[...], preferred_element_type=jnp.float32) + bc1[...])
    msg_o[...] = msg
    cw_o[...] = jnp.sum(t * wc2t[...], axis=1, keepdims=True)


def _edge_call(hrow, hcol, relc, We1a, We1b, we1d, be1, We2, be2,
               We3, be3, Wc1, bc1, wc2t):
    grid = (E // BE,)
    def eb(shape):
        return pl.BlockSpec(shape, lambda i: (i, 0))
    def wb(shape):
        return pl.BlockSpec(shape, lambda i: (0, 0))
    return pl.pallas_call(
        _edge_body,
        grid=grid,
        in_specs=[
            eb((BE, D)), eb((BE, D)), eb((BE, 16)),
            wb((D, 2 * D)), wb((D, 2 * D)), wb((1, 2 * D)), wb((1, 2 * D)),
            wb((2 * D, D)), wb((1, D)), wb((D, D)), wb((1, D)),
            wb((D, D)), wb((1, D)), wb((1, D)),
        ],
        out_specs=[eb((BE, D)), eb((BE, 1))],
        out_shape=[
            jax.ShapeDtypeStruct((E, D), jnp.float32),
            jax.ShapeDtypeStruct((E, 1), jnp.float32),
        ],
    )(hrow, hcol, relc, We1a, We1b, we1d, be1, We2, be2, We3, be3,
      Wc1, bc1, wc2t)


@functools.partial(
    pl.kernel,
    out_type=jax.ShapeDtypeStruct((NC, N, D), jnp.float32),
    mesh=_mesh,
    scratch_types=[
        pltpu.VMEM((8, 16), jnp.int32),
        pltpu.VMEM((CH2, D), jnp.float32),
        pltpu.VMEM_SHARED((N, D), jnp.float32),
        pltpu.SemaphoreType.DMA,
    ],
)
def _scatter_kernel(msg_hbm, row16_hbm, zh_hbm, agg_hbm,
                    idxr_v, msg_v, sh_agg, sem):
    cid = lax.axis_index("c")
    sid = lax.axis_index("s")
    wid = sid * NC + cid
    a0 = sid * AGG_STRIPE
    asz = jnp.where(sid == NS - 1, AGG_LAST, AGG_STRIPE)
    pltpu.sync_copy(zh_hbm.at[pl.ds(0, asz)], sh_agg.at[pl.ds(a0, asz)])
    plsc.subcore_barrier()

    cnt = CNT2_BASE + jnp.where(wid < CNT2_REM, 1, 0)

    def step(t, carry):
        c = wid + t * NW
        rr = c * 8
        e0 = c * CH2
        pltpu.sync_copy(row16_hbm.at[pl.ds(rr, 8)], idxr_v)
        pltpu.sync_copy(msg_hbm.at[pl.ds(e0, CH2)], msg_v)
        for j in range(8):
            pltpu.sync_copy(msg_v.at[pl.ds(j * 16, 16)],
                            sh_agg.at[idxr_v.at[j]], add=True)
        return carry

    lax.fori_loop(0, cnt, step, 0)
    plsc.subcore_barrier()
    pltpu.sync_copy(sh_agg.at[pl.ds(a0, asz)], agg_hbm.at[cid, pl.ds(a0, asz)])


@functools.partial(
    pl.kernel,
    out_type=jax.ShapeDtypeStruct((NC, CR, D), jnp.float32),
    mesh=_mesh,
    compiler_params=pltpu.CompilerParams(needs_layout_passes=False),
    scratch_types=[
        pltpu.VMEM((8, 16), jnp.int32),
        pltpu.VMEM((8, 16), jnp.int32),
        pltpu.VMEM((CH2, D), jnp.float32),
        pltpu.VMEM((CH2, 16), jnp.float32),
        pltpu.VMEM((CH2,), jnp.float32),
        pltpu.VMEM_SHARED((CR, D), jnp.float32),
        pltpu.SemaphoreType.DMA,
    ],
)
def _cscatter_kernel(cw_hbm, relc_hbm, row16_hbm, row8_hbm, zh_hbm, cacc_hbm,
                     idxr_v, idx8_v, cww_v, rel_v, cw_v, sh_cacc, sem):
    cid = lax.axis_index("c")
    sid = lax.axis_index("s")
    wid = sid * NC + cid
    c0 = sid * CACC_STRIPE
    pltpu.sync_copy(zh_hbm.at[pl.ds(0, CACC_STRIPE)], sh_cacc.at[pl.ds(c0, CACC_STRIPE)])
    pltpu.sync_copy(zh_hbm.at[pl.ds(0, CH2)], cww_v)
    plsc.subcore_barrier()

    cnt = CNT2_BASE + jnp.where(wid < CNT2_REM, 1, 0)
    lanes = lax.iota(jnp.int32, 16)
    zero16 = jnp.zeros((16,), jnp.float32)

    def step(t, carry):
        c = wid + t * NW
        rr = c * 8
        e0 = c * CH2
        pltpu.sync_copy(row16_hbm.at[pl.ds(rr, 8)], idxr_v)
        pltpu.sync_copy(row8_hbm.at[pl.ds(rr, 8)], idx8_v)
        pltpu.sync_copy(relc_hbm.at[pl.ds(e0, CH2)], rel_v)
        pltpu.sync_copy(cw_hbm.at[pl.ds(e0, CH2)], cw_v)
        for j in range(8):
            ev = lanes + j * 16
            r = idxr_v.at[j][...]
            slot = (r & 7) * 16
            cwv = cw_v[pl.ds(j * 16, 16)]
            for comp in range(3):
                rc = plsc.load_gather(rel_v, [ev, jnp.full((16,), comp, jnp.int32)])
                plsc.store_scatter(cww_v, [ev, slot + comp], cwv * rc)
        for j in range(8):
            pltpu.sync_copy(cww_v.at[pl.ds(j * 16, 16)],
                            sh_cacc.at[idx8_v.at[j]], add=True)
        for j in range(8):
            ev = lanes + j * 16
            slot = (idxr_v.at[j][...] & 7) * 16
            for comp in range(3):
                plsc.store_scatter(cww_v, [ev, slot + comp], zero16)
        return carry

    lax.fori_loop(0, cnt, step, 0)
    plsc.subcore_barrier()
    pltpu.sync_copy(sh_cacc.at[pl.ds(c0, CACC_STRIPE)],
                    cacc_hbm.at[cid, pl.ds(c0, CACC_STRIPE)])


BN = 1000


def _node_body(h, agg2, c16, cacc2, Wn1a, Wn1b, bn1, Wn2, bn2, Wn3, bn3,
               gamma, beta, hnew_o, c16_o):
    agg = agg2[0] + agg2[1]
    u = _silu(jnp.dot(h[...], Wn1a[...], preferred_element_type=jnp.float32)
              + jnp.dot(agg, Wn1b[...], preferred_element_type=jnp.float32)
              + bn1[...])
    u2 = _silu(jnp.dot(u, Wn2[...], preferred_element_type=jnp.float32) + bn2[...])
    x = h[...] + jnp.dot(u2, Wn3[...], preferred_element_type=jnp.float32) + bn3[...]
    mu = jnp.mean(x, axis=1, keepdims=True)
    xc = x - mu
    var = jnp.mean(xc * xc, axis=1, keepdims=True)
    hnew_o[...] = xc * lax.rsqrt(var + 1e-5) * gamma[...] + beta[...]
    c16_o[...] = c16[...] + cacc2[0] + cacc2[1]


def _node_call(h, agg2, c16, cacc2, Wn1a, Wn1b, bn1, Wn2, bn2, Wn3, bn3,
               gamma, beta):
    grid = (N // BN,)
    def nb(shape):
        return pl.BlockSpec(shape, lambda i: (i, 0))
    def pb(shape):
        return pl.BlockSpec(shape, lambda i: (0, i, 0))
    def wb(shape):
        return pl.BlockSpec(shape, lambda i: tuple(0 for _ in shape))
    return pl.pallas_call(
        _node_body,
        grid=grid,
        in_specs=[
            nb((BN, D)), pb((NC, BN, D)), nb((BN, 16)), pb((NC, BN, 16)),
            wb((D, 2 * D)), wb((D, 2 * D)), wb((1, 2 * D)),
            wb((2 * D, D)), wb((1, D)), wb((D, D)), wb((1, D)),
            wb((1, D)), wb((1, D)),
        ],
        out_specs=[nb((BN, D)), nb((BN, 16))],
        out_shape=[
            jax.ShapeDtypeStruct((N, D), jnp.float32),
            jax.ShapeDtypeStruct((N, 16), jnp.float32),
        ],
    )(h, agg2, c16, cacc2, Wn1a, Wn1b, bn1, Wn2, bn2, Wn3, bn3, gamma, beta)


def kernel(h, coords, edge_index, We1, be1, We2, be2, We3, be3,
           Wn1, bn1, Wn2, bn2, Wn3, bn3, Wc1, bc1, Wc2, gamma, beta):
    row = edge_index[0]
    col = edge_index[1]
    row2 = row.reshape(IDX_ROWS, GB)
    col2 = col.reshape(IDX_ROWS, GB)
    row16 = row.reshape(IDX2_ROWS, 16)
    col16 = col.reshape(IDX2_ROWS, 16)
    cx = coords[:, 0]
    cy = coords[:, 1]
    cz = coords[:, 2]
    c16 = jnp.zeros((N, 16), jnp.float32).at[:, :3].set(coords)

    hrow, hcol = _gather_kernel(h, row2, col2)
    relflat = _rel_kernel(cx, cy, cz, row16, col16)
    relc = relflat.reshape(E, 16)

    msg, cw = _edge_call(
        hrow, hcol, relc,
        We1[:D], We1[D:2 * D], We1[2 * D:], be1.reshape(1, 2 * D),
        We2, be2.reshape(1, D), We3, be3.reshape(1, D),
        Wc1, bc1.reshape(1, D), Wc2.reshape(1, D))

    zh = jnp.zeros((AGG_STRIPE, D), jnp.float32)
    row8 = (row >> 3).reshape(IDX2_ROWS, 16)
    agg2 = _scatter_kernel(msg, row16, zh)
    cacc2w = _cscatter_kernel(cw.reshape(E), relc, row16, row8, zh)
    cacc2 = cacc2w.reshape(NC, CR * 8, 16)[:, :N]

    h_new, c16_o = _node_call(
        h, agg2, c16, cacc2,
        Wn1[:D], Wn1[D:], bn1.reshape(1, 2 * D),
        Wn2, bn2.reshape(1, D), Wn3, bn3.reshape(1, D),
        gamma.reshape(1, D), beta.reshape(1, D))

    return h_new, c16_o[:, :3]

# --- scband reference (transcript-rebuilt; emitter-appended) ---
"""Pipeline reference for scband-egnndecoder-layer-88502096101686 (READ-ONLY COPY).

The authoritative reference and input builder live on the scoring server;
editing this copy changes nothing except your own understanding.
"""

import jax, jax.numpy as jnp
import numpy as np

N = 10000
E = 320000
D = 128

def silu(x):
    return x * jax.nn.sigmoid(x)

def setup_inputs(seed: int = 0):
    key = jax.random.key(seed)
    ks = jax.random.split(key, 16)
    h = jax.random.normal(ks[0], (N, D), dtype=jnp.float32)
    coords = jax.random.normal(ks[1], (N, 3), dtype=jnp.float32)
    edge_index = jax.random.randint(ks[2], (2, E), 0, N, dtype=jnp.int32)
    s = 0.05
    We1 = s * jax.random.normal(ks[3], (2 * D + 1, 2 * D), dtype=jnp.float32)
    be1 = jnp.zeros((2 * D,), dtype=jnp.float32)
    We2 = s * jax.random.normal(ks[4], (2 * D, D), dtype=jnp.float32)
    be2 = jnp.zeros((D,), dtype=jnp.float32)
    We3 = s * jax.random.normal(ks[5], (D, D), dtype=jnp.float32)
    be3 = jnp.zeros((D,), dtype=jnp.float32)
    Wn1 = s * jax.random.normal(ks[6], (2 * D, 2 * D), dtype=jnp.float32)
    bn1 = jnp.zeros((2 * D,), dtype=jnp.float32)
    Wn2 = s * jax.random.normal(ks[7], (2 * D, D), dtype=jnp.float32)
    bn2 = jnp.zeros((D,), dtype=jnp.float32)
    Wn3 = s * jax.random.normal(ks[8], (D, D), dtype=jnp.float32)
    bn3 = jnp.zeros((D,), dtype=jnp.float32)
    Wc1 = s * jax.random.normal(ks[9], (D, D), dtype=jnp.float32)
    bc1 = jnp.zeros((D,), dtype=jnp.float32)
    Wc2 = s * jax.random.normal(ks[10], (D, 1), dtype=jnp.float32)
    gamma = jnp.ones((D,), dtype=jnp.float32)
    beta = jnp.zeros((D,), dtype=jnp.float32)
    return {"h": h, "coords": coords, "edge_index": edge_index,
            "We1": We1, "be1": be1, "We2": We2, "be2": be2, "We3": We3, "be3": be3,
            "Wn1": Wn1, "bn1": bn1, "Wn2": Wn2, "bn2": bn2, "Wn3": Wn3, "bn3": bn3,
            "Wc1": Wc1, "bc1": bc1, "Wc2": Wc2, "gamma": gamma, "beta": beta}

def reference(h, coords, edge_index, We1, be1, We2, be2, We3, be3,
              Wn1, bn1, Wn2, bn2, Wn3, bn3, Wc1, bc1, Wc2, gamma, beta):
    row = edge_index[0]
    col = edge_index[1]
    rel_coords = coords[row] - coords[col]
    dist2 = jnp.sum(rel_coords * rel_coords, axis=1, keepdims=True)
    edge_features = jnp.concatenate([h[row], h[col], dist2], axis=1)
    m = silu(edge_features @ We1 + be1)
    m = silu(m @ We2 + be2)
    messages = m @ We3 + be3
    agg_messages = jnp.zeros_like(h).at[row].add(messages)
    nu = jnp.concatenate([h, agg_messages], axis=1)
    u = silu(nu @ Wn1 + bn1)
    u = silu(u @ Wn2 + bn2)
    h_update = u @ Wn3 + bn3
    x = h + h_update
    mu = jnp.mean(x, axis=1, keepdims=True)
    var = jnp.var(x, axis=1, keepdims=True)
    h_new = (x - mu) / jnp.sqrt(var + 1e-5) * gamma + beta
    coord_weights = silu(messages @ Wc1 + bc1) @ Wc2
    coord_update = jnp.zeros_like(coords).at[row].add(coord_weights * rel_coords)
    return h_new, coords + coord_update

if __name__ == "__main__":
    import jax
    _d = setup_inputs()
    print(jax.jit(kernel)(*tuple(_d.values())))

</pallas_src>

<mosaic_0001>
#map = affine_map<(d0, d1) -> (0, 0)>
module attributes {stable_mosaic.version = 14 : i64} {
  func.func @_gather_kernel(%arg0: i32, %arg1: i32, %arg2: memref<10000x128xf32, #tpu.memory_space<hbm>>, %arg3: memref<6400x50xi32, #tpu.memory_space<hbm>>, %arg4: memref<6400x50xi32, #tpu.memory_space<hbm>>, %arg5: memref<320000x128xf32, #tpu.memory_space<hbm>>, %arg6: memref<320000x128xf32, #tpu.memory_space<hbm>>, %arg7: memref<8x50xi32, #tpu.memory_space<vmem>>, %arg8: memref<8x50xi32, #tpu.memory_space<vmem>>, %arg9: memref<400x128xf32, #tpu.memory_space<vmem>>, %arg10: memref<400x128xf32, #tpu.memory_space<vmem>>, %arg11: memref<!tpu.dma_semaphore, #tpu.memory_space<semaphore_mem>>) attributes {dimension_semantics = [#tpu.dimension_semantics<core_parallel>, #tpu.dimension_semantics<subcore_parallel>], iteration_bounds = array<i64: 2, 16>, scalar_prefetch = 0 : i64, scratch_operands = 5 : i64, tpu.core_type = #tpu.core_type<sc_vector_subcore>, window_params = [{transform_indices = #map}, {transform_indices = #map}, {transform_indices = #map}, {transform_indices = #map}, {transform_indices = #map}]} {
    %mul3A = arith.constant 2 : i32
    %mul3A_0 = arith.muli %arg1, %mul3A : i32
    %add3A = arith.addi %mul3A_0, %arg0 : i32
    %scan3A = arith.constant 0 : i32
    %scan3A_1 = arith.constant 0 : i32
    %scan3A_2 = arith.constant 25 : i32
    %scan3A_3 = arith.addi %scan3A_1, %scan3A_2 : i32
    %scan3A_4 = arith.constant 1 : i32
    scf.for %scan3A_6 = %scan3A_1 to %scan3A_3 step %scan3A_4  : i32 {
      %mul3A_7 = arith.constant 25 : i32
      %mul3A_8 = arith.muli %add3A, %mul3A_7 : i32
      %add3A_9 = arith.addi %mul3A_8, %scan3A_6 : i32
      %mul3A_10 = arith.constant 8 : i32
      %mul3A_11 = arith.muli %add3A_9, %mul3A_10 : i32
      "tpu.region"() ({
        %run_scoped3A = tpu.sem_alloc : memref<!tpu.dma_semaphore, #tpu.memory_space<semaphore_mem>>
        %dma_start3A_332 = arith.constant 0 : i32
        %dma_start3A_333 = tpu.memref_slice %arg3[%mul3A_11, %dma_start3A_332] : memref<6400x50xi32, #tpu.memory_space<hbm>> -> memref<8x50xi32, #tpu.memory_space<hbm>>
        %dma_start3A_334 = arith.constant 0 : i32
        %dma_start3A_335 = tpu.memref_slice %arg3[%mul3A_11, %dma_start3A_334] : memref<6400x50xi32, #tpu.memory_space<hbm>> -> memref<8x50xi32, #tpu.memory_space<hbm>>
        tpu.enqueue_dma source(%dma_start3A_335 : memref<8x50xi32, #tpu.memory_space<hbm>>) target(%arg7 : memref<8x50xi32, #tpu.memory_space<vmem>>) target_semaphore(%run_scoped3A : memref<!tpu.dma_semaphore, #tpu.memory_space<semaphore_mem>>)
        %dma_wait3A_336 = arith.constant 0 : i32
        %dma_wait3A_337 = tpu.memref_slice %arg3[%mul3A_11, %dma_wait3A_336] : memref<6400x50xi32, #tpu.memory_space<hbm>> -> memref<8x50xi32, #tpu.memory_space<hbm>>
        %dma_wait3A_338 = arith.constant 0 : i32
        %dma_wait3A_339 = tpu.memref_slice %arg3[%mul3A_11, %dma_wait3A_338] : memref<6400x50xi32, #tpu.memory_space<hbm>> -> memref<8x50xi32, #tpu.memory_space<hbm>>
        tpu.wait_dma2 semaphore(%run_scoped3A : memref<!tpu.dma_semaphore, #tpu.memory_space<semaphore_mem>>) src(%dma_wait3A_339 : memref<8x50xi32, #tpu.memory_space<hbm>>) dst(%arg7 : memref<8x50xi32, #tpu.memory_space<vmem>>)
        tpu.yield
      }) : () -> ()
      "tpu.region"() ({
        %run_scoped3A = tpu.sem_alloc : memref<!tpu.dma_semaphore, #tpu.memory_space<semaphore_mem>>
        %dma_start3A_332 = arith.constant 0 : i32
        %dma_start3A_333 = tpu.memref_slice %arg4[%mul3A_11, %dma_start3A_332] : memref<6400x50xi32, #tpu.memory_space<hbm>> -> memref<8x50xi32, #tpu.memory_space<hbm>>
        %dma_start3A_334 = arith.constant 0 : i32
        %dma_start3A_335 = tpu.memref_slice %arg4[%mul3A_11, %dma_start3A_334] : memref<6400x50xi32, #tpu.memory_space<hbm>> -> memref<8x50xi32, #tpu.memory_space<hbm>>
        tpu.enqueue_dma source(%dma_start3A_335 : memref<8x50xi32, #tpu.memory_space<hbm>>) target(%arg8 : memref<8x50xi32, #tpu.memory_space<vmem>>) target_semaphore(%run_scoped3A : memref<!tpu.dma_semaphore, #tpu.memory_space<semaphore_mem>>)
        %dma_wait3A_336 = arith.constant 0 : i32
        %dma_wait3A_337 = tpu.memref_slice %arg4[%mul3A_11, %dma_wait3A_336] : memref<6400x50xi32, #tpu.memory_space<hbm>> -> memref<8x50xi32, #tpu.memory_space<hbm>>
        %dma_wait3A_338 = arith.constant 0 : i32
        %dma_wait3A_339 = tpu.memref_slice %arg4[%mul3A_11, %dma_wait3A_338] : memref<6400x50xi32, #tpu.memory_space<hbm>> -> memref<8x50xi32, #tpu.memory_space<hbm>>
        tpu.wait_dma2 semaphore(%run_scoped3A : memref<!tpu.dma_semaphore, #tpu.memory_space<semaphore_mem>>) src(%dma_wait3A_339 : memref<8x50xi32, #tpu.memory_space<hbm>>) dst(%arg8 : memref<8x50xi32, #tpu.memory_space<vmem>>)
        tpu.yield
      }) : () -> ()
      %dma_start3A = arith.constant 0 : i32
      %dma_start3A_12 = arith.constant 0 : i32
      %dma_start3A_13 = arith.constant 0 : i32
      %dma_start3A_14 = tpu.memref_slice %arg9[%dma_start3A_12, %dma_start3A_13] : memref<400x128xf32, #tpu.memory_space<vmem>> -> memref<50x128xf32, #tpu.memory_space<vmem>>
      %dma_start3A_15 = arith.constant 0 : i32
      %dma_start3A_16 = tpu.memref_slice %arg7[%dma_start3A, %dma_start3A_15] : memref<8x50xi32, #tpu.memory_space<vmem>> -> memref<1x50xi32, #tpu.memory_space<vmem>>
      %dma_start3A_17 = tpu.memref_squeeze %dma_start3A_16 : memref<1x50xi32, #tpu.memory_space<vmem>> -> memref<50xi32, #tpu.memory_space<vmem>>
      %dma_start3A_18 = arith.constant 0 : i32
      %dma_start3A_19 = arith.constant 0 : i32
      %dma_start3A_20 = tpu.memref_slice %arg2[%dma_start3A_18, %dma_start3A_19] : memref<10000x128xf32, #tpu.memory_space<hbm>> -> memref<10000x128xf32, #tpu.memory_space<hbm>>
      tpu.enqueue_indirect_dma source(%dma_start3A_20 : memref<10000x128xf32, #tpu.memory_space<hbm>>) target(%dma_start3A_14 : memref<50x128xf32, #tpu.memory_space<vmem>>) offsets(%dma_start3A_17 : memref<50xi32, #tpu.memory_space<vmem>>) semaphore(%arg11 : memref<!tpu.dma_semaphore, #tpu.memory_space<semaphore_mem>>)
      %dma_start3A_21 = arith.constant 0 : i32
      %dma_start3A_22 = arith.constant 0 : i32
      %dma_start3A_23 = arith.constant 0 : i32
      %dma_start3A_24 = tpu.memref_slice %arg10[%dma_start3A_22, %dma_start3A_23] : memref<400x128xf32, #tpu.memory_space<vmem>> -> memref<50x128xf32, #tpu.memory_space<vmem>>
      %dma_start3A_25 = arith.constant 0 : i32
      %dma_start3A_26 = tpu.memref_slice %arg8[%dma_start3A_21, %dma_start3A_25] : memref<8x50xi32, #tpu.memory_space<vmem>> -> memref<1x50xi32, #tpu.memory_space<vmem>>
      %dma_start3A_27 = tpu.memref_squeeze %dma_start3A_26 : memref<1x50xi32, #tpu.memory_space<vmem>> -> memref<50xi32, #tpu.memory_space<vmem>>
      %dma_start3A_28 = arith.constant 0 : i32
      %dma_start3A_29 = arith.constant 0 : i32
      %dma_start3A_30 = tpu.memref_slice %arg2[%dma_start3A_28, %dma_start3A_29] : memref<10000x128xf32, #tpu.memory_space<hbm>> -> memref<10000x128xf32, #tpu.memory_space<hbm>>
      tpu.enqueue_indirect_dma source(%dma_start3A_30 : memref<10000x128xf32, #tpu.memory_space<hbm>>) target(%dma_start3A_24 : memref<50x128xf32, #tpu.memory_space<vmem>>) offsets(%dma_start3A_27 : memref<50xi32, #tpu.memory_space<vmem>>) semaphore(%arg11 : memref<!tpu.dma_semaphore, #tpu.memory_space<semaphore_mem>>)
      %dma_start3A_31 = arith.constant 1 : i32
      %dma_start3A_32 = arith.constant 50 : i32
      %dma_start3A_33 = arith.constant 0 : i32
      %dma_start3A_34 = tpu.memref_slice %arg9[%dma_start3A_32, %dma_start3A_33] : memref<400x128xf32, #tpu.memory_space<vmem>> -> memref<50x128xf32, #tpu.memory_space<vmem>>
      %dma_start3A_35 = arith.constant 0 : i32
      %dma_start3A_36 = tpu.memref_slice %arg7[%dma_start3A_31, %dma_start3A_35] : memref<8x50xi32, #tpu.memory_space<vmem>> -> memref<1x50xi32, #tpu.memory_space<vmem>>
      %dma_start3A_37 = tpu.memref_squeeze %dma_start3A_36 : memref<1x50xi32, #tpu.memory_space<vmem>> -> memref<50xi32, #tpu.memory_space<vmem>>
      %dma_start3A_38 = arith.constant 0 : i32
      %dma_start3A_39 = arith.constant 0 : i32
      %dma_start3A_40 = tpu.memref_slice %arg2[%dma_start3A_38, %dma_start3A_39] : memref<10000x128xf32, #tpu.memory_space<hbm>> -> memref<10000x128xf32, #tpu.memory_space<hbm>>
      tpu.enqueue_indirect_dma source(%dma_start3A_40 : memref<10000x128xf32, #tpu.memory_space<hbm>>) target(%dma_start3A_34 : memref<50x128xf32, #tpu.memory_space<vmem>>) offsets(%dma_start3A_37 : memref<50xi32, #tpu.memory_space<vmem>>) semaphore(%arg11 : memref<!tpu.dma_semaphore, #tpu.memory_space<semaphore_mem>>)
      %dma_start3A_41 = arith.constant 1 : i32
      %dma_start3A_42 = arith.constant 50 : i32
      %dma_start3A_43 = arith.constant 0 : i32
      %dma_start3A_44 = tpu.memref_slice %arg10[%dma_start3A_42, %dma_start3A_43] : memref<400x128xf32, #tpu.memory_space<vmem>> -> memref<50x128xf32, #tpu.memory_space<vmem>>
      %dma_start3A_45 = arith.constant 0 : i32
      %dma_start3A_46 = tpu.memref_slice %arg8[%dma_start3A_41, %dma_start3A_45] : memref<8x50xi32, #tpu.memory_space<vmem>> -> memref<1x50xi32, #tpu.memory_space<vmem>>
      %dma_start3A_47 = tpu.memref_squeeze %dma_start3A_46 : memref<1x50xi32, #tpu.memory_space<vmem>> -> memref<50xi32, #tpu.memory_space<vmem>>
      %dma_start3A_48 = arith.constant 0 : i32
      %dma_start3A_49 = arith.constant 0 : i32
      %dma_start3A_50 = tpu.memref_slice %arg2[%dma_start3A_48, %dma_start3A_49] : memref<10000x128xf32, #tpu.memory_space<hbm>> -> memref<10000x128xf32, #tpu.memory_space<hbm>>
      tpu.enqueue_indirect_dma source(%dma_start3A_50 : memref<10000x128xf32, #tpu.memory_space<hbm>>) target(%dma_start3A_44 : memref<50x128xf32, #tpu.memory_space<vmem>>) offsets(%dma_start3A_47 : memref<50xi32, #tpu.memory_space<vmem>>) semaphore(%arg11 : memref<!tpu.dma_semaphore, #tpu.memory_space<semaphore_mem>>)
      %dma_start3A_51 = arith.constant 2 : i32
      %dma_start3A_52 = arith.constant 100 : i32
      %dma_start3A_53 = arith.constant 0 : i32
      %dma_start3A_54 = tpu.memref_slice %arg9[%dma_start3A_52, %dma_start3A_53] : memref<400x128xf32, #tpu.memory_space<vmem>> -> memref<50x128xf32, #tpu.memory_space<vmem>>
      %dma_start3A_55 = arith.constant 0 : i32
      %dma_start3A_56 = tpu.memref_slice %arg7[%dma_start3A_51, %dma_start3A_55] : memref<8x50xi32, #tpu.memory_space<vmem>> -> memref<1x50xi32, #tpu.memory_space<vmem>>
      %dma_start3A_57 = tpu.memref_squeeze %dma_start3A_56 : memref<1x50xi32, #tpu.memory_space<vmem>> -> memref<50xi32, #tpu.memory_space<vmem>>
      %dma_start3A_58 = arith.constant 0 : i32
      %dma_start3A_59 = arith.constant 0 : i32
      %dma_start3A_60 = tpu.memref_slice %arg2[%dma_start3A_58, %dma_start3A_59] : memref<10000x128xf32, #tpu.memory_space<hbm>> -> memref<10000x128xf32, #tpu.memory_space<hbm>>
      tpu.enqueue_indirect_dma source(%dma_start3A_60 : memref<10000x128xf32, #tpu.memory_space<hbm>>) target(%dma_start3A_54 : memref<50x128xf32, #tpu.memory_space<vmem>>) offsets(%dma_start3A_57 : memref<50xi32, #tpu.memory_space<vmem>>) semaphore(%arg11 : memref<!tpu.dma_semaphore, #tpu.memory_space<semaphore_mem>>)
      %dma_start3A_61 = arith.constant 2 : i32
      %dma_start3A_62 = arith.constant 100 : i32
      %dma_start3A_63 = arith.constant 0 : i32
      %dma_start3A_64 = tpu.memref_slice %arg10[%dma_start3A_62, %dma_start3A_63] : memref<400x128xf32, #tpu.memory_space<vmem>> -> memref<50x128xf32, #tpu.memory_space<vmem>>
      %dma_start3A_65 = arith.constant 0 : i32
      %dma_start3A_66 = tpu.memref_slice %arg8[%dma_start3A_61, %dma_start3A_65] : memref<8x50xi32, #tpu.memory_space<vmem>> -> memref<1x50xi32, #tpu.memory_space<vmem>>
      %dma_start3A_67 = tpu.memref_squeeze %dma_start3A_66 : memref<1x50xi32, #tpu.memory_space<vmem>> -> memref<50xi32, #tpu.memory_space<vmem>>
      %dma_start3A_68 = arith.constant 0 : i32
      %dma_start3A_69 = arith.constant 0 : i32
      %dma_start3A_70 = tpu.memref_slice %arg2[%dma_start3A_68, %dma_start3A_69] : memref<10000x128xf32, #tpu.memory_space<hbm>> -> memref<10000x128xf32, #tpu.memory_space<hbm>>
      tpu.enqueue_indirect_dma source(%dma_start3A_70 : memref<10000x128xf32, #tpu.memory_space<hbm>>) target(%dma_start3A_64 : memref<50x128xf32, #tpu.memory_space<vmem>>) offsets(%dma_start3A_67 : memref<50xi32, #tpu.memory_space<vmem>>) semaphore(%arg11 : memref<!tpu.dma_semaphore, #tpu.memory_space<semaphore_mem>>)
      %dma_start3A_71 = arith.constant 3 : i32
      %dma_start3A_72 = arith.constant 150 : i32
      %dma_start3A_73 = arith.constant 0 : i32
      %dma_start3A_74 = tpu.memref_slice %arg9[%dma_start3A_72, %dma_start3A_73] : memref<400x128xf32, #tpu.memory_space<vmem>> -> memref<50x128xf32, #tpu.memory_space<vmem>>
      %dma_start3A_75 = arith.constant 0 : i32
      %dma_start3A_76 = tpu.memref_slice %arg7[%dma_start3A_71, %dma_start3A_75] : memref<8x50xi32, #tpu.memory_space<vmem>> -> memref<1x50xi32, #tpu.memory_space<vmem>>
      %dma_start3A_77 = tpu.memref_squeeze %dma_start3A_76 : memref<1x50xi32, #tpu.memory_space<vmem>> -> memref<50xi32, #tpu.memory_space<vmem>>
      %dma_start3A_78 = arith.constant 0 : i32
      %dma_start3A_79 = arith.constant 0 : i32
      %dma_start3A_80 = tpu.memref_slice %arg2[%dma_start3A_78, %dma_start3A_79] : memref<10000x128xf32, #tpu.memory_space<hbm>> -> memref<10000x128xf32, #tpu.memory_space<hbm>>
      tpu.enqueue_indirect_dma source(%dma_start3A_80 : memref<10000x128xf32, #tpu.memory_space<hbm>>) target(%dma_start3A_74 : memref<50x128xf32, #tpu.memory_space<vmem>>) offsets(%dma_start3A_77 : memref<50xi32, #tpu.memory_space<vmem>>) semaphore(%arg11 : memref<!tpu.dma_semaphore, #tpu.memory_space<semaphore_mem>>)
      %dma_start3A_81 = arith.constant 3 : i32
      %dma_start3A_82 = arith.constant 150 : i32
      %dma_start3A_83 = arith.constant 0 : i32
      %dma_start3A_84 = tpu.memref_slice %arg10[%dma_start3A_82, %dma_start3A_83] : memref<400x128xf32, #tpu.memory_space<vmem>> -> memref<50x128xf32, #tpu.memory_space<vmem>>
      %dma_start3A_85 = arith.constant 0 : i32
      %dma_start3A_86 = tpu.memref_slice %arg8[%dma_start3A_81, %dma_start3A_85] : memref<8x50xi32, #tpu.memory_space<vmem>> -> memref<1x50xi32, #tpu.memory_space<vmem>>
      %dma_start3A_87 = tpu.memref_squeeze %dma_start3A_86 : memref<1x50xi32, #tpu.memory_space<vmem>> -> memref<50xi32, #tpu.memory_space<vmem>>
      %dma_start3A_88 = arith.constant 0 : i32
      %dma_start3A_89 = arith.constant 0 : i32
      %dma_start3A_90 = tpu.memref_slice %arg2[%dma_start3A_88, %dma_start3A_89] : memref<10000x128xf32, #tpu.memory_space<hbm>> -> memref<10000x128xf32, #tpu.memory_space<hbm>>
      tpu.enqueue_indirect_dma source(%dma_start3A_90 : memref<10000x128xf32, #tpu.memory_space<hbm>>) target(%dma_start3A_84 : memref<50x128xf32, #tpu.memory_space<vmem>>) offsets(%dma_start3A_87 : memref<50xi32, #tpu.memory_space<vmem>>) semaphore(%arg11 : memref<!tpu.dma_semaphore, #tpu.memory_space<semaphore_mem>>)
      %dma_start3A_91 = arith.constant 4 : i32
      %dma_start3A_92 = arith.constant 200 : i32
      %dma_start3A_93 = arith.constant 0 : i32
      %dma_start3A_94 = tpu.memref_slice %arg9[%dma_start3A_92, %dma_start3A_93] : memref<400x128xf32, #tpu.memory_space<vmem>> -> memref<50x128xf32, #tpu.memory_space<vmem>>
      %dma_start3A_95 = arith.constant 0 : i32
      %dma_start3A_96 = tpu.memref_slice %arg7[%dma_start3A_91, %dma_start3A_95] : memref<8x50xi32, #tpu.memory_space<vmem>> -> memref<1x50xi32, #tpu.memory_space<vmem>>
      %dma_start3A_97 = tpu.memref_squeeze %dma_start3A_96 : memref<1x50xi32, #tpu.memory_space<vmem>> -> memref<50xi32, #tpu.memory_space<vmem>>
      %dma_start3A_98 = arith.constant 0 : i32
      %dma_start3A_99 = arith.constant 0 : i32
      %dma_start3A_100 = tpu.memref_slice %arg2[%dma_start3A_98, %dma_start3A_99] : memref<10000x128xf32, #tpu.memory_space<hbm>> -> memref<10000x128xf32, #tpu.memory_space<hbm>>
      tpu.enqueue_indirect_dma source(%dma_start3A_100 : memref<10000x128xf32, #tpu.memory_space<hbm>>) target(%dma_start3A_94 : memref<50x128xf32, #tpu.memory_space<vmem>>) offsets(%dma_start3A_97 : memref<50xi32, #tpu.memory_space<vmem>>) semaphore(%arg11 : memref<!tpu.dma_semaphore, #tpu.memory_space<semaphore_mem>>)
      %dma_start3A_101 = arith.constant 4 : i32
      %dma_start3A_102 = arith.constant 200 : i32
      %dma_start3A_103 = arith.constant 0 : i32
      %dma_start3A_104 = tpu.memref_slice %arg10[%dma_start3A_102, %dma_start3A_103] : memref<400x128xf32, #tpu.memory_space<vmem>> -> memref<50x128xf32, #tpu.memory_space<vmem>>
      %dma_start3A_105 = arith.constant 0 : i32
      %dma_start3A_106 = tpu.memref_slice %arg8[%dma_start3A_101, %dma_start3A_105] : memref<8x50xi32, #tpu.memory_space<vmem>> -> memref<1x50xi32, #tpu.memory_space<vmem>>
      %dma_start3A_107 = tpu.memref_squeeze %dma_start3A_106 : memref<1x50xi32, #tpu.memory_space<vmem>> -> memref<50xi32, #tpu.memory_space<vmem>>
      %dma_start3A_108 = arith.constant 0 : i32
      %dma_start3A_109 = arith.constant 0 : i32
      %dma_start3A_110 = tpu.memref_slice %arg2[%dma_start3A_108, %dma_start3A_109] : memref<10000x128xf32, #tpu.memory_space<hbm>> -> memref<10000x128xf32, #tpu.memory_space<hbm>>
      tpu.enqueue_indirect_dma source(%dma_start3A_110 : memref<10000x128xf32, #tpu.memory_space<hbm>>) target(%dma_start3A_104 : memref<50x128xf32, #tpu.memory_space<vmem>>) offsets(%dma_start3A_107 : memref<50xi32, #tpu.memory_space<vmem>>) semaphore(%arg11 : memref<!tpu.dma_semaphore, #tpu.memory_space<semaphore_mem>>)
      %dma_start3A_111 = arith.constant 5 : i32
      %dma_start3A_112 = arith.constant 250 : i32
      %dma_start3A_113 = arith.constant 0 : i32
      %dma_start3A_114 = tpu.memref_slice %arg9[%dma_start3A_112, %dma_start3A_113] : memref<400x128xf32, #tpu.memory_space<vmem>> -> memref<50x128xf32, #tpu.memory_space<vmem>>
      %dma_start3A_115 = arith.constant 0 : i32
      %dma_start3A_116 = tpu.memref_slice %arg7[%dma_start3A_111, %dma_start3A_115] : memref<8x50xi32, #tpu.memory_space<vmem>> -> memref<1x50xi32, #tpu.memory_space<vmem>>
      %dma_start3A_117 = tpu.memref_squeeze %dma_start3A_116 : memref<1x50xi32, #tpu.memory_space<vmem>> -> memref<50xi32, #tpu.memory_space<vmem>>
      %dma_start3A_118 = arith.constant 0 : i32
      %dma_start3A_119 = arith.constant 0 : i32
      %dma_start3A_120 = tpu.memref_slice %arg2[%dma_start3A_118, %dma_start3A_119] : memref<10000x128xf32, #tpu.memory_space<hbm>> -> memref<10000x128xf32, #tpu.memory_space<hbm>>
      tpu.enqueue_indirect_dma source(%dma_start3A_120 : memref<10000x128xf32, #tpu.memory_space<hbm>>) target(%dma_start3A_114 : memref<50x128xf32, #tpu.memory_space<vmem>>) offsets(%dma_start3A_117 : memref<50xi32, #tpu.memory_space<vmem>>) semaphore(%arg11 : memref<!tpu.dma_semaphore, #tpu.memory_space<semaphore_mem>>)
      %dma_start3A_121 = arith.constant 5 : i32
      %dma_start3A_122 = arith.constant 250 : i32
      %dma_start3A_123 = arith.constant 0 : i32
      %dma_start3A_124 = tpu.memref_slice %arg10[%dma_start3A_122, %dma_start3A_123] : memref<400x128xf32, #tpu.memory_space<vmem>> -> memref<50x128xf32, #tpu.memory_space<vmem>>
      %dma_start3A_125 = arith.constant 0 : i32
      %dma_start3A_126 = tpu.memref_slice %arg8[%dma_start3A_121, %dma_start3A_125] : memref<8x50xi32, #tpu.memory_space<vmem>> -> memref<1x50xi32, #tpu.memory_space<vmem>>
      %dma_start3A_127 = tpu.memref_squeeze %dma_start3A_126 : memref<1x50xi32, #tpu.memory_space<vmem>> -> memref<50xi32, #tpu.memory_space<vmem>>
      %dma_start3A_128 = arith.constant 0 : i32
      %dma_start3A_129 = arith.constant 0 : i32
      %dma_start3A_130 = tpu.memref_slice %arg2[%dma_start3A_128, %dma_start3A_129] : memref<10000x128xf32, #tpu.memory_space<hbm>> -> memref<10000x128xf32, #tpu.memory_space<hbm>>
      tpu.enqueue_indirect_dma source(%dma_start3A_130 : memref<10000x128xf32, #tpu.memory_space<hbm>>) target(%dma_start3A_124 : memref<50x128xf32, #tpu.memory_space<vmem>>) offsets(%dma_start3A_127 : memref<50xi32, #tpu.memory_space<vmem>>) semaphore(%arg11 : memref<!tpu.dma_semaphore, #tpu.memory_space<semaphore_mem>>)
      %dma_start3A_131 = arith.constant 6 : i32
      %dma_start3A_132 = arith.constant 300 : i32
      %dma_start3A_133 = arith.constant 0 : i32
      %dma_start3A_134 = tpu.memref_slice %arg9[%dma_start3A_132, %dma_start3A_133] : memref<400x128xf32, #tpu.memory_space<vmem>> -> memref<50x128xf32, #tpu.memory_space<vmem>>
      %dma_start3A_135 = arith.constant 0 : i32
      %dma_start3A_136 = tpu.memref_slice %arg7[%dma_start3A_131, %dma_start3A_135] : memref<8x50xi32, #tpu.memory_space<vmem>> -> memref<1x50xi32, #tpu.memory_space<vmem>>
      %dma_start3A_137 = tpu.memref_squeeze %dma_start3A_136 : memref<1x50xi32, #tpu.memory_space<vmem>> -> memref<50xi32, #tpu.memory_space<vmem>>
      %dma_start3A_138 = arith.constant 0 : i32
      %dma_start3A_139 = arith.constant 0 : i32
      %dma_start3A_140 = tpu.memref_slice %arg2[%dma_start3A_138, %dma_start3A_139] : memref<10000x128xf32, #tpu.memory_space<hbm>> -> memref<10000x128xf32, #tpu.memory_space<hbm>>
      tpu.enqueue_indirect_dma source(%dma_start3A_140 : memref<10000x128xf32, #tpu.memory_space<hbm>>) target(%dma_start3A_134 : memref<50x128xf32, #tpu.memory_space<vmem>>) offsets(%dma_start3A_137 : memref<50xi32, #tpu.memory_space<vmem>>) semaphore(%arg11 : memref<!tpu.dma_semaphore, #tpu.memory_space<semaphore_mem>>)
      %dma_start3A_141 = arith.constant 6 : i32
      %dma_start3A_142 = arith.constant 300 : i32
      %dma_start3A_143 = arith.constant 0 : i32
      %dma_start3A_144 = tpu.memref_slice %arg10[%dma_start3A_142, %dma_start3A_143] : memref<400x128xf32, #tpu.memory_space<vmem>> -> memref<50x128xf32, #tpu.memory_space<vmem>>
      %dma_start3A_145 = arith.constant 0 : i32
      %dma_start3A_146 = tpu.memref_slice %arg8[%dma_start3A_141, %dma_start3A_145] : memref<8x50xi32, #tpu.memory_space<vmem>> -> memref<1x50xi32, #tpu.memory_space<vmem>>
      %dma_start3A_147 = tpu.memref_squeeze %dma_start3A_146 : memref<1x50xi32, #tpu.memory_space<vmem>> -> memref<50xi32, #tpu.memory_space<vmem>>
      %dma_start3A_148 = arith.constant 0 : i32
      %dma_start3A_149 = arith.constant 0 : i32
      %dma_start3A_150 = tpu.memref_slice %arg2[%dma_start3A_148, %dma_start3A_149] : memref<10000x128xf32, #tpu.memory_space<hbm>> -> memref<10000x128xf32, #tpu.memory_space<hbm>>
      tpu.enqueue_indirect_dma source(%dma_start3A_150 : memref<10000x128xf32, #tpu.memory_space<hbm>>) target(%dma_start3A_144 : memref<50x128xf32, #tpu.memory_space<vmem>>) offsets(%dma_start3A_147 : memref<50xi32, #tpu.memory_space<vmem>>) semaphore(%arg11 : memref<!tpu.dma_semaphore, #tpu.memory_space<semaphore_mem>>)
      %dma_start3A_151 = arith.constant 7 : i32
      %dma_start3A_152 = arith.constant 350 : i32
      %dma_start3A_153 = arith.constant 0 : i32
      %dma_start3A_154 = tpu.memref_slice %arg9[%dma_start3A_152, %dma_start3A_153] : memref<400x128xf32, #tpu.memory_space<vmem>> -> memref<50x128xf32, #tpu.memory_space<vmem>>
      %dma_start3A_155 = arith.constant 0 : i32
      %dma_start3A_156 = tpu.memref_slice %arg7[%dma_start3A_151, %dma_start3A_155] : memref<8x50xi32, #tpu.memory_space<vmem>> -> memref<1x50xi32, #tpu.memory_space<vmem>>
      %dma_start3A_157 = tpu.memref_squeeze %dma_start3A_156 : memref<1x50xi32, #tpu.memory_space<vmem>> -> memref<50xi32, #tpu.memory_space<vmem>>
      %dma_start3A_158 = arith.constant 0 : i32
      %dma_start3A_159 = arith.constant 0 : i32
      %dma_start3A_160 = tpu.memref_slice %arg2[%dma_start3A_158, %dma_start3A_159] : memref<10000x128xf32, #tpu.memory_space<hbm>> -> memref<10000x128xf32, #tpu.memory_space<hbm>>
      tpu.enqueue_indirect_dma source(%dma_start3A_160 : memref<10000x128xf32, #tpu.memory_space<hbm>>) target(%dma_start3A_154 : memref<50x128xf32, #tpu.memory_space<vmem>>) offsets(%dma_start3A_157 : memref<50xi32, #tpu.memory_space<vmem>>) semaphore(%arg11 : memref<!tpu.dma_semaphore, #tpu.memory_space<semaphore_mem>>)
      %dma_start3A_161 = arith.constant 7 : i32
      %dma_start3A_162 = arith.constant 350 : i32
      %dma_start3A_163 = arith.constant 0 : i32
      %dma_start3A_164 = tpu.memref_slice %arg10[%dma_start3A_162, %dma_start3A_163] : memref<400x128xf32, #tpu.memory_space<vmem>> -> memref<50x128xf32, #tpu.memory_space<vmem>>
      %dma_start3A_165 = arith.constant 0 : i32
      %dma_start3A_166 = tpu.memref_slice %arg8[%dma_start3A_161, %dma_start3A_165] : memref<8x50xi32, #tpu.memory_space<vmem>> -> memref<1x50xi32, #tpu.memory_space<vmem>>
      %dma_start3A_167 = tpu.memref_squeeze %dma_start3A_166 : memref<1x50xi32, #tpu.memory_space<vmem>> -> memref<50xi32, #tpu.memory_space<vmem>>
      %dma_start3A_168 = arith.constant 0 : i32
      %dma_start3A_169 = arith.constant 0 : i32
      %dma_start3A_170 = tpu.memref_slice %arg2[%dma_start3A_168, %dma_start3A_169] : memref<10000x128xf32, #tpu.memory_space<hbm>> -> memref<10000x128xf32, #tpu.memory_space<hbm>>
      tpu.enqueue_indirect_dma source(%dma_start3A_170 : memref<10000x128xf32, #tpu.memory_space<hbm>>) target(%dma_start3A_164 : memref<50x128xf32, #tpu.memory_space<vmem>>) offsets(%dma_start3A_167 : memref<50xi32, #tpu.memory_space<vmem>>) semaphore(%arg11 : memref<!tpu.dma_semaphore, #tpu.memory_space<semaphore_mem>>)
      %dma_wait3A = arith.constant 0 : i32
      %dma_wait3A_171 = arith.constant 0 : i32
      %dma_wait3A_172 = arith.constant 0 : i32
      %dma_wait3A_173 = tpu.memref_slice %arg9[%dma_wait3A_171, %dma_wait3A_172] : memref<400x128xf32, #tpu.memory_space<vmem>> -> memref<50x128xf32, #tpu.memory_space<vmem>>
      %dma_wait3A_174 = arith.constant 0 : i32
      %dma_wait3A_175 = tpu.memref_slice %arg7[%dma_wait3A, %dma_wait3A_174] : memref<8x50xi32, #tpu.memory_space<vmem>> -> memref<1x50xi32, #tpu.memory_space<vmem>>
      %dma_wait3A_176 = tpu.memref_squeeze %dma_wait3A_175 : memref<1x50xi32, #tpu.memory_space<vmem>> -> memref<50xi32, #tpu.memory_space<vmem>>
      %dma_wait3A_177 = arith.constant 0 : i32
      %dma_wait3A_178 = arith.constant 0 : i32
      %dma_wait3A_179 = tpu.memref_slice %arg2[%dma_wait3A_177, %dma_wait3A_178] : memref<10000x128xf32, #tpu.memory_space<hbm>> -> memref<10000x128xf32, #tpu.memory_space<hbm>>
      tpu.wait_indirect_dma semaphore(%arg11 : memref<!tpu.dma_semaphore, #tpu.memory_space<semaphore_mem>>) src(%dma_wait3A_179 : memref<10000x128xf32, #tpu.memory_space<hbm>>) dst(%dma_wait3A_173 : memref<50x128xf32, #tpu.memory_space<vmem>>)
      %dma_wait3A_180 = arith.constant 0 : i32
      %dma_wait3A_181 = arith.constant 0 : i32
      %dma_wait3A_182 = arith.constant 0 : i32
      %dma_wait3A_183 = tpu.memref_slice %arg10[%dma_wait3A_181, %dma_wait3A_182] : memref<400x128xf32, #tpu.memory_space<vmem>> -> memref<50x128xf32, #tpu.memory_space<vmem>>
      %dma_wait3A_184 = arith.constant 0 : i32
      %dma_wait3A_185 = tpu.memref_slice %arg8[%dma_wait3A_180, %dma_wait3A_184] : memref<8x50xi32, #tpu.memory_space<vmem>> -> memref<1x50xi32, #tpu.memory_space<vmem>>
      %dma_wait3A_186 = tpu.memref_squeeze %dma_wait3A_185 : memref<1x50xi32, #tpu.memory_space<vmem>> -> memref<50xi32, #tpu.memory_space<vmem>>
      %dma_wait3A_187 = arith.constant 0 : i32
      %dma_wait3A_188 = arith.constant 0 : i32
      %dma_wait3A_189 = tpu.memref_slice %arg2[%dma_wait3A_187, %dma_wait3A_188] : memref<10000x128xf32, #tpu.memory_space<hbm>> -> memref<10000x128xf32, #tpu.memory_space<hbm>>
      tpu.wait_indirect_dma semaphore(%arg11 : memref<!tpu.dma_semaphore, #tpu.memory_space<semaphore_mem>>) src(%dma_wait3A_189 : memref<10000x128xf32, #tpu.memory_space<hbm>>) dst(%dma_wait3A_183 : memref<50x128xf32, #tpu.memory_space<vmem>>)
      %dma_wait3A_190 = arith.constant 1 : i32
      %dma_wait3A_191 = arith.constant 50 : i32
      %dma_wait3A_192 = arith.constant 0 : i32
      %dma_wait3A_193 = tpu.memref_slice %arg9[%dma_wait3A_191, %dma_wait3A_192] : memref<400x128xf32, #tpu.memory_space<vmem>> -> memref<50x128xf32, #tpu.memory_space<vmem>>
      %dma_wait3A_194 = arith.constant 0 : i32
      %dma_wait3A_195 = tpu.memref_slice %arg7[%dma_wait3A_190, %dma_wait3A_194] : memref<8x50xi32, #tpu.memory_space<vmem>> -> memref<1x50xi32, #tpu.memory_space<vmem>>
      %dma_wait3A_196 = tpu.memref_squeeze %dma_wait3A_195 : memref<1x50xi32, #tpu.memory_space<vmem>> -> memref<50xi32, #tpu.memory_space<vmem>>
      %dma_wait3A_197 = arith.constant 0 : i32
      %dma_wait3A_198 = arith.constant 0 : i32
      %dma_wait3A_199 = tpu.memref_slice %arg2[%dma_wait3A_197, %dma_wait3A_198] : memref<10000x128xf32, #tpu.memory_space<hbm>> -> memref<10000x128xf32, #tpu.memory_space<hbm>>
      tpu.wait_indirect_dma semaphore(%arg11 : memref<!tpu.dma_semaphore, #tpu.memory_space<semaphore_mem>>) src(%dma_wait3A_199 : memref<10000x128xf32, #tpu.memory_space<hbm>>) dst(%dma_wait3A_193 : memref<50x128xf32, #tpu.memory_space<vmem>>)
      %dma_wait3A_200 = arith.constant 1 : i32
      %dma_wait3A_201 = arith.constant 50 : i32
      %dma_wait3A_202 = arith.constant 0 : i32
      %dma_wait3A_203 = tpu.memref_slice %arg10[%dma_wait3A_201, %dma_wait3A_202] : memref<400x128xf32, #tpu.memory_space<vmem>> -> memref<50x128xf32, #tpu.memory_space<vmem>>
      %dma_wait3A_204 = arith.constant 0 : i32
      %dma_wait3A_205 = tpu.memref_slice %arg8[%dma_wait3A_200, %dma_wait3A_204] : memref<8x50xi32, #tpu.memory_space<vmem>> -> memref<1x50xi32, #tpu.memory_space<vmem>>
      %dma_wait3A_206 = tpu.memref_squeeze %dma_wait3A_205 : memref<1x50xi32, #tpu.memory_space<vmem>> -> memref<50xi32, #tpu.memory_space<vmem>>
      %dma_wait3A_207 = arith.constant 0 : i32
      %dma_wait3A_208 = arith.constant 0 : i32
      %dma_wait3A_209 = tpu.memref_slice %arg2[%dma_wait3A_207, %dma_wait3A_208] : memref<10000x128xf32, #tpu.memory_space<hbm>> -> memref<10000x128xf32, #tpu.memory_space<hbm>>
      tpu.wait_indirect_dma semaphore(%arg11 : memref<!tpu.dma_semaphore, #tpu.memory_space<semaphore_mem>>) src(%dma_wait3A_209 : memref<10000x128xf32, #tpu.memory_space<hbm>>) dst(%dma_wait3A_203 : memref<50x128xf32, #tpu.memory_space<vmem>>)
      %dma_wait3A_210 = arith.constant 2 : i32
      %dma_wait3A_211 = arith.constant 100 : i32
      %dma_wait3A_212 = arith.constant 0 : i32
      %dma_wait3A_213 = tpu.memref_slice %arg9[%dma_wait3A_211, %dma_wait3A_212] : memref<400x128xf32, #tpu.memory_space<vmem>> -> memref<50x128xf32, #tpu.memory_space<vmem>>
      %dma_wait3A_214 = arith.constant 0 : i32
      %dma_wait3A_215 = tpu.memref_slice %arg7[%dma_wait3A_210, %dma_wait3A_214] : memref<8x50xi32, #tpu.memory_space<vmem>> -> memref<1x50xi32, #tpu.memory_space<vmem>>
      %dma_wait3A_216 = tpu.memref_squeeze %dma_wait3A_215 : memref<1x50xi32, #tpu.memory_space<vmem>> -> memref<50xi32, #tpu.memory_space<vmem>>
      %dma_wait3A_217 = arith.constant 0 : i32
      %dma_wait3A_218 = arith.constant 0 : i32
      %dma_wait3A_219 = tpu.memref_slice %arg2[%dma_wait3A_217, %dma_wait3A_218] : memref<10000x128xf32, #tpu.memory_space<hbm>> -> memref<10000x128xf32, #tpu.memory_space<hbm>>
      tpu.wait_indirect_dma semaphore(%arg11 : memref<!tpu.dma_semaphore, #tpu.memory_space<semaphore_mem>>) src(%dma_wait3A_219 : memref<10000x128xf32, #tpu.memory_space<hbm>>) dst(%dma_wait3A_213 : memref<50x128xf32, #tpu.memory_space<vmem>>)
      %dma_wait3A_220 = arith.constant 2 : i32
      %dma_wait3A_221 = arith.constant 100 : i32
      %dma_wait3A_222 = arith.constant 0 : i32
      %dma_wait3A_223 = tpu.memref_slice %arg10[%dma_wait3A_221, %dma_wait3A_222] : memref<400x128xf32, #tpu.memory_space<vmem>> -> memref<50x128xf32, #tpu.memory_space<vmem>>
      %dma_wait3A_224 = arith.constant 0 : i32
      %dma_wait3A_225 = tpu.memref_slice %arg8[%dma_wait3A_220, %dma_wait3A_224] : memref<8x50xi32, #tpu.memory_space<vmem>> -> memref<1x50xi32, #tpu.memory_space<vmem>>
      %dma_wait3A_226 = tpu.memref_squeeze %dma_wait3A_225 : memref<1x50xi32, #tpu.memory_space<vmem>> -> memref<50xi32, #tpu.memory_space<vmem>>
      %dma_wait3A_227 = arith.constant 0 : i32
      %dma_wait3A_228 = arith.constant 0 : i32
      %dma_wait3A_229 = tpu.memref_slice %arg2[%dma_wait3A_227, %dma_wait3A_228] : memref<10000x128xf32, #tpu.memory_space<hbm>> -> memref<10000x128xf32, #tpu.memory_space<hbm>>
      tpu.wait_indirect_dma semaphore(%arg11 : memref<!tpu.dma_semaphore, #tpu.memory_space<semaphore_mem>>) src(%dma_wait3A_229 : memref<10000x128xf32, #tpu.memory_space<hbm>>) dst(%dma_wait3A_223 : memref<50x128xf32, #tpu.memory_space<vmem>>)
      %dma_wait3A_230 = arith.constant 3 : i32
      %dma_wait3A_231 = arith.constant 150 : i32
      %dma_wait3A_232 = arith.constant 0 : i32
      %dma_wait3A_233 = tpu.memref_slice %arg9[%dma_wait3A_231, %dma_wait3A_232] : memref<400x128xf32, #tpu.memory_space<vmem>> -> memref<50x128xf32, #tpu.memory_space<vmem>>
      %dma_wait3A_234 = arith.constant 0 : i32
      %dma_wait3A_235 = tpu.memref_slice %arg7[%dma_wait3A_230, %dma_wait3A_234] : memref<8x50xi32, #tpu.memory_space<vmem>> -> memref<1x50xi32, #tpu.memory_space<vmem>>
      %dma_wait3A_236 = tpu.memref_squeeze %dma_wait3A_235 : memref<1x50xi32, #tpu.memory_space<vmem>> -> memref<50xi32, #tpu.memory_space<vmem>>
      %dma_wait3A_237 = arith.constant 0 : i32
      %dma_wait3A_238 = arith.constant 0 : i32
      %dma_wait3A_239 = tpu.memref_slice %arg2[%dma_wait3A_237, %dma_wait3A_238] : memref<10000x128xf32, #tpu.memory_space<hbm>> -> memref<10000x128xf32, #tpu.memory_space<hbm>>
      tpu.wait_indirect_dma semaphore(%arg11 : memref<!tpu.dma_semaphore, #tpu.memory_space<semaphore_mem>>) src(%dma_wait3A_239 : memref<10000x128xf32, #tpu.memory_space<hbm>>) dst(%dma_wait3A_233 : memref<50x128xf32, #tpu.memory_space<vmem>>)
      %dma_wait3A_240 = arith.constant 3 : i32
      %dma_wait3A_241 = arith.constant 150 : i32
      %dma_wait3A_242 = arith.constant 0 : i32
      %dma_wait3A_243 = tpu.memref_slice %arg10[%dma_wait3A_241, %dma_wait3A_242] : memref<400x128xf32, #tpu.memory_space<vmem>> -> memref<50x128xf32, #tpu.memory_space<vmem>>
      %dma_wait3A_244 = arith.constant 0 : i32
      %dma_wait3A_245 = tpu.memref_slice %arg8[%dma_wait3A_240, %dma_wait3A_244] : memref<8x50xi32, #tpu.memory_space<vmem>> -> memref<1x50xi32, #tpu.memory_space<vmem>>
      %dma_wait3A_246 = tpu.memref_squeeze %dma_wait3A_245 : memref<1x50xi32, #tpu.memory_space<vmem>> -> memref<50xi32, #tpu.memory_space<vmem>>
      %dma_wait3A_247 = arith.constant 0 : i32
      %dma_wait3A_248 = arith.constant 0 : i32
      %dma_wait3A_249 = tpu.memref_slice %arg2[%dma_wait3A_247, %dma_wait3A_248] : memref<10000x128xf32, #tpu.memory_space<hbm>> -> memref<10000x128xf32, #tpu.memory_space<hbm>>
      tpu.wait_indirect_dma semaphore(%arg11 : memref<!tpu.dma_semaphore, #tpu.memory_space<semaphore_mem>>) src(%dma_wait3A_249 : memref<10000x128xf32, #tpu.memory_space<hbm>>) dst(%dma_wait3A_243 : memref<50x128xf32, #tpu.memory_space<vmem>>)
      %dma_wait3A_250 = arith.constant 4 : i32
      %dma_wait3A_251 = arith.constant 200 : i32
      %dma_wait3A_252 = arith.constant 0 : i32
      %dma_wait3A_253 = tpu.memref_slice %arg9[%dma_wait3A_251, %dma_wait3A_252] : memref<400x128xf32, #tpu.memory_space<vmem>> -> memref<50x128xf32, #tpu.memory_space<vmem>>
      %dma_wait3A_254 = arith.constant 0 : i32
      %dma_wait3A_255 = tpu.memref_slice %arg7[%dma_wait3A_250, %dma_wait3A_254] : memref<8x50xi32, #tpu.memory_space<vmem>> -> memref<1x50xi32, #tpu.memory_space<vmem>>
      %dma_wait3A_256 = tpu.memref_squeeze %dma_wait3A_255 : memref<1x50xi32, #tpu.memory_space<vmem>> -> memref<50xi32, #tpu.memory_space<vmem>>
      %dma_wait3A_257 = arith.constant 0 : i32
      %dma_wait3A_258 = arith.constant 0 : i32
      %dma_wait3A_259 = tpu.memref_slice %arg2[%dma_wait3A_257, %dma_wait3A_258] : memref<10000x128xf32, #tpu.memory_space<hbm>> -> memref<10000x128xf32, #tpu.memory_space<hbm>>
      tpu.wait_indirect_dma semaphore(%arg11 : memref<!tpu.dma_semaphore, #tpu.memory_space<semaphore_mem>>) src(%dma_wait3A_259 : memref<10000x128xf32, #tpu.memory_space<hbm>>) dst(%dma_wait3A_253 : memref<50x128xf32, #tpu.memory_space<vmem>>)
      %dma_wait3A_260 = arith.constant 4 : i32
      %dma_wait3A_261 = arith.constant 200 : i32
      %dma_wait3A_262 = arith.constant 0 : i32
      %dma_wait3A_263 = tpu.memref_slice %arg10[%dma_wait3A_261, %dma_wait3A_262] : memref<400x128xf32, #tpu.memory_space<vmem>> -> memref<50x128xf32, #tpu.memory_space<vmem>>
      %dma_wait3A_264 = arith.constant 0 : i32
      %dma_wait3A_265 = tpu.memref_slice %arg8[%dma_wait3A_260, %dma_wait3A_264] : memref<8x50xi32, #tpu.memory_space<vmem>> -> memref<1x50xi32, #tpu.memory_space<vmem>>
      %dma_wait3A_266 = tpu.memref_squeeze %dma_wait3A_265 : memref<1x50xi32, #tpu.memory_space<vmem>> -> memref<50xi32, #tpu.memory_space<vmem>>
      %dma_wait3A_267 = arith.constant 0 : i32
      %dma_wait3A_268 = arith.constant 0 : i32
      %dma_wait3A_269 = tpu.memref_slice %arg2[%dma_wait3A_267, %dma_wait3A_268] : memref<10000x128xf32, #tpu.memory_space<hbm>> -> memref<10000x128xf32, #tpu.memory_space<hbm>>
      tpu.wait_indirect_dma semaphore(%arg11 : memref<!tpu.dma_semaphore, #tpu.memory_space<semaphore_mem>>) src(%dma_wait3A_269 : memref<10000x128xf32, #tpu.memory_space<hbm>>) dst(%dma_wait3A_263 : memref<50x128xf32, #tpu.memory_space<vmem>>)
      %dma_wait3A_270 = arith.constant 5 : i32
      %dma_wait3A_271 = arith.constant 250 : i32
      %dma_wait3A_272 = arith.constant 0 : i32
      %dma_wait3A_273 = tpu.memref_slice %arg9[%dma_wait3A_271, %dma_wait3A_272] : memref<400x128xf32, #tpu.memory_space<vmem>> -> memref<50x128xf32, #tpu.memory_space<vmem>>
      %dma_wait3A_274 = arith.constant 0 : i32
      %dma_wait3A_275 = tpu.memref_slice %arg7[%dma_wait3A_270, %dma_wait3A_274] : memref<8x50xi32, #tpu.memory_space<vmem>> -> memref<1x50xi32, #tpu.memory_space<vmem>>
      %dma_wait3A_276 = tpu.memref_squeeze %dma_wait3A_275 : memref<1x50xi32, #tpu.memory_space<vmem>> -> memref<50xi32, #tpu.memory_space<vmem>>
      %dma_wait3A_277 = arith.constant 0 : i32
      %dma_wait3A_278 = arith.constant 0 : i32
      %dma_wait3A_279 = tpu.memref_slice %arg2[%dma_wait3A_277, %dma_wait3A_278] : memref<10000x128xf32, #tpu.memory_space<hbm>> -> memref<10000x128xf32, #tpu.memory_space<hbm>>
      tpu.wait_indirect_dma semaphore(%arg11 : memref<!tpu.dma_semaphore, #tpu.memory_space<semaphore_mem>>) src(%dma_wait3A_279 : memref<10000x128xf32, #tpu.memory_space<hbm>>) dst(%dma_wait3A_273 : memref<50x128xf32, #tpu.memory_space<vmem>>)
      %dma_wait3A_280 = arith.constant 5 : i32
      %dma_wait3A_281 = arith.constant 250 : i32
      %dma_wait3A_282 = arith.constant 0 : i32
      %dma_wait3A_283 = tpu.memref_slice %arg10[%dma_wait3A_281, %dma_wait3A_282] : memref<400x128xf32, #tpu.memory_space<vmem>> -> memref<50x128xf32, #tpu.memory_space<vmem>>
      %dma_wait3A_284 = arith.constant 0 : i32
      %dma_wait3A_285 = tpu.memref_slice %arg8[%dma_wait3A_280, %dma_wait3A_284] : memref<8x50xi32, #tpu.memory_space<vmem>> -> memref<1x50xi32, #tpu.memory_space<vmem>>
      %dma_wait3A_286 = tpu.memref_squeeze %dma_wait3A_285 : memref<1x50xi32, #tpu.memory_space<vmem>> -> memref<50xi32, #tpu.memory_space<vmem>>
      %dma_wait3A_287 = arith.constant 0 : i32
      %dma_wait3A_288 = arith.constant 0 : i32
      %dma_wait3A_289 = tpu.memref_slice %arg2[%dma_wait3A_287, %dma_wait3A_288] : memref<10000x128xf32, #tpu.memory_space<hbm>> -> memref<10000x128xf32, #tpu.memory_space<hbm>>
      tpu.wait_indirect_dma semaphore(%arg11 : memref<!tpu.dma_semaphore, #tpu.memory_space<semaphore_mem>>) src(%dma_wait3A_289 : memref<10000x128xf32, #tpu.memory_space<hbm>>) dst(%dma_wait3A_283 : memref<50x128xf32, #tpu.memory_space<vmem>>)
      %dma_wait3A_290 = arith.constant 6 : i32
      %dma_wait3A_291 = arith.constant 300 : i32
      %dma_wait3A_292 = arith.constant 0 : i32
      %dma_wait3A_293 = tpu.memref_slice %arg9[%dma_wait3A_291, %dma_wait3A_292] : memref<400x128xf32, #tpu.memory_space<vmem>> -> memref<50x128xf32, #tpu.memory_space<vmem>>
      %dma_wait3A_294 = arith.constant 0 : i32
      %dma_wait3A_295 = tpu.memref_slice %arg7[%dma_wait3A_290, %dma_wait3A_294] : memref<8x50xi32, #tpu.memory_space<vmem>> -> memref<1x50xi32, #tpu.memory_space<vmem>>
      %dma_wait3A_296 = tpu.memref_squeeze %dma_wait3A_295 : memref<1x50xi32, #tpu.memory_space<vmem>> -> memref<50xi32, #tpu.memory_space<vmem>>
      %dma_wait3A_297 = arith.constant 0 : i32
      %dma_wait3A_298 = arith.constant 0 : i32
      %dma_wait3A_299 = tpu.memref_slice %arg2[%dma_wait3A_297, %dma_wait3A_298] : memref<10000x128xf32, #tpu.memory_space<hbm>> -> memref<10000x128xf32, #tpu.memory_space<hbm>>
      tpu.wait_indirect_dma semaphore(%arg11 : memref<!tpu.dma_semaphore, #tpu.memory_space<semaphore_mem>>) src(%dma_wait3A_299 : memref<10000x128xf32, #tpu.memory_space<hbm>>) dst(%dma_wait3A_293 : memref<50x128xf32, #tpu.memory_space<vmem>>)
      %dma_wait3A_300 = arith.constant 6 : i32
      %dma_wait3A_301 = arith.constant 300 : i32
      %dma_wait3A_302 = arith.constant 0 : i32
      %dma_wait3A_303 = tpu.memref_slice %arg10[%dma_wait3A_301, %dma_wait3A_302] : memref<400x128xf32, #tpu.memory_space<vmem>> -> memref<50x128xf32, #tpu.memory_space<vmem>>
      %dma_wait3A_304 = arith.constant 0 : i32
      %dma_wait3A_305 = tpu.memref_slice %arg8[%dma_wait3A_300, %dma_wait3A_304] : memref<8x50xi32, #tpu.memory_space<vmem>> -> memref<1x50xi32, #tpu.memory_space<vmem>>
      %dma_wait3A_306 = tpu.memref_squeeze %dma_wait3A_305 : memref<1x50xi32, #tpu.memory_space<vmem>> -> memref<50xi32, #tpu.memory_space<vmem>>
      %dma_wait3A_307 = arith.constant 0 : i32
      %dma_wait3A_308 = arith.constant 0 : i32
      %dma_wait3A_309 = tpu.memref_slice %arg2[%dma_wait3A_307, %dma_wait3A_308] : memref<10000x128xf32, #tpu.memory_space<hbm>> -> memref<10000x128xf32, #tpu.memory_space<hbm>>
      tpu.wait_indirect_dma semaphore(%arg11 : memref<!tpu.dma_semaphore, #tpu.memory_space<semaphore_mem>>) src(%dma_wait3A_309 : memref<10000x128xf32, #tpu.memory_space<hbm>>) dst(%dma_wait3A_303 : memref<50x128xf32, #tpu.memory_space<vmem>>)
      %dma_wait3A_310 = arith.constant 7 : i32
      %dma_wait3A_311 = arith.constant 350 : i32
      %dma_wait3A_312 = arith.constant 0 : i32
      %dma_wait3A_313 = tpu.memref_slice %arg9[%dma_wait3A_311, %dma_wait3A_312] : memref<400x128xf32, #tpu.memory_space<vmem>> -> memref<50x128xf32, #tpu.memory_space<vmem>>
      %dma_wait3A_314 = arith.constant 0 : i32
      %dma_wait3A_315 = tpu.memref_slice %arg7[%dma_wait3A_310, %dma_wait3A_314] : memref<8x50xi32, #tpu.memory_space<vmem>> -> memref<1x50xi32, #tpu.memory_space<vmem>>
      %dma_wait3A_316 = tpu.memref_squeeze %dma_wait3A_315 : memref<1x50xi32, #tpu.memory_space<vmem>> -> memref<50xi32, #tpu.memory_space<vmem>>
      %dma_wait3A_317 = arith.constant 0 : i32
      %dma_wait3A_318 = arith.constant 0 : i32
      %dma_wait3A_319 = tpu.memref_slice %arg2[%dma_wait3A_317, %dma_wait3A_318] : memref<10000x128xf32, #tpu.memory_space<hbm>> -> memref<10000x128xf32, #tpu.memory_space<hbm>>
      tpu.wait_indirect_dma semaphore(%arg11 : memref<!tpu.dma_semaphore, #tpu.memory_space<semaphore_mem>>) src(%dma_wait3A_319 : memref<10000x128xf32, #tpu.memory_space<hbm>>) dst(%dma_wait3A_313 : memref<50x128xf32, #tpu.memory_space<vmem>>)
      %dma_wait3A_320 = arith.constant 7 : i32
      %dma_wait3A_321 = arith.constant 350 : i32
      %dma_wait3A_322 = arith.constant 0 : i32
      %dma_wait3A_323 = tpu.memref_slice %arg10[%dma_wait3A_321, %dma_wait3A_322] : memref<400x128xf32, #tpu.memory_space<vmem>> -> memref<50x128xf32, #tpu.memory_space<vmem>>
      %dma_wait3A_324 = arith.constant 0 : i32
      %dma_wait3A_325 = tpu.memref_slice %arg8[%dma_wait3A_320, %dma_wait3A_324] : memref<8x50xi32, #tpu.memory_space<vmem>> -> memref<1x50xi32, #tpu.memory_space<vmem>>
      %dma_wait3A_326 = tpu.memref_squeeze %dma_wait3A_325 : memref<1x50xi32, #tpu.memory_space<vmem>> -> memref<50xi32, #tpu.memory_space<vmem>>
      %dma_wait3A_327 = arith.constant 0 : i32
      %dma_wait3A_328 = arith.constant 0 : i32
      %dma_wait3A_329 = tpu.memref_slice %arg2[%dma_wait3A_327, %dma_wait3A_328] : memref<10000x128xf32, #tpu.memory_space<hbm>> -> memref<10000x128xf32, #tpu.memory_space<hbm>>
      tpu.wait_indirect_dma semaphore(%arg11 : memref<!tpu.dma_semaphore, #tpu.memory_space<semaphore_mem>>) src(%dma_wait3A_329 : memref<10000x128xf32, #tpu.memory_space<hbm>>) dst(%dma_wait3A_323 : memref<50x128xf32, #tpu.memory_space<vmem>>)
      %mul3A_330 = arith.constant 400 : i32
      %mul3A_331 = arith.muli %add3A_9, %mul3A_330 : i32
      "tpu.region"() ({
        %run_scoped3A = tpu.sem_alloc : memref<!tpu.dma_semaphore, #tpu.memory_space<semaphore_mem>>
        %dma_start3A_332 = arith.constant 0 : i32
        %dma_start3A_333 = tpu.memref_slice %arg5[%mul3A_331, %dma_start3A_332] : memref<320000x128xf32, #tpu.memory_space<hbm>> -> memref<400x128xf32, #tpu.memory_space<hbm>>
        %dma_start3A_334 = arith.constant 0 : i32
        %dma_start3A_335 = tpu.memref_slice %arg5[%mul3A_331, %dma_start3A_334] : memref<320000x128xf32, #tpu.memory_space<hbm>> -> memref<400x128xf32, #tpu.memory_space<hbm>>
        tpu.enqueue_dma source(%arg9 : memref<400x128xf32, #tpu.memory_space<vmem>>) target(%dma_start3A_335 : memref<400x128xf32, #tpu.memory_space<hbm>>) target_semaphore(%run_scoped3A : memref<!tpu.dma_semaphore, #tpu.memory_space<semaphore_mem>>)
        %dma_wait3A_336 = arith.constant 0 : i32
        %dma_wait3A_337 = tpu.memref_slice %arg5[%mul3A_331, %dma_wait3A_336] : memref<320000x128xf32, #tpu.memory_space<hbm>> -> memref<400x128xf32, #tpu.memory_space<hbm>>
        %dma_wait3A_338 = arith.constant 0 : i32
        %dma_wait3A_339 = tpu.memref_slice %arg5[%mul3A_331, %dma_wait3A_338] : memref<320000x128xf32, #tpu.memory_space<hbm>> -> memref<400x128xf32, #tpu.memory_space<hbm>>
        tpu.wait_dma2 semaphore(%run_scoped3A : memref<!tpu.dma_semaphore, #tpu.memory_space<semaphore_mem>>) src(%arg9 : memref<400x128xf32, #tpu.memory_space<vmem>>) dst(%dma_wait3A_339 : memref<400x128xf32, #tpu.memory_space<hbm>>)
        tpu.yield
      }) : () -> ()
      "tpu.region"() ({
        %run_scoped3A = tpu.sem_alloc : memref<!tpu.dma_semaphore, #tpu.memory_space<semaphore_mem>>
        %dma_start3A_332 = arith.constant 0 : i32
        %dma_start3A_333 = tpu.memref_slice %arg6[%mul3A_331, %dma_start3A_332] : memref<320000x128xf32, #tpu.memory_space<hbm>> -> memref<400x128xf32, #tpu.memory_space<hbm>>
        %dma_start3A_334 = arith.constant 0 : i32
        %dma_start3A_335 = tpu.memref_slice %arg6[%mul3A_331, %dma_start3A_334] : memref<320000x128xf32, #tpu.memory_space<hbm>> -> memref<400x128xf32, #tpu.memory_space<hbm>>
        tpu.enqueue_dma source(%arg10 : memref<400x128xf32, #tpu.memory_space<vmem>>) target(%dma_start3A_335 : memref<400x128xf32, #tpu.memory_space<hbm>>) target_semaphore(%run_scoped3A : memref<!tpu.dma_semaphore, #tpu.memory_space<semaphore_mem>>)
        %dma_wait3A_336 = arith.constant 0 : i32
        %dma_wait3A_337 = tpu.memref_slice %arg6[%mul3A_331, %dma_wait3A_336] : memref<320000x128xf32, #tpu.memory_space<hbm>> -> memref<400x128xf32, #tpu.memory_space<hbm>>
        %dma_wait3A_338 = arith.constant 0 : i32
        %dma_wait3A_339 = tpu.memref_slice %arg6[%mul3A_331, %dma_wait3A_338] : memref<320000x128xf32, #tpu.memory_space<hbm>> -> memref<400x128xf32, #tpu.memory_space<hbm>>
        tpu.wait_dma2 semaphore(%run_scoped3A : memref<!tpu.dma_semaphore, #tpu.memory_space<semaphore_mem>>) src(%arg10 : memref<400x128xf32, #tpu.memory_space<vmem>>) dst(%dma_wait3A_339 : memref<400x128xf32, #tpu.memory_space<hbm>>)
        tpu.yield
      }) : () -> ()
    }
    %scan3A_5 = arith.constant 25 : i32
    return
  }
}

#map = affine_map<(d0, d1) -> (0)>
#map1 = affine_map<(d0, d1) -> (0, 0)>
module attributes {stable_mosaic.version = 14 : i64} {
  func.func @_rel_kernel(%arg0: i32, %arg1: i32, %arg2: memref<10000xf32, #tpu.memory_space<hbm>>, %arg3: memref<10000xf32, #tpu.memory_space<hbm>>, %arg4: memref<10000xf32, #tpu.memory_space<hbm>>, %arg5: memref<20000x16xi32, #tpu.memory_space<hbm>>, %arg6: memref<20000x16xi32, #tpu.memory_space<hbm>>, %arg7: memref<5120000xf32, #tpu.memory_space<hbm>>, %arg8: memref<10000xf32, #tpu.memory_space<vmem>>, %arg9: memref<10000xf32, #tpu.memory_space<vmem>>, %arg10: memref<10000xf32, #tpu.memory_space<vmem>>, %arg11: memref<8x16xi32, #tpu.memory_space<vmem>>, %arg12: memref<8x16xi32, #tpu.memory_space<vmem>>, %arg13: memref<2048xf32, #tpu.memory_space<vmem>>) attributes {dimension_semantics = [#tpu.dimension_semantics<core_parallel>, #tpu.dimension_semantics<subcore_parallel>], iteration_bounds = array<i64: 2, 16>, scalar_prefetch = 0 : i64, scratch_operands = 6 : i64, tpu.core_type = #tpu.core_type<sc_vector_subcore>, window_params = [{transform_indices = #map}, {transform_indices = #map}, {transform_indices = #map}, {transform_indices = #map1}, {transform_indices = #map1}, {transform_indices = #map}]} {
    %mul3A = arith.constant 2 : i32
    %mul3A_0 = arith.muli %arg1, %mul3A : i32
    %add3A = arith.addi %mul3A_0, %arg0 : i32
    "tpu.region"() ({
      %run_scoped3A = tpu.sem_alloc : memref<!tpu.dma_semaphore, #tpu.memory_space<semaphore_mem>>
      tpu.enqueue_dma source(%arg2 : memref<10000xf32, #tpu.memory_space<hbm>>) target(%arg8 : memref<10000xf32, #tpu.memory_space<vmem>>) target_semaphore(%run_scoped3A : memref<!tpu.dma_semaphore, #tpu.memory_space<semaphore_mem>>)
      tpu.wait_dma2 semaphore(%run_scoped3A : memref<!tpu.dma_semaphore, #tpu.memory_space<semaphore_mem>>) src(%arg2 : memref<10000xf32, #tpu.memory_space<hbm>>) dst(%arg8 : memref<10000xf32, #tpu.memory_space<vmem>>)
      tpu.yield
    }) : () -> ()
    "tpu.region"() ({
      %run_scoped3A = tpu.sem_alloc : memref<!tpu.dma_semaphore, #tpu.memory_space<semaphore_mem>>
      tpu.enqueue_dma source(%arg3 : memref<10000xf32, #tpu.memory_space<hbm>>) target(%arg9 : memref<10000xf32, #tpu.memory_space<vmem>>) target_semaphore(%run_scoped3A : memref<!tpu.dma_semaphore, #tpu.memory_space<semaphore_mem>>)
      tpu.wait_dma2 semaphore(%run_scoped3A : memref<!tpu.dma_semaphore, #tpu.memory_space<semaphore_mem>>) src(%arg3 : memref<10000xf32, #tpu.memory_space<hbm>>) dst(%arg9 : memref<10000xf32, #tpu.memory_space<vmem>>)
      tpu.yield
    }) : () -> ()
    "tpu.region"() ({
      %run_scoped3A = tpu.sem_alloc : memref<!tpu.dma_semaphore, #tpu.memory_space<semaphore_mem>>
      tpu.enqueue_dma source(%arg4 : memref<10000xf32, #tpu.memory_space<hbm>>) target(%arg10 : memref<10000xf32, #tpu.memory_space<vmem>>) target_semaphore(%run_scoped3A : memref<!tpu.dma_semaphore, #tpu.memory_space<semaphore_mem>>)
      tpu.wait_dma2 semaphore(%run_scoped3A : memref<!tpu.dma_semaphore, #tpu.memory_space<semaphore_mem>>) src(%arg4 : memref<10000xf32, #tpu.memory_space<hbm>>) dst(%arg10 : memref<10000xf32, #tpu.memory_space<vmem>>)
      tpu.yield
    }) : () -> ()
    %broadcast_in_dim3A = arith.constant 0.000000e+00 : f32
    %broadcast_in_dim3A_1 = vector.broadcast %broadcast_in_dim3A : f32 to vector<16xf32>
    %scan3A = arith.constant 0 : i32
    %scan3A_2 = arith.constant 0 : i32
    %scan3A_3 = arith.constant 128 : i32
    %scan3A_4 = arith.addi %scan3A_2, %scan3A_3 : i32
    %scan3A_5 = arith.constant 1 : i32
    scf.for %scan3A_20 = %scan3A_2 to %scan3A_4 step %scan3A_5  : i32 {
      %mul3A_21 = arith.constant 16 : i32
      %mul3A_22 = arith.muli %scan3A_20, %mul3A_21 : i32
      %swap3A = arith.index_cast %mul3A_22 : i32 to index
      %swap3A_23 = tpu.vector_load %arg13[%swap3A] {strides = array<i32>} : memref<2048xf32, #tpu.memory_space<vmem>>, vector<16xf32>,
      tpu.vector_store %arg13[%swap3A], %broadcast_in_dim3A_1 {strides = array<i32>} : memref<2048xf32, #tpu.memory_space<vmem>>, vector<16xf32>,
    }
    %scan3A_6 = arith.constant 128 : i32
    %iota3A = tpu.iota {dimensions = array<i32: 0>} : vector<16xi32>
    %lt3A = arith.constant 4 : i32
    %lt3A_7 = arith.cmpi slt, %add3A, %lt3A : i32
    %jit3A = arith.constant 1 : i32
    %jit3A_8 = arith.constant 0 : i32
    %select_n3A = arith.select %lt3A_7, %jit3A, %jit3A_8 : i32
    %add3A_9 = arith.constant 78 : i32
    %add3A_10 = arith.addi %add3A_9, %select_n3A : i32
    %while3A = arith.constant 0 : i32
    %while3A_11 = arith.constant 0 : i32
    %while3A_12 = arith.subi %add3A_10, %while3A_11 : i32
    %while3A_13 = arith.addi %while3A_11, %while3A_12 : i32
    %while3A_14 = arith.constant 1 : i32
    %while3A_15 = arith.divsi %while3A_12, %while3A_14 : i32
    %while3A_16 = arith.muli %while3A_15, %while3A_14 : i32
    %while3A_17 = arith.addi %while3A_11, %while3A_16 : i32
    %while3A_18 = arith.constant 1 : i32
    scf.for %while3A_20 = %while3A_11 to %while3A_17 step %while3A_18  : i32 {
      %mul3A_21 = arith.constant 32 : i32
      %mul3A_22 = arith.muli %while3A_20, %mul3A_21 : i32
      %add3A_23 = arith.addi %add3A, %mul3A_22 : i32
      %mul3A_24 = arith.constant 8 : i32
      %mul3A_25 = arith.muli %add3A_23, %mul3A_24 : i32
      "tpu.region"() ({
        %run_scoped3A = tpu.sem_alloc : memref<!tpu.dma_semaphore, #tpu.memory_space<semaphore_mem>>
        %dma_start3A = arith.constant 0 : i32
        %dma_start3A_257 = tpu.memref_slice %arg5[%mul3A_25, %dma_start3A] : memref<20000x16xi32, #tpu.memory_space<hbm>> -> memref<8x16xi32, #tpu.memory_space<hbm>>
        %dma_start3A_258 = arith.constant 0 : i32
        %dma_start3A_259 = tpu.memref_slice %arg5[%mul3A_25, %dma_start3A_258] : memref<20000x16xi32, #tpu.memory_space<hbm>> -> memref<8x16xi32, #tpu.memory_space<hbm>>
        tpu.enqueue_dma source(%dma_start3A_259 : memref<8x16xi32, #tpu.memory_space<hbm>>) target(%arg11 : memref<8x16xi32, #tpu.memory_space<vmem>>) target_semaphore(%run_scoped3A : memref<!tpu.dma_semaphore, #tpu.memory_space<semaphore_mem>>)
        %dma_wait3A = arith.constant 0 : i32
        %dma_wait3A_260 = tpu.memref_slice %arg5[%mul3A_25, %dma_wait3A] : memref<20000x16xi32, #tpu.memory_space<hbm>> -> memref<8x16xi32, #tpu.memory_space<hbm>>
        %dma_wait3A_261 = arith.constant 0 : i32
        %dma_wait3A_262 = tpu.memref_slice %arg5[%mul3A_25, %dma_wait3A_261] : memref<20000x16xi32, #tpu.memory_space<hbm>> -> memref<8x16xi32, #tpu.memory_space<hbm>>
        tpu.wait_dma2 semaphore(%run_scoped3A : memref<!tpu.dma_semaphore, #tpu.memory_space<semaphore_mem>>) src(%dma_wait3A_262 : memref<8x16xi32, #tpu.memory_space<hbm>>) dst(%arg11 : memref<8x16xi32, #tpu.memory_space<vmem>>)
        tpu.yield
      }) : () -> ()
      "tpu.region"() ({
        %run_scoped3A = tpu.sem_alloc : memref<!tpu.dma_semaphore, #tpu.memory_space<semaphore_mem>>
        %dma_start3A = arith.constant 0 : i32
        %dma_start3A_257 = tpu.memref_slice %arg6[%mul3A_25, %dma_start3A] : memref<20000x16xi32, #tpu.memory_space<hbm>> -> memref<8x16xi32, #tpu.memory_space<hbm>>
        %dma_start3A_258 = arith.constant 0 : i32
        %dma_start3A_259 = tpu.memref_slice %arg6[%mul3A_25, %dma_start3A_258] : memref<20000x16xi32, #tpu.memory_space<hbm>> -> memref<8x16xi32, #tpu.memory_space<hbm>>
        tpu.enqueue_dma source(%dma_start3A_259 : memref<8x16xi32, #tpu.memory_space<hbm>>) target(%arg12 : memref<8x16xi32, #tpu.memory_space<vmem>>) target_semaphore(%run_scoped3A : memref<!tpu.dma_semaphore, #tpu.memory_space<semaphore_mem>>)
        %dma_wait3A = arith.constant 0 : i32
        %dma_wait3A_260 = tpu.memref_slice %arg6[%mul3A_25, %dma_wait3A] : memref<20000x16xi32, #tpu.memory_space<hbm>> -> memref<8x16xi32, #tpu.memory_space<hbm>>
        %dma_wait3A_261 = arith.constant 0 : i32
        %dma_wait3A_262 = tpu.memref_slice %arg6[%mul3A_25, %dma_wait3A_261] : memref<20000x16xi32, #tpu.memory_space<hbm>> -> memref<8x16xi32, #tpu.memory_space<hbm>>
        tpu.wait_dma2 semaphore(%run_scoped3A : memref<!tpu.dma_semaphore, #tpu.memory_space<semaphore_mem>>) src(%dma_wait3A_262 : memref<8x16xi32, #tpu.memory_space<hbm>>) dst(%arg12 : memref<8x16xi32, #tpu.memory_space<vmem>>)
        tpu.yield
      }) : () -> ()
      %get3A = arith.constant 0 : i32
      %get3A_26 = arith.index_cast %get3A : i32 to index
      %get3A_27 = arith.constant 0 : index
      %get3A_28 = tpu.vector_load %arg11[%get3A_26, %get3A_27] {strides = array<i32>} : memref<8x16xi32, #tpu.memory_space<vmem>>, vector<16xi32>,
      %get3A_29 = arith.constant 0 : i32
      %get3A_30 = arith.index_cast %get3A_29 : i32 to index
      %get3A_31 = arith.constant 0 : index
      %get3A_32 = tpu.vector_load %arg12[%get3A_30, %get3A_31] {strides = array<i32>} : memref<8x16xi32, #tpu.memory_space<vmem>>, vector<16xi32>,
      %gather3A = tpu.vector_load_idx %arg8[%get3A_28] : memref<10000xf32, #tpu.memory_space<vmem>>[vector<16xi32>], vector<16xf32>,
      %gather3A_33 = tpu.vector_load_idx %arg8[%get3A_32] : memref<10000xf32, #tpu.memory_space<vmem>>[vector<16xi32>], vector<16xf32>,
      %sub3A = arith.subf %gather3A, %gather3A_33 : vector<16xf32>
      %gather3A_34 = tpu.vector_load_idx %arg9[%get3A_28] : memref<10000xf32, #tpu.memory_space<vmem>>[vector<16xi32>], vector<16xf32>,
      %gather3A_35 = tpu.vector_load_idx %arg9[%get3A_32] : memref<10000xf32, #tpu.memory_space<vmem>>[vector<16xi32>], vector<16xf32>,
      %sub3A_36 = arith.subf %gather3A_34, %gather3A_35 : vector<16xf32>
      %gather3A_37 = tpu.vector_load_idx %arg10[%get3A_28] : memref<10000xf32, #tpu.memory_space<vmem>>[vector<16xi32>], vector<16xf32>,
      %gather3A_38 = tpu.vector_load_idx %arg10[%get3A_32] : memref<10000xf32, #tpu.memory_space<vmem>>[vector<16xi32>], vector<16xf32>,
      %sub3A_39 = arith.subf %gather3A_37, %gather3A_38 : vector<16xf32>
      %mul3A_40 = arith.constant 16 : i32
      %mul3A_41 = vector.broadcast %mul3A_40 : i32 to vector<16xi32>
      %mul3A_42 = arith.muli %iota3A, %mul3A_41 : vector<16xi32>
      %add3A_43 = arith.constant 0 : i32
      %add3A_44 = vector.broadcast %add3A_43 : i32 to vector<16xi32>
      %add3A_45 = arith.addi %mul3A_42, %add3A_44 : vector<16xi32>
      tpu.vector_store_idx %arg13[%add3A_45], %sub3A : memref<2048xf32, #tpu.memory_space<vmem>>[vector<16xi32>], vector<16xf32>,
      %add3A_46 = arith.constant 1 : i32
      %add3A_47 = vector.broadcast %add3A_46 : i32 to vector<16xi32>
      %add3A_48 = arith.addi %add3A_45, %add3A_47 : vector<16xi32>
      tpu.vector_store_idx %arg13[%add3A_48], %sub3A_36 : memref<2048xf32, #tpu.memory_space<vmem>>[vector<16xi32>], vector<16xf32>,
      %add3A_49 = arith.constant 2 : i32
      %add3A_50 = vector.broadcast %add3A_49 : i32 to vector<16xi32>
      %add3A_51 = arith.addi %add3A_45, %add3A_50 : vector<16xi32>
      tpu.vector_store_idx %arg13[%add3A_51], %sub3A_39 : memref<2048xf32, #tpu.memory_space<vmem>>[vector<16xi32>], vector<16xf32>,
      %get3A_52 = arith.constant 1 : i32
      %get3A_53 = arith.index_cast %get3A_52 : i32 to index
      %get3A_54 = arith.constant 0 : index
      %get3A_55 = tpu.vector_load %arg11[%get3A_53, %get3A_54] {strides = array<i32>} : memref<8x16xi32, #tpu.memory_space<vmem>>, vector<16xi32>,
      %get3A_56 = arith.constant 1 : i32
      %get3A_57 = arith.index_cast %get3A_56 : i32 to index
      %get3A_58 = arith.constant 0 : index
      %get3A_59 = tpu.vector_load %arg12[%get3A_57, %get3A_58] {strides = array<i32>} : memref<8x16xi32, #tpu.memory_space<vmem>>, vector<16xi32>,
      %gather3A_60 = tpu.vector_load_idx %arg8[%get3A_55] : memref<10000xf32, #tpu.memory_space<vmem>>[vector<16xi32>], vector<16xf32>,
      %gather3A_61 = tpu.vector_load_idx %arg8[%get3A_59] : memref<10000xf32, #tpu.memory_space<vmem>>[vector<16xi32>], vector<16xf32>,
      %sub3A_62 = arith.subf %gather3A_60, %gather3A_61 : vector<16xf32>
      %gather3A_63 = tpu.vector_load_idx %arg9[%get3A_55] : memref<10000xf32, #tpu.memory_space<vmem>>[vector<16xi32>], vector<16xf32>,
      %gather3A_64 = tpu.vector_load_idx %arg9[%get3A_59] : memref<10000xf32, #tpu.memory_space<vmem>>[vector<16xi32>], vector<16xf32>,
      %sub3A_65 = arith.subf %gather3A_63, %gather3A_64 : vector<16xf32>
      %gather3A_66 = tpu.vector_load_idx %arg10[%get3A_55] : memref<10000xf32, #tpu.memory_space<vmem>>[vector<16xi32>], vector<16xf32>,
      %gather3A_67 = tpu.vector_load_idx %arg10[%get3A_59] : memref<10000xf32, #tpu.memory_space<vmem>>[vector<16xi32>], vector<16xf32>,
      %sub3A_68 = arith.subf %gather3A_66, %gather3A_67 : vector<16xf32>
      %mul3A_69 = arith.constant 16 : i32
      %mul3A_70 = vector.broadcast %mul3A_69 : i32 to vector<16xi32>
      %mul3A_71 = arith.muli %iota3A, %mul3A_70 : vector<16xi32>
      %add3A_72 = arith.constant 256 : i32
      %add3A_73 = vector.broadcast %add3A_72 : i32 to vector<16xi32>
      %add3A_74 = arith.addi %mul3A_71, %add3A_73 : vector<16xi32>
      tpu.vector_store_idx %arg13[%add3A_74], %sub3A_62 : memref<2048xf32, #tpu.memory_space<vmem>>[vector<16xi32>], vector<16xf32>,
      %add3A_75 = arith.constant 1 : i32
      %add3A_76 = vector.broadcast %add3A_75 : i32 to vector<16xi32>
      %add3A_77 = arith.addi %add3A_74, %add3A_76 : vector<16xi32>
      tpu.vector_store_idx %arg13[%add3A_77], %sub3A_65 : memref<2048xf32, #tpu.memory_space<vmem>>[vector<16xi32>], vector<16xf32>,
      %add3A_78 = arith.constant 2 : i32
      %add3A_79 = vector.broadcast %add3A_78 : i32 to vector<16xi32>
      %add3A_80 = arith.addi %add3A_74, %add3A_79 : vector<16xi32>
      tpu.vector_store_idx %arg13[%add3A_80], %sub3A_68 : memref<2048xf32, #tpu.memory_space<vmem>>[vector<16xi32>], vector<16xf32>,
      %get3A_81 = arith.constant 2 : i32
      %get3A_82 = arith.index_cast %get3A_81 : i32 to index
      %get3A_83 = arith.constant 0 : index
      %get3A_84 = tpu.vector_load %arg11[%get3A_82, %get3A_83] {strides = array<i32>} : memref<8x16xi32, #tpu.memory_space<vmem>>, vector<16xi32>,
      %get3A_85 = arith.constant 2 : i32
      %get3A_86 = arith.index_cast %get3A_85 : i32 to index
      %get3A_87 = arith.constant 0 : index
      %get3A_88 = tpu.vector_load %arg12[%get3A_86, %get3A_87] {strides = array<i32>} : memref<8x16xi32, #tpu.memory_space<vmem>>, vector<16xi32>,
      %gather3A_89 = tpu.vector_load_idx %arg8[%get3A_84] : memref<10000xf32, #tpu.memory_space<vmem>>[vector<16xi32>], vector<16xf32>,
      %gather3A_90 = tpu.vector_load_idx %arg8[%get3A_88] : memref<10000xf32, #tpu.memory_space<vmem>>[vector<16xi32>], vector<16xf32>,
      %sub3A_91 = arith.subf %gather3A_89, %gather3A_90 : vector<16xf32>
      %gather3A_92 = tpu.vector_load_idx %arg9[%get3A_84] : memref<10000xf32, #tpu.memory_space<vmem>>[vector<16xi32>], vector<16xf32>,
      %gather3A_93 = tpu.vector_load_idx %arg9[%get3A_88] : memref<10000xf32, #tpu.memory_space<vmem>>[vector<16xi32>], vector<16xf32>,
      %sub3A_94 = arith.subf %gather3A_92, %gather3A_93 : vector<16xf32>
      %gather3A_95 = tpu.vector_load_idx %arg10[%get3A_84] : memref<10000xf32, #tpu.memory_space<vmem>>[vector<16xi32>], vector<16xf32>,
      %gather3A_96 = tpu.vector_load_idx %arg10[%get3A_88] : memref<10000xf32, #tpu.memory_space<vmem>>[vector<16xi32>], vector<16xf32>,
      %sub3A_97 = arith.subf %gather3A_95, %gather3A_96 : vector<16xf32>
      %mul3A_98 = arith.constant 16 : i32
      %mul3A_99 = vector.broadcast %mul3A_98 : i32 to vector<16xi32>
      %mul3A_100 = arith.muli %iota3A, %mul3A_99 : vector<16xi32>
      %add3A_101 = arith.constant 512 : i32
      %add3A_102 = vector.broadcast %add3A_101 : i32 to vector<16xi32>
      %add3A_103 = arith.addi %mul3A_100, %add3A_102 : vector<16xi32>
      tpu.vector_store_idx %arg13[%add3A_103], %sub3A_91 : memref<2048xf32, #tpu.memory_space<vmem>>[vector<16xi32>], vector<16xf32>,
      %add3A_104 = arith.constant 1 : i32
      %add3A_105 = vector.broadcast %add3A_104 : i32 to vector<16xi32>
      %add3A_106 = arith.addi %add3A_103, %add3A_105 : vector<16xi32>
      tpu.vector_store_idx %arg13[%add3A_106], %sub3A_94 : memref<2048xf32, #tpu.memory_space<vmem>>[vector<16xi32>], vector<16xf32>,
      %add3A_107 = arith.constant 2 : i32
      %add3A_108 = vector.broadcast %add3A_107 : i32 to vector<16xi32>
      %add3A_109 = arith.addi %add3A_103, %add3A_108 : vector<16xi32>
      tpu.vector_store_idx %arg13[%add3A_109], %sub3A_97 : memref<2048xf32, #tpu.memory_space<vmem>>[vector<16xi32>], vector<16xf32>,
      %get3A_110 = arith.constant 3 : i32
      %get3A_111 = arith.index_cast %get3A_110 : i32 to index
      %get3A_112 = arith.constant 0 : index
      %get3A_113 = tpu.vector_load %arg11[%get3A_111, %get3A_112] {strides = array<i32>} : memref<8x16xi32, #tpu.memory_space<vmem>>, vector<16xi32>,
      %get3A_114 = arith.constant 3 : i32
      %get3A_115 = arith.index_cast %get3A_114 : i32 to index
      %get3A_116 = arith.constant 0 : index
      %get3A_117 = tpu.vector_load %arg12[%get3A_115, %get3A_116] {strides = array<i32>} : memref<8x16xi32, #tpu.memory_space<vmem>>, vector<16xi32>,
      %gather3A_118 = tpu.vector_load_idx %arg8[%get3A_113] : memref<10000xf32, #tpu.memory_space<vmem>>[vector<16xi32>], vector<16xf32>,
      %gather3A_119 = tpu.vector_load_idx %arg8[%get3A_117] : memref<10000xf32, #tpu.memory_space<vmem>>[vector<16xi32>], vector<16xf32>,
      %sub3A_120 = arith.subf %gather3A_118, %gather3A_119 : vector<16xf32>
      %gather3A_121 = tpu.vector_load_idx %arg9[%get3A_113] : memref<10000xf32, #tpu.memory_space<vmem>>[vector<16xi32>], vector<16xf32>,
      %gather3A_122 = tpu.vector_load_idx %arg9[%get3A_117] : memref<10000xf32, #tpu.memory_space<vmem>>[vector<16xi32>], vector<16xf32>,
      %sub3A_123 = arith.subf %gather3A_121, %gather3A_122 : vector<16xf32>
      %gather3A_124 = tpu.vector_load_idx %arg10[%get3A_113] : memref<10000xf32, #tpu.memory_space<vmem>>[vector<16xi32>], vector<16xf32>,
      %gather3A_125 = tpu.vector_load_idx %arg10[%get3A_117] : memref<10000xf32, #tpu.memory_space<vmem>>[vector<16xi32>], vector<16xf32>,
      %sub3A_126 = arith.subf %gather3A_124, %gather3A_125 : vector<16xf32>
      %mul3A_127 = arith.constant 16 : i32
      %mul3A_128 = vector.broadcast %mul3A_127 : i32 to vector<16xi32>
      %mul3A_129 = arith.muli %iota3A, %mul3A_128 : vector<16xi32>
      %add3A_130 = arith.constant 768 : i32
      %add3A_131 = vector.broadcast %add3A_130 : i32 to vector<16xi32>
      %add3A_132 = arith.addi %mul3A_129, %add3A_131 : vector<16xi32>
      tpu.vector_store_idx %arg13[%add3A_132], %sub3A_120 : memref<2048xf32, #tpu.memory_space<vmem>>[vector<16xi32>], vector<16xf32>,
      %add3A_133 = arith.constant 1 : i32
      %add3A_134 = vector.broadcast %add3A_133 : i32 to vector<16xi32>
      %add3A_135 = arith.addi %add3A_132, %add3A_134 : vector<16xi32>
      tpu.vector_store_idx %arg13[%add3A_135], %sub3A_123 : memref<2048xf32, #tpu.memory_space<vmem>>[vector<16xi32>], vector<16xf32>,
      %add3A_136 = arith.constant 2 : i32
      %add3A_137 = vector.broadcast %add3A_136 : i32 to vector<16xi32>
      %add3A_138 = arith.addi %add3A_132, %add3A_137 : vector<16xi32>
      tpu.vector_store_idx %arg13[%add3A_138], %sub3A_126 : memref<2048xf32, #tpu.memory_space<vmem>>[vector<16xi32>], vector<16xf32>,
      %get3A_139 = arith.constant 4 : i32
      %get3A_140 = arith.index_cast %get3A_139 : i32 to index
      %get3A_141 = arith.constant 0 : index
      %get3A_142 = tpu.vector_load %arg11[%get3A_140, %get3A_141] {strides = array<i32>} : memref<8x16xi32, #tpu.memory_space<vmem>>, vector<16xi32>,
      %get3A_143 = arith.constant 4 : i32
      %get3A_144 = arith.index_cast %get3A_143 : i32 to index
      %get3A_145 = arith.constant 0 : index
      %get3A_146 = tpu.vector_load %arg12[%get3A_144, %get3A_145] {strides = array<i32>} : memref<8x16xi32, #tpu.memory_space<vmem>>, vector<16xi32>,
      %gather3A_147 = tpu.vector_load_idx %arg8[%get3A_142] : memref<10000xf32, #tpu.memory_space<vmem>>[vector<16xi32>], vector<16xf32>,
      %gather3A_148 = tpu.vector_load_idx %arg8[%get3A_146] : memref<10000xf32, #tpu.memory_space<vmem>>[vector<16xi32>], vector<16xf32>,
      %sub3A_149 = arith.subf %gather3A_147, %gather3A_148 : vector<16xf32>
      %gather3A_150 = tpu.vector_load_idx %arg9[%get3A_142] : memref<10000xf32, #tpu.memory_space<vmem>>[vector<16xi32>], vector<16xf32>,
      %gather3A_151 = tpu.vector_load_idx %arg9[%get3A_146] : memref<10000xf32, #tpu.memory_space<vmem>>[vector<16xi32>], vector<16xf32>,
      %sub3A_152 = arith.subf %gather3A_150, %gather3A_151 : vector<16xf32>
      %gather3A_153 = tpu.vector_load_idx %arg10[%get3A_142] : memref<10000xf32, #tpu.memory_space<vmem>>[vector<16xi32>], vector<16xf32>,
      %gather3A_154 = tpu.vector_load_idx %arg10[%get3A_146] : memref<10000xf32, #tpu.memory_space<vmem>>[vector<16xi32>], vector<16xf32>,
      %sub3A_155 = arith.subf %gather3A_153, %gather3A_154 : vector<16xf32>
      %mul3A_156 = arith.constant 16 : i32
      %mul3A_157 = vector.broadcast %mul3A_156 : i32 to vector<16xi32>
      %mul3A_158 = arith.muli %iota3A, %mul3A_157 : vector<16xi32>
      %add3A_159 = arith.constant 1024 : i32
      %add3A_160 = vector.broadcast %add3A_159 : i32 to vector<16xi32>
      %add3A_161 = arith.addi %mul3A_158, %add3A_160 : vector<16xi32>
      tpu.vector_store_idx %arg13[%add3A_161], %sub3A_149 : memref<2048xf32, #tpu.memory_space<vmem>>[vector<16xi32>], vector<16xf32>,
      %add3A_162 = arith.constant 1 : i32
      %add3A_163 = vector.broadcast %add3A_162 : i32 to vector<16xi32>
      %add3A_164 = arith.addi %add3A_161, %add3A_163 : vector<16xi32>
      tpu.vector_store_idx %arg13[%add3A_164], %sub3A_152 : memref<2048xf32, #tpu.memory_space<vmem>>[vector<16xi32>], vector<16xf32>,
      %add3A_165 = arith.constant 2 : i32
      %add3A_166 = vector.broadcast %add3A_165 : i32 to vector<16xi32>
      %add3A_167 = arith.addi %add3A_161, %add3A_166 : vector<16xi32>
      tpu.vector_store_idx %arg13[%add3A_167], %sub3A_155 : memref<2048xf32, #tpu.memory_space<vmem>>[vector<16xi32>], vector<16xf32>,
      %get3A_168 = arith.constant 5 : i32
      %get3A_169 = arith.index_cast %get3A_168 : i32 to index
      %get3A_170 = arith.constant 0 : index
      %get3A_171 = tpu.vector_load %arg11[%get3A_169, %get3A_170] {strides = array<i32>} : memref<8x16xi32, #tpu.memory_space<vmem>>, vector<16xi32>,
      %get3A_172 = arith.constant 5 : i32
      %get3A_173 = arith.index_cast %get3A_172 : i32 to index
      %get3A_174 = arith.constant 0 : index
      %get3A_175 = tpu.vector_load %arg12[%get3A_173, %get3A_174] {strides = array<i32>} : memref<8x16xi32, #tpu.memory_space<vmem>>, vector<16xi32>,
      %gather3A_176 = tpu.vector_load_idx %arg8[%get3A_171] : memref<10000xf32, #tpu.memory_space<vmem>>[vector<16xi32>], vector<16xf32>,
      %gather3A_177 = tpu.vector_load_idx %arg8[%get3A_175] : memref<10000xf32, #tpu.memory_space<vmem>>[vector<16xi32>], vector<16xf32>,
      %sub3A_178 = arith.subf %gather3A_176, %gather3A_177 : vector<16xf32>
      %gather3A_179 = tpu.vector_load_idx %arg9[%get3A_171] : memref<10000xf32, #tpu.memory_space<vmem>>[vector<16xi32>], vector<16xf32>,
      %gather3A_180 = tpu.vector_load_idx %arg9[%get3A_175] : memref<10000xf32, #tpu.memory_space<vmem>>[vector<16xi32>], vector<16xf32>,
      %sub3A_181 = arith.subf %gather3A_179, %gather3A_180 : vector<16xf32>
      %gather3A_182 = tpu.vector_load_idx %arg10[%get3A_171] : memref<10000xf32, #tpu.memory_space<vmem>>[vector<16xi32>], vector<16xf32>,
      %gather3A_183 = tpu.vector_load_idx %arg10[%get3A_175] : memref<10000xf32, #tpu.memory_space<vmem>>[vector<16xi32>], vector<16xf32>,
      %sub3A_184 = arith.subf %gather3A_182, %gather3A_183 : vector<16xf32>
      %mul3A_185 = arith.constant 16 : i32
      %mul3A_186 = vector.broadcast %mul3A_185 : i32 to vector<16xi32>
      %mul3A_187 = arith.muli %iota3A, %mul3A_186 : vector<16xi32>
      %add3A_188 = arith.constant 1280 : i32
      %add3A_189 = vector.broadcast %add3A_188 : i32 to vector<16xi32>
      %add3A_190 = arith.addi %mul3A_187, %add3A_189 : vector<16xi32>
      tpu.vector_store_idx %arg13[%add3A_190], %sub3A_178 : memref<2048xf32, #tpu.memory_space<vmem>>[vector<16xi32>], vector<16xf32>,
      %add3A_191 = arith.constant 1 : i32
      %add3A_192 = vector.broadcast %add3A_191 : i32 to vector<16xi32>
      %add3A_193 = arith.addi %add3A_190, %add3A_192 : vector<16xi32>
      tpu.vector_store_idx %arg13[%add3A_193], %sub3A_181 : memref<2048xf32, #tpu.memory_space<vmem>>[vector<16xi32>], vector<16xf32>,
      %add3A_194 = arith.constant 2 : i32
      %add3A_195 = vector.broadcast %add3A_194 : i32 to vector<16xi32>
      %add3A_196 = arith.addi %add3A_190, %add3A_195 : vector<16xi32>
      tpu.vector_store_idx %arg13[%add3A_196], %sub3A_184 : memref<2048xf32, #tpu.memory_space<vmem>>[vector<16xi32>], vector<16xf32>,
      %get3A_197 = arith.constant 6 : i32
      %get3A_198 = arith.index_cast %get3A_197 : i32 to index
      %get3A_199 = arith.constant 0 : index
      %get3A_200 = tpu.vector_load %arg11[%get3A_198, %get3A_199] {strides = array<i32>} : memref<8x16xi32, #tpu.memory_space<vmem>>, vector<16xi32>,
      %get3A_201 = arith.constant 6 : i32
      %get3A_202 = arith.index_cast %get3A_201 : i32 to index
      %get3A_203 = arith.constant 0 : index
      %get3A_204 = tpu.vector_load %arg12[%get3A_202, %get3A_203] {strides = array<i32>} : memref<8x16xi32, #tpu.memory_space<vmem>>, vector<16xi32>,
      %gather3A_205 = tpu.vector_load_idx %arg8[%get3A_200] : memref<10000xf32, #tpu.memory_space<vmem>>[vector<16xi32>], vector<16xf32>,
      %gather3A_206 = tpu.vector_load_idx %arg8[%get3A_204] : memref<10000xf32, #tpu.memory_space<vmem>>[vector<16xi32>], vector<16xf32>,
      %sub3A_207 = arith.subf %gather3A_205, %gather3A_206 : vector<16xf32>
      %gather3A_208 = tpu.vector_load_idx %arg9[%get3A_200] : memref<10000xf32, #tpu.memory_space<vmem>>[vector<16xi32>], vector<16xf32>,
      %gather3A_209 = tpu.vector_load_idx %arg9[%get3A_204] : memref<10000xf32, #tpu.memory_space<vmem>>[vector<16xi32>], vector<16xf32>,
      %sub3A_210 = arith.subf %gather3A_208, %gather3A_209 : vector<16xf32>
      %gather3A_211 = tpu.vector_load_idx %arg10[%get3A_200] : memref<10000xf32, #tpu.memory_space<vmem>>[vector<16xi32>], vector<16xf32>,
      %gather3A_212 = tpu.vector_load_idx %arg10[%get3A_204] : memref<10000xf32, #tpu.memory_space<vmem>>[vector<16xi32>], vector<16xf32>,
      %sub3A_213 = arith.subf %gather3A_211, %gather3A_212 : vector<16xf32>
      %mul3A_214 = arith.constant 16 : i32
      %mul3A_215 = vector.broadcast %mul3A_214 : i32 to vector<16xi32>
      %mul3A_216 = arith.muli %iota3A, %mul3A_215 : vector<16xi32>
      %add3A_217 = arith.constant 1536 : i32
      %add3A_218 = vector.broadcast %add3A_217 : i32 to vector<16xi32>
      %add3A_219 = arith.addi %mul3A_216, %add3A_218 : vector<16xi32>
      tpu.vector_store_idx %arg13[%add3A_219], %sub3A_207 : memref<2048xf32, #tpu.memory_space<vmem>>[vector<16xi32>], vector<16xf32>,
      %add3A_220 = arith.constant 1 : i32
      %add3A_221 = vector.broadcast %add3A_220 : i32 to vector<16xi32>
      %add3A_222 = arith.addi %add3A_219, %add3A_221 : vector<16xi32>
      tpu.vector_store_idx %arg13[%add3A_222], %sub3A_210 : memref<2048xf32, #tpu.memory_space<vmem>>[vector<16xi32>], vector<16xf32>,
      %add3A_223 = arith.constant 2 : i32
      %add3A_224 = vector.broadcast %add3A_223 : i32 to vector<16xi32>
      %add3A_225 = arith.addi %add3A_219, %add3A_224 : vector<16xi32>
      tpu.vector_store_idx %arg13[%add3A_225], %sub3A_213 : memref<2048xf32, #tpu.memory_space<vmem>>[vector<16xi32>], vector<16xf32>,
      %get3A_226 = arith.constant 7 : i32
      %get3A_227 = arith.index_cast %get3A_226 : i32 to index
      %get3A_228 = arith.constant 0 : index
      %get3A_229 = tpu.vector_load %arg11[%get3A_227, %get3A_228] {strides = array<i32>} : memref<8x16xi32, #tpu.memory_space<vmem>>, vector<16xi32>,
      %get3A_230 = arith.constant 7 : i32
      %get3A_231 = arith.index_cast %get3A_230 : i32 to index
      %get3A_232 = arith.constant 0 : index
      %get3A_233 = tpu.vector_load %arg12[%get3A_231, %get3A_232] {strides = array<i32>} : memref<8x16xi32, #tpu.memory_space<vmem>>, vector<16xi32>,
      %gather3A_234 = tpu.vector_load_idx %arg8[%get3A_229] : memref<10000xf32, #tpu.memory_space<vmem>>[vector<16xi32>], vector<16xf32>,
      %gather3A_235 = tpu.vector_load_idx %arg8[%get3A_233] : memref<10000xf32, #tpu.memory_space<vmem>>[vector<16xi32>], vector<16xf32>,
      %sub3A_236 = arith.subf %gather3A_234, %gather3A_235 : vector<16xf32>
      %gather3A_237 = tpu.vector_load_idx %arg9[%get3A_229] : memref<10000xf32, #tpu.memory_space<vmem>>[vector<16xi32>], vector<16xf32>,
      %gather3A_238 = tpu.vector_load_idx %arg9[%get3A_233] : memref<10000xf32, #tpu.memory_space<vmem>>[vector<16xi32>], vector<16xf32>,
      %sub3A_239 = arith.subf %gather3A_237, %gather3A_238 : vector<16xf32>
      %gather3A_240 = tpu.vector_load_idx %arg10[%get3A_229] : memref<10000xf32, #tpu.memory_space<vmem>>[vector<16xi32>], vector<16xf32>,
      %gather3A_241 = tpu.vector_load_idx %arg10[%get3A_233] : memref<10000xf32, #tpu.memory_space<vmem>>[vector<16xi32>], vector<16xf32>,
      %sub3A_242 = arith.subf %gather3A_240, %gather3A_241 : vector<16xf32>
      %mul3A_243 = arith.constant 16 : i32
      %mul3A_244 = vector.broadcast %mul3A_243 : i32 to vector<16xi32>
      %mul3A_245 = arith.muli %iota3A, %mul3A_244 : vector<16xi32>
      %add3A_246 = arith.constant 1792 : i32
      %add3A_247 = vector.broadcast %add3A_246 : i32 to vector<16xi32>
      %add3A_248 = arith.addi %mul3A_245, %add3A_247 : vector<16xi32>
      tpu.vector_store_idx %arg13[%add3A_248], %sub3A_236 : memref<2048xf32, #tpu.memory_space<vmem>>[vector<16xi32>], vector<16xf32>,
      %add3A_249 = arith.constant 1 : i32
      %add3A_250 = vector.broadcast %add3A_249 : i32 to vector<16xi32>
      %add3A_251 = arith.addi %add3A_248, %add3A_250 : vector<16xi32>
      tpu.vector_store_idx %arg13[%add3A_251], %sub3A_239 : memref<2048xf32, #tpu.memory_space<vmem>>[vector<16xi32>], vector<16xf32>,
      %add3A_252 = arith.constant 2 : i32
      %add3A_253 = vector.broadcast %add3A_252 : i32 to vector<16xi32>
      %add3A_254 = arith.addi %add3A_248, %add3A_253 : vector<16xi32>
      tpu.vector_store_idx %arg13[%add3A_254], %sub3A_242 : memref<2048xf32, #tpu.memory_space<vmem>>[vector<16xi32>], vector<16xf32>,
      %mul3A_255 = arith.constant 2048 : i32
      %mul3A_256 = arith.muli %add3A_23, %mul3A_255 : i32
      "tpu.region"() ({
        %run_scoped3A = tpu.sem_alloc : memref<!tpu.dma_semaphore, #tpu.memory_space<semaphore_mem>>
        %dma_start3A = tpu.memref_slice %arg7[%mul3A_256] : memref<5120000xf32, #tpu.memory_space<hbm>> -> memref<2048xf32, #tpu.memory_space<hbm>>
        %dma_start3A_257 = tpu.memref_slice %arg7[%mul3A_256] : memref<5120000xf32, #tpu.memory_space<hbm>> -> memref<2048xf32, #tpu.memory_space<hbm>>
        tpu.enqueue_dma source(%arg13 : memref<2048xf32, #tpu.memory_space<vmem>>) target(%dma_start3A_257 : memref<2048xf32, #tpu.memory_space<hbm>>) target_semaphore(%run_scoped3A : memref<!tpu.dma_semaphore, #tpu.memory_space<semaphore_mem>>)
        %dma_wait3A = tpu.memref_slice %arg7[%mul3A_256] : memref<5120000xf32, #tpu.memory_space<hbm>> -> memref<2048xf32, #tpu.memory_space<hbm>>
        %dma_wait3A_258 = tpu.memref_slice %arg7[%mul3A_256] : memref<5120000xf32, #tpu.memory_space<hbm>> -> memref<2048xf32, #tpu.memory_space<hbm>>
        tpu.wait_dma2 semaphore(%run_scoped3A : memref<!tpu.dma_semaphore, #tpu.memory_space<semaphore_mem>>) src(%arg13 : memref<2048xf32, #tpu.memory_space<vmem>>) dst(%dma_wait3A_258 : memref<2048xf32, #tpu.memory_space<hbm>>)
        tpu.yield
      }) : () -> ()
    }
    %while3A_19 = arith.constant 1 : i32
    scf.for %while3A_20 = %while3A_17 to %while3A_13 step %while3A_19  : i32 {
      %mul3A_21 = arith.constant 32 : i32
      %mul3A_22 = arith.muli %while3A_20, %mul3A_21 : i32
      %add3A_23 = arith.addi %add3A, %mul3A_22 : i32
      %mul3A_24 = arith.constant 8 : i32
      %mul3A_25 = arith.muli %add3A_23, %mul3A_24 : i32
      "tpu.region"() ({
        %run_scoped3A = tpu.sem_alloc : memref<!tpu.dma_semaphore, #tpu.memory_space<semaphore_mem>>
        %dma_start3A = arith.constant 0 : i32
        %dma_start3A_257 = tpu.memref_slice %arg5[%mul3A_25, %dma_start3A] : memref<20000x16xi32, #tpu.memory_space<hbm>> -> memref<8x16xi32, #tpu.memory_space<hbm>>
        %dma_start3A_258 = arith.constant 0 : i32
        %dma_start3A_259 = tpu.memref_slice %arg5[%mul3A_25, %dma_start3A_258] : memref<20000x16xi32, #tpu.memory_space<hbm>> -> memref<8x16xi32, #tpu.memory_space<hbm>>
        tpu.enqueue_dma source(%dma_start3A_259 : memref<8x16xi32, #tpu.memory_space<hbm>>) target(%arg11 : memref<8x16xi32, #tpu.memory_space<vmem>>) target_semaphore(%run_scoped3A : memref<!tpu.dma_semaphore, #tpu.memory_space<semaphore_mem>>)
        %dma_wait3A = arith.constant 0 : i32
        %dma_wait3A_260 = tpu.memref_slice %arg5[%mul3A_25, %dma_wait3A] : memref<20000x16xi32, #tpu.memory_space<hbm>> -> memref<8x16xi32, #tpu.memory_space<hbm>>
        %dma_wait3A_261 = arith.constant 0 : i32
        %dma_wait3A_262 = tpu.memref_slice %arg5[%mul3A_25, %dma_wait3A_261] : memref<20000x16xi32, #tpu.memory_space<hbm>> -> memref<8x16xi32, #tpu.memory_space<hbm>>
        tpu.wait_dma2 semaphore(%run_scoped3A : memref<!tpu.dma_semaphore, #tpu.memory_space<semaphore_mem>>) src(%dma_wait3A_262 : memref<8x16xi32, #tpu.memory_space<hbm>>) dst(%arg11 : memref<8x16xi32, #tpu.memory_space<vmem>>)
        tpu.yield
      }) : () -> ()
      "tpu.region"() ({
        %run_scoped3A = tpu.sem_alloc : memref<!tpu.dma_semaphore, #tpu.memory_space<semaphore_mem>>
        %dma_start3A = arith.constant 0 : i32
        %dma_start3A_257 = tpu.memref_slice %arg6[%mul3A_25, %dma_start3A] : memref<20000x16xi32, #tpu.memory_space<hbm>> -> memref<8x16xi32, #tpu.memory_space<hbm>>
        %dma_start3A_258 = arith.constant 0 : i32
        %dma_start3A_259 = tpu.memref_slice %arg6[%mul3A_25, %dma_start3A_258] : memref<20000x16xi32, #tpu.memory_space<hbm>> -> memref<8x16xi32, #tpu.memory_space<hbm>>
        tpu.enqueue_dma source(%dma_start3A_259 : memref<8x16xi32, #tpu.memory_space<hbm>>) target(%arg12 : memref<8x16xi32, #tpu.memory_space<vmem>>) target_semaphore(%run_scoped3A : memref<!tpu.dma_semaphore, #tpu.memory_space<semaphore_mem>>)
        %dma_wait3A = arith.constant 0 : i32
        %dma_wait3A_260 = tpu.memref_slice %arg6[%mul3A_25, %dma_wait3A] : memref<20000x16xi32, #tpu.memory_space<hbm>> -> memref<8x16xi32, #tpu.memory_space<hbm>>
        %dma_wait3A_261 = arith.constant 0 : i32
        %dma_wait3A_262 = tpu.memref_slice %arg6[%mul3A_25, %dma_wait3A_261] : memref<20000x16xi32, #tpu.memory_space<hbm>> -> memref<8x16xi32, #tpu.memory_space<hbm>>
        tpu.wait_dma2 semaphore(%run_scoped3A : memref<!tpu.dma_semaphore, #tpu.memory_space<semaphore_mem>>) src(%dma_wait3A_262 : memref<8x16xi32, #tpu.memory_space<hbm>>) dst(%arg12 : memref<8x16xi32, #tpu.memory_space<vmem>>)
        tpu.yield
      }) : () -> ()
      %get3A = arith.constant 0 : i32
      %get3A_26 = arith.index_cast %get3A : i32 to index
      %get3A_27 = arith.constant 0 : index
      %get3A_28 = tpu.vector_load %arg11[%get3A_26, %get3A_27] {strides = array<i32>} : memref<8x16xi32, #tpu.memory_space<vmem>>, vector<16xi32>,
      %get3A_29 = arith.constant 0 : i32
      %get3A_30 = arith.index_cast %get3A_29 : i32 to index
      %get3A_31 = arith.constant 0 : index
      %get3A_32 = tpu.vector_load %arg12[%get3A_30, %get3A_31] {strides = array<i32>} : memref<8x16xi32, #tpu.memory_space<vmem>>, vector<16xi32>,
      %gather3A = tpu.vector_load_idx %arg8[%get3A_28] : memref<10000xf32, #tpu.memory_space<vmem>>[vector<16xi32>], vector<16xf32>,
      %gather3A_33 = tpu.vector_load_idx %arg8[%get3A_32] : memref<10000xf32, #tpu.memory_space<vmem>>[vector<16xi32>], vector<16xf32>,
      %sub3A = arith.subf %gather3A, %gather3A_33 : vector<16xf32>
      %gather3A_34 = tpu.vector_load_idx %arg9[%get3A_28] : memref<10000xf32, #tpu.memory_space<vmem>>[vector<16xi32>], vector<16xf32>,
      %gather3A_35 = tpu.vector_load_idx %arg9[%get3A_32] : memref<10000xf32, #tpu.memory_space<vmem>>[vector<16xi32>], vector<16xf32>,
      %sub3A_36 = arith.subf %gather3A_34, %gather3A_35 : vector<16xf32>
      %gather3A_37 = tpu.vector_load_idx %arg10[%get3A_28] : memref<10000xf32, #tpu.memory_space<vmem>>[vector<16xi32>], vector<16xf32>,
      %gather3A_38 = tpu.vector_load_idx %arg10[%get3A_32] : memref<10000xf32, #tpu.memory_space<vmem>>[vector<16xi32>], vector<16xf32>,
      %sub3A_39 = arith.subf %gather3A_37, %gather3A_38 : vector<16xf32>
      %mul3A_40 = arith.constant 16 : i32
      %mul3A_41 = vector.broadcast %mul3A_40 : i32 to vector<16xi32>
      %mul3A_42 = arith.muli %iota3A, %mul3A_41 : vector<16xi32>
      %add3A_43 = arith.constant 0 : i32
      %add3A_44 = vector.broadcast %add3A_43 : i32 to vector<16xi32>
      %add3A_45 = arith.addi %mul3A_42, %add3A_44 : vector<16xi32>
      tpu.vector_store_idx %arg13[%add3A_45], %sub3A : memref<2048xf32, #tpu.memory_space<vmem>>[vector<16xi32>], vector<16xf32>,
      %add3A_46 = arith.constant 1 : i32
      %add3A_47 = vector.broadcast %add3A_46 : i32 to vector<16xi32>
      %add3A_48 = arith.addi %add3A_45, %add3A_47 : vector<16xi32>
      tpu.vector_store_idx %arg13[%add3A_48], %sub3A_36 : memref<2048xf32, #tpu.memory_space<vmem>>[vector<16xi32>], vector<16xf32>,
      %add3A_49 = arith.constant 2 : i32
      %add3A_50 = vector.broadcast %add3A_49 : i32 to vector<16xi32>
      %add3A_51 = arith.addi %add3A_45, %add3A_50 : vector<16xi32>
      tpu.vector_store_idx %arg13[%add3A_51], %sub3A_39 : memref<2048xf32, #tpu.memory_space<vmem>>[vector<16xi32>], vector<16xf32>,
      %get3A_52 = arith.constant 1 : i32
      %get3A_53 = arith.index_cast %get3A_52 : i32 to index
      %get3A_54 = arith.constant 0 : index
      %get3A_55 = tpu.vector_load %arg11[%get3A_53, %get3A_54] {strides = array<i32>} : memref<8x16xi32, #tpu.memory_space<vmem>>, vector<16xi32>,
      %get3A_56 = arith.constant 1 : i32
      %get3A_57 = arith.index_cast %get3A_56 : i32 to index
      %get3A_58 = arith.constant 0 : index
      %get3A_59 = tpu.vector_load %arg12[%get3A_57, %get3A_58] {strides = array<i32>} : memref<8x16xi32, #tpu.memory_space<vmem>>, vector<16xi32>,
      %gather3A_60 = tpu.vector_load_idx %arg8[%get3A_55] : memref<10000xf32, #tpu.memory_space<vmem>>[vector<16xi32>], vector<16xf32>,
      %gather3A_61 = tpu.vector_load_idx %arg8[%get3A_59] : memref<10000xf32, #tpu.memory_space<vmem>>[vector<16xi32>], vector<16xf32>,
      %sub3A_62 = arith.subf %gather3A_60, %gather3A_61 : vector<16xf32>
      %gather3A_63 = tpu.vector_load_idx %arg9[%get3A_55] : memref<10000xf32, #tpu.memory_space<vmem>>[vector<16xi32>], vector<16xf32>,
      %gather3A_64 = tpu.vector_load_idx %arg9[%get3A_59] : memref<10000xf32, #tpu.memory_space<vmem>>[vector<16xi32>], vector<16xf32>,
      %sub3A_65 = arith.subf %gather3A_63, %gather3A_64 : vector<16xf32>
      %gather3A_66 = tpu.vector_load_idx %arg10[%get3A_55] : memref<10000xf32, #tpu.memory_space<vmem>>[vector<16xi32>], vector<16xf32>,
      %gather3A_67 = tpu.vector_load_idx %arg10[%get3A_59] : memref<10000xf32, #tpu.memory_space<vmem>>[vector<16xi32>], vector<16xf32>,
      %sub3A_68 = arith.subf %gather3A_66, %gather3A_67 : vector<16xf32>
      %mul3A_69 = arith.constant 16 : i32
      %mul3A_70 = vector.broadcast %mul3A_69 : i32 to vector<16xi32>
      %mul3A_71 = arith.muli %iota3A, %mul3A_70 : vector<16xi32>
      %add3A_72 = arith.constant 256 : i32
      %add3A_73 = vector.broadcast %add3A_72 : i32 to vector<16xi32>
      %add3A_74 = arith.addi %mul3A_71, %add3A_73 : vector<16xi32>
      tpu.vector_store_idx %arg13[%add3A_74], %sub3A_62 : memref<2048xf32, #tpu.memory_space<vmem>>[vector<16xi32>], vector<16xf32>,
      %add3A_75 = arith.constant 1 : i32
      %add3A_76 = vector.broadcast %add3A_75 : i32 to vector<16xi32>
      %add3A_77 = arith.addi %add3A_74, %add3A_76 : vector<16xi32>
      tpu.vector_store_idx %arg13[%add3A_77], %sub3A_65 : memref<2048xf32, #tpu.memory_space<vmem>>[vector<16xi32>], vector<16xf32>,
      %add3A_78 = arith.constant 2 : i32
      %add3A_79 = vector.broadcast %add3A_78 : i32 to vector<16xi32>
      %add3A_80 = arith.addi %add3A_74, %add3A_79 : vector<16xi32>
      tpu.vector_store_idx %arg13[%add3A_80], %sub3A_68 : memref<2048xf32, #tpu.memory_space<vmem>>[vector<16xi32>], vector<16xf32>,
      %get3A_81 = arith.constant 2 : i32
      %get3A_82 = arith.index_cast %get3A_81 : i32 to index
      %get3A_83 = arith.constant 0 : index
      %get3A_84 = tpu.vector_load %arg11[%get3A_82, %get3A_83] {strides = array<i32>} : memref<8x16xi32, #tpu.memory_space<vmem>>, vector<16xi32>,
      %get3A_85 = arith.constant 2 : i32
      %get3A_86 = arith.index_cast %get3A_85 : i32 to index
      %get3A_87 = arith.constant 0 : index
      %get3A_88 = tpu.vector_load %arg12[%get3A_86, %get3A_87] {strides = array<i32>} : memref<8x16xi32, #tpu.memory_space<vmem>>, vector<16xi32>,
      %gather3A_89 = tpu.vector_load_idx %arg8[%get3A_84] : memref<10000xf32, #tpu.memory_space<vmem>>[vector<16xi32>], vector<16xf32>,
      %gather3A_90 = tpu.vector_load_idx %arg8[%get3A_88] : memref<10000xf32, #tpu.memory_space<vmem>>[vector<16xi32>], vector<16xf32>,
      %sub3A_91 = arith.subf %gather3A_89, %gather3A_90 : vector<16xf32>
      %gather3A_92 = tpu.vector_load_idx %arg9[%get3A_84] : memref<10000xf32, #tpu.memory_space<vmem>>[vector<16xi32>], vector<16xf32>,
      %gather3A_93 = tpu.vector_load_idx %arg9[%get3A_88] : memref<10000xf32, #tpu.memory_space<vmem>>[vector<16xi32>], vector<16xf32>,
      %sub3A_94 = arith.subf %gather3A_92, %gather3A_93 : vector<16xf32>
      %gather3A_95 = tpu.vector_load_idx %arg10[%get3A_84] : memref<10000xf32, #tpu.memory_space<vmem>>[vector<16xi32>], vector<16xf32>,
      %gather3A_96 = tpu.vector_load_idx %arg10[%get3A_88] : memref<10000xf32, #tpu.memory_space<vmem>>[vector<16xi32>], vector<16xf32>,
      %sub3A_97 = arith.subf %gather3A_95, %gather3A_96 : vector<16xf32>
      %mul3A_98 = arith.constant 16 : i32
      %mul3A_99 = vector.broadcast %mul3A_98 : i32 to vector<16xi32>
      %mul3A_100 = arith.muli %iota3A, %mul3A_99 : vector<16xi32>
      %add3A_101 = arith.constant 512 : i32
      %add3A_102 = vector.broadcast %add3A_101 : i32 to vector<16xi32>
      %add3A_103 = arith.addi %mul3A_100, %add3A_102 : vector<16xi32>
      tpu.vector_store_idx %arg13[%add3A_103], %sub3A_91 : memref<2048xf32, #tpu.memory_space<vmem>>[vector<16xi32>], vector<16xf32>,
      %add3A_104 = arith.constant 1 : i32
      %add3A_105 = vector.broadcast %add3A_104 : i32 to vector<16xi32>
      %add3A_106 = arith.addi %add3A_103, %add3A_105 : vector<16xi32>
      tpu.vector_store_idx %arg13[%add3A_106], %sub3A_94 : memref<2048xf32, #tpu.memory_space<vmem>>[vector<16xi32>], vector<16xf32>,
      %add3A_107 = arith.constant 2 : i32
      %add3A_108 = vector.broadcast %add3A_107 : i32 to vector<16xi32>
      %add3A_109 = arith.addi %add3A_103, %add3A_108 : vector<16xi32>
      tpu.vector_store_idx %arg13[%add3A_109], %sub3A_97 : memref<2048xf32, #tpu.memory_space<vmem>>[vector<16xi32>], vector<16xf32>,
      %get3A_110 = arith.constant 3 : i32
      %get3A_111 = arith.index_cast %get3A_110 : i32 to index
      %get3A_112 = arith.constant 0 : index
      %get3A_113 = tpu.vector_load %arg11[%get3A_111, %get3A_112] {strides = array<i32>} : memref<8x16xi32, #tpu.memory_space<vmem>>, vector<16xi32>,
      %get3A_114 = arith.constant 3 : i32
      %get3A_115 = arith.index_cast %get3A_114 : i32 to index
      %get3A_116 = arith.constant 0 : index
      %get3A_117 = tpu.vector_load %arg12[%get3A_115, %get3A_116] {strides = array<i32>} : memref<8x16xi32, #tpu.memory_space<vmem>>, vector<16xi32>,
      %gather3A_118 = tpu.vector_load_idx %arg8[%get3A_113] : memref<10000xf32, #tpu.memory_space<vmem>>[vector<16xi32>], vector<16xf32>,
      %gather3A_119 = tpu.vector_load_idx %arg8[%get3A_117] : memref<10000xf32, #tpu.memory_space<vmem>>[vector<16xi32>], vector<16xf32>,
      %sub3A_120 = arith.subf %gather3A_118, %gather3A_119 : vector<16xf32>
      %gather3A_121 = tpu.vector_load_idx %arg9[%get3A_113] : memref<10000xf32, #tpu.memory_space<vmem>>[vector<16xi32>], vector<16xf32>,
      %gather3A_122 = tpu.vector_load_idx %arg9[%get3A_117] : memref<10000xf32, #tpu.memory_space<vmem>>[vector<16xi32>], vector<16xf32>,
      %sub3A_123 = arith.subf %gather3A_121, %gather3A_122 : vector<16xf32>
      %gather3A_124 = tpu.vector_load_idx %arg10[%get3A_113] : memref<10000xf32, #tpu.memory_space<vmem>>[vector<16xi32>], vector<16xf32>,
      %gather3A_125 = tpu.vector_load_idx %arg10[%get3A_117] : memref<10000xf32, #tpu.memory_space<vmem>>[vector<16xi32>], vector<16xf32>,
      %sub3A_126 = arith.subf %gather3A_124, %gather3A_125 : vector<16xf32>
      %mul3A_127 = arith.constant 16 : i32
      %mul3A_128 = vector.broadcast %mul3A_127 : i32 to vector<16xi32>
      %mul3A_129 = arith.muli %iota3A, %mul3A_128 : vector<16xi32>
      %add3A_130 = arith.constant 768 : i32
      %add3A_131 = vector.broadcast %add3A_130 : i32 to vector<16xi32>
      %add3A_132 = arith.addi %mul3A_129, %add3A_131 : vector<16xi32>
      tpu.vector_store_idx %arg13[%add3A_132], %sub3A_120 : memref<2048xf32, #tpu.memory_space<vmem>>[vector<16xi32>], vector<16xf32>,
      %add3A_133 = arith.constant 1 : i32
      %add3A_134 = vector.broadcast %add3A_133 : i32 to vector<16xi32>
      %add3A_135 = arith.addi %add3A_132, %add3A_134 : vector<16xi32>
      tpu.vector_store_idx %arg13[%add3A_135], %sub3A_123 : memref<2048xf32, #tpu.memory_space<vmem>>[vector<16xi32>], vector<16xf32>,
      %add3A_136 = arith.constant 2 : i32
      %add3A_137 = vector.broadcast %add3A_136 : i32 to vector<16xi32>
      %add3A_138 = arith.addi %add3A_132, %add3A_137 : vector<16xi32>
      tpu.vector_store_idx %arg13[%add3A_138], %sub3A_126 : memref<2048xf32, #tpu.memory_space<vmem>>[vector<16xi32>], vector<16xf32>,
      %get3A_139 = arith.constant 4 : i32
      %get3A_140 = arith.index_cast %get3A_139 : i32 to index
      %get3A_141 = arith.constant 0 : index
      %get3A_142 = tpu.vector_load %arg11[%get3A_140, %get3A_141] {strides = array<i32>} : memref<8x16xi32, #tpu.memory_space<vmem>>, vector<16xi32>,
      %get3A_143 = arith.constant 4 : i32
      %get3A_144 = arith.index_cast %get3A_143 : i32 to index
      %get3A_145 = arith.constant 0 : index
      %get3A_146 = tpu.vector_load %arg12[%get3A_144, %get3A_145] {strides = array<i32>} : memref<8x16xi32, #tpu.memory_space<vmem>>, vector<16xi32>,
      %gather3A_147 = tpu.vector_load_idx %arg8[%get3A_142] : memref<10000xf32, #tpu.memory_space<vmem>>[vector<16xi32>], vector<16xf32>,
      %gather3A_148 = tpu.vector_load_idx %arg8[%get3A_146] : memref<10000xf32, #tpu.memory_space<vmem>>[vector<16xi32>], vector<16xf32>,
      %sub3A_149 = arith.subf %gather3A_147, %gather3A_148 : vector<16xf32>
      %gather3A_150 = tpu.vector_load_idx %arg9[%get3A_142] : memref<10000xf32, #tpu.memory_space<vmem>>[vector<16xi32>], vector<16xf32>,
      %gather3A_151 = tpu.vector_load_idx %arg9[%get3A_146] : memref<10000xf32, #tpu.memory_space<vmem>>[vector<16xi32>], vector<16xf32>,
      %sub3A_152 = arith.subf %gather3A_150, %gather3A_151 : vector<16xf32>
      %gather3A_153 = tpu.vector_load_idx %arg10[%get3A_142] : memref<10000xf32, #tpu.memory_space<vmem>>[vector<16xi32>], vector<16xf32>,
      %gather3A_154 = tpu.vector_load_idx %arg10[%get3A_146] : memref<10000xf32, #tpu.memory_space<vmem>>[vector<16xi32>], vector<16xf32>,
      %sub3A_155 = arith.subf %gather3A_153, %gather3A_154 : vector<16xf32>
      %mul3A_156 = arith.constant 16 : i32
      %mul3A_157 = vector.broadcast %mul3A_156 : i32 to vector<16xi32>
      %mul3A_158 = arith.muli %iota3A, %mul3A_157 : vector<16xi32>
      %add3A_159 = arith.constant 1024 : i32
      %add3A_160 = vector.broadcast %add3A_159 : i32 to vector<16xi32>
      %add3A_161 = arith.addi %mul3A_158, %add3A_160 : vector<16xi32>
      tpu.vector_store_idx %arg13[%add3A_161], %sub3A_149 : memref<2048xf32, #tpu.memory_space<vmem>>[vector<16xi32>], vector<16xf32>,
      %add3A_162 = arith.constant 1 : i32
      %add3A_163 = vector.broadcast %add3A_162 : i32 to vector<16xi32>
      %add3A_164 = arith.addi %add3A_161, %add3A_163 : vector<16xi32>
      tpu.vector_store_idx %arg13[%add3A_164], %sub3A_152 : memref<2048xf32, #tpu.memory_space<vmem>>[vector<16xi32>], vector<16xf32>,
      %add3A_165 = arith.constant 2 : i32
      %add3A_166 = vector.broadcast %add3A_165 : i32 to vector<16xi32>
      %add3A_167 = arith.addi %add3A_161, %add3A_166 : vector<16xi32>
      tpu.vector_store_idx %arg13[%add3A_167], %sub3A_155 : memref<2048xf32, #tpu.memory_space<vmem>>[vector<16xi32>], vector<16xf32>,
      %get3A_168 = arith.constant 5 : i32
      %get3A_169 = arith.index_cast %get3A_168 : i32 to index
      %get3A_170 = arith.constant 0 : index
      %get3A_171 = tpu.vector_load %arg11[%get3A_169, %get3A_170] {strides = array<i32>} : memref<8x16xi32, #tpu.memory_space<vmem>>, vector<16xi32>,
      %get3A_172 = arith.constant 5 : i32
      %get3A_173 = arith.index_cast %get3A_172 : i32 to index
      %get3A_174 = arith.constant 0 : index
      %get3A_175 = tpu.vector_load %arg12[%get3A_173, %get3A_174] {strides = array<i32>} : memref<8x16xi32, #tpu.memory_space<vmem>>, vector<16xi32>,
      %gather3A_176 = tpu.vector_load_idx %arg8[%get3A_171] : memref<10000xf32, #tpu.memory_space<vmem>>[vector<16xi32>], vector<16xf32>,
      %gather3A_177 = tpu.vector_load_idx %arg8[%get3A_175] : memref<10000xf32, #tpu.memory_space<vmem>>[vector<16xi32>], vector<16xf32>,
      %sub3A_178 = arith.subf %gather3A_176, %gather3A_177 : vector<16xf32>
      %gather3A_179 = tpu.vector_load_idx %arg9[%get3A_171] : memref<10000xf32, #tpu.memory_space<vmem>>[vector<16xi32>], vector<16xf32>,
      %gather3A_180 = tpu.vector_load_idx %arg9[%get3A_175] : memref<10000xf32, #tpu.memory_space<vmem>>[vector<16xi32>], vector<16xf32>,
      %sub3A_181 = arith.subf %gather3A_179, %gather3A_180 : vector<16xf32>
      %gather3A_182 = tpu.vector_load_idx %arg10[%get3A_171] : memref<10000xf32, #tpu.memory_space<vmem>>[vector<16xi32>], vector<16xf32>,
      %gather3A_183 = tpu.vector_load_idx %arg10[%get3A_175] : memref<10000xf32, #tpu.memory_space<vmem>>[vector<16xi32>], vector<16xf32>,
      %sub3A_184 = arith.subf %gather3A_182, %gather3A_183 : vector<16xf32>
      %mul3A_185 = arith.constant 16 : i32
      %mul3A_186 = vector.broadcast %mul3A_185 : i32 to vector<16xi32>
      %mul3A_187 = arith.muli %iota3A, %mul3A_186 : vector<16xi32>
      %add3A_188 = arith.constant 1280 : i32
      %add3A_189 = vector.broadcast %add3A_188 : i32 to vector<16xi32>
      %add3A_190 = arith.addi %mul3A_187, %add3A_189 : vector<16xi32>
      tpu.vector_store_idx %arg13[%add3A_190], %sub3A_178 : memref<2048xf32, #tpu.memory_space<vmem>>[vector<16xi32>], vector<16xf32>,
      %add3A_191 = arith.constant 1 : i32
      %add3A_192 = vector.broadcast %add3A_191 : i32 to vector<16xi32>
      %add3A_193 = arith.addi %add3A_190, %add3A_192 : vector<16xi32>
      tpu.vector_store_idx %arg13[%add3A_193], %sub3A_181 : memref<2048xf32, #tpu.memory_space<vmem>>[vector<16xi32>], vector<16xf32>,
      %add3A_194 = arith.constant 2 : i32
      %add3A_195 = vector.broadcast %add3A_194 : i32 to vector<16xi32>
      %add3A_196 = arith.addi %add3A_190, %add3A_195 : vector<16xi32>
      tpu.vector_store_idx %arg13[%add3A_196], %sub3A_184 : memref<2048xf32, #tpu.memory_space<vmem>>[vector<16xi32>], vector<16xf32>,
      %get3A_197 = arith.constant 6 : i32
      %get3A_198 = arith.index_cast %get3A_197 : i32 to index
      %get3A_199 = arith.constant 0 : index
      %get3A_200 = tpu.vector_load %arg11[%get3A_198, %get3A_199] {strides = array<i32>} : memref<8x16xi32, #tpu.memory_space<vmem>>, vector<16xi32>,
      %get3A_201 = arith.constant 6 : i32
      %get3A_202 = arith.index_cast %get3A_201 : i32 to index
      %get3A_203 = arith.constant 0 : index
      %get3A_204 = tpu.vector_load %arg12[%get3A_202, %get3A_203] {strides = array<i32>} : memref<8x16xi32, #tpu.memory_space<vmem>>, vector<16xi32>,
      %gather3A_205 = tpu.vector_load_idx %arg8[%get3A_200] : memref<10000xf32, #tpu.memory_space<vmem>>[vector<16xi32>], vector<16xf32>,
      %gather3A_206 = tpu.vector_load_idx %arg8[%get3A_204] : memref<10000xf32, #tpu.memory_space<vmem>>[vector<16xi32>], vector<16xf32>,
      %sub3A_207 = arith.subf %gather3A_205, %gather3A_206 : vector<16xf32>
      %gather3A_208 = tpu.vector_load_idx %arg9[%get3A_200] : memref<10000xf32, #tpu.memory_space<vmem>>[vector<16xi32>], vector<16xf32>,
      %gather3A_209 = tpu.vector_load_idx %arg9[%get3A_204] : memref<10000xf32, #tpu.memory_space<vmem>>[vector<16xi32>], vector<16xf32>,
      %sub3A_210 = arith.subf %gather3A_208, %gather3A_209 : vector<16xf32>
      %gather3A_211 = tpu.vector_load_idx %arg10[%get3A_200] : memref<10000xf32, #tpu.memory_space<vmem>>[vector<16xi32>], vector<16xf32>,
      %gather3A_212 = tpu.vector_load_idx %arg10[%get3A_204] : memref<10000xf32, #tpu.memory_space<vmem>>[vector<16xi32>], vector<16xf32>,
      %sub3A_213 = arith.subf %gather3A_211, %gather3A_212 : vector<16xf32>
      %mul3A_214 = arith.constant 16 : i32
      %mul3A_215 = vector.broadcast %mul3A_214 : i32 to vector<16xi32>
      %mul3A_216 = arith.muli %iota3A, %mul3A_215 : vector<16xi32>
      %add3A_217 = arith.constant 1536 : i32
      %add3A_218 = vector.broadcast %add3A_217 : i32 to vector<16xi32>
      %add3A_219 = arith.addi %mul3A_216, %add3A_218 : vector<16xi32>
      tpu.vector_store_idx %arg13[%add3A_219], %sub3A_207 : memref<2048xf32, #tpu.memory_space<vmem>>[vector<16xi32>], vector<16xf32>,
      %add3A_220 = arith.constant 1 : i32
      %add3A_221 = vector.broadcast %add3A_220 : i32 to vector<16xi32>
      %add3A_222 = arith.addi %add3A_219, %add3A_221 : vector<16xi32>
      tpu.vector_store_idx %arg13[%add3A_222], %sub3A_210 : memref<2048xf32, #tpu.memory_space<vmem>>[vector<16xi32>], vector<16xf32>,
      %add3A_223 = arith.constant 2 : i32
      %add3A_224 = vector.broadcast %add3A_223 : i32 to vector<16xi32>
      %add3A_225 = arith.addi %add3A_219, %add3A_224 : vector<16xi32>
      tpu.vector_store_idx %arg13[%add3A_225], %sub3A_213 : memref<2048xf32, #tpu.memory_space<vmem>>[vector<16xi32>], vector<16xf32>,
      %get3A_226 = arith.constant 7 : i32
      %get3A_227 = arith.index_cast %get3A_226 : i32 to index
      %get3A_228 = arith.constant 0 : index
      %get3A_229 = tpu.vector_load %arg11[%get3A_227, %get3A_228] {strides = array<i32>} : memref<8x16xi32, #tpu.memory_space<vmem>>, vector<16xi32>,
      %get3A_230 = arith.constant 7 : i32
      %get3A_231 = arith.index_cast %get3A_230 : i32 to index
      %get3A_232 = arith.constant 0 : index
      %get3A_233 = tpu.vector_load %arg12[%get3A_231, %get3A_232] {strides = array<i32>} : memref<8x16xi32, #tpu.memory_space<vmem>>, vector<16xi32>,
      %gather3A_234 = tpu.vector_load_idx %arg8[%get3A_229] : memref<10000xf32, #tpu.memory_space<vmem>>[vector<16xi32>], vector<16xf32>,
      %gather3A_235 = tpu.vector_load_idx %arg8[%get3A_233] : memref<10000xf32, #tpu.memory_space<vmem>>[vector<16xi32>], vector<16xf32>,
      %sub3A_236 = arith.subf %gather3A_234, %gather3A_235 : vector<16xf32>
      %gather3A_237 = tpu.vector_load_idx %arg9[%get3A_229] : memref<10000xf32, #tpu.memory_space<vmem>>[vector<16xi32>], vector<16xf32>,
      %gather3A_238 = tpu.vector_load_idx %arg9[%get3A_233] : memref<10000xf32, #tpu.memory_space<vmem>>[vector<16xi32>], vector<16xf32>,
      %sub3A_239 = arith.subf %gather3A_237, %gather3A_238 : vector<16xf32>
      %gather3A_240 = tpu.vector_load_idx %arg10[%get3A_229] : memref<10000xf32, #tpu.memory_space<vmem>>[vector<16xi32>], vector<16xf32>,
      %gather3A_241 = tpu.vector_load_idx %arg10[%get3A_233] : memref<10000xf32, #tpu.memory_space<vmem>>[vector<16xi32>], vector<16xf32>,
      %sub3A_242 = arith.subf %gather3A_240, %gather3A_241 : vector<16xf32>
      %mul3A_243 = arith.constant 16 : i32
      %mul3A_244 = vector.broadcast %mul3A_243 : i32 to vector<16xi32>
      %mul3A_245 = arith.muli %iota3A, %mul3A_244 : vector<16xi32>
      %add3A_246 = arith.constant 1792 : i32
      %add3A_247 = vector.broadcast %add3A_246 : i32 to vector<16xi32>
      %add3A_248 = arith.addi %mul3A_245, %add3A_247 : vector<16xi32>
      tpu.vector_store_idx %arg13[%add3A_248], %sub3A_236 : memref<2048xf32, #tpu.memory_space<vmem>>[vector<16xi32>], vector<16xf32>,
      %add3A_249 = arith.constant 1 : i32
      %add3A_250 = vector.broadcast %add3A_249 : i32 to vector<16xi32>
      %add3A_251 = arith.addi %add3A_248, %add3A_250 : vector<16xi32>
      tpu.vector_store_idx %arg13[%add3A_251], %sub3A_239 : memref<2048xf32, #tpu.memory_space<vmem>>[vector<16xi32>], vector<16xf32>,
      %add3A_252 = arith.constant 2 : i32
      %add3A_253 = vector.broadcast %add3A_252 : i32 to vector<16xi32>
      %add3A_254 = arith.addi %add3A_248, %add3A_253 : vector<16xi32>
      tpu.vector_store_idx %arg13[%add3A_254], %sub3A_242 : memref<2048xf32, #tpu.memory_space<vmem>>[vector<16xi32>], vector<16xf32>,
      %mul3A_255 = arith.constant 2048 : i32
      %mul3A_256 = arith.muli %add3A_23, %mul3A_255 : i32
      "tpu.region"() ({
        %run_scoped3A = tpu.sem_alloc : memref<!tpu.dma_semaphore, #tpu.memory_space<semaphore_mem>>
        %dma_start3A = tpu.memref_slice %arg7[%mul3A_256] : memref<5120000xf32, #tpu.memory_space<hbm>> -> memref<2048xf32, #tpu.memory_space<hbm>>
        %dma_start3A_257 = tpu.memref_slice %arg7[%mul3A_256] : memref<5120000xf32, #tpu.memory_space<hbm>> -> memref<2048xf32, #tpu.memory_space<hbm>>
        tpu.enqueue_dma source(%arg13 : memref<2048xf32, #tpu.memory_space<vmem>>) target(%dma_start3A_257 : memref<2048xf32, #tpu.memory_space<hbm>>) target_semaphore(%run_scoped3A : memref<!tpu.dma_semaphore, #tpu.memory_space<semaphore_mem>>)
        %dma_wait3A = tpu.memref_slice %arg7[%mul3A_256] : memref<5120000xf32, #tpu.memory_space<hbm>> -> memref<2048xf32, #tpu.memory_space<hbm>>
        %dma_wait3A_258 = tpu.memref_slice %arg7[%mul3A_256] : memref<5120000xf32, #tpu.memory_space<hbm>> -> memref<2048xf32, #tpu.memory_space<hbm>>
        tpu.wait_dma2 semaphore(%run_scoped3A : memref<!tpu.dma_semaphore, #tpu.memory_space<semaphore_mem>>) src(%arg13 : memref<2048xf32, #tpu.memory_space<vmem>>) dst(%dma_wait3A_258 : memref<2048xf32, #tpu.memory_space<hbm>>)
        tpu.yield
      }) : () -> ()
    }
    return
  }
}

#map = affine_map<(d0, d1) -> (0, 0)>
#map1 = affine_map<(d0, d1) -> (0, 0, 0)>
module attributes {stable_mosaic.version = 14 : i64} {
  func.func @_scatter_kernel(%arg0: i32, %arg1: i32, %arg2: memref<320000x128xf32, #tpu.memory_space<hbm>>, %arg3: memref<20000x16xi32, #tpu.memory_space<hbm>>, %arg4: memref<632x128xf32, #tpu.memory_space<hbm>>, %arg5: memref<2x10000x128xf32, #tpu.memory_space<hbm>>, %arg6: memref<8x16xi32, #tpu.memory_space<vmem>>, %arg7: memref<128x128xf32, #tpu.memory_space<vmem>>, %arg8: memref<10000x128xf32, #tpu.memory_space<vmem_shared>>, %arg9: memref<!tpu.dma_semaphore, #tpu.memory_space<semaphore_mem>>) attributes {dimension_semantics = [#tpu.dimension_semantics<core_parallel>, #tpu.dimension_semantics<subcore_parallel>], iteration_bounds = array<i64: 2, 16>, scalar_prefetch = 0 : i64, scratch_operands = 4 : i64, tpu.core_type = #tpu.core_type<sc_vector_subcore>, window_params = [{transform_indices = #map}, {transform_indices = #map}, {transform_indices = #map}, {transform_indices = #map1}]} {
    %mul3A = arith.constant 2 : i32
    %mul3A_0 = arith.muli %arg1, %mul3A : i32
    %add3A = arith.addi %mul3A_0, %arg0 : i32
    %mul3A_1 = arith.constant 632 : i32
    %mul3A_2 = arith.muli %arg1, %mul3A_1 : i32
    %eq3A = arith.constant 15 : i32
    %eq3A_3 = arith.cmpi eq, %arg1, %eq3A : i32
    %jit3A = arith.constant 520 : i32
    %jit3A_4 = arith.constant 632 : i32
    %select_n3A = arith.select %eq3A_3, %jit3A, %jit3A_4 : i32
    "tpu.region"() ({
      %run_scoped3A = tpu.sem_alloc : memref<!tpu.dma_semaphore, #tpu.memory_space<semaphore_mem>>
      %dma_start3A = arith.constant 0 : i32
      %dma_start3A_21 = tpu.memref_slice %arg8[%mul3A_2, %dma_start3A] <%select_n3A> : memref<10000x128xf32, #tpu.memory_space<vmem_shared>> -> memref<?x128xf32, #tpu.memory_space<vmem_shared>>
      %dma_start3A_22 = arith.constant 0 : i32
      %dma_start3A_23 = arith.constant 0 : i32
      %dma_start3A_24 = tpu.memref_slice %arg4[%dma_start3A_22, %dma_start3A_23] <%select_n3A> : memref<632x128xf32, #tpu.memory_space<hbm>> -> memref<?x128xf32, #tpu.memory_space<hbm>>
      tpu.enqueue_dma source(%dma_start3A_24 : memref<?x128xf32, #tpu.memory_space<hbm>>) target(%dma_start3A_21 : memref<?x128xf32, #tpu.memory_space<vmem_shared>>) target_semaphore(%run_scoped3A : memref<!tpu.dma_semaphore, #tpu.memory_space<semaphore_mem>>)
      %dma_wait3A = arith.constant 0 : i32
      %dma_wait3A_25 = tpu.memref_slice %arg8[%mul3A_2, %dma_wait3A] <%select_n3A> : memref<10000x128xf32, #tpu.memory_space<vmem_shared>> -> memref<?x128xf32, #tpu.memory_space<vmem_shared>>
      %dma_wait3A_26 = arith.constant 0 : i32
      %dma_wait3A_27 = arith.constant 0 : i32
      %dma_wait3A_28 = tpu.memref_slice %arg4[%dma_wait3A_26, %dma_wait3A_27] <%select_n3A> : memref<632x128xf32, #tpu.memory_space<hbm>> -> memref<?x128xf32, #tpu.memory_space<hbm>>
      tpu.wait_dma2 semaphore(%run_scoped3A : memref<!tpu.dma_semaphore, #tpu.memory_space<semaphore_mem>>) src(%dma_wait3A_28 : memref<?x128xf32, #tpu.memory_space<hbm>>) dst(%dma_wait3A_25 : memref<?x128xf32, #tpu.memory_space<vmem_shared>>)
      tpu.yield
    }) : () -> ()
    %barrier3A = arith.constant 0 : index
    tpu.barrier barrier_id(%barrier3A)
    %lt3A = arith.constant 4 : i32
    %lt3A_5 = arith.cmpi slt, %add3A, %lt3A : i32
    %jit3A_6 = arith.constant 1 : i32
    %jit3A_7 = arith.constant 0 : i32
    %select_n3A_8 = arith.select %lt3A_5, %jit3A_6, %jit3A_7 : i32
    %add3A_9 = arith.constant 78 : i32
    %add3A_10 = arith.addi %add3A_9, %select_n3A_8 : i32
    %while3A = arith.constant 0 : i32
    %while3A_11 = arith.constant 0 : i32
    %while3A_12 = arith.subi %add3A_10, %while3A_11 : i32
    %while3A_13 = arith.addi %while3A_11, %while3A_12 : i32
    %while3A_14 = arith.constant 1 : i32
    %while3A_15 = arith.divsi %while3A_12, %while3A_14 : i32
    %while3A_16 = arith.muli %while3A_15, %while3A_14 : i32
    %while3A_17 = arith.addi %while3A_11, %while3A_16 : i32
    %while3A_18 = arith.constant 1 : i32
    scf.for %while3A_21 = %while3A_11 to %while3A_17 step %while3A_18  : i32 {
      %mul3A_22 = arith.constant 32 : i32
      %mul3A_23 = arith.muli %while3A_21, %mul3A_22 : i32
      %add3A_24 = arith.addi %add3A, %mul3A_23 : i32
      %mul3A_25 = arith.constant 8 : i32
      %mul3A_26 = arith.muli %add3A_24, %mul3A_25 : i32
      %mul3A_27 = arith.constant 128 : i32
      %mul3A_28 = arith.muli %add3A_24, %mul3A_27 : i32
      "tpu.region"() ({
        %run_scoped3A_36 = tpu.sem_alloc : memref<!tpu.dma_semaphore, #tpu.memory_space<semaphore_mem>>
        %dma_start3A = arith.constant 0 : i32
        %dma_start3A_37 = tpu.memref_slice %arg3[%mul3A_26, %dma_start3A] : memref<20000x16xi32, #tpu.memory_space<hbm>> -> memref<8x16xi32, #tpu.memory_space<hbm>>
        %dma_start3A_38 = arith.constant 0 : i32
        %dma_start3A_39 = tpu.memref_slice %arg3[%mul3A_26, %dma_start3A_38] : memref<20000x16xi32, #tpu.memory_space<hbm>> -> memref<8x16xi32, #tpu.memory_space<hbm>>
        tpu.enqueue_dma source(%dma_start3A_39 : memref<8x16xi32, #tpu.memory_space<hbm>>) target(%arg6 : memref<8x16xi32, #tpu.memory_space<vmem>>) target_semaphore(%run_scoped3A_36 : memref<!tpu.dma_semaphore, #tpu.memory_space<semaphore_mem>>)
        %dma_wait3A = arith.constant 0 : i32
        %dma_wait3A_40 = tpu.memref_slice %arg3[%mul3A_26, %dma_wait3A] : memref<20000x16xi32, #tpu.memory_space<hbm>> -> memref<8x16xi32, #tpu.memory_space<hbm>>
        %dma_wait3A_41 = arith.constant 0 : i32
        %dma_wait3A_42 = tpu.memref_slice %arg3[%mul3A_26, %dma_wait3A_41] : memref<20000x16xi32, #tpu.memory_space<hbm>> -> memref<8x16xi32, #tpu.memory_space<hbm>>
        tpu.wait_dma2 semaphore(%run_scoped3A_36 : memref<!tpu.dma_semaphore, #tpu.memory_space<semaphore_mem>>) src(%dma_wait3A_42 : memref<8x16xi32, #tpu.memory_space<hbm>>) dst(%arg6 : memref<8x16xi32, #tpu.memory_space<vmem>>)
        tpu.yield
      }) : () -> ()
      "tpu.region"() ({
        %run_scoped3A_36 = tpu.sem_alloc : memref<!tpu.dma_semaphore, #tpu.memory_space<semaphore_mem>>
        %dma_start3A = arith.constant 0 : i32
        %dma_start3A_37 = tpu.memref_slice %arg2[%mul3A_28, %dma_start3A] : memref<320000x128xf32, #tpu.memory_space<hbm>> -> memref<128x128xf32, #tpu.memory_space<hbm>>
        %dma_start3A_38 = arith.constant 0 : i32
        %dma_start3A_39 = tpu.memref_slice %arg2[%mul3A_28, %dma_start3A_38] : memref<320000x128xf32, #tpu.memory_space<hbm>> -> memref<128x128xf32, #tpu.memory_space<hbm>>
        tpu.enqueue_dma source(%dma_start3A_39 : memref<128x128xf32, #tpu.memory_space<hbm>>) target(%arg7 : memref<128x128xf32, #tpu.memory_space<vmem>>) target_semaphore(%run_scoped3A_36 : memref<!tpu.dma_semaphore, #tpu.memory_space<semaphore_mem>>)
        %dma_wait3A = arith.constant 0 : i32
        %dma_wait3A_40 = tpu.memref_slice %arg2[%mul3A_28, %dma_wait3A] : memref<320000x128xf32, #tpu.memory_space<hbm>> -> memref<128x128xf32, #tpu.memory_space<hbm>>
        %dma_wait3A_41 = arith.constant 0 : i32
        %dma_wait3A_42 = tpu.memref_slice %arg2[%mul3A_28, %dma_wait3A_41] : memref<320000x128xf32, #tpu.memory_space<hbm>> -> memref<128x128xf32, #tpu.memory_space<hbm>>
        tpu.wait_dma2 semaphore(%run_scoped3A_36 : memref<!tpu.dma_semaphore, #tpu.memory_space<semaphore_mem>>) src(%dma_wait3A_42 : memref<128x128xf32, #tpu.memory_space<hbm>>) dst(%arg7 : memref<128x128xf32, #tpu.memory_space<vmem>>)
        tpu.yield
      }) : () -> ()
      %run_scoped3A = arith.constant 0 : i32
      "tpu.region"() ({
        %run_scoped3A_36 = tpu.sem_alloc : memref<!tpu.dma_semaphore, #tpu.memory_space<semaphore_mem>>
        %dma_start3A = arith.constant 0 : i32
        %dma_start3A_37 = arith.constant 0 : i32
        %dma_start3A_38 = tpu.memref_slice %arg7[%dma_start3A, %dma_start3A_37] : memref<128x128xf32, #tpu.memory_space<vmem>> -> memref<16x128xf32, #tpu.memory_space<vmem>>
        %dma_start3A_39 = arith.constant 0 : i32
        %dma_start3A_40 = tpu.memref_slice %arg6[%run_scoped3A, %dma_start3A_39] : memref<8x16xi32, #tpu.memory_space<vmem>> -> memref<1x16xi32, #tpu.memory_space<vmem>>
        %dma_start3A_41 = tpu.memref_squeeze %dma_start3A_40 : memref<1x16xi32, #tpu.memory_space<vmem>> -> memref<16xi32, #tpu.memory_space<vmem>>
        %dma_start3A_42 = arith.constant 0 : i32
        %dma_start3A_43 = arith.constant 0 : i32
        %dma_start3A_44 = tpu.memref_slice %arg8[%dma_start3A_42, %dma_start3A_43] : memref<10000x128xf32, #tpu.memory_space<vmem_shared>> -> memref<10000x128xf32, #tpu.memory_space<vmem_shared>>
        tpu.enqueue_indirect_dma source(%dma_start3A_38 : memref<16x128xf32, #tpu.memory_space<vmem>>) target(%dma_start3A_44 : memref<10000x128xf32, #tpu.memory_space<vmem_shared>>) offsets(%dma_start3A_41 : memref<16xi32, #tpu.memory_space<vmem>>) semaphore(%run_scoped3A_36 : memref<!tpu.dma_semaphore, #tpu.memory_space<semaphore_mem>>) {add = true}
        %dma_wait3A = arith.constant 0 : i32
        %dma_wait3A_45 = arith.constant 0 : i32
        %dma_wait3A_46 = tpu.memref_slice %arg7[%dma_wait3A, %dma_wait3A_45] : memref<128x128xf32, #tpu.memory_space<vmem>> -> memref<16x128xf32, #tpu.memory_space<vmem>>
        %dma_wait3A_47 = arith.constant 0 : i32
        %dma_wait3A_48 = tpu.memref_slice %arg6[%run_scoped3A, %dma_wait3A_47] : memref<8x16xi32, #tpu.memory_space<vmem>> -> memref<1x16xi32, #tpu.memory_space<vmem>>
        %dma_wait3A_49 = tpu.memref_squeeze %dma_wait3A_48 : memref<1x16xi32, #tpu.memory_space<vmem>> -> memref<16xi32, #tpu.memory_space<vmem>>
        %dma_wait3A_50 = arith.constant 0 : i32
        %dma_wait3A_51 = arith.constant 0 : i32
        %dma_wait3A_52 = tpu.memref_slice %arg8[%dma_wait3A_50, %dma_wait3A_51] : memref<10000x128xf32, #tpu.memory_space<vmem_shared>> -> memref<10000x128xf32, #tpu.memory_space<vmem_shared>>
        tpu.wait_indirect_dma semaphore(%run_scoped3A_36 : memref<!tpu.dma_semaphore, #tpu.memory_space<semaphore_mem>>) src(%dma_wait3A_46 : memref<16x128xf32, #tpu.memory_space<vmem>>) dst(%dma_wait3A_52 : memref<10000x128xf32, #tpu.memory_space<vmem_shared>>)
        tpu.yield
      }) : () -> ()
      %run_scoped3A_29 = arith.constant 1 : i32
      "tpu.region"() ({
        %run_scoped3A_36 = tpu.sem_alloc : memref<!tpu.dma_semaphore, #tpu.memory_space<semaphore_mem>>
        %dma_start3A = arith.constant 16 : i32
        %dma_start3A_37 = arith.constant 0 : i32
        %dma_start3A_38 = tpu.memref_slice %arg7[%dma_start3A, %dma_start3A_37] : memref<128x128xf32, #tpu.memory_space<vmem>> -> memref<16x128xf32, #tpu.memory_space<vmem>>
        %dma_start3A_39 = arith.constant 0 : i32
        %dma_start3A_40 = tpu.memref_slice %arg6[%run_scoped3A_29, %dma_start3A_39] : memref<8x16xi32, #tpu.memory_space<vmem>> -> memref<1x16xi32, #tpu.memory_space<vmem>>
        %dma_start3A_41 = tpu.memref_squeeze %dma_start3A_40 : memref<1x16xi32, #tpu.memory_space<vmem>> -> memref<16xi32, #tpu.memory_space<vmem>>
        %dma_start3A_42 = arith.constant 0 : i32
        %dma_start3A_43 = arith.constant 0 : i32
        %dma_start3A_44 = tpu.memref_slice %arg8[%dma_start3A_42, %dma_start3A_43] : memref<10000x128xf32, #tpu.memory_space<vmem_shared>> -> memref<10000x128xf32, #tpu.memory_space<vmem_shared>>
        tpu.enqueue_indirect_dma source(%dma_start3A_38 : memref<16x128xf32, #tpu.memory_space<vmem>>) target(%dma_start3A_44 : memref<10000x128xf32, #tpu.memory_space<vmem_shared>>) offsets(%dma_start3A_41 : memref<16xi32, #tpu.memory_space<vmem>>) semaphore(%run_scoped3A_36 : memref<!tpu.dma_semaphore, #tpu.memory_space<semaphore_mem>>) {add = true}
        %dma_wait3A = arith.constant 16 : i32
        %dma_wait3A_45 = arith.constant 0 : i32
        %dma_wait3A_46 = tpu.memref_slice %arg7[%dma_wait3A, %dma_wait3A_45] : memref<128x128xf32, #tpu.memory_space<vmem>> -> memref<16x128xf32, #tpu.memory_space<vmem>>
        %dma_wait3A_47 = arith.constant 0 : i32
        %dma_wait3A_48 = tpu.memref_slice %arg6[%run_scoped3A_29, %dma_wait3A_47] : memref<8x16xi32, #tpu.memory_space<vmem>> -> memref<1x16xi32, #tpu.memory_space<vmem>>
        %dma_wait3A_49 = tpu.memref_squeeze %dma_wait3A_48 : memref<1x16xi32, #tpu.memory_space<vmem>> -> memref<16xi32, #tpu.memory_space<vmem>>
        %dma_wait3A_50 = arith.constant 0 : i32
        %dma_wait3A_51 = arith.constant 0 : i32
        %dma_wait3A_52 = tpu.memref_slice %arg8[%dma_wait3A_50, %dma_wait3A_51] : memref<10000x128xf32, #tpu.memory_space<vmem_shared>> -> memref<10000x128xf32, #tpu.memory_space<vmem_shared>>
        tpu.wait_indirect_dma semaphore(%run_scoped3A_36 : memref<!tpu.dma_semaphore, #tpu.memory_space<semaphore_mem>>) src(%dma_wait3A_46 : memref<16x128xf32, #tpu.memory_space<vmem>>) dst(%dma_wait3A_52 : memref<10000x128xf32, #tpu.memory_space<vmem_shared>>)
        tpu.yield
      }) : () -> ()
      %run_scoped3A_30 = arith.constant 2 : i32
      "tpu.region"() ({
        %run_scoped3A_36 = tpu.sem_alloc : memref<!tpu.dma_semaphore, #tpu.memory_space<semaphore_mem>>
        %dma_start3A = arith.constant 32 : i32
        %dma_start3A_37 = arith.constant 0 : i32
        %dma_start3A_38 = tpu.memref_slice %arg7[%dma_start3A, %dma_start3A_37] : memref<128x128xf32, #tpu.memory_space<vmem>> -> memref<16x128xf32, #tpu.memory_space<vmem>>
        %dma_start3A_39 = arith.constant 0 : i32
        %dma_start3A_40 = tpu.memref_slice %arg6[%run_scoped3A_30, %dma_start3A_39] : memref<8x16xi32, #tpu.memory_space<vmem>> -> memref<1x16xi32, #tpu.memory_space<vmem>>
        %dma_start3A_41 = tpu.memref_squeeze %dma_start3A_40 : memref<1x16xi32, #tpu.memory_space<vmem>> -> memref<16xi32, #tpu.memory_space<vmem>>
        %dma_start3A_42 = arith.constant 0 : i32
        %dma_start3A_43 = arith.constant 0 : i32
        %dma_start3A_44 = tpu.memref_slice %arg8[%dma_start3A_42, %dma_start3A_43] : memref<10000x128xf32, #tpu.memory_space<vmem_shared>> -> memref<10000x128xf32, #tpu.memory_space<vmem_shared>>
        tpu.enqueue_indirect_dma source(%dma_start3A_38 : memref<16x128xf32, #tpu.memory_space<vmem>>) target(%dma_start3A_44 : memref<10000x128xf32, #tpu.memory_space<vmem_shared>>) offsets(%dma_start3A_41 : memref<16xi32, #tpu.memory_space<vmem>>) semaphore(%run_scoped3A_36 : memref<!tpu.dma_semaphore, #tpu.memory_space<semaphore_mem>>) {add = true}
        %dma_wait3A = arith.constant 32 : i32
        %dma_wait3A_45 = arith.constant 0 : i32
        %dma_wait3A_46 = tpu.memref_slice %arg7[%dma_wait3A, %dma_wait3A_45] : memref<128x128xf32, #tpu.memory_space<vmem>> -> memref<16x128xf32, #tpu.memory_space<vmem>>
        %dma_wait3A_47 = arith.constant 0 : i32
        %dma_wait3A_48 = tpu.memref_slice %arg6[%run_scoped3A_30, %dma_wait3A_47] : memref<8x16xi32, #tpu.memory_space<vmem>> -> memref<1x16xi32, #tpu.memory_space<vmem>>
        %dma_wait3A_49 = tpu.memref_squeeze %dma_wait3A_48 : memref<1x16xi32, #tpu.memory_space<vmem>> -> memref<16xi32, #tpu.memory_space<vmem>>
        %dma_wait3A_50 = arith.constant 0 : i32
        %dma_wait3A_51 = arith.constant 0 : i32
        %dma_wait3A_52 = tpu.memref_slice %arg8[%dma_wait3A_50, %dma_wait3A_51] : memref<10000x128xf32, #tpu.memory_space<vmem_shared>> -> memref<10000x128xf32, #tpu.memory_space<vmem_shared>>
        tpu.wait_indirect_dma semaphore(%run_scoped3A_36 : memref<!tpu.dma_semaphore, #tpu.memory_space<semaphore_mem>>) src(%dma_wait3A_46 : memref<16x128xf32, #tpu.memory_space<vmem>>) dst(%dma_wait3A_52 : memref<10000x128xf32, #tpu.memory_space<vmem_shared>>)
        tpu.yield
      }) : () -> ()
      %run_scoped3A_31 = arith.constant 3 : i32
      "tpu.region"() ({
        %run_scoped3A_36 = tpu.sem_alloc : memref<!tpu.dma_semaphore, #tpu.memory_space<semaphore_mem>>
        %dma_start3A = arith.constant 48 : i32
        %dma_start3A_37 = arith.constant 0 : i32
        %dma_start3A_38 = tpu.memref_slice %arg7[%dma_start3A, %dma_start3A_37] : memref<128x128xf32, #tpu.memory_space<vmem>> -> memref<16x128xf32, #tpu.memory_space<vmem>>
        %dma_start3A_39 = arith.constant 0 : i32
        %dma_start3A_40 = tpu.memref_slice %arg6[%run_scoped3A_31, %dma_start3A_39] : memref<8x16xi32, #tpu.memory_space<vmem>> -> memref<1x16xi32, #tpu.memory_space<vmem>>
        %dma_start3A_41 = tpu.memref_squeeze %dma_start3A_40 : memref<1x16xi32, #tpu.memory_space<vmem>> -> memref<16xi32, #tpu.memory_space<vmem>>
        %dma_start3A_42 = arith.constant 0 : i32
        %dma_start3A_43 = arith.constant 0 : i32
        %dma_start3A_44 = tpu.memref_slice %arg8[%dma_start3A_42, %dma_start3A_43] : memref<10000x128xf32, #tpu.memory_space<vmem_shared>> -> memref<10000x128xf32, #tpu.memory_space<vmem_shared>>
        tpu.enqueue_indirect_dma source(%dma_start3A_38 : memref<16x128xf32, #tpu.memory_space<vmem>>) target(%dma_start3A_44 : memref<10000x128xf32, #tpu.memory_space<vmem_shared>>) offsets(%dma_start3A_41 : memref<16xi32, #tpu.memory_space<vmem>>) semaphore(%run_scoped3A_36 : memref<!tpu.dma_semaphore, #tpu.memory_space<semaphore_mem>>) {add = true}
        %dma_wait3A = arith.constant 48 : i32
        %dma_wait3A_45 = arith.constant 0 : i32
        %dma_wait3A_46 = tpu.memref_slice %arg7[%dma_wait3A, %dma_wait3A_45] : memref<128x128xf32, #tpu.memory_space<vmem>> -> memref<16x128xf32, #tpu.memory_space<vmem>>
        %dma_wait3A_47 = arith.constant 0 : i32
        %dma_wait3A_48 = tpu.memref_slice %arg6[%run_scoped3A_31, %dma_wait3A_47] : memref<8x16xi32, #tpu.memory_space<vmem>> -> memref<1x16xi32, #tpu.memory_space<vmem>>
        %dma_wait3A_49 = tpu.memref_squeeze %dma_wait3A_48 : memref<1x16xi32, #tpu.memory_space<vmem>> -> memref<16xi32, #tpu.memory_space<vmem>>
        %dma_wait3A_50 = arith.constant 0 : i32
        %dma_wait3A_51 = arith.constant 0 : i32
        %dma_wait3A_52 = tpu.memref_slice %arg8[%dma_wait3A_50, %dma_wait3A_51] : memref<10000x128xf32, #tpu.memory_space<vmem_shared>> -> memref<10000x128xf32, #tpu.memory_space<vmem_shared>>
        tpu.wait_indirect_dma semaphore(%run_scoped3A_36 : memref<!tpu.dma_semaphore, #tpu.memory_space<semaphore_mem>>) src(%dma_wait3A_46 : memref<16x128xf32, #tpu.memory_space<vmem>>) dst(%dma_wait3A_52 : memref<10000x128xf32, #tpu.memory_space<vmem_shared>>)
        tpu.yield
      }) : () -> ()
      %run_scoped3A_32 = arith.constant 4 : i32
      "tpu.region"() ({
        %run_scoped3A_36 = tpu.sem_alloc : memref<!tpu.dma_semaphore, #tpu.memory_space<semaphore_mem>>
        %dma_start3A = arith.constant 64 : i32
        %dma_start3A_37 = arith.constant 0 : i32
        %dma_start3A_38 = tpu.memref_slice %arg7[%dma_start3A, %dma_start3A_37] : memref<128x128xf32, #tpu.memory_space<vmem>> -> memref<16x128xf32, #tpu.memory_space<vmem>>
        %dma_start3A_39 = arith.constant 0 : i32
        %dma_start3A_40 = tpu.memref_slice %arg6[%run_scoped3A_32, %dma_start3A_39] : memref<8x16xi32, #tpu.memory_space<vmem>> -> memref<1x16xi32, #tpu.memory_space<vmem>>
        %dma_start3A_41 = tpu.memref_squeeze %dma_start3A_40 : memref<1x16xi32, #tpu.memory_space<vmem>> -> memref<16xi32, #tpu.memory_space<vmem>>
        %dma_start3A_42 = arith.constant 0 : i32
        %dma_start3A_43 = arith.constant 0 : i32
        %dma_start3A_44 = tpu.memref_slice %arg8[%dma_start3A_42, %dma_start3A_43] : memref<10000x128xf32, #tpu.memory_space<vmem_shared>> -> memref<10000x128xf32, #tpu.memory_space<vmem_shared>>
        tpu.enqueue_indirect_dma source(%dma_start3A_38 : memref<16x128xf32, #tpu.memory_space<vmem>>) target(%dma_start3A_44 : memref<10000x128xf32, #tpu.memory_space<vmem_shared>>) offsets(%dma_start3A_41 : memref<16xi32, #tpu.memory_space<vmem>>) semaphore(%run_scoped3A_36 : memref<!tpu.dma_semaphore, #tpu.memory_space<semaphore_mem>>) {add = true}
        %dma_wait3A = arith.constant 64 : i32
        %dma_wait3A_45 = arith.constant 0 : i32
        %dma_wait3A_46 = tpu.memref_slice %arg7[%dma_wait3A, %dma_wait3A_45] : memref<128x128xf32, #tpu.memory_space<vmem>> -> memref<16x128xf32, #tpu.memory_space<vmem>>
        %dma_wait3A_47 = arith.constant 0 : i32
        %dma_wait3A_48 = tpu.memref_slice %arg6[%run_scoped3A_32, %dma_wait3A_47] : memref<8x16xi32, #tpu.memory_space<vmem>> -> memref<1x16xi32, #tpu.memory_space<vmem>>
        %dma_wait3A_49 = tpu.memref_squeeze %dma_wait3A_48 : memref<1x16xi32, #tpu.memory_space<vmem>> -> memref<16xi32, #tpu.memory_space<vmem>>
        %dma_wait3A_50 = arith.constant 0 : i32
        %dma_wait3A_51 = arith.constant 0 : i32
        %dma_wait3A_52 = tpu.memref_slice %arg8[%dma_wait3A_50, %dma_wait3A_51] : memref<10000x128xf32, #tpu.memory_space<vmem_shared>> -> memref<10000x128xf32, #tpu.memory_space<vmem_shared>>
        tpu.wait_indirect_dma semaphore(%run_scoped3A_36 : memref<!tpu.dma_semaphore, #tpu.memory_space<semaphore_mem>>) src(%dma_wait3A_46 : memref<16x128xf32, #tpu.memory_space<vmem>>) dst(%dma_wait3A_52 : memref<10000x128xf32, #tpu.memory_space<vmem_shared>>)
        tpu.yield
      }) : () -> ()
      %run_scoped3A_33 = arith.constant 5 : i32
      "tpu.region"() ({
        %run_scoped3A_36 = tpu.sem_alloc : memref<!tpu.dma_semaphore, #tpu.memory_space<semaphore_mem>>
        %dma_start3A = arith.constant 80 : i32
        %dma_start3A_37 = arith.constant 0 : i32
        %dma_start3A_38 = tpu.memref_slice %arg7[%dma_start3A, %dma_start3A_37] : memref<128x128xf32, #tpu.memory_space<vmem>> -> memref<16x128xf32, #tpu.memory_space<vmem>>
        %dma_start3A_39 = arith.constant 0 : i32
        %dma_start3A_40 = tpu.memref_slice %arg6[%run_scoped3A_33, %dma_start3A_39] : memref<8x16xi32, #tpu.memory_space<vmem>> -> memref<1x16xi32, #tpu.memory_space<vmem>>
        %dma_start3A_41 = tpu.memref_squeeze %dma_start3A_40 : memref<1x16xi32, #tpu.memory_space<vmem>> -> memref<16xi32, #tpu.memory_space<vmem>>
        %dma_start3A_42 = arith.constant 0 : i32
        %dma_start3A_43 = arith.constant 0 : i32
        %dma_start3A_44 = tpu.memref_slice %arg8[%dma_start3A_42, %dma_start3A_43] : memref<10000x128xf32, #tpu.memory_space<vmem_shared>> -> memref<10000x128xf32, #tpu.memory_space<vmem_shared>>
        tpu.enqueue_indirect_dma source(%dma_start3A_38 : memref<16x128xf32, #tpu.memory_space<vmem>>) target(%dma_start3A_44 : memref<10000x128xf32, #tpu.memory_space<vmem_shared>>) offsets(%dma_start3A_41 : memref<16xi32, #tpu.memory_space<vmem>>) semaphore(%run_scoped3A_36 : memref<!tpu.dma_semaphore, #tpu.memory_space<semaphore_mem>>) {add = true}
        %dma_wait3A = arith.constant 80 : i32
        %dma_wait3A_45 = arith.constant 0 : i32
        %dma_wait3A_46 = tpu.memref_slice %arg7[%dma_wait3A, %dma_wait3A_45] : memref<128x128xf32, #tpu.memory_space<vmem>> -> memref<16x128xf32, #tpu.memory_space<vmem>>
        %dma_wait3A_47 = arith.constant 0 : i32
        %dma_wait3A_48 = tpu.memref_slice %arg6[%run_scoped3A_33, %dma_wait3A_47] : memref<8x16xi32, #tpu.memory_space<vmem>> -> memref<1x16xi32, #tpu.memory_space<vmem>>
        %dma_wait3A_49 = tpu.memref_squeeze %dma_wait3A_48 : memref<1x16xi32, #tpu.memory_space<vmem>> -> memref<16xi32, #tpu.memory_space<vmem>>
        %dma_wait3A_50 = arith.constant 0 : i32
        %dma_wait3A_51 = arith.constant 0 : i32
        %dma_wait3A_52 = tpu.memref_slice %arg8[%dma_wait3A_50, %dma_wait3A_51] : memref<10000x128xf32, #tpu.memory_space<vmem_shared>> -> memref<10000x128xf32, #tpu.memory_space<vmem_shared>>
        tpu.wait_indirect_dma semaphore(%run_scoped3A_36 : memref<!tpu.dma_semaphore, #tpu.memory_space<semaphore_mem>>) src(%dma_wait3A_46 : memref<16x128xf32, #tpu.memory_space<vmem>>) dst(%dma_wait3A_52 : memref<10000x128xf32, #tpu.memory_space<vmem_shared>>)
        tpu.yield
      }) : () -> ()
      %run_scoped3A_34 = arith.constant 6 : i32
      "tpu.region"() ({
        %run_scoped3A_36 = tpu.sem_alloc : memref<!tpu.dma_semaphore, #tpu.memory_space<semaphore_mem>>
        %dma_start3A = arith.constant 96 : i32
        %dma_start3A_37 = arith.constant 0 : i32
        %dma_start3A_38 = tpu.memref_slice %arg7[%dma_start3A, %dma_start3A_37] : memref<128x128xf32, #tpu.memory_space<vmem>> -> memref<16x128xf32, #tpu.memory_space<vmem>>
        %dma_start3A_39 = arith.constant 0 : i32
        %dma_start3A_40 = tpu.memref_slice %arg6[%run_scoped3A_34, %dma_start3A_39] : memref<8x16xi32, #tpu.memory_space<vmem>> -> memref<1x16xi32, #tpu.memory_space<vmem>>
        %dma_start3A_41 = tpu.memref_squeeze %dma_start3A_40 : memref<1x16xi32, #tpu.memory_space<vmem>> -> memref<16xi32, #tpu.memory_space<vmem>>
        %dma_start3A_42 = arith.constant 0 : i32
        %dma_start3A_43 = arith.constant 0 : i32
        %dma_start3A_44 = tpu.memref_slice %arg8[%dma_start3A_42, %dma_start3A_43] : memref<10000x128xf32, #tpu.memory_space<vmem_shared>> -> memref<10000x128xf32, #tpu.memory_space<vmem_shared>>
        tpu.enqueue_indirect_dma source(%dma_start3A_38 : memref<16x128xf32, #tpu.memory_space<vmem>>) target(%dma_start3A_44 : memref<10000x128xf32, #tpu.memory_space<vmem_shared>>) offsets(%dma_start3A_41 : memref<16xi32, #tpu.memory_space<vmem>>) semaphore(%run_scoped3A_36 : memref<!tpu.dma_semaphore, #tpu.memory_space<semaphore_mem>>) {add = true}
        %dma_wait3A = arith.constant 96 : i32
        %dma_wait3A_45 = arith.constant 0 : i32
        %dma_wait3A_46 = tpu.memref_slice %arg7[%dma_wait3A, %dma_wait3A_45] : memref<128x128xf32, #tpu.memory_space<vmem>> -> memref<16x128xf32, #tpu.memory_space<vmem>>
        %dma_wait3A_47 = arith.constant 0 : i32
        %dma_wait3A_48 = tpu.memref_slice %arg6[%run_scoped3A_34, %dma_wait3A_47] : memref<8x16xi32, #tpu.memory_space<vmem>> -> memref<1x16xi32, #tpu.memory_space<vmem>>
        %dma_wait3A_49 = tpu.memref_squeeze %dma_wait3A_48 : memref<1x16xi32, #tpu.memory_space<vmem>> -> memref<16xi32, #tpu.memory_space<vmem>>
        %dma_wait3A_50 = arith.constant 0 : i32
        %dma_wait3A_51 = arith.constant 0 : i32
        %dma_wait3A_52 = tpu.memref_slice %arg8[%dma_wait3A_50, %dma_wait3A_51] : memref<10000x128xf32, #tpu.memory_space<vmem_shared>> -> memref<10000x128xf32, #tpu.memory_space<vmem_shared>>
        tpu.wait_indirect_dma semaphore(%run_scoped3A_36 : memref<!tpu.dma_semaphore, #tpu.memory_space<semaphore_mem>>) src(%dma_wait3A_46 : memref<16x128xf32, #tpu.memory_space<vmem>>) dst(%dma_wait3A_52 : memref<10000x128xf32, #tpu.memory_space<vmem_shared>>)
        tpu.yield
      }) : () -> ()
      %run_scoped3A_35 = arith.constant 7 : i32
      "tpu.region"() ({
        %run_scoped3A_36 = tpu.sem_alloc : memref<!tpu.dma_semaphore, #tpu.memory_space<semaphore_mem>>
        %dma_start3A = arith.constant 112 : i32
        %dma_start3A_37 = arith.constant 0 : i32
        %dma_start3A_38 = tpu.memref_slice %arg7[%dma_start3A, %dma_start3A_37] : memref<128x128xf32, #tpu.memory_space<vmem>> -> memref<16x128xf32, #tpu.memory_space<vmem>>
        %dma_start3A_39 = arith.constant 0 : i32
        %dma_start3A_40 = tpu.memref_slice %arg6[%run_scoped3A_35, %dma_start3A_39] : memref<8x16xi32, #tpu.memory_space<vmem>> -> memref<1x16xi32, #tpu.memory_space<vmem>>
        %dma_start3A_41 = tpu.memref_squeeze %dma_start3A_40 : memref<1x16xi32, #tpu.memory_space<vmem>> -> memref<16xi32, #tpu.memory_space<vmem>>
        %dma_start3A_42 = arith.constant 0 : i32
        %dma_start3A_43 = arith.constant 0 : i32
        %dma_start3A_44 = tpu.memref_slice %arg8[%dma_start3A_42, %dma_start3A_43] : memref<10000x128xf32, #tpu.memory_space<vmem_shared>> -> memref<10000x128xf32, #tpu.memory_space<vmem_shared>>
        tpu.enqueue_indirect_dma source(%dma_start3A_38 : memref<16x128xf32, #tpu.memory_space<vmem>>) target(%dma_start3A_44 : memref<10000x128xf32, #tpu.memory_space<vmem_shared>>) offsets(%dma_start3A_41 : memref<16xi32, #tpu.memory_space<vmem>>) semaphore(%run_scoped3A_36 : memref<!tpu.dma_semaphore, #tpu.memory_space<semaphore_mem>>) {add = true}
        %dma_wait3A = arith.constant 112 : i32
        %dma_wait3A_45 = arith.constant 0 : i32
        %dma_wait3A_46 = tpu.memref_slice %arg7[%dma_wait3A, %dma_wait3A_45] : memref<128x128xf32, #tpu.memory_space<vmem>> -> memref<16x128xf32, #tpu.memory_space<vmem>>
        %dma_wait3A_47 = arith.constant 0 : i32
        %dma_wait3A_48 = tpu.memref_slice %arg6[%run_scoped3A_35, %dma_wait3A_47] : memref<8x16xi32, #tpu.memory_space<vmem>> -> memref<1x16xi32, #tpu.memory_space<vmem>>
        %dma_wait3A_49 = tpu.memref_squeeze %dma_wait3A_48 : memref<1x16xi32, #tpu.memory_space<vmem>> -> memref<16xi32, #tpu.memory_space<vmem>>
        %dma_wait3A_50 = arith.constant 0 : i32
        %dma_wait3A_51 = arith.constant 0 : i32
        %dma_wait3A_52 = tpu.memref_slice %arg8[%dma_wait3A_50, %dma_wait3A_51] : memref<10000x128xf32, #tpu.memory_space<vmem_shared>> -> memref<10000x128xf32, #tpu.memory_space<vmem_shared>>
        tpu.wait_indirect_dma semaphore(%run_scoped3A_36 : memref<!tpu.dma_semaphore, #tpu.memory_space<semaphore_mem>>) src(%dma_wait3A_46 : memref<16x128xf32, #tpu.memory_space<vmem>>) dst(%dma_wait3A_52 : memref<10000x128xf32, #tpu.memory_space<vmem_shared>>)
        tpu.yield
      }) : () -> ()
    }
    %while3A_19 = arith.constant 1 : i32
    scf.for %while3A_21 = %while3A_17 to %while3A_13 step %while3A_19  : i32 {
      %mul3A_22 = arith.constant 32 : i32
      %mul3A_23 = arith.muli %while3A_21, %mul3A_22 : i32
      %add3A_24 = arith.addi %add3A, %mul3A_23 : i32
      %mul3A_25 = arith.constant 8 : i32
      %mul3A_26 = arith.muli %add3A_24, %mul3A_25 : i32
      %mul3A_27 = arith.constant 128 : i32
      %mul3A_28 = arith.muli %add3A_24, %mul3A_27 : i32
      "tpu.region"() ({
        %run_scoped3A_36 = tpu.sem_alloc : memref<!tpu.dma_semaphore, #tpu.memory_space<semaphore_mem>>
        %dma_start3A = arith.constant 0 : i32
        %dma_start3A_37 = tpu.memref_slice %arg3[%mul3A_26, %dma_start3A] : memref<20000x16xi32, #tpu.memory_space<hbm>> -> memref<8x16xi32, #tpu.memory_space<hbm>>
        %dma_start3A_38 = arith.constant 0 : i32
        %dma_start3A_39 = tpu.memref_slice %arg3[%mul3A_26, %dma_start3A_38] : memref<20000x16xi32, #tpu.memory_space<hbm>> -> memref<8x16xi32, #tpu.memory_space<hbm>>
        tpu.enqueue_dma source(%dma_start3A_39 : memref<8x16xi32, #tpu.memory_space<hbm>>) target(%arg6 : memref<8x16xi32, #tpu.memory_space<vmem>>) target_semaphore(%run_scoped3A_36 : memref<!tpu.dma_semaphore, #tpu.memory_space<semaphore_mem>>)
        %dma_wait3A = arith.constant 0 : i32
        %dma_wait3A_40 = tpu.memref_slice %arg3[%mul3A_26, %dma_wait3A] : memref<20000x16xi32, #tpu.memory_space<hbm>> -> memref<8x16xi32, #tpu.memory_space<hbm>>
        %dma_wait3A_41 = arith.constant 0 : i32
        %dma_wait3A_42 = tpu.memref_slice %arg3[%mul3A_26, %dma_wait3A_41] : memref<20000x16xi32, #tpu.memory_space<hbm>> -> memref<8x16xi32, #tpu.memory_space<hbm>>
        tpu.wait_dma2 semaphore(%run_scoped3A_36 : memref<!tpu.dma_semaphore, #tpu.memory_space<semaphore_mem>>) src(%dma_wait3A_42 : memref<8x16xi32, #tpu.memory_space<hbm>>) dst(%arg6 : memref<8x16xi32, #tpu.memory_space<vmem>>)
        tpu.yield
      }) : () -> ()
      "tpu.region"() ({
        %run_scoped3A_36 = tpu.sem_alloc : memref<!tpu.dma_semaphore, #tpu.memory_space<semaphore_mem>>
        %dma_start3A = arith.constant 0 : i32
        %dma_start3A_37 = tpu.memref_slice %arg2[%mul3A_28, %dma_start3A] : memref<320000x128xf32, #tpu.memory_space<hbm>> -> memref<128x128xf32, #tpu.memory_space<hbm>>
        %dma_start3A_38 = arith.constant 0 : i32
        %dma_start3A_39 = tpu.memref_slice %arg2[%mul3A_28, %dma_start3A_38] : memref<320000x128xf32, #tpu.memory_space<hbm>> -> memref<128x128xf32, #tpu.memory_space<hbm>>
        tpu.enqueue_dma source(%dma_start3A_39 : memref<128x128xf32, #tpu.memory_space<hbm>>) target(%arg7 : memref<128x128xf32, #tpu.memory_space<vmem>>) target_semaphore(%run_scoped3A_36 : memref<!tpu.dma_semaphore, #tpu.memory_space<semaphore_mem>>)
        %dma_wait3A = arith.constant 0 : i32
        %dma_wait3A_40 = tpu.memref_slice %arg2[%mul3A_28, %dma_wait3A] : memref<320000x128xf32, #tpu.memory_space<hbm>> -> memref<128x128xf32, #tpu.memory_space<hbm>>
        %dma_wait3A_41 = arith.constant 0 : i32
        %dma_wait3A_42 = tpu.memref_slice %arg2[%mul3A_28, %dma_wait3A_41] : memref<320000x128xf32, #tpu.memory_space<hbm>> -> memref<128x128xf32, #tpu.memory_space<hbm>>
        tpu.wait_dma2 semaphore(%run_scoped3A_36 : memref<!tpu.dma_semaphore, #tpu.memory_space<semaphore_mem>>) src(%dma_wait3A_42 : memref<128x128xf32, #tpu.memory_space<hbm>>) dst(%arg7 : memref<128x128xf32, #tpu.memory_space<vmem>>)
        tpu.yield
      }) : () -> ()
      %run_scoped3A = arith.constant 0 : i32
      "tpu.region"() ({
        %run_scoped3A_36 = tpu.sem_alloc : memref<!tpu.dma_semaphore, #tpu.memory_space<semaphore_mem>>
        %dma_start3A = arith.constant 0 : i32
        %dma_start3A_37 = arith.constant 0 : i32
        %dma_start3A_38 = tpu.memref_slice %arg7[%dma_start3A, %dma_start3A_37] : memref<128x128xf32, #tpu.memory_space<vmem>> -> memref<16x128xf32, #tpu.memory_space<vmem>>
        %dma_start3A_39 = arith.constant 0 : i32
        %dma_start3A_40 = tpu.memref_slice %arg6[%run_scoped3A, %dma_start3A_39] : memref<8x16xi32, #tpu.memory_space<vmem>> -> memref<1x16xi32, #tpu.memory_space<vmem>>
        %dma_start3A_41 = tpu.memref_squeeze %dma_start3A_40 : memref<1x16xi32, #tpu.memory_space<vmem>> -> memref<16xi32, #tpu.memory_space<vmem>>
        %dma_start3A_42 = arith.constant 0 : i32
        %dma_start3A_43 = arith.constant 0 : i32
        %dma_start3A_44 = tpu.memref_slice %arg8[%dma_start3A_42, %dma_start3A_43] : memref<10000x128xf32, #tpu.memory_space<vmem_shared>> -> memref<10000x128xf32, #tpu.memory_space<vmem_shared>>
        tpu.enqueue_indirect_dma source(%dma_start3A_38 : memref<16x128xf32, #tpu.memory_space<vmem>>) target(%dma_start3A_44 : memref<10000x128xf32, #tpu.memory_space<vmem_shared>>) offsets(%dma_start3A_41 : memref<16xi32, #tpu.memory_space<vmem>>) semaphore(%run_scoped3A_36 : memref<!tpu.dma_semaphore, #tpu.memory_space<semaphore_mem>>) {add = true}
        %dma_wait3A = arith.constant 0 : i32
        %dma_wait3A_45 = arith.constant 0 : i32
        %dma_wait3A_46 = tpu.memref_slice %arg7[%dma_wait3A, %dma_wait3A_45] : memref<128x128xf32, #tpu.memory_space<vmem>> -> memref<16x128xf32, #tpu.memory_space<vmem>>
        %dma_wait3A_47 = arith.constant 0 : i32
        %dma_wait3A_48 = tpu.memref_slice %arg6[%run_scoped3A, %dma_wait3A_47] : memref<8x16xi32, #tpu.memory_space<vmem>> -> memref<1x16xi32, #tpu.memory_space<vmem>>
        %dma_wait3A_49 = tpu.memref_squeeze %dma_wait3A_48 : memref<1x16xi32, #tpu.memory_space<vmem>> -> memref<16xi32, #tpu.memory_space<vmem>>
        %dma_wait3A_50 = arith.constant 0 : i32
        %dma_wait3A_51 = arith.constant 0 : i32
        %dma_wait3A_52 = tpu.memref_slice %arg8[%dma_wait3A_50, %dma_wait3A_51] : memref<10000x128xf32, #tpu.memory_space<vmem_shared>> -> memref<10000x128xf32, #tpu.memory_space<vmem_shared>>
        tpu.wait_indirect_dma semaphore(%run_scoped3A_36 : memref<!tpu.dma_semaphore, #tpu.memory_space<semaphore_mem>>) src(%dma_wait3A_46 : memref<16x128xf32, #tpu.memory_space<vmem>>) dst(%dma_wait3A_52 : memref<10000x128xf32, #tpu.memory_space<vmem_shared>>)
        tpu.yield
      }) : () -> ()
      %run_scoped3A_29 = arith.constant 1 : i32
      "tpu.region"() ({
        %run_scoped3A_36 = tpu.sem_alloc : memref<!tpu.dma_semaphore, #tpu.memory_space<semaphore_mem>>
        %dma_start3A = arith.constant 16 : i32
        %dma_start3A_37 = arith.constant 0 : i32
        %dma_start3A_38 = tpu.memref_slice %arg7[%dma_start3A, %dma_start3A_37] : memref<128x128xf32, #tpu.memory_space<vmem>> -> memref<16x128xf32, #tpu.memory_space<vmem>>
        %dma_start3A_39 = arith.constant 0 : i32
        %dma_start3A_40 = tpu.memref_slice %arg6[%run_scoped3A_29, %dma_start3A_39] : memref<8x16xi32, #tpu.memory_space<vmem>> -> memref<1x16xi32, #tpu.memory_space<vmem>>
        %dma_start3A_41 = tpu.memref_squeeze %dma_start3A_40 : memref<1x16xi32, #tpu.memory_space<vmem>> -> memref<16xi32, #tpu.memory_space<vmem>>
        %dma_start3A_42 = arith.constant 0 : i32
        %dma_start3A_43 = arith.constant 0 : i32
        %dma_start3A_44 = tpu.memref_slice %arg8[%dma_start3A_42, %dma_start3A_43] : memref<10000x128xf32, #tpu.memory_space<vmem_shared>> -> memref<10000x128xf32, #tpu.memory_space<vmem_shared>>
        tpu.enqueue_indirect_dma source(%dma_start3A_38 : memref<16x128xf32, #tpu.memory_space<vmem>>) target(%dma_start3A_44 : memref<10000x128xf32, #tpu.memory_space<vmem_shared>>) offsets(%dma_start3A_41 : memref<16xi32, #tpu.memory_space<vmem>>) semaphore(%run_scoped3A_36 : memref<!tpu.dma_semaphore, #tpu.memory_space<semaphore_mem>>) {add = true}
        %dma_wait3A = arith.constant 16 : i32
        %dma_wait3A_45 = arith.constant 0 : i32
        %dma_wait3A_46 = tpu.memref_slice %arg7[%dma_wait3A, %dma_wait3A_45] : memref<128x128xf32, #tpu.memory_space<vmem>> -> memref<16x128xf32, #tpu.memory_space<vmem>>
        %dma_wait3A_47 = arith.constant 0 : i32
        %dma_wait3A_48 = tpu.memref_slice %arg6[%run_scoped3A_29, %dma_wait3A_47] : memref<8x16xi32, #tpu.memory_space<vmem>> -> memref<1x16xi32, #tpu.memory_space<vmem>>
        %dma_wait3A_49 = tpu.memref_squeeze %dma_wait3A_48 : memref<1x16xi32, #tpu.memory_space<vmem>> -> memref<16xi32, #tpu.memory_space<vmem>>
        %dma_wait3A_50 = arith.constant 0 : i32
        %dma_wait3A_51 = arith.constant 0 : i32
        %dma_wait3A_52 = tpu.memref_slice %arg8[%dma_wait3A_50, %dma_wait3A_51] : memref<10000x128xf32, #tpu.memory_space<vmem_shared>> -> memref<10000x128xf32, #tpu.memory_space<vmem_shared>>
        tpu.wait_indirect_dma semaphore(%run_scoped3A_36 : memref<!tpu.dma_semaphore, #tpu.memory_space<semaphore_mem>>) src(%dma_wait3A_46 : memref<16x128xf32, #tpu.memory_space<vmem>>) dst(%dma_wait3A_52 : memref<10000x128xf32, #tpu.memory_space<vmem_shared>>)
        tpu.yield
      }) : () -> ()
      %run_scoped3A_30 = arith.constant 2 : i32
      "tpu.region"() ({
        %run_scoped3A_36 = tpu.sem_alloc : memref<!tpu.dma_semaphore, #tpu.memory_space<semaphore_mem>>
        %dma_start3A = arith.constant 32 : i32
        %dma_start3A_37 = arith.constant 0 : i32
        %dma_start3A_38 = tpu.memref_slice %arg7[%dma_start3A, %dma_start3A_37] : memref<128x128xf32, #tpu.memory_space<vmem>> -> memref<16x128xf32, #tpu.memory_space<vmem>>
        %dma_start3A_39 = arith.constant 0 : i32
        %dma_start3A_40 = tpu.memref_slice %arg6[%run_scoped3A_30, %dma_start3A_39] : memref<8x16xi32, #tpu.memory_space<vmem>> -> memref<1x16xi32, #tpu.memory_space<vmem>>
        %dma_start3A_41 = tpu.memref_squeeze %dma_start3A_40 : memref<1x16xi32, #tpu.memory_space<vmem>> -> memref<16xi32, #tpu.memory_space<vmem>>
        %dma_start3A_42 = arith.constant 0 : i32
        %dma_start3A_43 = arith.constant 0 : i32
        %dma_start3A_44 = tpu.memref_slice %arg8[%dma_start3A_42, %dma_start3A_43] : memref<10000x128xf32, #tpu.memory_space<vmem_shared>> -> memref<10000x128xf32, #tpu.memory_space<vmem_shared>>
        tpu.enqueue_indirect_dma source(%dma_start3A_38 : memref<16x128xf32, #tpu.memory_space<vmem>>) target(%dma_start3A_44 : memref<10000x128xf32, #tpu.memory_space<vmem_shared>>) offsets(%dma_start3A_41 : memref<16xi32, #tpu.memory_space<vmem>>) semaphore(%run_scoped3A_36 : memref<!tpu.dma_semaphore, #tpu.memory_space<semaphore_mem>>) {add = true}
        %dma_wait3A = arith.constant 32 : i32
        %dma_wait3A_45 = arith.constant 0 : i32
        %dma_wait3A_46 = tpu.memref_slice %arg7[%dma_wait3A, %dma_wait3A_45] : memref<128x128xf32, #tpu.memory_space<vmem>> -> memref<16x128xf32, #tpu.memory_space<vmem>>
        %dma_wait3A_47 = arith.constant 0 : i32
        %dma_wait3A_48 = tpu.memref_slice %arg6[%run_scoped3A_30, %dma_wait3A_47] : memref<8x16xi32, #tpu.memory_space<vmem>> -> memref<1x16xi32, #tpu.memory_space<vmem>>
        %dma_wait3A_49 = tpu.memref_squeeze %dma_wait3A_48 : memref<1x16xi32, #tpu.memory_space<vmem>> -> memref<16xi32, #tpu.memory_space<vmem>>
        %dma_wait3A_50 = arith.constant 0 : i32
        %dma_wait3A_51 = arith.constant 0 : i32
        %dma_wait3A_52 = tpu.memref_slice %arg8[%dma_wait3A_50, %dma_wait3A_51] : memref<10000x128xf32, #tpu.memory_space<vmem_shared>> -> memref<10000x128xf32, #tpu.memory_space<vmem_shared>>
        tpu.wait_indirect_dma semaphore(%run_scoped3A_36 : memref<!tpu.dma_semaphore, #tpu.memory_space<semaphore_mem>>) src(%dma_wait3A_46 : memref<16x128xf32, #tpu.memory_space<vmem>>) dst(%dma_wait3A_52 : memref<10000x128xf32, #tpu.memory_space<vmem_shared>>)
        tpu.yield
      }) : () -> ()
      %run_scoped3A_31 = arith.constant 3 : i32
      "tpu.region"() ({
        %run_scoped3A_36 = tpu.sem_alloc : memref<!tpu.dma_semaphore, #tpu.memory_space<semaphore_mem>>
        %dma_start3A = arith.constant 48 : i32
        %dma_start3A_37 = arith.constant 0 : i32
        %dma_start3A_38 = tpu.memref_slice %arg7[%dma_start3A, %dma_start3A_37] : memref<128x128xf32, #tpu.memory_space<vmem>> -> memref<16x128xf32, #tpu.memory_space<vmem>>
        %dma_start3A_39 = arith.constant 0 : i32
        %dma_start3A_40 = tpu.memref_slice %arg6[%run_scoped3A_31, %dma_start3A_39] : memref<8x16xi32, #tpu.memory_space<vmem>> -> memref<1x16xi32, #tpu.memory_space<vmem>>
        %dma_start3A_41 = tpu.memref_squeeze %dma_start3A_40 : memref<1x16xi32, #tpu.memory_space<vmem>> -> memref<16xi32, #tpu.memory_space<vmem>>
        %dma_start3A_42 = arith.constant 0 : i32
        %dma_start3A_43 = arith.constant 0 : i32
        %dma_start3A_44 = tpu.memref_slice %arg8[%dma_start3A_42, %dma_start3A_43] : memref<10000x128xf32, #tpu.memory_space<vmem_shared>> -> memref<10000x128xf32, #tpu.memory_space<vmem_shared>>
        tpu.enqueue_indirect_dma source(%dma_start3A_38 : memref<16x128xf32, #tpu.memory_space<vmem>>) target(%dma_start3A_44 : memref<10000x128xf32, #tpu.memory_space<vmem_shared>>) offsets(%dma_start3A_41 : memref<16xi32, #tpu.memory_space<vmem>>) semaphore(%run_scoped3A_36 : memref<!tpu.dma_semaphore, #tpu.memory_space<semaphore_mem>>) {add = true}
        %dma_wait3A = arith.constant 48 : i32
        %dma_wait3A_45 = arith.constant 0 : i32
        %dma_wait3A_46 = tpu.memref_slice %arg7[%dma_wait3A, %dma_wait3A_45] : memref<128x128xf32, #tpu.memory_space<vmem>> -> memref<16x128xf32, #tpu.memory_space<vmem>>
        %dma_wait3A_47 = arith.constant 0 : i32
        %dma_wait3A_48 = tpu.memref_slice %arg6[%run_scoped3A_31, %dma_wait3A_47] : memref<8x16xi32, #tpu.memory_space<vmem>> -> memref<1x16xi32, #tpu.memory_space<vmem>>
        %dma_wait3A_49 = tpu.memref_squeeze %dma_wait3A_48 : memref<1x16xi32, #tpu.memory_space<vmem>> -> memref<16xi32, #tpu.memory_space<vmem>>
        %dma_wait3A_50 = arith.constant 0 : i32
        %dma_wait3A_51 = arith.constant 0 : i32
        %dma_wait3A_52 = tpu.memref_slice %arg8[%dma_wait3A_50, %dma_wait3A_51] : memref<10000x128xf32, #tpu.memory_space<vmem_shared>> -> memref<10000x128xf32, #tpu.memory_space<vmem_shared>>
        tpu.wait_indirect_dma semaphore(%run_scoped3A_36 : memref<!tpu.dma_semaphore, #tpu.memory_space<semaphore_mem>>) src(%dma_wait3A_46 : memref<16x128xf32, #tpu.memory_space<vmem>>) dst(%dma_wait3A_52 : memref<10000x128xf32, #tpu.memory_space<vmem_shared>>)
        tpu.yield
      }) : () -> ()
      %run_scoped3A_32 = arith.constant 4 : i32
      "tpu.region"() ({
        %run_scoped3A_36 = tpu.sem_alloc : memref<!tpu.dma_semaphore, #tpu.memory_space<semaphore_mem>>
        %dma_start3A = arith.constant 64 : i32
        %dma_start3A_37 = arith.constant 0 : i32
        %dma_start3A_38 = tpu.memref_slice %arg7[%dma_start3A, %dma_start3A_37] : memref<128x128xf32, #tpu.memory_space<vmem>> -> memref<16x128xf32, #tpu.memory_space<vmem>>
        %dma_start3A_39 = arith.constant 0 : i32
        %dma_start3A_40 = tpu.memref_slice %arg6[%run_scoped3A_32, %dma_start3A_39] : memref<8x16xi32, #tpu.memory_space<vmem>> -> memref<1x16xi32, #tpu.memory_space<vmem>>
        %dma_start3A_41 = tpu.memref_squeeze %dma_start3A_40 : memref<1x16xi32, #tpu.memory_space<vmem>> -> memref<16xi32, #tpu.memory_space<vmem>>
        %dma_start3A_42 = arith.constant 0 : i32
        %dma_start3A_43 = arith.constant 0 : i32
        %dma_start3A_44 = tpu.memref_slice %arg8[%dma_start3A_42, %dma_start3A_43] : memref<10000x128xf32, #tpu.memory_space<vmem_shared>> -> memref<10000x128xf32, #tpu.memory_space<vmem_shared>>
        tpu.enqueue_indirect_dma source(%dma_start3A_38 : memref<16x128xf32, #tpu.memory_space<vmem>>) target(%dma_start3A_44 : memref<10000x128xf32, #tpu.memory_space<vmem_shared>>) offsets(%dma_start3A_41 : memref<16xi32, #tpu.memory_space<vmem>>) semaphore(%run_scoped3A_36 : memref<!tpu.dma_semaphore, #tpu.memory_space<semaphore_mem>>) {add = true}
        %dma_wait3A = arith.constant 64 : i32
        %dma_wait3A_45 = arith.constant 0 : i32
        %dma_wait3A_46 = tpu.memref_slice %arg7[%dma_wait3A, %dma_wait3A_45] : memref<128x128xf32, #tpu.memory_space<vmem>> -> memref<16x128xf32, #tpu.memory_space<vmem>>
        %dma_wait3A_47 = arith.constant 0 : i32
        %dma_wait3A_48 = tpu.memref_slice %arg6[%run_scoped3A_32, %dma_wait3A_47] : memref<8x16xi32, #tpu.memory_space<vmem>> -> memref<1x16xi32, #tpu.memory_space<vmem>>
        %dma_wait3A_49 = tpu.memref_squeeze %dma_wait3A_48 : memref<1x16xi32, #tpu.memory_space<vmem>> -> memref<16xi32, #tpu.memory_space<vmem>>
        %dma_wait3A_50 = arith.constant 0 : i32
        %dma_wait3A_51 = arith.constant 0 : i32
        %dma_wait3A_52 = tpu.memref_slice %arg8[%dma_wait3A_50, %dma_wait3A_51] : memref<10000x128xf32, #tpu.memory_space<vmem_shared>> -> memref<10000x128xf32, #tpu.memory_space<vmem_shared>>
        tpu.wait_indirect_dma semaphore(%run_scoped3A_36 : memref<!tpu.dma_semaphore, #tpu.memory_space<semaphore_mem>>) src(%dma_wait3A_46 : memref<16x128xf32, #tpu.memory_space<vmem>>) dst(%dma_wait3A_52 : memref<10000x128xf32, #tpu.memory_space<vmem_shared>>)
        tpu.yield
      }) : () -> ()
      %run_scoped3A_33 = arith.constant 5 : i32
      "tpu.region"() ({
        %run_scoped3A_36 = tpu.sem_alloc : memref<!tpu.dma_semaphore, #tpu.memory_space<semaphore_mem>>
        %dma_start3A = arith.constant 80 : i32
        %dma_start3A_37 = arith.constant 0 : i32
        %dma_start3A_38 = tpu.memref_slice %arg7[%dma_start3A, %dma_start3A_37] : memref<128x128xf32, #tpu.memory_space<vmem>> -> memref<16x128xf32, #tpu.memory_space<vmem>>
        %dma_start3A_39 = arith.constant 0 : i32
        %dma_start3A_40 = tpu.memref_slice %arg6[%run_scoped3A_33, %dma_start3A_39] : memref<8x16xi32, #tpu.memory_space<vmem>> -> memref<1x16xi32, #tpu.memory_space<vmem>>
        %dma_start3A_41 = tpu.memref_squeeze %dma_start3A_40 : memref<1x16xi32, #tpu.memory_space<vmem>> -> memref<16xi32, #tpu.memory_space<vmem>>
        %dma_start3A_42 = arith.constant 0 : i32
        %dma_start3A_43 = arith.constant 0 : i32
        %dma_start3A_44 = tpu.memref_slice %arg8[%dma_start3A_42, %dma_start3A_43] : memref<10000x128xf32, #tpu.memory_space<vmem_shared>> -> memref<10000x128xf32, #tpu.memory_space<vmem_shared>>
        tpu.enqueue_indirect_dma source(%dma_start3A_38 : memref<16x128xf32, #tpu.memory_space<vmem>>) target(%dma_start3A_44 : memref<10000x128xf32, #tpu.memory_space<vmem_shared>>) offsets(%dma_start3A_41 : memref<16xi32, #tpu.memory_space<vmem>>) semaphore(%run_scoped3A_36 : memref<!tpu.dma_semaphore, #tpu.memory_space<semaphore_mem>>) {add = true}
        %dma_wait3A = arith.constant 80 : i32
        %dma_wait3A_45 = arith.constant 0 : i32
        %dma_wait3A_46 = tpu.memref_slice %arg7[%dma_wait3A, %dma_wait3A_45] : memref<128x128xf32, #tpu.memory_space<vmem>> -> memref<16x128xf32, #tpu.memory_space<vmem>>
        %dma_wait3A_47 = arith.constant 0 : i32
        %dma_wait3A_48 = tpu.memref_slice %arg6[%run_scoped3A_33, %dma_wait3A_47] : memref<8x16xi32, #tpu.memory_space<vmem>> -> memref<1x16xi32, #tpu.memory_space<vmem>>
        %dma_wait3A_49 = tpu.memref_squeeze %dma_wait3A_48 : memref<1x16xi32, #tpu.memory_space<vmem>> -> memref<16xi32, #tpu.memory_space<vmem>>
        %dma_wait3A_50 = arith.constant 0 : i32
        %dma_wait3A_51 = arith.constant 0 : i32
        %dma_wait3A_52 = tpu.memref_slice %arg8[%dma_wait3A_50, %dma_wait3A_51] : memref<10000x128xf32, #tpu.memory_space<vmem_shared>> -> memref<10000x128xf32, #tpu.memory_space<vmem_shared>>
        tpu.wait_indirect_dma semaphore(%run_scoped3A_36 : memref<!tpu.dma_semaphore, #tpu.memory_space<semaphore_mem>>) src(%dma_wait3A_46 : memref<16x128xf32, #tpu.memory_space<vmem>>) dst(%dma_wait3A_52 : memref<10000x128xf32, #tpu.memory_space<vmem_shared>>)
        tpu.yield
      }) : () -> ()
      %run_scoped3A_34 = arith.constant 6 : i32
      "tpu.region"() ({
        %run_scoped3A_36 = tpu.sem_alloc : memref<!tpu.dma_semaphore, #tpu.memory_space<semaphore_mem>>
        %dma_start3A = arith.constant 96 : i32
        %dma_start3A_37 = arith.constant 0 : i32
        %dma_start3A_38 = tpu.memref_slice %arg7[%dma_start3A, %dma_start3A_37] : memref<128x128xf32, #tpu.memory_space<vmem>> -> memref<16x128xf32, #tpu.memory_space<vmem>>
        %dma_start3A_39 = arith.constant 0 : i32
        %dma_start3A_40 = tpu.memref_slice %arg6[%run_scoped3A_34, %dma_start3A_39] : memref<8x16xi32, #tpu.memory_space<vmem>> -> memref<1x16xi32, #tpu.memory_space<vmem>>
        %dma_start3A_41 = tpu.memref_squeeze %dma_start3A_40 : memref<1x16xi32, #tpu.memory_space<vmem>> -> memref<16xi32, #tpu.memory_space<vmem>>
        %dma_start3A_42 = arith.constant 0 : i32
        %dma_start3A_43 = arith.constant 0 : i32
        %dma_start3A_44 = tpu.memref_slice %arg8[%dma_start3A_42, %dma_start3A_43] : memref<10000x128xf32, #tpu.memory_space<vmem_shared>> -> memref<10000x128xf32, #tpu.memory_space<vmem_shared>>
        tpu.enqueue_indirect_dma source(%dma_start3A_38 : memref<16x128xf32, #tpu.memory_space<vmem>>) target(%dma_start3A_44 : memref<10000x128xf32, #tpu.memory_space<vmem_shared>>) offsets(%dma_start3A_41 : memref<16xi32, #tpu.memory_space<vmem>>) semaphore(%run_scoped3A_36 : memref<!tpu.dma_semaphore, #tpu.memory_space<semaphore_mem>>) {add = true}
        %dma_wait3A = arith.constant 96 : i32
        %dma_wait3A_45 = arith.constant 0 : i32
        %dma_wait3A_46 = tpu.memref_slice %arg7[%dma_wait3A, %dma_wait3A_45] : memref<128x128xf32, #tpu.memory_space<vmem>> -> memref<16x128xf32, #tpu.memory_space<vmem>>
        %dma_wait3A_47 = arith.constant 0 : i32
        %dma_wait3A_48 = tpu.memref_slice %arg6[%run_scoped3A_34, %dma_wait3A_47] : memref<8x16xi32, #tpu.memory_space<vmem>> -> memref<1x16xi32, #tpu.memory_space<vmem>>
        %dma_wait3A_49 = tpu.memref_squeeze %dma_wait3A_48 : memref<1x16xi32, #tpu.memory_space<vmem>> -> memref<16xi32, #tpu.memory_space<vmem>>
        %dma_wait3A_50 = arith.constant 0 : i32
        %dma_wait3A_51 = arith.constant 0 : i32
        %dma_wait3A_52 = tpu.memref_slice %arg8[%dma_wait3A_50, %dma_wait3A_51] : memref<10000x128xf32, #tpu.memory_space<vmem_shared>> -> memref<10000x128xf32, #tpu.memory_space<vmem_shared>>
        tpu.wait_indirect_dma semaphore(%run_scoped3A_36 : memref<!tpu.dma_semaphore, #tpu.memory_space<semaphore_mem>>) src(%dma_wait3A_46 : memref<16x128xf32, #tpu.memory_space<vmem>>) dst(%dma_wait3A_52 : memref<10000x128xf32, #tpu.memory_space<vmem_shared>>)
        tpu.yield
      }) : () -> ()
      %run_scoped3A_35 = arith.constant 7 : i32
      "tpu.region"() ({
        %run_scoped3A_36 = tpu.sem_alloc : memref<!tpu.dma_semaphore, #tpu.memory_space<semaphore_mem>>
        %dma_start3A = arith.constant 112 : i32
        %dma_start3A_37 = arith.constant 0 : i32
        %dma_start3A_38 = tpu.memref_slice %arg7[%dma_start3A, %dma_start3A_37] : memref<128x128xf32, #tpu.memory_space<vmem>> -> memref<16x128xf32, #tpu.memory_space<vmem>>
        %dma_start3A_39 = arith.constant 0 : i32
        %dma_start3A_40 = tpu.memref_slice %arg6[%run_scoped3A_35, %dma_start3A_39] : memref<8x16xi32, #tpu.memory_space<vmem>> -> memref<1x16xi32, #tpu.memory_space<vmem>>
        %dma_start3A_41 = tpu.memref_squeeze %dma_start3A_40 : memref<1x16xi32, #tpu.memory_space<vmem>> -> memref<16xi32, #tpu.memory_space<vmem>>
        %dma_start3A_42 = arith.constant 0 : i32
        %dma_start3A_43 = arith.constant 0 : i32
        %dma_start3A_44 = tpu.memref_slice %arg8[%dma_start3A_42, %dma_start3A_43] : memref<10000x128xf32, #tpu.memory_space<vmem_shared>> -> memref<10000x128xf32, #tpu.memory_space<vmem_shared>>
        tpu.enqueue_indirect_dma source(%dma_start3A_38 : memref<16x128xf32, #tpu.memory_space<vmem>>) target(%dma_start3A_44 : memref<10000x128xf32, #tpu.memory_space<vmem_shared>>) offsets(%dma_start3A_41 : memref<16xi32, #tpu.memory_space<vmem>>) semaphore(%run_scoped3A_36 : memref<!tpu.dma_semaphore, #tpu.memory_space<semaphore_mem>>) {add = true}
        %dma_wait3A = arith.constant 112 : i32
        %dma_wait3A_45 = arith.constant 0 : i32
        %dma_wait3A_46 = tpu.memref_slice %arg7[%dma_wait3A, %dma_wait3A_45] : memref<128x128xf32, #tpu.memory_space<vmem>> -> memref<16x128xf32, #tpu.memory_space<vmem>>
        %dma_wait3A_47 = arith.constant 0 : i32
        %dma_wait3A_48 = tpu.memref_slice %arg6[%run_scoped3A_35, %dma_wait3A_47] : memref<8x16xi32, #tpu.memory_space<vmem>> -> memref<1x16xi32, #tpu.memory_space<vmem>>
        %dma_wait3A_49 = tpu.memref_squeeze %dma_wait3A_48 : memref<1x16xi32, #tpu.memory_space<vmem>> -> memref<16xi32, #tpu.memory_space<vmem>>
        %dma_wait3A_50 = arith.constant 0 : i32
        %dma_wait3A_51 = arith.constant 0 : i32
        %dma_wait3A_52 = tpu.memref_slice %arg8[%dma_wait3A_50, %dma_wait3A_51] : memref<10000x128xf32, #tpu.memory_space<vmem_shared>> -> memref<10000x128xf32, #tpu.memory_space<vmem_shared>>
        tpu.wait_indirect_dma semaphore(%run_scoped3A_36 : memref<!tpu.dma_semaphore, #tpu.memory_space<semaphore_mem>>) src(%dma_wait3A_46 : memref<16x128xf32, #tpu.memory_space<vmem>>) dst(%dma_wait3A_52 : memref<10000x128xf32, #tpu.memory_space<vmem_shared>>)
        tpu.yield
      }) : () -> ()
    }
    %barrier3A_20 = arith.constant 0 : index
    tpu.barrier barrier_id(%barrier3A_20)
    "tpu.region"() ({
      %run_scoped3A = tpu.sem_alloc : memref<!tpu.dma_semaphore, #tpu.memory_space<semaphore_mem>>
      %dma_start3A = arith.constant 0 : i32
      %dma_start3A_21 = tpu.memref_slice %arg5[%arg0, %mul3A_2, %dma_start3A] <%select_n3A> : memref<2x10000x128xf32, #tpu.memory_space<hbm>> -> memref<1x?x128xf32, #tpu.memory_space<hbm>>
      %dma_start3A_22 = tpu.memref_squeeze %dma_start3A_21 : memref<1x?x128xf32, #tpu.memory_space<hbm>> -> memref<?x128xf32, #tpu.memory_space<hbm>>
      %dma_start3A_23 = arith.constant 0 : i32
      %dma_start3A_24 = tpu.memref_slice %arg8[%mul3A_2, %dma_start3A_23] <%select_n3A> : memref<10000x128xf32, #tpu.memory_space<vmem_shared>> -> memref<?x128xf32, #tpu.memory_space<vmem_shared>>
      tpu.enqueue_dma source(%dma_start3A_24 : memref<?x128xf32, #tpu.memory_space<vmem_shared>>) target(%dma_start3A_22 : memref<?x128xf32, #tpu.memory_space<hbm>>) target_semaphore(%run_scoped3A : memref<!tpu.dma_semaphore, #tpu.memory_space<semaphore_mem>>)
      %dma_wait3A = arith.constant 0 : i32
      %dma_wait3A_25 = tpu.memref_slice %arg5[%arg0, %mul3A_2, %dma_wait3A] <%select_n3A> : memref<2x10000x128xf32, #tpu.memory_space<hbm>> -> memref<1x?x128xf32, #tpu.memory_space<hbm>>
      %dma_wait3A_26 = tpu.memref_squeeze %dma_wait3A_25 : memref<1x?x128xf32, #tpu.memory_space<hbm>> -> memref<?x128xf32, #tpu.memory_space<hbm>>
      %dma_wait3A_27 = arith.constant 0 : i32
      %dma_wait3A_28 = tpu.memref_slice %arg8[%mul3A_2, %dma_wait3A_27] <%select_n3A> : memref<10000x128xf32, #tpu.memory_space<vmem_shared>> -> memref<?x128xf32, #tpu.memory_space<vmem_shared>>
      tpu.wait_dma2 semaphore(%run_scoped3A : memref<!tpu.dma_semaphore, #tpu.memory_space<semaphore_mem>>) src(%dma_wait3A_28 : memref<?x128xf32, #tpu.memory_space<vmem_shared>>) dst(%dma_wait3A_26 : memref<?x128xf32, #tpu.memory_space<hbm>>)
      tpu.yield
    }) : () -> ()
    return
  }
}

#map = affine_map<(d0, d1) -> (0)>
#map1 = affine_map<(d0, d1) -> (0, 0)>
#map2 = affine_map<(d0, d1) -> (0, 0, 0)>
module attributes {stable_mosaic.version = 14 : i64} {
  func.func @_cscatter_kernel(%arg0: i32, %arg1: i32, %arg2: memref<320000xf32, #tpu.memory_space<hbm>>, %arg3: memref<320000x16xf32, #tpu.memory_space<hbm>>, %arg4: memref<20000x16xi32, #tpu.memory_space<hbm>>, %arg5: memref<20000x16xi32, #tpu.memory_space<hbm>>, %arg6: memref<632x128xf32, #tpu.memory_space<hbm>>, %arg7: memref<2x1280x128xf32, #tpu.memory_space<hbm>>, %arg8: memref<8x16xi32, #tpu.memory_space<vmem>>, %arg9: memref<8x16xi32, #tpu.memory_space<vmem>>, %arg10: memref<128x128xf32, #tpu.memory_space<vmem>>, %arg11: memref<128x16xf32, #tpu.memory_space<vmem>>, %arg12: memref<128xf32, #tpu.memory_space<vmem>>, %arg13: memref<1280x128xf32, #tpu.memory_space<vmem_shared>>, %arg14: memref<!tpu.dma_semaphore, #tpu.memory_space<semaphore_mem>>) attributes {dimension_semantics = [#tpu.dimension_semantics<core_parallel>, #tpu.dimension_semantics<subcore_parallel>], iteration_bounds = array<i64: 2, 16>, scalar_prefetch = 0 : i64, scratch_operands = 7 : i64, tpu.core_type = #tpu.core_type<sc_vector_subcore>, window_params = [{transform_indices = #map}, {transform_indices = #map1}, {transform_indices = #map1}, {transform_indices = #map1}, {transform_indices = #map1}, {transform_indices = #map2}]} {
    %mul3A = arith.constant 2 : i32
    %mul3A_0 = arith.muli %arg1, %mul3A : i32
    %add3A = arith.addi %mul3A_0, %arg0 : i32
    %mul3A_1 = arith.constant 80 : i32
    %mul3A_2 = arith.muli %arg1, %mul3A_1 : i32
    "tpu.region"() ({
      %run_scoped3A = tpu.sem_alloc : memref<!tpu.dma_semaphore, #tpu.memory_space<semaphore_mem>>
      %dma_start3A = arith.constant 0 : i32
      %dma_start3A_18 = tpu.memref_slice %arg13[%mul3A_2, %dma_start3A] : memref<1280x128xf32, #tpu.memory_space<vmem_shared>> -> memref<80x128xf32, #tpu.memory_space<vmem_shared>>
      %dma_start3A_19 = arith.constant 0 : i32
      %dma_start3A_20 = arith.constant 0 : i32
      %dma_start3A_21 = tpu.memref_slice %arg6[%dma_start3A_19, %dma_start3A_20] : memref<632x128xf32, #tpu.memory_space<hbm>> -> memref<80x128xf32, #tpu.memory_space<hbm>>
      tpu.enqueue_dma source(%dma_start3A_21 : memref<80x128xf32, #tpu.memory_space<hbm>>) target(%dma_start3A_18 : memref<80x128xf32, #tpu.memory_space<vmem_shared>>) target_semaphore(%run_scoped3A : memref<!tpu.dma_semaphore, #tpu.memory_space<semaphore_mem>>)
      %dma_wait3A = arith.constant 0 : i32
      %dma_wait3A_22 = tpu.memref_slice %arg13[%mul3A_2, %dma_wait3A] : memref<1280x128xf32, #tpu.memory_space<vmem_shared>> -> memref<80x128xf32, #tpu.memory_space<vmem_shared>>
      %dma_wait3A_23 = arith.constant 0 : i32
      %dma_wait3A_24 = arith.constant 0 : i32
      %dma_wait3A_25 = tpu.memref_slice %arg6[%dma_wait3A_23, %dma_wait3A_24] : memref<632x128xf32, #tpu.memory_space<hbm>> -> memref<80x128xf32, #tpu.memory_space<hbm>>
      tpu.wait_dma2 semaphore(%run_scoped3A : memref<!tpu.dma_semaphore, #tpu.memory_space<semaphore_mem>>) src(%dma_wait3A_25 : memref<80x128xf32, #tpu.memory_space<hbm>>) dst(%dma_wait3A_22 : memref<80x128xf32, #tpu.memory_space<vmem_shared>>)
      tpu.yield
    }) : () -> ()
    "tpu.region"() ({
      %run_scoped3A = tpu.sem_alloc : memref<!tpu.dma_semaphore, #tpu.memory_space<semaphore_mem>>
      %dma_start3A = arith.constant 0 : i32
      %dma_start3A_18 = arith.constant 0 : i32
      %dma_start3A_19 = tpu.memref_slice %arg6[%dma_start3A, %dma_start3A_18] : memref<632x128xf32, #tpu.memory_space<hbm>> -> memref<128x128xf32, #tpu.memory_space<hbm>>
      %dma_start3A_20 = arith.constant 0 : i32
      %dma_start3A_21 = arith.constant 0 : i32
      %dma_start3A_22 = tpu.memref_slice %arg6[%dma_start3A_20, %dma_start3A_21] : memref<632x128xf32, #tpu.memory_space<hbm>> -> memref<128x128xf32, #tpu.memory_space<hbm>>
      tpu.enqueue_dma source(%dma_start3A_22 : memref<128x128xf32, #tpu.memory_space<hbm>>) target(%arg10 : memref<128x128xf32, #tpu.memory_space<vmem>>) target_semaphore(%run_scoped3A : memref<!tpu.dma_semaphore, #tpu.memory_space<semaphore_mem>>)
      %dma_wait3A = arith.constant 0 : i32
      %dma_wait3A_23 = arith.constant 0 : i32
      %dma_wait3A_24 = tpu.memref_slice %arg6[%dma_wait3A, %dma_wait3A_23] : memref<632x128xf32, #tpu.memory_space<hbm>> -> memref<128x128xf32, #tpu.memory_space<hbm>>
      %dma_wait3A_25 = arith.constant 0 : i32
      %dma_wait3A_26 = arith.constant 0 : i32
      %dma_wait3A_27 = tpu.memref_slice %arg6[%dma_wait3A_25, %dma_wait3A_26] : memref<632x128xf32, #tpu.memory_space<hbm>> -> memref<128x128xf32, #tpu.memory_space<hbm>>
      tpu.wait_dma2 semaphore(%run_scoped3A : memref<!tpu.dma_semaphore, #tpu.memory_space<semaphore_mem>>) src(%dma_wait3A_27 : memref<128x128xf32, #tpu.memory_space<hbm>>) dst(%arg10 : memref<128x128xf32, #tpu.memory_space<vmem>>)
      tpu.yield
    }) : () -> ()
    %barrier3A = arith.constant 0 : index
    tpu.barrier barrier_id(%barrier3A)
    %lt3A = arith.constant 4 : i32
    %lt3A_3 = arith.cmpi slt, %add3A, %lt3A : i32
    %jit3A = arith.constant 1 : i32
    %jit3A_4 = arith.constant 0 : i32
    %select_n3A = arith.select %lt3A_3, %jit3A, %jit3A_4 : i32
    %add3A_5 = arith.constant 78 : i32
    %add3A_6 = arith.addi %add3A_5, %select_n3A : i32
    %iota3A = tpu.iota {dimensions = array<i32: 0>} : vector<16xi32>
    %broadcast_in_dim3A = arith.constant 0.000000e+00 : f32
    %broadcast_in_dim3A_7 = vector.broadcast %broadcast_in_dim3A : f32 to vector<16xf32>
    %while3A = arith.constant 0 : i32
    %while3A_8 = arith.constant 0 : i32
    %while3A_9 = arith.subi %add3A_6, %while3A_8 : i32
    %while3A_10 = arith.addi %while3A_8, %while3A_9 : i32
    %while3A_11 = arith.constant 1 : i32
    %while3A_12 = arith.divsi %while3A_9, %while3A_11 : i32
    %while3A_13 = arith.muli %while3A_12, %while3A_11 : i32
    %while3A_14 = arith.addi %while3A_8, %while3A_13 : i32
    %while3A_15 = arith.constant 1 : i32
    scf.for %while3A_18 = %while3A_8 to %while3A_14 step %while3A_15  : i32 {
      %mul3A_19 = arith.constant 32 : i32
      %mul3A_20 = arith.muli %while3A_18, %mul3A_19 : i32
      %add3A_21 = arith.addi %add3A, %mul3A_20 : i32
      %mul3A_22 = arith.constant 8 : i32
      %mul3A_23 = arith.muli %add3A_21, %mul3A_22 : i32
      %mul3A_24 = arith.constant 128 : i32
      %mul3A_25 = arith.muli %add3A_21, %mul3A_24 : i32
      "tpu.region"() ({
        %run_scoped3A_494 = tpu.sem_alloc : memref<!tpu.dma_semaphore, #tpu.memory_space<semaphore_mem>>
        %dma_start3A = arith.constant 0 : i32
        %dma_start3A_495 = tpu.memref_slice %arg4[%mul3A_23, %dma_start3A] : memref<20000x16xi32, #tpu.memory_space<hbm>> -> memref<8x16xi32, #tpu.memory_space<hbm>>
        %dma_start3A_496 = arith.constant 0 : i32
        %dma_start3A_497 = tpu.memref_slice %arg4[%mul3A_23, %dma_start3A_496] : memref<20000x16xi32, #tpu.memory_space<hbm>> -> memref<8x16xi32, #tpu.memory_space<hbm>>
        tpu.enqueue_dma source(%dma_start3A_497 : memref<8x16xi32, #tpu.memory_space<hbm>>) target(%arg8 : memref<8x16xi32, #tpu.memory_space<vmem>>) target_semaphore(%run_scoped3A_494 : memref<!tpu.dma_semaphore, #tpu.memory_space<semaphore_mem>>)
        %dma_wait3A = arith.constant 0 : i32
        %dma_wait3A_498 = tpu.memref_slice %arg4[%mul3A_23, %dma_wait3A] : memref<20000x16xi32, #tpu.memory_space<hbm>> -> memref<8x16xi32, #tpu.memory_space<hbm>>
        %dma_wait3A_499 = arith.constant 0 : i32
        %dma_wait3A_500 = tpu.memref_slice %arg4[%mul3A_23, %dma_wait3A_499] : memref<20000x16xi32, #tpu.memory_space<hbm>> -> memref<8x16xi32, #tpu.memory_space<hbm>>
        tpu.wait_dma2 semaphore(%run_scoped3A_494 : memref<!tpu.dma_semaphore, #tpu.memory_space<semaphore_mem>>) src(%dma_wait3A_500 : memref<8x16xi32, #tpu.memory_space<hbm>>) dst(%arg8 : memref<8x16xi32, #tpu.memory_space<vmem>>)
        tpu.yield
      }) : () -> ()
      "tpu.region"() ({
        %run_scoped3A_494 = tpu.sem_alloc : memref<!tpu.dma_semaphore, #tpu.memory_space<semaphore_mem>>
        %dma_start3A = arith.constant 0 : i32
        %dma_start3A_495 = tpu.memref_slice %arg5[%mul3A_23, %dma_start3A] : memref<20000x16xi32, #tpu.memory_space<hbm>> -> memref<8x16xi32, #tpu.memory_space<hbm>>
        %dma_start3A_496 = arith.constant 0 : i32
        %dma_start3A_497 = tpu.memref_slice %arg5[%mul3A_23, %dma_start3A_496] : memref<20000x16xi32, #tpu.memory_space<hbm>> -> memref<8x16xi32, #tpu.memory_space<hbm>>
        tpu.enqueue_dma source(%dma_start3A_497 : memref<8x16xi32, #tpu.memory_space<hbm>>) target(%arg9 : memref<8x16xi32, #tpu.memory_space<vmem>>) target_semaphore(%run_scoped3A_494 : memref<!tpu.dma_semaphore, #tpu.memory_space<semaphore_mem>>)
        %dma_wait3A = arith.constant 0 : i32
        %dma_wait3A_498 = tpu.memref_slice %arg5[%mul3A_23, %dma_wait3A] : memref<20000x16xi32, #tpu.memory_space<hbm>> -> memref<8x16xi32, #tpu.memory_space<hbm>>
        %dma_wait3A_499 = arith.constant 0 : i32
        %dma_wait3A_500 = tpu.memref_slice %arg5[%mul3A_23, %dma_wait3A_499] : memref<20000x16xi32, #tpu.memory_space<hbm>> -> memref<8x16xi32, #tpu.memory_space<hbm>>
        tpu.wait_dma2 semaphore(%run_scoped3A_494 : memref<!tpu.dma_semaphore, #tpu.memory_space<semaphore_mem>>) src(%dma_wait3A_500 : memref<8x16xi32, #tpu.memory_space<hbm>>) dst(%arg9 : memref<8x16xi32, #tpu.memory_space<vmem>>)
        tpu.yield
      }) : () -> ()
      "tpu.region"() ({
        %run_scoped3A_494 = tpu.sem_alloc : memref<!tpu.dma_semaphore, #tpu.memory_space<semaphore_mem>>
        %dma_start3A = arith.constant 0 : i32
        %dma_start3A_495 = tpu.memref_slice %arg3[%mul3A_25, %dma_start3A] : memref<320000x16xf32, #tpu.memory_space<hbm>> -> memref<128x16xf32, #tpu.memory_space<hbm>>
        %dma_start3A_496 = arith.constant 0 : i32
        %dma_start3A_497 = tpu.memref_slice %arg3[%mul3A_25, %dma_start3A_496] : memref<320000x16xf32, #tpu.memory_space<hbm>> -> memref<128x16xf32, #tpu.memory_space<hbm>>
        tpu.enqueue_dma source(%dma_start3A_497 : memref<128x16xf32, #tpu.memory_space<hbm>>) target(%arg11 : memref<128x16xf32, #tpu.memory_space<vmem>>) target_semaphore(%run_scoped3A_494 : memref<!tpu.dma_semaphore, #tpu.memory_space<semaphore_mem>>)
        %dma_wait3A = arith.constant 0 : i32
        %dma_wait3A_498 = tpu.memref_slice %arg3[%mul3A_25, %dma_wait3A] : memref<320000x16xf32, #tpu.memory_space<hbm>> -> memref<128x16xf32, #tpu.memory_space<hbm>>
        %dma_wait3A_499 = arith.constant 0 : i32
        %dma_wait3A_500 = tpu.memref_slice %arg3[%mul3A_25, %dma_wait3A_499] : memref<320000x16xf32, #tpu.memory_space<hbm>> -> memref<128x16xf32, #tpu.memory_space<hbm>>
        tpu.wait_dma2 semaphore(%run_scoped3A_494 : memref<!tpu.dma_semaphore, #tpu.memory_space<semaphore_mem>>) src(%dma_wait3A_500 : memref<128x16xf32, #tpu.memory_space<hbm>>) dst(%arg11 : memref<128x16xf32, #tpu.memory_space<vmem>>)
        tpu.yield
      }) : () -> ()
      "tpu.region"() ({
        %run_scoped3A_494 = tpu.sem_alloc : memref<!tpu.dma_semaphore, #tpu.memory_space<semaphore_mem>>
        %dma_start3A = tpu.memref_slice %arg2[%mul3A_25] : memref<320000xf32, #tpu.memory_space<hbm>> -> memref<128xf32, #tpu.memory_space<hbm>>
        %dma_start3A_495 = tpu.memref_slice %arg2[%mul3A_25] : memref<320000xf32, #tpu.memory_space<hbm>> -> memref<128xf32, #tpu.memory_space<hbm>>
        tpu.enqueue_dma source(%dma_start3A_495 : memref<128xf32, #tpu.memory_space<hbm>>) target(%arg12 : memref<128xf32, #tpu.memory_space<vmem>>) target_semaphore(%run_scoped3A_494 : memref<!tpu.dma_semaphore, #tpu.memory_space<semaphore_mem>>)
        %dma_wait3A = tpu.memref_slice %arg2[%mul3A_25] : memref<320000xf32, #tpu.memory_space<hbm>> -> memref<128xf32, #tpu.memory_space<hbm>>
        %dma_wait3A_496 = tpu.memref_slice %arg2[%mul3A_25] : memref<320000xf32, #tpu.memory_space<hbm>> -> memref<128xf32, #tpu.memory_space<hbm>>
        tpu.wait_dma2 semaphore(%run_scoped3A_494 : memref<!tpu.dma_semaphore, #tpu.memory_space<semaphore_mem>>) src(%dma_wait3A_496 : memref<128xf32, #tpu.memory_space<hbm>>) dst(%arg12 : memref<128xf32, #tpu.memory_space<vmem>>)
        tpu.yield
      }) : () -> ()
      %add3A_26 = arith.constant 0 : i32
      %add3A_27 = vector.broadcast %add3A_26 : i32 to vector<16xi32>
      %add3A_28 = arith.addi %iota3A, %add3A_27 : vector<16xi32>
      %get3A = arith.constant 0 : i32
      %get3A_29 = arith.index_cast %get3A : i32 to index
      %get3A_30 = arith.constant 0 : index
      %get3A_31 = tpu.vector_load %arg8[%get3A_29, %get3A_30] {strides = array<i32>} : memref<8x16xi32, #tpu.memory_space<vmem>>, vector<16xi32>,
      %and3A = arith.constant 7 : i32
      %and3A_32 = vector.broadcast %and3A : i32 to vector<16xi32>
      %and3A_33 = arith.andi %get3A_31, %and3A_32 : vector<16xi32>
      %mul3A_34 = arith.constant 16 : i32
      %mul3A_35 = vector.broadcast %mul3A_34 : i32 to vector<16xi32>
      %mul3A_36 = arith.muli %and3A_33, %mul3A_35 : vector<16xi32>
      %get3A_37 = arith.constant 0 : index
      %get3A_38 = tpu.vector_load %arg12[%get3A_37] {strides = array<i32>} : memref<128xf32, #tpu.memory_space<vmem>>, vector<16xf32>,
      %broadcast_in_dim3A_39 = arith.constant 0 : i32
      %broadcast_in_dim3A_40 = vector.broadcast %broadcast_in_dim3A_39 : i32 to vector<16xi32>
      %gather3A = tpu.vector_load_idx %arg11[%add3A_28, %broadcast_in_dim3A_40] : memref<128x16xf32, #tpu.memory_space<vmem>>[vector<16xi32>, vector<16xi32>], vector<16xf32>,
      %add3A_41 = arith.constant 0 : i32
      %add3A_42 = vector.broadcast %add3A_41 : i32 to vector<16xi32>
      %add3A_43 = arith.addi %mul3A_36, %add3A_42 : vector<16xi32>
      %mul3A_44 = arith.mulf %get3A_38, %gather3A : vector<16xf32>
      tpu.vector_store_idx %arg10[%add3A_28, %add3A_43], %mul3A_44 : memref<128x128xf32, #tpu.memory_space<vmem>>[vector<16xi32>, vector<16xi32>], vector<16xf32>,
      %broadcast_in_dim3A_45 = arith.constant 1 : i32
      %broadcast_in_dim3A_46 = vector.broadcast %broadcast_in_dim3A_45 : i32 to vector<16xi32>
      %gather3A_47 = tpu.vector_load_idx %arg11[%add3A_28, %broadcast_in_dim3A_46] : memref<128x16xf32, #tpu.memory_space<vmem>>[vector<16xi32>, vector<16xi32>], vector<16xf32>,
      %add3A_48 = arith.constant 1 : i32
      %add3A_49 = vector.broadcast %add3A_48 : i32 to vector<16xi32>
      %add3A_50 = arith.addi %mul3A_36, %add3A_49 : vector<16xi32>
      %mul3A_51 = arith.mulf %get3A_38, %gather3A_47 : vector<16xf32>
      tpu.vector_store_idx %arg10[%add3A_28, %add3A_50], %mul3A_51 : memref<128x128xf32, #tpu.memory_space<vmem>>[vector<16xi32>, vector<16xi32>], vector<16xf32>,
      %broadcast_in_dim3A_52 = arith.constant 2 : i32
      %broadcast_in_dim3A_53 = vector.broadcast %broadcast_in_dim3A_52 : i32 to vector<16xi32>
      %gather3A_54 = tpu.vector_load_idx %arg11[%add3A_28, %broadcast_in_dim3A_53] : memref<128x16xf32, #tpu.memory_space<vmem>>[vector<16xi32>, vector<16xi32>], vector<16xf32>,
      %add3A_55 = arith.constant 2 : i32
      %add3A_56 = vector.broadcast %add3A_55 : i32 to vector<16xi32>
      %add3A_57 = arith.addi %mul3A_36, %add3A_56 : vector<16xi32>
      %mul3A_58 = arith.mulf %get3A_38, %gather3A_54 : vector<16xf32>
      tpu.vector_store_idx %arg10[%add3A_28, %add3A_57], %mul3A_58 : memref<128x128xf32, #tpu.memory_space<vmem>>[vector<16xi32>, vector<16xi32>], vector<16xf32>,
      %add3A_59 = arith.constant 16 : i32
      %add3A_60 = vector.broadcast %add3A_59 : i32 to vector<16xi32>
      %add3A_61 = arith.addi %iota3A, %add3A_60 : vector<16xi32>
      %get3A_62 = arith.constant 1 : i32
      %get3A_63 = arith.index_cast %get3A_62 : i32 to index
      %get3A_64 = arith.constant 0 : index
      %get3A_65 = tpu.vector_load %arg8[%get3A_63, %get3A_64] {strides = array<i32>} : memref<8x16xi32, #tpu.memory_space<vmem>>, vector<16xi32>,
      %and3A_66 = arith.constant 7 : i32
      %and3A_67 = vector.broadcast %and3A_66 : i32 to vector<16xi32>
      %and3A_68 = arith.andi %get3A_65, %and3A_67 : vector<16xi32>
      %mul3A_69 = arith.constant 16 : i32
      %mul3A_70 = vector.broadcast %mul3A_69 : i32 to vector<16xi32>
      %mul3A_71 = arith.muli %and3A_68, %mul3A_70 : vector<16xi32>
      %get3A_72 = arith.constant 16 : index
      %get3A_73 = tpu.vector_load %arg12[%get3A_72] {strides = array<i32>} : memref<128xf32, #tpu.memory_space<vmem>>, vector<16xf32>,
      %broadcast_in_dim3A_74 = arith.constant 0 : i32
      %broadcast_in_dim3A_75 = vector.broadcast %broadcast_in_dim3A_74 : i32 to vector<16xi32>
      %gather3A_76 = tpu.vector_load_idx %arg11[%add3A_61, %broadcast_in_dim3A_75] : memref<128x16xf32, #tpu.memory_space<vmem>>[vector<16xi32>, vector<16xi32>], vector<16xf32>,
      %add3A_77 = arith.constant 0 : i32
      %add3A_78 = vector.broadcast %add3A_77 : i32 to vector<16xi32>
      %add3A_79 = arith.addi %mul3A_71, %add3A_78 : vector<16xi32>
      %mul3A_80 = arith.mulf %get3A_73, %gather3A_76 : vector<16xf32>
      tpu.vector_store_idx %arg10[%add3A_61, %add3A_79], %mul3A_80 : memref<128x128xf32, #tpu.memory_space<vmem>>[vector<16xi32>, vector<16xi32>], vector<16xf32>,
      %broadcast_in_dim3A_81 = arith.constant 1 : i32
      %broadcast_in_dim3A_82 = vector.broadcast %broadcast_in_dim3A_81 : i32 to vector<16xi32>
      %gather3A_83 = tpu.vector_load_idx %arg11[%add3A_61, %broadcast_in_dim3A_82] : memref<128x16xf32, #tpu.memory_space<vmem>>[vector<16xi32>, vector<16xi32>], vector<16xf32>,
      %add3A_84 = arith.constant 1 : i32
      %add3A_85 = vector.broadcast %add3A_84 : i32 to vector<16xi32>
      %add3A_86 = arith.addi %mul3A_71, %add3A_85 : vector<16xi32>
      %mul3A_87 = arith.mulf %get3A_73, %gather3A_83 : vector<16xf32>
      tpu.vector_store_idx %arg10[%add3A_61, %add3A_86], %mul3A_87 : memref<128x128xf32, #tpu.memory_space<vmem>>[vector<16xi32>, vector<16xi32>], vector<16xf32>,
      %broadcast_in_dim3A_88 = arith.constant 2 : i32
      %broadcast_in_dim3A_89 = vector.broadcast %broadcast_in_dim3A_88 : i32 to vector<16xi32>
      %gather3A_90 = tpu.vector_load_idx %arg11[%add3A_61, %broadcast_in_dim3A_89] : memref<128x16xf32, #tpu.memory_space<vmem>>[vector<16xi32>, vector<16xi32>], vector<16xf32>,
      %add3A_91 = arith.constant 2 : i32
      %add3A_92 = vector.broadcast %add3A_91 : i32 to vector<16xi32>
      %add3A_93 = arith.addi %mul3A_71, %add3A_92 : vector<16xi32>
      %mul3A_94 = arith.mulf %get3A_73, %gather3A_90 : vector<16xf32>
      tpu.vector_store_idx %arg10[%add3A_61, %add3A_93], %mul3A_94 : memref<128x128xf32, #tpu.memory_space<vmem>>[vector<16xi32>, vector<16xi32>], vector<16xf32>,
      %add3A_95 = arith.constant 32 : i32
      %add3A_96 = vector.broadcast %add3A_95 : i32 to vector<16xi32>
      %add3A_97 = arith.addi %iota3A, %add3A_96 : vector<16xi32>
      %get3A_98 = arith.constant 2 : i32
      %get3A_99 = arith.index_cast %get3A_98 : i32 to index
      %get3A_100 = arith.constant 0 : index
      %get3A_101 = tpu.vector_load %arg8[%get3A_99, %get3A_100] {strides = array<i32>} : memref<8x16xi32, #tpu.memory_space<vmem>>, vector<16xi32>,
      %and3A_102 = arith.constant 7 : i32
      %and3A_103 = vector.broadcast %and3A_102 : i32 to vector<16xi32>
      %and3A_104 = arith.andi %get3A_101, %and3A_103 : vector<16xi32>
      %mul3A_105 = arith.constant 16 : i32
      %mul3A_106 = vector.broadcast %mul3A_105 : i32 to vector<16xi32>
      %mul3A_107 = arith.muli %and3A_104, %mul3A_106 : vector<16xi32>
      %get3A_108 = arith.constant 32 : index
      %get3A_109 = tpu.vector_load %arg12[%get3A_108] {strides = array<i32>} : memref<128xf32, #tpu.memory_space<vmem>>, vector<16xf32>,
      %broadcast_in_dim3A_110 = arith.constant 0 : i32
      %broadcast_in_dim3A_111 = vector.broadcast %broadcast_in_dim3A_110 : i32 to vector<16xi32>
      %gather3A_112 = tpu.vector_load_idx %arg11[%add3A_97, %broadcast_in_dim3A_111] : memref<128x16xf32, #tpu.memory_space<vmem>>[vector<16xi32>, vector<16xi32>], vector<16xf32>,
      %add3A_113 = arith.constant 0 : i32
      %add3A_114 = vector.broadcast %add3A_113 : i32 to vector<16xi32>
      %add3A_115 = arith.addi %mul3A_107, %add3A_114 : vector<16xi32>
      %mul3A_116 = arith.mulf %get3A_109, %gather3A_112 : vector<16xf32>
      tpu.vector_store_idx %arg10[%add3A_97, %add3A_115], %mul3A_116 : memref<128x128xf32, #tpu.memory_space<vmem>>[vector<16xi32>, vector<16xi32>], vector<16xf32>,
      %broadcast_in_dim3A_117 = arith.constant 1 : i32
      %broadcast_in_dim3A_118 = vector.broadcast %broadcast_in_dim3A_117 : i32 to vector<16xi32>
      %gather3A_119 = tpu.vector_load_idx %arg11[%add3A_97, %broadcast_in_dim3A_118] : memref<128x16xf32, #tpu.memory_space<vmem>>[vector<16xi32>, vector<16xi32>], vector<16xf32>,
      %add3A_120 = arith.constant 1 : i32
      %add3A_121 = vector.broadcast %add3A_120 : i32 to vector<16xi32>
      %add3A_122 = arith.addi %mul3A_107, %add3A_121 : vector<16xi32>
      %mul3A_123 = arith.mulf %get3A_109, %gather3A_119 : vector<16xf32>
      tpu.vector_store_idx %arg10[%add3A_97, %add3A_122], %mul3A_123 : memref<128x128xf32, #tpu.memory_space<vmem>>[vector<16xi32>, vector<16xi32>], vector<16xf32>,
      %broadcast_in_dim3A_124 = arith.constant 2 : i32
      %broadcast_in_dim3A_125 = vector.broadcast %broadcast_in_dim3A_124 : i32 to vector<16xi32>
      %gather3A_126 = tpu.vector_load_idx %arg11[%add3A_97, %broadcast_in_dim3A_125] : memref<128x16xf32, #tpu.memory_space<vmem>>[vector<16xi32>, vector<16xi32>], vector<16xf32>,
      %add3A_127 = arith.constant 2 : i32
      %add3A_128 = vector.broadcast %add3A_127 : i32 to vector<16xi32>
      %add3A_129 = arith.addi %mul3A_107, %add3A_128 : vector<16xi32>
      %mul3A_130 = arith.mulf %get3A_109, %gather3A_126 : vector<16xf32>
      tpu.vector_store_idx %arg10[%add3A_97, %add3A_129], %mul3A_130 : memref<128x128xf32, #tpu.memory_space<vmem>>[vector<16xi32>, vector<16xi32>], vector<16xf32>,
      %add3A_131 = arith.constant 48 : i32
      %add3A_132 = vector.broadcast %add3A_131 : i32 to vector<16xi32>
      %add3A_133 = arith.addi %iota3A, %add3A_132 : vector<16xi32>
      %get3A_134 = arith.constant 3 : i32
      %get3A_135 = arith.index_cast %get3A_134 : i32 to index
      %get3A_136 = arith.constant 0 : index
      %get3A_137 = tpu.vector_load %arg8[%get3A_135, %get3A_136] {strides = array<i32>} : memref<8x16xi32, #tpu.memory_space<vmem>>, vector<16xi32>,
      %and3A_138 = arith.constant 7 : i32
      %and3A_139 = vector.broadcast %and3A_138 : i32 to vector<16xi32>
      %and3A_140 = arith.andi %get3A_137, %and3A_139 : vector<16xi32>
      %mul3A_141 = arith.constant 16 : i32
      %mul3A_142 = vector.broadcast %mul3A_141 : i32 to vector<16xi32>
      %mul3A_143 = arith.muli %and3A_140, %mul3A_142 : vector<16xi32>
      %get3A_144 = arith.constant 48 : index
      %get3A_145 = tpu.vector_load %arg12[%get3A_144] {strides = array<i32>} : memref<128xf32, #tpu.memory_space<vmem>>, vector<16xf32>,
      %broadcast_in_dim3A_146 = arith.constant 0 : i32
      %broadcast_in_dim3A_147 = vector.broadcast %broadcast_in_dim3A_146 : i32 to vector<16xi32>
      %gather3A_148 = tpu.vector_load_idx %arg11[%add3A_133, %broadcast_in_dim3A_147] : memref<128x16xf32, #tpu.memory_space<vmem>>[vector<16xi32>, vector<16xi32>], vector<16xf32>,
      %add3A_149 = arith.constant 0 : i32
      %add3A_150 = vector.broadcast %add3A_149 : i32 to vector<16xi32>
      %add3A_151 = arith.addi %mul3A_143, %add3A_150 : vector<16xi32>
      %mul3A_152 = arith.mulf %get3A_145, %gather3A_148 : vector<16xf32>
      tpu.vector_store_idx %arg10[%add3A_133, %add3A_151], %mul3A_152 : memref<128x128xf32, #tpu.memory_space<vmem>>[vector<16xi32>, vector<16xi32>], vector<16xf32>,
      %broadcast_in_dim3A_153 = arith.constant 1 : i32
      %broadcast_in_dim3A_154 = vector.broadcast %broadcast_in_dim3A_153 : i32 to vector<16xi32>
      %gather3A_155 = tpu.vector_load_idx %arg11[%add3A_133, %broadcast_in_dim3A_154] : memref<128x16xf32, #tpu.memory_space<vmem>>[vector<16xi32>, vector<16xi32>], vector<16xf32>,
      %add3A_156 = arith.constant 1 : i32
      %add3A_157 = vector.broadcast %add3A_156 : i32 to vector<16xi32>
      %add3A_158 = arith.addi %mul3A_143, %add3A_157 : vector<16xi32>
      %mul3A_159 = arith.mulf %get3A_145, %gather3A_155 : vector<16xf32>
      tpu.vector_store_idx %arg10[%add3A_133, %add3A_158], %mul3A_159 : memref<128x128xf32, #tpu.memory_space<vmem>>[vector<16xi32>, vector<16xi32>], vector<16xf32>,
      %broadcast_in_dim3A_160 = arith.constant 2 : i32
      %broadcast_in_dim3A_161 = vector.broadcast %broadcast_in_dim3A_160 : i32 to vector<16xi32>
      %gather3A_162 = tpu.vector_load_idx %arg11[%add3A_133, %broadcast_in_dim3A_161] : memref<128x16xf32, #tpu.memory_space<vmem>>[vector<16xi32>, vector<16xi32>], vector<16xf32>,
      %add3A_163 = arith.constant 2 : i32
      %add3A_164 = vector.broadcast %add3A_163 : i32 to vector<16xi32>
      %add3A_165 = arith.addi %mul3A_143, %add3A_164 : vector<16xi32>
      %mul3A_166 = arith.mulf %get3A_145, %gather3A_162 : vector<16xf32>
      tpu.vector_store_idx %arg10[%add3A_133, %add3A_165], %mul3A_166 : memref<128x128xf32, #tpu.memory_space<vmem>>[vector<16xi32>, vector<16xi32>], vector<16xf32>,
      %add3A_167 = arith.constant 64 : i32
      %add3A_168 = vector.broadcast %add3A_167 : i32 to vector<16xi32>
      %add3A_169 = arith.addi %iota3A, %add3A_168 : vector<16xi32>
      %get3A_170 = arith.constant 4 : i32
      %get3A_171 = arith.index_cast %get3A_170 : i32 to index
      %get3A_172 = arith.constant 0 : index
      %get3A_173 = tpu.vector_load %arg8[%get3A_171, %get3A_172] {strides = array<i32>} : memref<8x16xi32, #tpu.memory_space<vmem>>, vector<16xi32>,
      %and3A_174 = arith.constant 7 : i32
      %and3A_175 = vector.broadcast %and3A_174 : i32 to vector<16xi32>
      %and3A_176 = arith.andi %get3A_173, %and3A_175 : vector<16xi32>
      %mul3A_177 = arith.constant 16 : i32
      %mul3A_178 = vector.broadcast %mul3A_177 : i32 to vector<16xi32>
      %mul3A_179 = arith.muli %and3A_176, %mul3A_178 : vector<16xi32>
      %get3A_180 = arith.constant 64 : index
      %get3A_181 = tpu.vector_load %arg12[%get3A_180] {strides = array<i32>} : memref<128xf32, #tpu.memory_space<vmem>>, vector<16xf32>,
      %broadcast_in_dim3A_182 = arith.constant 0 : i32
      %broadcast_in_dim3A_183 = vector.broadcast %broadcast_in_dim3A_182 : i32 to vector<16xi32>
      %gather3A_184 = tpu.vector_load_idx %arg11[%add3A_169, %broadcast_in_dim3A_183] : memref<128x16xf32, #tpu.memory_space<vmem>>[vector<16xi32>, vector<16xi32>], vector<16xf32>,
      %add3A_185 = arith.constant 0 : i32
      %add3A_186 = vector.broadcast %add3A_185 : i32 to vector<16xi32>
      %add3A_187 = arith.addi %mul3A_179, %add3A_186 : vector<16xi32>
      %mul3A_188 = arith.mulf %get3A_181, %gather3A_184 : vector<16xf32>
      tpu.vector_store_idx %arg10[%add3A_169, %add3A_187], %mul3A_188 : memref<128x128xf32, #tpu.memory_space<vmem>>[vector<16xi32>, vector<16xi32>], vector<16xf32>,
      %broadcast_in_dim3A_189 = arith.constant 1 : i32
      %broadcast_in_dim3A_190 = vector.broadcast %broadcast_in_dim3A_189 : i32 to vector<16xi32>
      %gather3A_191 = tpu.vector_load_idx %arg11[%add3A_169, %broadcast_in_dim3A_190] : memref<128x16xf32, #tpu.memory_space<vmem>>[vector<16xi32>, vector<16xi32>], vector<16xf32>,
      %add3A_192 = arith.constant 1 : i32
      %add3A_193 = vector.broadcast %add3A_192 : i32 to vector<16xi32>
      %add3A_194 = arith.addi %mul3A_179, %add3A_193 : vector<16xi32>
      %mul3A_195 = arith.mulf %get3A_181, %gather3A_191 : vector<16xf32>
      tpu.vector_store_idx %arg10[%add3A_169, %add3A_194], %mul3A_195 : memref<128x128xf32, #tpu.memory_space<vmem>>[vector<16xi32>, vector<16xi32>], vector<16xf32>,
      %broadcast_in_dim3A_196 = arith.constant 2 : i32
      %broadcast_in_dim3A_197 = vector.broadcast %broadcast_in_dim3A_196 : i32 to vector<16xi32>
      %gather3A_198 = tpu.vector_load_idx %arg11[%add3A_169, %broadcast_in_dim3A_197] : memref<128x16xf32, #tpu.memory_space<vmem>>[vector<16xi32>, vector<16xi32>], vector<16xf32>,
      %add3A_199 = arith.constant 2 : i32
      %add3A_200 = vector.broadcast %add3A_199 : i32 to vector<16xi32>
      %add3A_201 = arith.addi %mul3A_179, %add3A_200 : vector<16xi32>
      %mul3A_202 = arith.mulf %get3A_181, %gather3A_198 : vector<16xf32>
      tpu.vector_store_idx %arg10[%add3A_169, %add3A_201], %mul3A_202 : memref<128x128xf32, #tpu.memory_space<vmem>>[vector<16xi32>, vector<16xi32>], vector<16xf32>,
      %add3A_203 = arith.constant 80 : i32
      %add3A_204 = vector.broadcast %add3A_203 : i32 to vector<16xi32>
      %add3A_205 = arith.addi %iota3A, %add3A_204 : vector<16xi32>
      %get3A_206 = arith.constant 5 : i32
      %get3A_207 = arith.index_cast %get3A_206 : i32 to index
      %get3A_208 = arith.constant 0 : index
      %get3A_209 = tpu.vector_load %arg8[%get3A_207, %get3A_208] {strides = array<i32>} : memref<8x16xi32, #tpu.memory_space<vmem>>, vector<16xi32>,
      %and3A_210 = arith.constant 7 : i32
      %and3A_211 = vector.broadcast %and3A_210 : i32 to vector<16xi32>
      %and3A_212 = arith.andi %get3A_209, %and3A_211 : vector<16xi32>
      %mul3A_213 = arith.constant 16 : i32
      %mul3A_214 = vector.broadcast %mul3A_213 : i32 to vector<16xi32>
      %mul3A_215 = arith.muli %and3A_212, %mul3A_214 : vector<16xi32>
      %get3A_216 = arith.constant 80 : index
      %get3A_217 = tpu.vector_load %arg12[%get3A_216] {strides = array<i32>} : memref<128xf32, #tpu.memory_space<vmem>>, vector<16xf32>,
      %broadcast_in_dim3A_218 = arith.constant 0 : i32
      %broadcast_in_dim3A_219 = vector.broadcast %broadcast_in_dim3A_218 : i32 to vector<16xi32>
      %gather3A_220 = tpu.vector_load_idx %arg11[%add3A_205, %broadcast_in_dim3A_219] : memref<128x16xf32, #tpu.memory_space<vmem>>[vector<16xi32>, vector<16xi32>], vector<16xf32>,
      %add3A_221 = arith.constant 0 : i32
      %add3A_222 = vector.broadcast %add3A_221 : i32 to vector<16xi32>
      %add3A_223 = arith.addi %mul3A_215, %add3A_222 : vector<16xi32>
      %mul3A_224 = arith.mulf %get3A_217, %gather3A_220 : vector<16xf32>
      tpu.vector_store_idx %arg10[%add3A_205, %add3A_223], %mul3A_224 : memref<128x128xf32, #tpu.memory_space<vmem>>[vector<16xi32>, vector<16xi32>], vector<16xf32>,
      %broadcast_in_dim3A_225 = arith.constant 1 : i32
      %broadcast_in_dim3A_226 = vector.broadcast %broadcast_in_dim3A_225 : i32 to vector<16xi32>
      %gather3A_227 = tpu.vector_load_idx %arg11[%add3A_205, %broadcast_in_dim3A_226] : memref<128x16xf32, #tpu.memory_space<vmem>>[vector<16xi32>, vector<16xi32>], vector<16xf32>,
      %add3A_228 = arith.constant 1 : i32
      %add3A_229 = vector.broadcast %add3A_228 : i32 to vector<16xi32>
      %add3A_230 = arith.addi %mul3A_215, %add3A_229 : vector<16xi32>
      %mul3A_231 = arith.mulf %get3A_217, %gather3A_227 : vector<16xf32>
      tpu.vector_store_idx %arg10[%add3A_205, %add3A_230], %mul3A_231 : memref<128x128xf32, #tpu.memory_space<vmem>>[vector<16xi32>, vector<16xi32>], vector<16xf32>,
      %broadcast_in_dim3A_232 = arith.constant 2 : i32
      %broadcast_in_dim3A_233 = vector.broadcast %broadcast_in_dim3A_232 : i32 to vector<16xi32>
      %gather3A_234 = tpu.vector_load_idx %arg11[%add3A_205, %broadcast_in_dim3A_233] : memref<128x16xf32, #tpu.memory_space<vmem>>[vector<16xi32>, vector<16xi32>], vector<16xf32>,
      %add3A_235 = arith.constant 2 : i32
      %add3A_236 = vector.broadcast %add3A_235 : i32 to vector<16xi32>
      %add3A_237 = arith.addi %mul3A_215, %add3A_236 : vector<16xi32>
      %mul3A_238 = arith.mulf %get3A_217, %gather3A_234 : vector<16xf32>
      tpu.vector_store_idx %arg10[%add3A_205, %add3A_237], %mul3A_238 : memref<128x128xf32, #tpu.memory_space<vmem>>[vector<16xi32>, vector<16xi32>], vector<16xf32>,
      %add3A_239 = arith.constant 96 : i32
      %add3A_240 = vector.broadcast %add3A_239 : i32 to vector<16xi32>
      %add3A_241 = arith.addi %iota3A, %add3A_240 : vector<16xi32>
      %get3A_242 = arith.constant 6 : i32
      %get3A_243 = arith.index_cast %get3A_242 : i32 to index
      %get3A_244 = arith.constant 0 : index
      %get3A_245 = tpu.vector_load %arg8[%get3A_243, %get3A_244] {strides = array<i32>} : memref<8x16xi32, #tpu.memory_space<vmem>>, vector<16xi32>,
      %and3A_246 = arith.constant 7 : i32
      %and3A_247 = vector.broadcast %and3A_246 : i32 to vector<16xi32>
      %and3A_248 = arith.andi %get3A_245, %and3A_247 : vector<16xi32>
      %mul3A_249 = arith.constant 16 : i32
      %mul3A_250 = vector.broadcast %mul3A_249 : i32 to vector<16xi32>
      %mul3A_251 = arith.muli %and3A_248, %mul3A_250 : vector<16xi32>
      %get3A_252 = arith.constant 96 : index
      %get3A_253 = tpu.vector_load %arg12[%get3A_252] {strides = array<i32>} : memref<128xf32, #tpu.memory_space<vmem>>, vector<16xf32>,
      %broadcast_in_dim3A_254 = arith.constant 0 : i32
      %broadcast_in_dim3A_255 = vector.broadcast %broadcast_in_dim3A_254 : i32 to vector<16xi32>
      %gather3A_256 = tpu.vector_load_idx %arg11[%add3A_241, %broadcast_in_dim3A_255] : memref<128x16xf32, #tpu.memory_space<vmem>>[vector<16xi32>, vector<16xi32>], vector<16xf32>,
      %add3A_257 = arith.constant 0 : i32
      %add3A_258 = vector.broadcast %add3A_257 : i32 to vector<16xi32>
      %add3A_259 = arith.addi %mul3A_251, %add3A_258 : vector<16xi32>
      %mul3A_260 = arith.mulf %get3A_253, %gather3A_256 : vector<16xf32>
      tpu.vector_store_idx %arg10[%add3A_241, %add3A_259], %mul3A_260 : memref<128x128xf32, #tpu.memory_space<vmem>>[vector<16xi32>, vector<16xi32>], vector<16xf32>,
      %broadcast_in_dim3A_261 = arith.constant 1 : i32
      %broadcast_in_dim3A_262 = vector.broadcast %broadcast_in_dim3A_261 : i32 to vector<16xi32>
      %gather3A_263 = tpu.vector_load_idx %arg11[%add3A_241, %broadcast_in_dim3A_262] : memref<128x16xf32, #tpu.memory_space<vmem>>[vector<16xi32>, vector<16xi32>], vector<16xf32>,
      %add3A_264 = arith.constant 1 : i32
      %add3A_265 = vector.broadcast %add3A_264 : i32 to vector<16xi32>
      %add3A_266 = arith.addi %mul3A_251, %add3A_265 : vector<16xi32>
      %mul3A_267 = arith.mulf %get3A_253, %gather3A_263 : vector<16xf32>
      tpu.vector_store_idx %arg10[%add3A_241, %add3A_266], %mul3A_267 : memref<128x128xf32, #tpu.memory_space<vmem>>[vector<16xi32>, vector<16xi32>], vector<16xf32>,
      %broadcast_in_dim3A_268 = arith.constant 2 : i32
      %broadcast_in_dim3A_269 = vector.broadcast %broadcast_in_dim3A_268 : i32 to vector<16xi32>
      %gather3A_270 = tpu.vector_load_idx %arg11[%add3A_241, %broadcast_in_dim3A_269] : memref<128x16xf32, #tpu.memory_space<vmem>>[vector<16xi32>, vector<16xi32>], vector<16xf32>,
      %add3A_271 = arith.constant 2 : i32
      %add3A_272 = vector.broadcast %add3A_271 : i32 to vector<16xi32>
      %add3A_273 = arith.addi %mul3A_251, %add3A_272 : vector<16xi32>
      %mul3A_274 = arith.mulf %get3A_253, %gather3A_270 : vector<16xf32>
      tpu.vector_store_idx %arg10[%add3A_241, %add3A_273], %mul3A_274 : memref<128x128xf32, #tpu.memory_space<vmem>>[vector<16xi32>, vector<16xi32>], vector<16xf32>,
      %add3A_275 = arith.constant 112 : i32
      %add3A_276 = vector.broadcast %add3A_275 : i32 to vector<16xi32>
      %add3A_277 = arith.addi %iota3A, %add3A_276 : vector<16xi32>
      %get3A_278 = arith.constant 7 : i32
      %get3A_279 = arith.index_cast %get3A_278 : i32 to index
      %get3A_280 = arith.constant 0 : index
      %get3A_281 = tpu.vector_load %arg8[%get3A_279, %get3A_280] {strides = array<i32>} : memref<8x16xi32, #tpu.memory_space<vmem>>, vector<16xi32>,
      %and3A_282 = arith.constant 7 : i32
      %and3A_283 = vector.broadcast %and3A_282 : i32 to vector<16xi32>
      %and3A_284 = arith.andi %get3A_281, %and3A_283 : vector<16xi32>
      %mul3A_285 = arith.constant 16 : i32
      %mul3A_286 = vector.broadcast %mul3A_285 : i32 to vector<16xi32>
      %mul3A_287 = arith.muli %and3A_284, %mul3A_286 : vector<16xi32>
      %get3A_288 = arith.constant 112 : index
      %get3A_289 = tpu.vector_load %arg12[%get3A_288] {strides = array<i32>} : memref<128xf32, #tpu.memory_space<vmem>>, vector<16xf32>,
      %broadcast_in_dim3A_290 = arith.constant 0 : i32
      %broadcast_in_dim3A_291 = vector.broadcast %broadcast_in_dim3A_290 : i32 to vector<16xi32>
      %gather3A_292 = tpu.vector_load_idx %arg11[%add3A_277, %broadcast_in_dim3A_291] : memref<128x16xf32, #tpu.memory_space<vmem>>[vector<16xi32>, vector<16xi32>], vector<16xf32>,
      %add3A_293 = arith.constant 0 : i32
      %add3A_294 = vector.broadcast %add3A_293 : i32 to vector<16xi32>
      %add3A_295 = arith.addi %mul3A_287, %add3A_294 : vector<16xi32>
      %mul3A_296 = arith.mulf %get3A_289, %gather3A_292 : vector<16xf32>
      tpu.vector_store_idx %arg10[%add3A_277, %add3A_295], %mul3A_296 : memref<128x128xf32, #tpu.memory_space<vmem>>[vector<16xi32>, vector<16xi32>], vector<16xf32>,
      %broadcast_in_dim3A_297 = arith.constant 1 : i32
      %broadcast_in_dim3A_298 = vector.broadcast %broadcast_in_dim3A_297 : i32 to vector<16xi32>
      %gather3A_299 = tpu.vector_load_idx %arg11[%add3A_277, %broadcast_in_dim3A_298] : memref<128x16xf32, #tpu.memory_space<vmem>>[vector<16xi32>, vector<16xi32>], vector<16xf32>,
      %add3A_300 = arith.constant 1 : i32
      %add3A_301 = vector.broadcast %add3A_300 : i32 to vector<16xi32>
      %add3A_302 = arith.addi %mul3A_287, %add3A_301 : vector<16xi32>
      %mul3A_303 = arith.mulf %get3A_289, %gather3A_299 : vector<16xf32>
      tpu.vector_store_idx %arg10[%add3A_277, %add3A_302], %mul3A_303 : memref<128x128xf32, #tpu.memory_space<vmem>>[vector<16xi32>, vector<16xi32>], vector<16xf32>,
      %broadcast_in_dim3A_304 = arith.constant 2 : i32
      %broadcast_in_dim3A_305 = vector.broadcast %broadcast_in_dim3A_304 : i32 to vector<16xi32>
      %gather3A_306 = tpu.vector_load_idx %arg11[%add3A_277, %broadcast_in_dim3A_305] : memref<128x16xf32, #tpu.memory_space<vmem>>[vector<16xi32>, vector<16xi32>], vector<16xf32>,
      %add3A_307 = arith.constant 2 : i32
      %add3A_308 = vector.broadcast %add3A_307 : i32 to vector<16xi32>
      %add3A_309 = arith.addi %mul3A_287, %add3A_308 : vector<16xi32>
      %mul3A_310 = arith.mulf %get3A_289, %gather3A_306 : vector<16xf32>
      tpu.vector_store_idx %arg10[%add3A_277, %add3A_309], %mul3A_310 : memref<128x128xf32, #tpu.memory_space<vmem>>[vector<16xi32>, vector<16xi32>], vector<16xf32>,
      %run_scoped3A = arith.constant 0 : i32
      "tpu.region"() ({
        %run_scoped3A_494 = tpu.sem_alloc : memref<!tpu.dma_semaphore, #tpu.memory_space<semaphore_mem>>
        %dma_start3A = arith.constant 0 : i32
        %dma_start3A_495 = arith.constant 0 : i32
        %dma_start3A_496 = tpu.memref_slice %arg10[%dma_start3A, %dma_start3A_495] : memref<128x128xf32, #tpu.memory_space<vmem>> -> memref<16x128xf32, #tpu.memory_space<vmem>>
        %dma_start3A_497 = arith.constant 0 : i32
        %dma_start3A_498 = tpu.memref_slice %arg9[%run_scoped3A, %dma_start3A_497] : memref<8x16xi32, #tpu.memory_space<vmem>> -> memref<1x16xi32, #tpu.memory_space<vmem>>
        %dma_start3A_499 = tpu.memref_squeeze %dma_start3A_498 : memref<1x16xi32, #tpu.memory_space<vmem>> -> memref<16xi32, #tpu.memory_space<vmem>>
        %dma_start3A_500 = arith.constant 0 : i32
        %dma_start3A_501 = arith.constant 0 : i32
        %dma_start3A_502 = tpu.memref_slice %arg13[%dma_start3A_500, %dma_start3A_501] : memref<1280x128xf32, #tpu.memory_space<vmem_shared>> -> memref<1280x128xf32, #tpu.memory_space<vmem_shared>>
        tpu.enqueue_indirect_dma source(%dma_start3A_496 : memref<16x128xf32, #tpu.memory_space<vmem>>) target(%dma_start3A_502 : memref<1280x128xf32, #tpu.memory_space<vmem_shared>>) offsets(%dma_start3A_499 : memref<16xi32, #tpu.memory_space<vmem>>) semaphore(%run_scoped3A_494 : memref<!tpu.dma_semaphore, #tpu.memory_space<semaphore_mem>>) {add = true}
        %dma_wait3A = arith.constant 0 : i32
        %dma_wait3A_503 = arith.constant 0 : i32
        %dma_wait3A_504 = tpu.memref_slice %arg10[%dma_wait3A, %dma_wait3A_503] : memref<128x128xf32, #tpu.memory_space<vmem>> -> memref<16x128xf32, #tpu.memory_space<vmem>>
        %dma_wait3A_505 = arith.constant 0 : i32
        %dma_wait3A_506 = tpu.memref_slice %arg9[%run_scoped3A, %dma_wait3A_505] : memref<8x16xi32, #tpu.memory_space<vmem>> -> memref<1x16xi32, #tpu.memory_space<vmem>>
        %dma_wait3A_507 = tpu.memref_squeeze %dma_wait3A_506 : memref<1x16xi32, #tpu.memory_space<vmem>> -> memref<16xi32, #tpu.memory_space<vmem>>
        %dma_wait3A_508 = arith.constant 0 : i32
        %dma_wait3A_509 = arith.constant 0 : i32
        %dma_wait3A_510 = tpu.memref_slice %arg13[%dma_wait3A_508, %dma_wait3A_509] : memref<1280x128xf32, #tpu.memory_space<vmem_shared>> -> memref<1280x128xf32, #tpu.memory_space<vmem_shared>>
        tpu.wait_indirect_dma semaphore(%run_scoped3A_494 : memref<!tpu.dma_semaphore, #tpu.memory_space<semaphore_mem>>) src(%dma_wait3A_504 : memref<16x128xf32, #tpu.memory_space<vmem>>) dst(%dma_wait3A_510 : memref<1280x128xf32, #tpu.memory_space<vmem_shared>>)
        tpu.yield
      }) : () -> ()
      %run_scoped3A_311 = arith.constant 1 : i32
      "tpu.region"() ({
        %run_scoped3A_494 = tpu.sem_alloc : memref<!tpu.dma_semaphore, #tpu.memory_space<semaphore_mem>>
        %dma_start3A = arith.constant 16 : i32
        %dma_start3A_495 = arith.constant 0 : i32
        %dma_start3A_496 = tpu.memref_slice %arg10[%dma_start3A, %dma_start3A_495] : memref<128x128xf32, #tpu.memory_space<vmem>> -> memref<16x128xf32, #tpu.memory_space<vmem>>
        %dma_start3A_497 = arith.constant 0 : i32
        %dma_start3A_498 = tpu.memref_slice %arg9[%run_scoped3A_311, %dma_start3A_497] : memref<8x16xi32, #tpu.memory_space<vmem>> -> memref<1x16xi32, #tpu.memory_space<vmem>>
        %dma_start3A_499 = tpu.memref_squeeze %dma_start3A_498 : memref<1x16xi32, #tpu.memory_space<vmem>> -> memref<16xi32, #tpu.memory_space<vmem>>
        %dma_start3A_500 = arith.constant 0 : i32
        %dma_start3A_501 = arith.constant 0 : i32
        %dma_start3A_502 = tpu.memref_slice %arg13[%dma_start3A_500, %dma_start3A_501] : memref<1280x128xf32, #tpu.memory_space<vmem_shared>> -> memref<1280x128xf32, #tpu.memory_space<vmem_shared>>
        tpu.enqueue_indirect_dma source(%dma_start3A_496 : memref<16x128xf32, #tpu.memory_space<vmem>>) target(%dma_start3A_502 : memref<1280x128xf32, #tpu.memory_space<vmem_shared>>) offsets(%dma_start3A_499 : memref<16xi32, #tpu.memory_space<vmem>>) semaphore(%run_scoped3A_494 : memref<!tpu.dma_semaphore, #tpu.memory_space<semaphore_mem>>) {add = true}
        %dma_wait3A = arith.constant 16 : i32
        %dma_wait3A_503 = arith.constant 0 : i32
        %dma_wait3A_504 = tpu.memref_slice %arg10[%dma_wait3A, %dma_wait3A_503] : memref<128x128xf32, #tpu.memory_space<vmem>> -> memref<16x128xf32, #tpu.memory_space<vmem>>
        %dma_wait3A_505 = arith.constant 0 : i32
        %dma_wait3A_506 = tpu.memref_slice %arg9[%run_scoped3A_311, %dma_wait3A_505] : memref<8x16xi32, #tpu.memory_space<vmem>> -> memref<1x16xi32, #tpu.memory_space<vmem>>
        %dma_wait3A_507 = tpu.memref_squeeze %dma_wait3A_506 : memref<1x16xi32, #tpu.memory_space<vmem>> -> memref<16xi32, #tpu.memory_space<vmem>>
        %dma_wait3A_508 = arith.constant 0 : i32
        %dma_wait3A_509 = arith.constant 0 : i32
        %dma_wait3A_510 = tpu.memref_slice %arg13[%dma_wait3A_508, %dma_wait3A_509] : memref<1280x128xf32, #tpu.memory_space<vmem_shared>> -> memref<1280x128xf32, #tpu.memory_space<vmem_shared>>
        tpu.wait_indirect_dma semaphore(%run_scoped3A_494 : memref<!tpu.dma_semaphore, #tpu.memory_space<semaphore_mem>>) src(%dma_wait3A_504 : memref<16x128xf32, #tpu.memory_space<vmem>>) dst(%dma_wait3A_510 : memref<1280x128xf32, #tpu.memory_space<vmem_shared>>)
        tpu.yield
      }) : () -> ()
      %run_scoped3A_312 = arith.constant 2 : i32
      "tpu.region"() ({
        %run_scoped3A_494 = tpu.sem_alloc : memref<!tpu.dma_semaphore, #tpu.memory_space<semaphore_mem>>
        %dma_start3A = arith.constant 32 : i32
        %dma_start3A_495 = arith.constant 0 : i32
        %dma_start3A_496 = tpu.memref_slice %arg10[%dma_start3A, %dma_start3A_495] : memref<128x128xf32, #tpu.memory_space<vmem>> -> memref<16x128xf32, #tpu.memory_space<vmem>>
        %dma_start3A_497 = arith.constant 0 : i32
        %dma_start3A_498 = tpu.memref_slice %arg9[%run_scoped3A_312, %dma_start3A_497] : memref<8x16xi32, #tpu.memory_space<vmem>> -> memref<1x16xi32, #tpu.memory_space<vmem>>
        %dma_start3A_499 = tpu.memref_squeeze %dma_start3A_498 : memref<1x16xi32, #tpu.memory_space<vmem>> -> memref<16xi32, #tpu.memory_space<vmem>>
        %dma_start3A_500 = arith.constant 0 : i32
        %dma_start3A_501 = arith.constant 0 : i32
        %dma_start3A_502 = tpu.memref_slice %arg13[%dma_start3A_500, %dma_start3A_501] : memref<1280x128xf32, #tpu.memory_space<vmem_shared>> -> memref<1280x128xf32, #tpu.memory_space<vmem_shared>>
        tpu.enqueue_indirect_dma source(%dma_start3A_496 : memref<16x128xf32, #tpu.memory_space<vmem>>) target(%dma_start3A_502 : memref<1280x128xf32, #tpu.memory_space<vmem_shared>>) offsets(%dma_start3A_499 : memref<16xi32, #tpu.memory_space<vmem>>) semaphore(%run_scoped3A_494 : memref<!tpu.dma_semaphore, #tpu.memory_space<semaphore_mem>>) {add = true}
        %dma_wait3A = arith.constant 32 : i32
        %dma_wait3A_503 = arith.constant 0 : i32
        %dma_wait3A_504 = tpu.memref_slice %arg10[%dma_wait3A, %dma_wait3A_503] : memref<128x128xf32, #tpu.memory_space<vmem>> -> memref<16x128xf32, #tpu.memory_space<vmem>>
        %dma_wait3A_505 = arith.constant 0 : i32
        %dma_wait3A_506 = tpu.memref_slice %arg9[%run_scoped3A_312, %dma_wait3A_505] : memref<8x16xi32, #tpu.memory_space<vmem>> -> memref<1x16xi32, #tpu.memory_space<vmem>>
        %dma_wait3A_507 = tpu.memref_squeeze %dma_wait3A_506 : memref<1x16xi32, #tpu.memory_space<vmem>> -> memref<16xi32, #tpu.memory_space<vmem>>
        %dma_wait3A_508 = arith.constant 0 : i32
        %dma_wait3A_509 = arith.constant 0 : i32
        %dma_wait3A_510 = tpu.memref_slice %arg13[%dma_wait3A_508, %dma_wait3A_509] : memref<1280x128xf32, #tpu.memory_space<vmem_shared>> -> memref<1280x128xf32, #tpu.memory_space<vmem_shared>>
        tpu.wait_indirect_dma semaphore(%run_scoped3A_494 : memref<!tpu.dma_semaphore, #tpu.memory_space<semaphore_mem>>) src(%dma_wait3A_504 : memref<16x128xf32, #tpu.memory_space<vmem>>) dst(%dma_wait3A_510 : memref<1280x128xf32, #tpu.memory_space<vmem_shared>>)
        tpu.yield
      }) : () -> ()
      %run_scoped3A_313 = arith.constant 3 : i32
      "tpu.region"() ({
        %run_scoped3A_494 = tpu.sem_alloc : memref<!tpu.dma_semaphore, #tpu.memory_space<semaphore_mem>>
        %dma_start3A = arith.constant 48 : i32
        %dma_start3A_495 = arith.constant 0 : i32
        %dma_start3A_496 = tpu.memref_slice %arg10[%dma_start3A, %dma_start3A_495] : memref<128x128xf32, #tpu.memory_space<vmem>> -> memref<16x128xf32, #tpu.memory_space<vmem>>
        %dma_start3A_497 = arith.constant 0 : i32
        %dma_start3A_498 = tpu.memref_slice %arg9[%run_scoped3A_313, %dma_start3A_497] : memref<8x16xi32, #tpu.memory_space<vmem>> -> memref<1x16xi32, #tpu.memory_space<vmem>>
        %dma_start3A_499 = tpu.memref_squeeze %dma_start3A_498 : memref<1x16xi32, #tpu.memory_space<vmem>> -> memref<16xi32, #tpu.memory_space<vmem>>
        %dma_start3A_500 = arith.constant 0 : i32
        %dma_start3A_501 = arith.constant 0 : i32
        %dma_start3A_502 = tpu.memref_slice %arg13[%dma_start3A_500, %dma_start3A_501] : memref<1280x128xf32, #tpu.memory_space<vmem_shared>> -> memref<1280x128xf32, #tpu.memory_space<vmem_shared>>
        tpu.enqueue_indirect_dma source(%dma_start3A_496 : memref<16x128xf32, #tpu.memory_space<vmem>>) target(%dma_start3A_502 : memref<1280x128xf32, #tpu.memory_space<vmem_shared>>) offsets(%dma_start3A_499 : memref<16xi32, #tpu.memory_space<vmem>>) semaphore(%run_scoped3A_494 : memref<!tpu.dma_semaphore, #tpu.memory_space<semaphore_mem>>) {add = true}
        %dma_wait3A = arith.constant 48 : i32
        %dma_wait3A_503 = arith.constant 0 : i32
        %dma_wait3A_504 = tpu.memref_slice %arg10[%dma_wait3A, %dma_wait3A_503] : memref<128x128xf32, #tpu.memory_space<vmem>> -> memref<16x128xf32, #tpu.memory_space<vmem>>
        %dma_wait3A_505 = arith.constant 0 : i32
        %dma_wait3A_506 = tpu.memref_slice %arg9[%run_scoped3A_313, %dma_wait3A_505] : memref<8x16xi32, #tpu.memory_space<vmem>> -> memref<1x16xi32, #tpu.memory_space<vmem>>
        %dma_wait3A_507 = tpu.memref_squeeze %dma_wait3A_506 : memref<1x16xi32, #tpu.memory_space<vmem>> -> memref<16xi32, #tpu.memory_space<vmem>>
        %dma_wait3A_508 = arith.constant 0 : i32
        %dma_wait3A_509 = arith.constant 0 : i32
        %dma_wait3A_510 = tpu.memref_slice %arg13[%dma_wait3A_508, %dma_wait3A_509] : memref<1280x128xf32, #tpu.memory_space<vmem_shared>> -> memref<1280x128xf32, #tpu.memory_space<vmem_shared>>
        tpu.wait_indirect_dma semaphore(%run_scoped3A_494 : memref<!tpu.dma_semaphore, #tpu.memory_space<semaphore_mem>>) src(%dma_wait3A_504 : memref<16x128xf32, #tpu.memory_space<vmem>>) dst(%dma_wait3A_510 : memref<1280x128xf32, #tpu.memory_space<vmem_shared>>)
        tpu.yield
      }) : () -> ()
      %run_scoped3A_314 = arith.constant 4 : i32
      "tpu.region"() ({
        %run_scoped3A_494 = tpu.sem_alloc : memref<!tpu.dma_semaphore, #tpu.memory_space<semaphore_mem>>
        %dma_start3A = arith.constant 64 : i32
        %dma_start3A_495 = arith.constant 0 : i32
        %dma_start3A_496 = tpu.memref_slice %arg10[%dma_start3A, %dma_start3A_495] : memref<128x128xf32, #tpu.memory_space<vmem>> -> memref<16x128xf32, #tpu.memory_space<vmem>>
        %dma_start3A_497 = arith.constant 0 : i32
        %dma_start3A_498 = tpu.memref_slice %arg9[%run_scoped3A_314, %dma_start3A_497] : memref<8x16xi32, #tpu.memory_space<vmem>> -> memref<1x16xi32, #tpu.memory_space<vmem>>
        %dma_start3A_499 = tpu.memref_squeeze %dma_start3A_498 : memref<1x16xi32, #tpu.memory_space<vmem>> -> memref<16xi32, #tpu.memory_space<vmem>>
        %dma_start3A_500 = arith.constant 0 : i32
        %dma_start3A_501 = arith.constant 0 : i32
        %dma_start3A_502 = tpu.memref_slice %arg13[%dma_start3A_500, %dma_start3A_501] : memref<1280x128xf32, #tpu.memory_space<vmem_shared>> -> memref<1280x128xf32, #tpu.memory_space<vmem_shared>>
        tpu.enqueue_indirect_dma source(%dma_start3A_496 : memref<16x128xf32, #tpu.memory_space<vmem>>) target(%dma_start3A_502 : memref<1280x128xf32, #tpu.memory_space<vmem_shared>>) offsets(%dma_start3A_499 : memref<16xi32, #tpu.memory_space<vmem>>) semaphore(%run_scoped3A_494 : memref<!tpu.dma_semaphore, #tpu.memory_space<semaphore_mem>>) {add = true}
        %dma_wait3A = arith.constant 64 : i32
        %dma_wait3A_503 = arith.constant 0 : i32
        %dma_wait3A_504 = tpu.memref_slice %arg10[%dma_wait3A, %dma_wait3A_503] : memref<128x128xf32, #tpu.memory_space<vmem>> -> memref<16x128xf32, #tpu.memory_space<vmem>>
        %dma_wait3A_505 = arith.constant 0 : i32
        %dma_wait3A_506 = tpu.memref_slice %arg9[%run_scoped3A_314, %dma_wait3A_505] : memref<8x16xi32, #tpu.memory_space<vmem>> -> memref<1x16xi32, #tpu.memory_space<vmem>>
        %dma_wait3A_507 = tpu.memref_squeeze %dma_wait3A_506 : memref<1x16xi32, #tpu.memory_space<vmem>> -> memref<16xi32, #tpu.memory_space<vmem>>
        %dma_wait3A_508 = arith.constant 0 : i32
        %dma_wait3A_509 = arith.constant 0 : i32
        %dma_wait3A_510 = tpu.memref_slice %arg13[%dma_wait3A_508, %dma_wait3A_509] : memref<1280x128xf32, #tpu.memory_space<vmem_shared>> -> memref<1280x128xf32, #tpu.memory_space<vmem_shared>>
        tpu.wait_indirect_dma semaphore(%run_scoped3A_494 : memref<!tpu.dma_semaphore, #tpu.memory_space<semaphore_mem>>) src(%dma_wait3A_504 : memref<16x128xf32, #tpu.memory_space<vmem>>) dst(%dma_wait3A_510 : memref<1280x128xf32, #tpu.memory_space<vmem_shared>>)
        tpu.yield
      }) : () -> ()
      %run_scoped3A_315 = arith.constant 5 : i32
      "tpu.region"() ({
        %run_scoped3A_494 = tpu.sem_alloc : memref<!tpu.dma_semaphore, #tpu.memory_space<semaphore_mem>>
        %dma_start3A = arith.constant 80 : i32
        %dma_start3A_495 = arith.constant 0 : i32
        %dma_start3A_496 = tpu.memref_slice %arg10[%dma_start3A, %dma_start3A_495] : memref<128x128xf32, #tpu.memory_space<vmem>> -> memref<16x128xf32, #tpu.memory_space<vmem>>
        %dma_start3A_497 = arith.constant 0 : i32
        %dma_start3A_498 = tpu.memref_slice %arg9[%run_scoped3A_315, %dma_start3A_497] : memref<8x16xi32, #tpu.memory_space<vmem>> -> memref<1x16xi32, #tpu.memory_space<vmem>>
        %dma_start3A_499 = tpu.memref_squeeze %dma_start3A_498 : memref<1x16xi32, #tpu.memory_space<vmem>> -> memref<16xi32, #tpu.memory_space<vmem>>
        %dma_start3A_500 = arith.constant 0 : i32
        %dma_start3A_501 = arith.constant 0 : i32
        %dma_start3A_502 = tpu.memref_slice %arg13[%dma_start3A_500, %dma_start3A_501] : memref<1280x128xf32, #tpu.memory_space<vmem_shared>> -> memref<1280x128xf32, #tpu.memory_space<vmem_shared>>
        tpu.enqueue_indirect_dma source(%dma_start3A_496 : memref<16x128xf32, #tpu.memory_space<vmem>>) target(%dma_start3A_502 : memref<1280x128xf32, #tpu.memory_space<vmem_shared>>) offsets(%dma_start3A_499 : memref<16xi32, #tpu.memory_space<vmem>>) semaphore(%run_scoped3A_494 : memref<!tpu.dma_semaphore, #tpu.memory_space<semaphore_mem>>) {add = true}
        %dma_wait3A = arith.constant 80 : i32
        %dma_wait3A_503 = arith.constant 0 : i32
        %dma_wait3A_504 = tpu.memref_slice %arg10[%dma_wait3A, %dma_wait3A_503] : memref<128x128xf32, #tpu.memory_space<vmem>> -> memref<16x128xf32, #tpu.memory_space<vmem>>
        %dma_wait3A_505 = arith.constant 0 : i32
        %dma_wait3A_506 = tpu.memref_slice %arg9[%run_scoped3A_315, %dma_wait3A_505] : memref<8x16xi32, #tpu.memory_space<vmem>> -> memref<1x16xi32, #tpu.memory_space<vmem>>
        %dma_wait3A_507 = tpu.memref_squeeze %dma_wait3A_506 : memref<1x16xi32, #tpu.memory_space<vmem>> -> memref<16xi32, #tpu.memory_space<vmem>>
        %dma_wait3A_508 = arith.constant 0 : i32
        %dma_wait3A_509 = arith.constant 0 : i32
        %dma_wait3A_510 = tpu.memref_slice %arg13[%dma_wait3A_508, %dma_wait3A_509] : memref<1280x128xf32, #tpu.memory_space<vmem_shared>> -> memref<1280x128xf32, #tpu.memory_space<vmem_shared>>
        tpu.wait_indirect_dma semaphore(%run_scoped3A_494 : memref<!tpu.dma_semaphore, #tpu.memory_space<semaphore_mem>>) src(%dma_wait3A_504 : memref<16x128xf32, #tpu.memory_space<vmem>>) dst(%dma_wait3A_510 : memref<1280x128xf32, #tpu.memory_space<vmem_shared>>)
        tpu.yield
      }) : () -> ()
      %run_scoped3A_316 = arith.constant 6 : i32
      "tpu.region"() ({
        %run_scoped3A_494 = tpu.sem_alloc : memref<!tpu.dma_semaphore, #tpu.memory_space<semaphore_mem>>
        %dma_start3A = arith.constant 96 : i32
        %dma_start3A_495 = arith.constant 0 : i32
        %dma_start3A_496 = tpu.memref_slice %arg10[%dma_start3A, %dma_start3A_495] : memref<128x128xf32, #tpu.memory_space<vmem>> -> memref<16x128xf32, #tpu.memory_space<vmem>>
        %dma_start3A_497 = arith.constant 0 : i32
        %dma_start3A_498 = tpu.memref_slice %arg9[%run_scoped3A_316, %dma_start3A_497] : memref<8x16xi32, #tpu.memory_space<vmem>> -> memref<1x16xi32, #tpu.memory_space<vmem>>
        %dma_start3A_499 = tpu.memref_squeeze %dma_start3A_498 : memref<1x16xi32, #tpu.memory_space<vmem>> -> memref<16xi32, #tpu.memory_space<vmem>>
        %dma_start3A_500 = arith.constant 0 : i32
        %dma_start3A_501 = arith.constant 0 : i32
        %dma_start3A_502 = tpu.memref_slice %arg13[%dma_start3A_500, %dma_start3A_501] : memref<1280x128xf32, #tpu.memory_space<vmem_shared>> -> memref<1280x128xf32, #tpu.memory_space<vmem_shared>>
        tpu.enqueue_indirect_dma source(%dma_start3A_496 : memref<16x128xf32, #tpu.memory_space<vmem>>) target(%dma_start3A_502 : memref<1280x128xf32, #tpu.memory_space<vmem_shared>>) offsets(%dma_start3A_499 : memref<16xi32, #tpu.memory_space<vmem>>) semaphore(%run_scoped3A_494 : memref<!tpu.dma_semaphore, #tpu.memory_space<semaphore_mem>>) {add = true}
        %dma_wait3A = arith.constant 96 : i32
        %dma_wait3A_503 = arith.constant 0 : i32
        %dma_wait3A_504 = tpu.memref_slice %arg10[%dma_wait3A, %dma_wait3A_503] : memref<128x128xf32, #tpu.memory_space<vmem>> -> memref<16x128xf32, #tpu.memory_space<vmem>>
        %dma_wait3A_505 = arith.constant 0 : i32
        %dma_wait3A_506 = tpu.memref_slice %arg9[%run_scoped3A_316, %dma_wait3A_505] : memref<8x16xi32, #tpu.memory_space<vmem>> -> memref<1x16xi32, #tpu.memory_space<vmem>>
        %dma_wait3A_507 = tpu.memref_squeeze %dma_wait3A_506 : memref<1x16xi32, #tpu.memory_space<vmem>> -> memref<16xi32, #tpu.memory_space<vmem>>
        %dma_wait3A_508 = arith.constant 0 : i32
        %dma_wait3A_509 = arith.constant 0 : i32
        %dma_wait3A_510 = tpu.memref_slice %arg13[%dma_wait3A_508, %dma_wait3A_509] : memref<1280x128xf32, #tpu.memory_space<vmem_shared>> -> memref<1280x128xf32, #tpu.memory_space<vmem_shared>>
        tpu.wait_indirect_dma semaphore(%run_scoped3A_494 : memref<!tpu.dma_semaphore, #tpu.memory_space<semaphore_mem>>) src(%dma_wait3A_504 : memref<16x128xf32, #tpu.memory_space<vmem>>) dst(%dma_wait3A_510 : memref<1280x128xf32, #tpu.memory_space<vmem_shared>>)
        tpu.yield
      }) : () -> ()
      %run_scoped3A_317 = arith.constant 7 : i32
      "tpu.region"() ({
        %run_scoped3A_494 = tpu.sem_alloc : memref<!tpu.dma_semaphore, #tpu.memory_space<semaphore_mem>>
        %dma_start3A = arith.constant 112 : i32
        %dma_start3A_495 = arith.constant 0 : i32
        %dma_start3A_496 = tpu.memref_slice %arg10[%dma_start3A, %dma_start3A_495] : memref<128x128xf32, #tpu.memory_space<vmem>> -> memref<16x128xf32, #tpu.memory_space<vmem>>
        %dma_start3A_497 = arith.constant 0 : i32
        %dma_start3A_498 = tpu.memref_slice %arg9[%run_scoped3A_317, %dma_start3A_497] : memref<8x16xi32, #tpu.memory_space<vmem>> -> memref<1x16xi32, #tpu.memory_space<vmem>>
        %dma_start3A_499 = tpu.memref_squeeze %dma_start3A_498 : memref<1x16xi32, #tpu.memory_space<vmem>> -> memref<16xi32, #tpu.memory_space<vmem>>
        %dma_start3A_500 = arith.constant 0 : i32
        %dma_start3A_501 = arith.constant 0 : i32
        %dma_start3A_502 = tpu.memref_slice %arg13[%dma_start3A_500, %dma_start3A_501] : memref<1280x128xf32, #tpu.memory_space<vmem_shared>> -> memref<1280x128xf32, #tpu.memory_space<vmem_shared>>
        tpu.enqueue_indirect_dma source(%dma_start3A_496 : memref<16x128xf32, #tpu.memory_space<vmem>>) target(%dma_start3A_502 : memref<1280x128xf32, #tpu.memory_space<vmem_shared>>) offsets(%dma_start3A_499 : memref<16xi32, #tpu.memory_space<vmem>>) semaphore(%run_scoped3A_494 : memref<!tpu.dma_semaphore, #tpu.memory_space<semaphore_mem>>) {add = true}
        %dma_wait3A = arith.constant 112 : i32
        %dma_wait3A_503 = arith.constant 0 : i32
        %dma_wait3A_504 = tpu.memref_slice %arg10[%dma_wait3A, %dma_wait3A_503] : memref<128x128xf32, #tpu.memory_space<vmem>> -> memref<16x128xf32, #tpu.memory_space<vmem>>
        %dma_wait3A_505 = arith.constant 0 : i32
        %dma_wait3A_506 = tpu.memref_slice %arg9[%run_scoped3A_317, %dma_wait3A_505] : memref<8x16xi32, #tpu.memory_space<vmem>> -> memref<1x16xi32, #tpu.memory_space<vmem>>
        %dma_wait3A_507 = tpu.memref_squeeze %dma_wait3A_506 : memref<1x16xi32, #tpu.memory_space<vmem>> -> memref<16xi32, #tpu.memory_space<vmem>>
        %dma_wait3A_508 = arith.constant 0 : i32
        %dma_wait3A_509 = arith.constant 0 : i32
        %dma_wait3A_510 = tpu.memref_slice %arg13[%dma_wait3A_508, %dma_wait3A_509] : memref<1280x128xf32, #tpu.memory_space<vmem_shared>> -> memref<1280x128xf32, #tpu.memory_space<vmem_shared>>
        tpu.wait_indirect_dma semaphore(%run_scoped3A_494 : memref<!tpu.dma_semaphore, #tpu.memory_space<semaphore_mem>>) src(%dma_wait3A_504 : memref<16x128xf32, #tpu.memory_space<vmem>>) dst(%dma_wait3A_510 : memref<1280x128xf32, #tpu.memory_space<vmem_shared>>)
        tpu.yield
      }) : () -> ()
      %add3A_318 = arith.constant 0 : i32
      %add3A_319 = vector.broadcast %add3A_318 : i32 to vector<16xi32>
      %add3A_320 = arith.addi %iota3A, %add3A_319 : vector<16xi32>
      %get3A_321 = arith.constant 0 : i32
      %get3A_322 = arith.index_cast %get3A_321 : i32 to index
      %get3A_323 = arith.constant 0 : index
      %get3A_324 = tpu.vector_load %arg8[%get3A_322, %get3A_323] {strides = array<i32>} : memref<8x16xi32, #tpu.memory_space<vmem>>, vector<16xi32>,
      %and3A_325 = arith.constant 7 : i32
      %and3A_326 = vector.broadcast %and3A_325 : i32 to vector<16xi32>
      %and3A_327 = arith.andi %get3A_324, %and3A_326 : vector<16xi32>
      %mul3A_328 = arith.constant 16 : i32
      %mul3A_329 = vector.broadcast %mul3A_328 : i32 to vector<16xi32>
      %mul3A_330 = arith.muli %and3A_327, %mul3A_329 : vector<16xi32>
      %add3A_331 = arith.constant 0 : i32
      %add3A_332 = vector.broadcast %add3A_331 : i32 to vector<16xi32>
      %add3A_333 = arith.addi %mul3A_330, %add3A_332 : vector<16xi32>
      tpu.vector_store_idx %arg10[%add3A_320, %add3A_333], %broadcast_in_dim3A_7 : memref<128x128xf32, #tpu.memory_space<vmem>>[vector<16xi32>, vector<16xi32>], vector<16xf32>,
      %add3A_334 = arith.constant 1 : i32
      %add3A_335 = vector.broadcast %add3A_334 : i32 to vector<16xi32>
      %add3A_336 = arith.addi %mul3A_330, %add3A_335 : vector<16xi32>
      tpu.vector_store_idx %arg10[%add3A_320, %add3A_336], %broadcast_in_dim3A_7 : memref<128x128xf32, #tpu.memory_space<vmem>>[vector<16xi32>, vector<16xi32>], vector<16xf32>,
      %add3A_337 = arith.constant 2 : i32
      %add3A_338 = vector.broadcast %add3A_337 : i32 to vector<16xi32>
      %add3A_339 = arith.addi %mul3A_330, %add3A_338 : vector<16xi32>
      tpu.vector_store_idx %arg10[%add3A_320, %add3A_339], %broadcast_in_dim3A_7 : memref<128x128xf32, #tpu.memory_space<vmem>>[vector<16xi32>, vector<16xi32>], vector<16xf32>,
      %add3A_340 = arith.constant 16 : i32
      %add3A_341 = vector.broadcast %add3A_340 : i32 to vector<16xi32>
      %add3A_342 = arith.addi %iota3A, %add3A_341 : vector<16xi32>
      %get3A_343 = arith.constant 1 : i32
      %get3A_344 = arith.index_cast %get3A_343 : i32 to index
      %get3A_345 = arith.constant 0 : index
      %get3A_346 = tpu.vector_load %arg8[%get3A_344, %get3A_345] {strides = array<i32>} : memref<8x16xi32, #tpu.memory_space<vmem>>, vector<16xi32>,
      %and3A_347 = arith.constant 7 : i32
      %and3A_348 = vector.broadcast %and3A_347 : i32 to vector<16xi32>
      %and3A_349 = arith.andi %get3A_346, %and3A_348 : vector<16xi32>
      %mul3A_350 = arith.constant 16 : i32
      %mul3A_351 = vector.broadcast %mul3A_350 : i32 to vector<16xi32>
      %mul3A_352 = arith.muli %and3A_349, %mul3A_351 : vector<16xi32>
      %add3A_353 = arith.constant 0 : i32
      %add3A_354 = vector.broadcast %add3A_353 : i32 to vector<16xi32>
      %add3A_355 = arith.addi %mul3A_352, %add3A_354 : vector<16xi32>
      tpu.vector_store_idx %arg10[%add3A_342, %add3A_355], %broadcast_in_dim3A_7 : memref<128x128xf32, #tpu.memory_space<vmem>>[vector<16xi32>, vector<16xi32>], vector<16xf32>,
      %add3A_356 = arith.constant 1 : i32
      %add3A_357 = vector.broadcast %add3A_356 : i32 to vector<16xi32>
      %add3A_358 = arith.addi %mul3A_352, %add3A_357 : vector<16xi32>
      tpu.vector_store_idx %arg10[%add3A_342, %add3A_358], %broadcast_in_dim3A_7 : memref<128x128xf32, #tpu.memory_space<vmem>>[vector<16xi32>, vector<16xi32>], vector<16xf32>,
      %add3A_359 = arith.constant 2 : i32
      %add3A_360 = vector.broadcast %add3A_359 : i32 to vector<16xi32>
      %add3A_361 = arith.addi %mul3A_352, %add3A_360 : vector<16xi32>
      tpu.vector_store_idx %arg10[%add3A_342, %add3A_361], %broadcast_in_dim3A_7 : memref<128x128xf32, #tpu.memory_space<vmem>>[vector<16xi32>, vector<16xi32>], vector<16xf32>,
      %add3A_362 = arith.constant 32 : i32
      %add3A_363 = vector.broadcast %add3A_362 : i32 to vector<16xi32>
      %add3A_364 = arith.addi %iota3A, %add3A_363 : vector<16xi32>
      %get3A_365 = arith.constant 2 : i32
      %get3A_366 = arith.index_cast %get3A_365 : i32 to index
      %get3A_367 = arith.constant 0 : index
      %get3A_368 = tpu.vector_load %arg8[%get3A_366, %get3A_367] {strides = array<i32>} : memref<8x16xi32, #tpu.memory_space<vmem>>, vector<16xi32>,
      %and3A_369 = arith.constant 7 : i32
      %and3A_370 = vector.broadcast %and3A_369 : i32 to vector<16xi32>
      %and3A_371 = arith.andi %get3A_368, %and3A_370 : vector<16xi32>
      %mul3A_372 = arith.constant 16 : i32
      %mul3A_373 = vector.broadcast %mul3A_372 : i32 to vector<16xi32>
      %mul3A_374 = arith.muli %and3A_371, %mul3A_373 : vector<16xi32>
      %add3A_375 = arith.constant 0 : i32
      %add3A_376 = vector.broadcast %add3A_375 : i32 to vector<16xi32>
      %add3A_377 = arith.addi %mul3A_374, %add3A_376 : vector<16xi32>
      tpu.vector_store_idx %arg10[%add3A_364, %add3A_377], %broadcast_in_dim3A_7 : memref<128x128xf32, #tpu.memory_space<vmem>>[vector<16xi32>, vector<16xi32>], vector<16xf32>,
      %add3A_378 = arith.constant 1 : i32
      %add3A_379 = vector.broadcast %add3A_378 : i32 to vector<16xi32>
      %add3A_380 = arith.addi %mul3A_374, %add3A_379 : vector<16xi32>
      tpu.vector_store_idx %arg10[%add3A_364, %add3A_380], %broadcast_in_dim3A_7 : memref<128x128xf32, #tpu.memory_space<vmem>>[vector<16xi32>, vector<16xi32>], vector<16xf32>,
      %add3A_381 = arith.constant 2 : i32
      %add3A_382 = vector.broadcast %add3A_381 : i32 to vector<16xi32>
      %add3A_383 = arith.addi %mul3A_374, %add3A_382 : vector<16xi32>
      tpu.vector_store_idx %arg10[%add3A_364, %add3A_383], %broadcast_in_dim3A_7 : memref<128x128xf32, #tpu.memory_space<vmem>>[vector<16xi32>, vector<16xi32>], vector<16xf32>,
      %add3A_384 = arith.constant 48 : i32
      %add3A_385 = vector.broadcast %add3A_384 : i32 to vector<16xi32>
      %add3A_386 = arith.addi %iota3A, %add3A_385 : vector<16xi32>
      %get3A_387 = arith.constant 3 : i32
      %get3A_388 = arith.index_cast %get3A_387 : i32 to index
      %get3A_389 = arith.constant 0 : index
      %get3A_390 = tpu.vector_load %arg8[%get3A_388, %get3A_389] {strides = array<i32>} : memref<8x16xi32, #tpu.memory_space<vmem>>, vector<16xi32>,
      %and3A_391 = arith.constant 7 : i32
      %and3A_392 = vector.broadcast %and3A_391 : i32 to vector<16xi32>
      %and3A_393 = arith.andi %get3A_390, %and3A_392 : vector<16xi32>
      %mul3A_394 = arith.constant 16 : i32
      %mul3A_395 = vector.broadcast %mul3A_394 : i32 to vector<16xi32>
      %mul3A_396 = arith.muli %and3A_393, %mul3A_395 : vector<16xi32>
      %add3A_397 = arith.constant 0 : i32
      %add3A_398 = vector.broadcast %add3A_397 : i32 to vector<16xi32>
      %add3A_399 = arith.addi %mul3A_396, %add3A_398 : vector<16xi32>
      tpu.vector_store_idx %arg10[%add3A_386, %add3A_399], %broadcast_in_dim3A_7 : memref<128x128xf32, #tpu.memory_space<vmem>>[vector<16xi32>, vector<16xi32>], vector<16xf32>,
      %add3A_400 = arith.constant 1 : i32
      %add3A_401 = vector.broadcast %add3A_400 : i32 to vector<16xi32>
      %add3A_402 = arith.addi %mul3A_396, %add3A_401 : vector<16xi32>
      tpu.vector_store_idx %arg10[%add3A_386, %add3A_402], %broadcast_in_dim3A_7 : memref<128x128xf32, #tpu.memory_space<vmem>>[vector<16xi32>, vector<16xi32>], vector<16xf32>,
      %add3A_403 = arith.constant 2 : i32
      %add3A_404 = vector.broadcast %add3A_403 : i32 to vector<16xi32>
      %add3A_405 = arith.addi %mul3A_396, %add3A_404 : vector<16xi32>
      tpu.vector_store_idx %arg10[%add3A_386, %add3A_405], %broadcast_in_dim3A_7 : memref<128x128xf32, #tpu.memory_space<vmem>>[vector<16xi32>, vector<16xi32>], vector<16xf32>,
      %add3A_406 = arith.constant 64 : i32
      %add3A_407 = vector.broadcast %add3A_406 : i32 to vector<16xi32>
      %add3A_408 = arith.addi %iota3A, %add3A_407 : vector<16xi32>
      %get3A_409 = arith.constant 4 : i32
      %get3A_410 = arith.index_cast %get3A_409 : i32 to index
      %get3A_411 = arith.constant 0 : index
      %get3A_412 = tpu.vector_load %arg8[%get3A_410, %get3A_411] {strides = array<i32>} : memref<8x16xi32, #tpu.memory_space<vmem>>, vector<16xi32>,
      %and3A_413 = arith.constant 7 : i32
      %and3A_414 = vector.broadcast %and3A_413 : i32 to vector<16xi32>
      %and3A_415 = arith.andi %get3A_412, %and3A_414 : vector<16xi32>
      %mul3A_416 = arith.constant 16 : i32
      %mul3A_417 = vector.broadcast %mul3A_416 : i32 to vector<16xi32>
      %mul3A_418 = arith.muli %and3A_415, %mul3A_417 : vector<16xi32>
      %add3A_419 = arith.constant 0 : i32
      %add3A_420 = vector.broadcast %add3A_419 : i32 to vector<16xi32>
      %add3A_421 = arith.addi %mul3A_418, %add3A_420 : vector<16xi32>
      tpu.vector_store_idx %arg10[%add3A_408, %add3A_421], %broadcast_in_dim3A_7 : memref<128x128xf32, #tpu.memory_space<vmem>>[vector<16xi32>, vector<16xi32>], vector<16xf32>,
      %add3A_422 = arith.constant 1 : i32
      %add3A_423 = vector.broadcast %add3A_422 : i32 to vector<16xi32>
      %add3A_424 = arith.addi %mul3A_418, %add3A_423 : vector<16xi32>
      tpu.vector_store_idx %arg10[%add3A_408, %add3A_424], %broadcast_in_dim3A_7 : memref<128x128xf32, #tpu.memory_space<vmem>>[vector<16xi32>, vector<16xi32>], vector<16xf32>,
      %add3A_425 = arith.constant 2 : i32
      %add3A_426 = vector.broadcast %add3A_425 : i32 to vector<16xi32>
      %add3A_427 = arith.addi %mul3A_418, %add3A_426 : vector<16xi32>
      tpu.vector_store_idx %arg10[%add3A_408, %add3A_427], %broadcast_in_dim3A_7 : memref<128x128xf32, #tpu.memory_space<vmem>>[vector<16xi32>, vector<16xi32>], vector<16xf32>,
      %add3A_428 = arith.constant 80 : i32
      %add3A_429 = vector.broadcast %add3A_428 : i32 to vector<16xi32>
      %add3A_430 = arith.addi %iota3A, %add3A_429 : vector<16xi32>
      %get3A_431 = arith.constant 5 : i32
      %get3A_432 = arith.index_cast %get3A_431 : i32 to index
      %get3A_433 = arith.constant 0 : index
      %get3A_434 = tpu.vector_load %arg8[%get3A_432, %get3A_433] {strides = array<i32>} : memref<8x16xi32, #tpu.memory_space<vmem>>, vector<16xi32>,
      %and3A_435 = arith.constant 7 : i32
      %and3A_436 = vector.broadcast %and3A_435 : i32 to vector<16xi32>
      %and3A_437 = arith.andi %get3A_434, %and3A_436 : vector<16xi32>
      %mul3A_438 = arith.constant 16 : i32
      %mul3A_439 = vector.broadcast %mul3A_438 : i32 to vector<16xi32>
      %mul3A_440 = arith.muli %and3A_437, %mul3A_439 : vector<16xi32>
      %add3A_441 = arith.constant 0 : i32
      %add3A_442 = vector.broadcast %add3A_441 : i32 to vector<16xi32>
      %add3A_443 = arith.addi %mul3A_440, %add3A_442 : vector<16xi32>
      tpu.vector_store_idx %arg10[%add3A_430, %add3A_443], %broadcast_in_dim3A_7 : memref<128x128xf32, #tpu.memory_space<vmem>>[vector<16xi32>, vector<16xi32>], vector<16xf32>,
      %add3A_444 = arith.constant 1 : i32
      %add3A_445 = vector.broadcast %add3A_444 : i32 to vector<16xi32>
      %add3A_446 = arith.addi %mul3A_440, %add3A_445 : vector<16xi32>
      tpu.vector_store_idx %arg10[%add3A_430, %add3A_446], %broadcast_in_dim3A_7 : memref<128x128xf32, #tpu.memory_space<vmem>>[vector<16xi32>, vector<16xi32>], vector<16xf32>,
      %add3A_447 = arith.constant 2 : i32
      %add3A_448 = vector.broadcast %add3A_447 : i32 to vector<16xi32>
      %add3A_449 = arith.addi %mul3A_440, %add3A_448 : vector<16xi32>
      tpu.vector_store_idx %arg10[%add3A_430, %add3A_449], %broadcast_in_dim3A_7 : memref<128x128xf32, #tpu.memory_space<vmem>>[vector<16xi32>, vector<16xi32>], vector<16xf32>,
      %add3A_450 = arith.constant 96 : i32
      %add3A_451 = vector.broadcast %add3A_450 : i32 to vector<16xi32>
      %add3A_452 = arith.addi %iota3A, %add3A_451 : vector<16xi32>
      %get3A_453 = arith.constant 6 : i32
      %get3A_454 = arith.index_cast %get3A_453 : i32 to index
      %get3A_455 = arith.constant 0 : index
      %get3A_456 = tpu.vector_load %arg8[%get3A_454, %get3A_455] {strides = array<i32>} : memref<8x16xi32, #tpu.memory_space<vmem>>, vector<16xi32>,
      %and3A_457 = arith.constant 7 : i32
      %and3A_458 = vector.broadcast %and3A_457 : i32 to vector<16xi32>
      %and3A_459 = arith.andi %get3A_456, %and3A_458 : vector<16xi32>
      %mul3A_460 = arith.constant 16 : i32
      %mul3A_461 = vector.broadcast %mul3A_460 : i32 to vector<16xi32>
      %mul3A_462 = arith.muli %and3A_459, %mul3A_461 : vector<16xi32>
      %add3A_463 = arith.constant 0 : i32
      %add3A_464 = vector.broadcast %add3A_463 : i32 to vector<16xi32>
      %add3A_465 = arith.addi %mul3A_462, %add3A_464 : vector<16xi32>
      tpu.vector_store_idx %arg10[%add3A_452, %add3A_465], %broadcast_in_dim3A_7 : memref<128x128xf32, #tpu.memory_space<vmem>>[vector<16xi32>, vector<16xi32>], vector<16xf32>,
      %add3A_466 = arith.constant 1 : i32
      %add3A_467 = vector.broadcast %add3A_466 : i32 to vector<16xi32>
      %add3A_468 = arith.addi %mul3A_462, %add3A_467 : vector<16xi32>
      tpu.vector_store_idx %arg10[%add3A_452, %add3A_468], %broadcast_in_dim3A_7 : memref<128x128xf32, #tpu.memory_space<vmem>>[vector<16xi32>, vector<16xi32>], vector<16xf32>,
      %add3A_469 = arith.constant 2 : i32
      %add3A_470 = vector.broadcast %add3A_469 : i32 to vector<16xi32>
      %add3A_471 = arith.addi %mul3A_462, %add3A_470 : vector<16xi32>
      tpu.vector_store_idx %arg10[%add3A_452, %add3A_471], %broadcast_in_dim3A_7 : memref<128x128xf32, #tpu.memory_space<vmem>>[vector<16xi32>, vector<16xi32>], vector<16xf32>,
      %add3A_472 = arith.constant 112 : i32
      %add3A_473 = vector.broadcast %add3A_472 : i32 to vector<16xi32>
      %add3A_474 = arith.addi %iota3A, %add3A_473 : vector<16xi32>
      %get3A_475 = arith.constant 7 : i32
      %get3A_476 = arith.index_cast %get3A_475 : i32 to index
      %get3A_477 = arith.constant 0 : index
      %get3A_478 = tpu.vector_load %arg8[%get3A_476, %get3A_477] {strides = array<i32>} : memref<8x16xi32, #tpu.memory_space<vmem>>, vector<16xi32>,
      %and3A_479 = arith.constant 7 : i32
      %and3A_480 = vector.broadcast %and3A_479 : i32 to vector<16xi32>
      %and3A_481 = arith.andi %get3A_478, %and3A_480 : vector<16xi32>
      %mul3A_482 = arith.constant 16 : i32
      %mul3A_483 = vector.broadcast %mul3A_482 : i32 to vector<16xi32>
      %mul3A_484 = arith.muli %and3A_481, %mul3A_483 : vector<16xi32>
      %add3A_485 = arith.constant 0 : i32
      %add3A_486 = vector.broadcast %add3A_485 : i32 to vector<16xi32>
      %add3A_487 = arith.addi %mul3A_484, %add3A_486 : vector<16xi32>
      tpu.vector_store_idx %arg10[%add3A_474, %add3A_487], %broadcast_in_dim3A_7 : memref<128x128xf32, #tpu.memory_space<vmem>>[vector<16xi32>, vector<16xi32>], vector<16xf32>,
      %add3A_488 = arith.constant 1 : i32
      %add3A_489 = vector.broadcast %add3A_488 : i32 to vector<16xi32>
      %add3A_490 = arith.addi %mul3A_484, %add3A_489 : vector<16xi32>
      tpu.vector_store_idx %arg10[%add3A_474, %add3A_490], %broadcast_in_dim3A_7 : memref<128x128xf32, #tpu.memory_space<vmem>>[vector<16xi32>, vector<16xi32>], vector<16xf32>,
      %add3A_491 = arith.constant 2 : i32
      %add3A_492 = vector.broadcast %add3A_491 : i32 to vector<16xi32>
      %add3A_493 = arith.addi %mul3A_484, %add3A_492 : vector<16xi32>
      tpu.vector_store_idx %arg10[%add3A_474, %add3A_493], %broadcast_in_dim3A_7 : memref<128x128xf32, #tpu.memory_space<vmem>>[vector<16xi32>, vector<16xi32>], vector<16xf32>,
    }
    %while3A_16 = arith.constant 1 : i32
    scf.for %while3A_18 = %while3A_14 to %while3A_10 step %while3A_16  : i32 {
      %mul3A_19 = arith.constant 32 : i32
      %mul3A_20 = arith.muli %while3A_18, %mul3A_19 : i32
      %add3A_21 = arith.addi %add3A, %mul3A_20 : i32
      %mul3A_22 = arith.constant 8 : i32
      %mul3A_23 = arith.muli %add3A_21, %mul3A_22 : i32
      %mul3A_24 = arith.constant 128 : i32
      %mul3A_25 = arith.muli %add3A_21, %mul3A_24 : i32
      "tpu.region"() ({
        %run_scoped3A_494 = tpu.sem_alloc : memref<!tpu.dma_semaphore, #tpu.memory_space<semaphore_mem>>
        %dma_start3A = arith.constant 0 : i32
        %dma_start3A_495 = tpu.memref_slice %arg4[%mul3A_23, %dma_start3A] : memref<20000x16xi32, #tpu.memory_space<hbm>> -> memref<8x16xi32, #tpu.memory_space<hbm>>
        %dma_start3A_496 = arith.constant 0 : i32
        %dma_start3A_497 = tpu.memref_slice %arg4[%mul3A_23, %dma_start3A_496] : memref<20000x16xi32, #tpu.memory_space<hbm>> -> memref<8x16xi32, #tpu.memory_space<hbm>>
        tpu.enqueue_dma source(%dma_start3A_497 : memref<8x16xi32, #tpu.memory_space<hbm>>) target(%arg8 : memref<8x16xi32, #tpu.memory_space<vmem>>) target_semaphore(%run_scoped3A_494 : memref<!tpu.dma_semaphore, #tpu.memory_space<semaphore_mem>>)
        %dma_wait3A = arith.constant 0 : i32
        %dma_wait3A_498 = tpu.memref_slice %arg4[%mul3A_23, %dma_wait3A] : memref<20000x16xi32, #tpu.memory_space<hbm>> -> memref<8x16xi32, #tpu.memory_space<hbm>>
        %dma_wait3A_499 = arith.constant 0 : i32
        %dma_wait3A_500 = tpu.memref_slice %arg4[%mul3A_23, %dma_wait3A_499] : memref<20000x16xi32, #tpu.memory_space<hbm>> -> memref<8x16xi32, #tpu.memory_space<hbm>>
        tpu.wait_dma2 semaphore(%run_scoped3A_494 : memref<!tpu.dma_semaphore, #tpu.memory_space<semaphore_mem>>) src(%dma_wait3A_500 : memref<8x16xi32, #tpu.memory_space<hbm>>) dst(%arg8 : memref<8x16xi32, #tpu.memory_space<vmem>>)
        tpu.yield
      }) : () -> ()
      "tpu.region"() ({
        %run_scoped3A_494 = tpu.sem_alloc : memref<!tpu.dma_semaphore, #tpu.memory_space<semaphore_mem>>
        %dma_start3A = arith.constant 0 : i32
        %dma_start3A_495 = tpu.memref_slice %arg5[%mul3A_23, %dma_start3A] : memref<20000x16xi32, #tpu.memory_space<hbm>> -> memref<8x16xi32, #tpu.memory_space<hbm>>
        %dma_start3A_496 = arith.constant 0 : i32
        %dma_start3A_497 = tpu.memref_slice %arg5[%mul3A_23, %dma_start3A_496] : memref<20000x16xi32, #tpu.memory_space<hbm>> -> memref<8x16xi32, #tpu.memory_space<hbm>>
        tpu.enqueue_dma source(%dma_start3A_497 : memref<8x16xi32, #tpu.memory_space<hbm>>) target(%arg9 : memref<8x16xi32, #tpu.memory_space<vmem>>) target_semaphore(%run_scoped3A_494 : memref<!tpu.dma_semaphore, #tpu.memory_space<semaphore_mem>>)
        %dma_wait3A = arith.constant 0 : i32
        %dma_wait3A_498 = tpu.memref_slice %arg5[%mul3A_23, %dma_wait3A] : memref<20000x16xi32, #tpu.memory_space<hbm>> -> memref<8x16xi32, #tpu.memory_space<hbm>>
        %dma_wait3A_499 = arith.constant 0 : i32
        %dma_wait3A_500 = tpu.memref_slice %arg5[%mul3A_23, %dma_wait3A_499] : memref<20000x16xi32, #tpu.memory_space<hbm>> -> memref<8x16xi32, #tpu.memory_space<hbm>>
        tpu.wait_dma2 semaphore(%run_scoped3A_494 : memref<!tpu.dma_semaphore, #tpu.memory_space<semaphore_mem>>) src(%dma_wait3A_500 : memref<8x16xi32, #tpu.memory_space<hbm>>) dst(%arg9 : memref<8x16xi32, #tpu.memory_space<vmem>>)
        tpu.yield
      }) : () -> ()
      "tpu.region"() ({
        %run_scoped3A_494 = tpu.sem_alloc : memref<!tpu.dma_semaphore, #tpu.memory_space<semaphore_mem>>
        %dma_start3A = arith.constant 0 : i32
        %dma_start3A_495 = tpu.memref_slice %arg3[%mul3A_25, %dma_start3A] : memref<320000x16xf32, #tpu.memory_space<hbm>> -> memref<128x16xf32, #tpu.memory_space<hbm>>
        %dma_start3A_496 = arith.constant 0 : i32
        %dma_start3A_497 = tpu.memref_slice %arg3[%mul3A_25, %dma_start3A_496] : memref<320000x16xf32, #tpu.memory_space<hbm>> -> memref<128x16xf32, #tpu.memory_space<hbm>>
        tpu.enqueue_dma source(%dma_start3A_497 : memref<128x16xf32, #tpu.memory_space<hbm>>) target(%arg11 : memref<128x16xf32, #tpu.memory_space<vmem>>) target_semaphore(%run_scoped3A_494 : memref<!tpu.dma_semaphore, #tpu.memory_space<semaphore_mem>>)
        %dma_wait3A = arith.constant 0 : i32
        %dma_wait3A_498 = tpu.memref_slice %arg3[%mul3A_25, %dma_wait3A] : memref<320000x16xf32, #tpu.memory_space<hbm>> -> memref<128x16xf32, #tpu.memory_space<hbm>>
        %dma_wait3A_499 = arith.constant 0 : i32
        %dma_wait3A_500 = tpu.memref_slice %arg3[%mul3A_25, %dma_wait3A_499] : memref<320000x16xf32, #tpu.memory_space<hbm>> -> memref<128x16xf32, #tpu.memory_space<hbm>>
        tpu.wait_dma2 semaphore(%run_scoped3A_494 : memref<!tpu.dma_semaphore, #tpu.memory_space<semaphore_mem>>) src(%dma_wait3A_500 : memref<128x16xf32, #tpu.memory_space<hbm>>) dst(%arg11 : memref<128x16xf32, #tpu.memory_space<vmem>>)
        tpu.yield
      }) : () -> ()
      "tpu.region"() ({
        %run_scoped3A_494 = tpu.sem_alloc : memref<!tpu.dma_semaphore, #tpu.memory_space<semaphore_mem>>
        %dma_start3A = tpu.memref_slice %arg2[%mul3A_25] : memref<320000xf32, #tpu.memory_space<hbm>> -> memref<128xf32, #tpu.memory_space<hbm>>
        %dma_start3A_495 = tpu.memref_slice %arg2[%mul3A_25] : memref<320000xf32, #tpu.memory_space<hbm>> -> memref<128xf32, #tpu.memory_space<hbm>>
        tpu.enqueue_dma source(%dma_start3A_495 : memref<128xf32, #tpu.memory_space<hbm>>) target(%arg12 : memref<128xf32, #tpu.memory_space<vmem>>) target_semaphore(%run_scoped3A_494 : memref<!tpu.dma_semaphore, #tpu.memory_space<semaphore_mem>>)
        %dma_wait3A = tpu.memref_slice %arg2[%mul3A_25] : memref<320000xf32, #tpu.memory_space<hbm>> -> memref<128xf32, #tpu.memory_space<hbm>>
        %dma_wait3A_496 = tpu.memref_slice %arg2[%mul3A_25] : memref<320000xf32, #tpu.memory_space<hbm>> -> memref<128xf32, #tpu.memory_space<hbm>>
        tpu.wait_dma2 semaphore(%run_scoped3A_494 : memref<!tpu.dma_semaphore, #tpu.memory_space<semaphore_mem>>) src(%dma_wait3A_496 : memref<128xf32, #tpu.memory_space<hbm>>) dst(%arg12 : memref<128xf32, #tpu.memory_space<vmem>>)
        tpu.yield
      }) : () -> ()
      %add3A_26 = arith.constant 0 : i32
      %add3A_27 = vector.broadcast %add3A_26 : i32 to vector<16xi32>
      %add3A_28 = arith.addi %iota3A, %add3A_27 : vector<16xi32>
      %get3A = arith.constant 0 : i32
      %get3A_29 = arith.index_cast %get3A : i32 to index
      %get3A_30 = arith.constant 0 : index
      %get3A_31 = tpu.vector_load %arg8[%get3A_29, %get3A_30] {strides = array<i32>} : memref<8x16xi32, #tpu.memory_space<vmem>>, vector<16xi32>,
      %and3A = arith.constant 7 : i32
      %and3A_32 = vector.broadcast %and3A : i32 to vector<16xi32>
      %and3A_33 = arith.andi %get3A_31, %and3A_32 : vector<16xi32>
      %mul3A_34 = arith.constant 16 : i32
      %mul3A_35 = vector.broadcast %mul3A_34 : i32 to vector<16xi32>
      %mul3A_36 = arith.muli %and3A_33, %mul3A_35 : vector<16xi32>
      %get3A_37 = arith.constant 0 : index
      %get3A_38 = tpu.vector_load %arg12[%get3A_37] {strides = array<i32>} : memref<128xf32, #tpu.memory_space<vmem>>, vector<16xf32>,
      %broadcast_in_dim3A_39 = arith.constant 0 : i32
      %broadcast_in_dim3A_40 = vector.broadcast %broadcast_in_dim3A_39 : i32 to vector<16xi32>
      %gather3A = tpu.vector_load_idx %arg11[%add3A_28, %broadcast_in_dim3A_40] : memref<128x16xf32, #tpu.memory_space<vmem>>[vector<16xi32>, vector<16xi32>], vector<16xf32>,
      %add3A_41 = arith.constant 0 : i32
      %add3A_42 = vector.broadcast %add3A_41 : i32 to vector<16xi32>
      %add3A_43 = arith.addi %mul3A_36, %add3A_42 : vector<16xi32>
      %mul3A_44 = arith.mulf %get3A_38, %gather3A : vector<16xf32>
      tpu.vector_store_idx %arg10[%add3A_28, %add3A_43], %mul3A_44 : memref<128x128xf32, #tpu.memory_space<vmem>>[vector<16xi32>, vector<16xi32>], vector<16xf32>,
      %broadcast_in_dim3A_45 = arith.constant 1 : i32
      %broadcast_in_dim3A_46 = vector.broadcast %broadcast_in_dim3A_45 : i32 to vector<16xi32>
      %gather3A_47 = tpu.vector_load_idx %arg11[%add3A_28, %broadcast_in_dim3A_46] : memref<128x16xf32, #tpu.memory_space<vmem>>[vector<16xi32>, vector<16xi32>], vector<16xf32>,
      %add3A_48 = arith.constant 1 : i32
      %add3A_49 = vector.broadcast %add3A_48 : i32 to vector<16xi32>
      %add3A_50 = arith.addi %mul3A_36, %add3A_49 : vector<16xi32>
      %mul3A_51 = arith.mulf %get3A_38, %gather3A_47 : vector<16xf32>
      tpu.vector_store_idx %arg10[%add3A_28, %add3A_50], %mul3A_51 : memref<128x128xf32, #tpu.memory_space<vmem>>[vector<16xi32>, vector<16xi32>], vector<16xf32>,
      %broadcast_in_dim3A_52 = arith.constant 2 : i32
      %broadcast_in_dim3A_53 = vector.broadcast %broadcast_in_dim3A_52 : i32 to vector<16xi32>
      %gather3A_54 = tpu.vector_load_idx %arg11[%add3A_28, %broadcast_in_dim3A_53] : memref<128x16xf32, #tpu.memory_space<vmem>>[vector<16xi32>, vector<16xi32>], vector<16xf32>,
      %add3A_55 = arith.constant 2 : i32
      %add3A_56 = vector.broadcast %add3A_55 : i32 to vector<16xi32>
      %add3A_57 = arith.addi %mul3A_36, %add3A_56 : vector<16xi32>
      %mul3A_58 = arith.mulf %get3A_38, %gather3A_54 : vector<16xf32>
      tpu.vector_store_idx %arg10[%add3A_28, %add3A_57], %mul3A_58 : memref<128x128xf32, #tpu.memory_space<vmem>>[vector<16xi32>, vector<16xi32>], vector<16xf32>,
      %add3A_59 = arith.constant 16 : i32
      %add3A_60 = vector.broadcast %add3A_59 : i32 to vector<16xi32>
      %add3A_61 = arith.addi %iota3A, %add3A_60 : vector<16xi32>
      %get3A_62 = arith.constant 1 : i32
      %get3A_63 = arith.index_cast %get3A_62 : i32 to index
      %get3A_64 = arith.constant 0 : index
      %get3A_65 = tpu.vector_load %arg8[%get3A_63, %get3A_64] {strides = array<i32>} : memref<8x16xi32, #tpu.memory_space<vmem>>, vector<16xi32>,
      %and3A_66 = arith.constant 7 : i32
      %and3A_67 = vector.broadcast %and3A_66 : i32 to vector<16xi32>
      %and3A_68 = arith.andi %get3A_65, %and3A_67 : vector<16xi32>
      %mul3A_69 = arith.constant 16 : i32
      %mul3A_70 = vector.broadcast %mul3A_69 : i32 to vector<16xi32>
      %mul3A_71 = arith.muli %and3A_68, %mul3A_70 : vector<16xi32>
      %get3A_72 = arith.constant 16 : index
      %get3A_73 = tpu.vector_load %arg12[%get3A_72] {strides = array<i32>} : memref<128xf32, #tpu.memory_space<vmem>>, vector<16xf32>,
      %broadcast_in_dim3A_74 = arith.constant 0 : i32
      %broadcast_in_dim3A_75 = vector.broadcast %broadcast_in_dim3A_74 : i32 to vector<16xi32>
      %gather3A_76 = tpu.vector_load_idx %arg11[%add3A_61, %broadcast_in_dim3A_75] : memref<128x16xf32, #tpu.memory_space<vmem>>[vector<16xi32>, vector<16xi32>], vector<16xf32>,
      %add3A_77 = arith.constant 0 : i32
      %add3A_78 = vector.broadcast %add3A_77 : i32 to vector<16xi32>
      %add3A_79 = arith.addi %mul3A_71, %add3A_78 : vector<16xi32>
      %mul3A_80 = arith.mulf %get3A_73, %gather3A_76 : vector<16xf32>
      tpu.vector_store_idx %arg10[%add3A_61, %add3A_79], %mul3A_80 : memref<128x128xf32, #tpu.memory_space<vmem>>[vector<16xi32>, vector<16xi32>], vector<16xf32>,
      %broadcast_in_dim3A_81 = arith.constant 1 : i32
      %broadcast_in_dim3A_82 = vector.broadcast %broadcast_in_dim3A_81 : i32 to vector<16xi32>
      %gather3A_83 = tpu.vector_load_idx %arg11[%add3A_61, %broadcast_in_dim3A_82] : memref<128x16xf32, #tpu.memory_space<vmem>>[vector<16xi32>, vector<16xi32>], vector<16xf32>,
      %add3A_84 = arith.constant 1 : i32
      %add3A_85 = vector.broadcast %add3A_84 : i32 to vector<16xi32>
      %add3A_86 = arith.addi %mul3A_71, %add3A_85 : vector<16xi32>
      %mul3A_87 = arith.mulf %get3A_73, %gather3A_83 : vector<16xf32>
      tpu.vector_store_idx %arg10[%add3A_61, %add3A_86], %mul3A_87 : memref<128x128xf32, #tpu.memory_space<vmem>>[vector<16xi32>, vector<16xi32>], vector<16xf32>,
      %broadcast_in_dim3A_88 = arith.constant 2 : i32
      %broadcast_in_dim3A_89 = vector.broadcast %broadcast_in_dim3A_88 : i32 to vector<16xi32>
      %gather3A_90 = tpu.vector_load_idx %arg11[%add3A_61, %broadcast_in_dim3A_89] : memref<128x16xf32, #tpu.memory_space<vmem>>[vector<16xi32>, vector<16xi32>], vector<16xf32>,
      %add3A_91 = arith.constant 2 : i32
      %add3A_92 = vector.broadcast %add3A_91 : i32 to vector<16xi32>
      %add3A_93 = arith.addi %mul3A_71, %add3A_92 : vector<16xi32>
      %mul3A_94 = arith.mulf %get3A_73, %gather3A_90 : vector<16xf32>
      tpu.vector_store_idx %arg10[%add3A_61, %add3A_93], %mul3A_94 : memref<128x128xf32, #tpu.memory_space<vmem>>[vector<16xi32>, vector<16xi32>], vector<16xf32>,
      %add3A_95 = arith.constant 32 : i32
      %add3A_96 = vector.broadcast %add3A_95 : i32 to vector<16xi32>
      %add3A_97 = arith.addi %iota3A, %add3A_96 : vector<16xi32>
      %get3A_98 = arith.constant 2 : i32
      %get3A_99 = arith.index_cast %get3A_98 : i32 to index
      %get3A_100 = arith.constant 0 : index
      %get3A_101 = tpu.vector_load %arg8[%get3A_99, %get3A_100] {strides = array<i32>} : memref<8x16xi32, #tpu.memory_space<vmem>>, vector<16xi32>,
      %and3A_102 = arith.constant 7 : i32
      %and3A_103 = vector.broadcast %and3A_102 : i32 to vector<16xi32>
      %and3A_104 = arith.andi %get3A_101, %and3A_103 : vector<16xi32>
      %mul3A_105 = arith.constant 16 : i32
      %mul3A_106 = vector.broadcast %mul3A_105 : i32 to vector<16xi32>
      %mul3A_107 = arith.muli %and3A_104, %mul3A_106 : vector<16xi32>
      %get3A_108 = arith.constant 32 : index
      %get3A_109 = tpu.vector_load %arg12[%get3A_108] {strides = array<i32>} : memref<128xf32, #tpu.memory_space<vmem>>, vector<16xf32>,
      %broadcast_in_dim3A_110 = arith.constant 0 : i32
      %broadcast_in_dim3A_111 = vector.broadcast %broadcast_in_dim3A_110 : i32 to vector<16xi32>
      %gather3A_112 = tpu.vector_load_idx %arg11[%add3A_97, %broadcast_in_dim3A_111] : memref<128x16xf32, #tpu.memory_space<vmem>>[vector<16xi32>, vector<16xi32>], vector<16xf32>,
      %add3A_113 = arith.constant 0 : i32
      %add3A_114 = vector.broadcast %add3A_113 : i32 to vector<16xi32>
      %add3A_115 = arith.addi %mul3A_107, %add3A_114 : vector<16xi32>
      %mul3A_116 = arith.mulf %get3A_109, %gather3A_112 : vector<16xf32>
      tpu.vector_store_idx %arg10[%add3A_97, %add3A_115], %mul3A_116 : memref<128x128xf32, #tpu.memory_space<vmem>>[vector<16xi32>, vector<16xi32>], vector<16xf32>,
      %broadcast_in_dim3A_117 = arith.constant 1 : i32
      %broadcast_in_dim3A_118 = vector.broadcast %broadcast_in_dim3A_117 : i32 to vector<16xi32>
      %gather3A_119 = tpu.vector_load_idx %arg11[%add3A_97, %broadcast_in_dim3A_118] : memref<128x16xf32, #tpu.memory_space<vmem>>[vector<16xi32>, vector<16xi32>], vector<16xf32>,
      %add3A_120 = arith.constant 1 : i32
      %add3A_121 = vector.broadcast %add3A_120 : i32 to vector<16xi32>
      %add3A_122 = arith.addi %mul3A_107, %add3A_121 : vector<16xi32>
      %mul3A_123 = arith.mulf %get3A_109, %gather3A_119 : vector<16xf32>
      tpu.vector_store_idx %arg10[%add3A_97, %add3A_122], %mul3A_123 : memref<128x128xf32, #tpu.memory_space<vmem>>[vector<16xi32>, vector<16xi32>], vector<16xf32>,
      %broadcast_in_dim3A_124 = arith.constant 2 : i32
      %broadcast_in_dim3A_125 = vector.broadcast %broadcast_in_dim3A_124 : i32 to vector<16xi32>
      %gather3A_126 = tpu.vector_load_idx %arg11[%add3A_97, %broadcast_in_dim3A_125] : memref<128x16xf32, #tpu.memory_space<vmem>>[vector<16xi32>, vector<16xi32>], vector<16xf32>,
      %add3A_127 = arith.constant 2 : i32
      %add3A_128 = vector.broadcast %add3A_127 : i32 to vector<16xi32>
      %add3A_129 = arith.addi %mul3A_107, %add3A_128 : vector<16xi32>
      %mul3A_130 = arith.mulf %get3A_109, %gather3A_126 : vector<16xf32>
      tpu.vector_store_idx %arg10[%add3A_97, %add3A_129], %mul3A_130 : memref<128x128xf32, #tpu.memory_space<vmem>>[vector<16xi32>, vector<16xi32>], vector<16xf32>,
      %add3A_131 = arith.constant 48 : i32
      %add3A_132 = vector.broadcast %add3A_131 : i32 to vector<16xi32>
      %add3A_133 = arith.addi %iota3A, %add3A_132 : vector<16xi32>
      %get3A_134 = arith.constant 3 : i32
      %get3A_135 = arith.index_cast %get3A_134 : i32 to index
      %get3A_136 = arith.constant 0 : index
      %get3A_137 = tpu.vector_load %arg8[%get3A_135, %get3A_136] {strides = array<i32>} : memref<8x16xi32, #tpu.memory_space<vmem>>, vector<16xi32>,
      %and3A_138 = arith.constant 7 : i32
      %and3A_139 = vector.broadcast %and3A_138 : i32 to vector<16xi32>
      %and3A_140 = arith.andi %get3A_137, %and3A_139 : vector<16xi32>
      %mul3A_141 = arith.constant 16 : i32
      %mul3A_142 = vector.broadcast %mul3A_141 : i32 to vector<16xi32>
      %mul3A_143 = arith.muli %and3A_140, %mul3A_142 : vector<16xi32>
      %get3A_144 = arith.constant 48 : index
      %get3A_145 = tpu.vector_load %arg12[%get3A_144] {strides = array<i32>} : memref<128xf32, #tpu.memory_space<vmem>>, vector<16xf32>,
      %broadcast_in_dim3A_146 = arith.constant 0 : i32
      %broadcast_in_dim3A_147 = vector.broadcast %broadcast_in_dim3A_146 : i32 to vector<16xi32>
      %gather3A_148 = tpu.vector_load_idx %arg11[%add3A_133, %broadcast_in_dim3A_147] : memref<128x16xf32, #tpu.memory_space<vmem>>[vector<16xi32>, vector<16xi32>], vector<16xf32>,
      %add3A_149 = arith.constant 0 : i32
      %add3A_150 = vector.broadcast %add3A_149 : i32 to vector<16xi32>
      %add3A_151 = arith.addi %mul3A_143, %add3A_150 : vector<16xi32>
      %mul3A_152 = arith.mulf %get3A_145, %gather3A_148 : vector<16xf32>
      tpu.vector_store_idx %arg10[%add3A_133, %add3A_151], %mul3A_152 : memref<128x128xf32, #tpu.memory_space<vmem>>[vector<16xi32>, vector<16xi32>], vector<16xf32>,
      %broadcast_in_dim3A_153 = arith.constant 1 : i32
      %broadcast_in_dim3A_154 = vector.broadcast %broadcast_in_dim3A_153 : i32 to vector<16xi32>
      %gather3A_155 = tpu.vector_load_idx %arg11[%add3A_133, %broadcast_in_dim3A_154] : memref<128x16xf32, #tpu.memory_space<vmem>>[vector<16xi32>, vector<16xi32>], vector<16xf32>,
      %add3A_156 = arith.constant 1 : i32
      %add3A_157 = vector.broadcast %add3A_156 : i32 to vector<16xi32>
      %add3A_158 = arith.addi %mul3A_143, %add3A_157 : vector<16xi32>
      %mul3A_159 = arith.mulf %get3A_145, %gather3A_155 : vector<16xf32>
      tpu.vector_store_idx %arg10[%add3A_133, %add3A_158], %mul3A_159 : memref<128x128xf32, #tpu.memory_space<vmem>>[vector<16xi32>, vector<16xi32>], vector<16xf32>,
      %broadcast_in_dim3A_160 = arith.constant 2 : i32
      %broadcast_in_dim3A_161 = vector.broadcast %broadcast_in_dim3A_160 : i32 to vector<16xi32>
      %gather3A_162 = tpu.vector_load_idx %arg11[%add3A_133, %broadcast_in_dim3A_161] : memref<128x16xf32, #tpu.memory_space<vmem>>[vector<16xi32>, vector<16xi32>], vector<16xf32>,
      %add3A_163 = arith.constant 2 : i32
      %add3A_164 = vector.broadcast %add3A_163 : i32 to vector<16xi32>
      %add3A_165 = arith.addi %mul3A_143, %add3A_164 : vector<16xi32>
      %mul3A_166 = arith.mulf %get3A_145, %gather3A_162 : vector<16xf32>
      tpu.vector_store_idx %arg10[%add3A_133, %add3A_165], %mul3A_166 : memref<128x128xf32, #tpu.memory_space<vmem>>[vector<16xi32>, vector<16xi32>], vector<16xf32>,
      %add3A_167 = arith.constant 64 : i32
      %add3A_168 = vector.broadcast %add3A_167 : i32 to vector<16xi32>
      %add3A_169 = arith.addi %iota3A, %add3A_168 : vector<16xi32>
      %get3A_170 = arith.constant 4 : i32
      %get3A_171 = arith.index_cast %get3A_170 : i32 to index
      %get3A_172 = arith.constant 0 : index
      %get3A_173 = tpu.vector_load %arg8[%get3A_171, %get3A_172] {strides = array<i32>} : memref<8x16xi32, #tpu.memory_space<vmem>>, vector<16xi32>,
      %and3A_174 = arith.constant 7 : i32
      %and3A_175 = vector.broadcast %and3A_174 : i32 to vector<16xi32>
      %and3A_176 = arith.andi %get3A_173, %and3A_175 : vector<16xi32>
      %mul3A_177 = arith.constant 16 : i32
      %mul3A_178 = vector.broadcast %mul3A_177 : i32 to vector<16xi32>
      %mul3A_179 = arith.muli %and3A_176, %mul3A_178 : vector<16xi32>
      %get3A_180 = arith.constant 64 : index
      %get3A_181 = tpu.vector_load %arg12[%get3A_180] {strides = array<i32>} : memref<128xf32, #tpu.memory_space<vmem>>, vector<16xf32>,
      %broadcast_in_dim3A_182 = arith.constant 0 : i32
      %broadcast_in_dim3A_183 = vector.broadcast %broadcast_in_dim3A_182 : i32 to vector<16xi32>
      %gather3A_184 = tpu.vector_load_idx %arg11[%add3A_169, %broadcast_in_dim3A_183] : memref<128x16xf32, #tpu.memory_space<vmem>>[vector<16xi32>, vector<16xi32>], vector<16xf32>,
      %add3A_185 = arith.constant 0 : i32
      %add3A_186 = vector.broadcast %add3A_185 : i32 to vector<16xi32>
      %add3A_187 = arith.addi %mul3A_179, %add3A_186 : vector<16xi32>
      %mul3A_188 = arith.mulf %get3A_181, %gather3A_184 : vector<16xf32>
      tpu.vector_store_idx %arg10[%add3A_169, %add3A_187], %mul3A_188 : memref<128x128xf32, #tpu.memory_space<vmem>>[vector<16xi32>, vector<16xi32>], vector<16xf32>,
      %broadcast_in_dim3A_189 = arith.constant 1 : i32
      %broadcast_in_dim3A_190 = vector.broadcast %broadcast_in_dim3A_189 : i32 to vector<16xi32>
      %gather3A_191 = tpu.vector_load_idx %arg11[%add3A_169, %broadcast_in_dim3A_190] : memref<128x16xf32, #tpu.memory_space<vmem>>[vector<16xi32>, vector<16xi32>], vector<16xf32>,
      %add3A_192 = arith.constant 1 : i32
      %add3A_193 = vector.broadcast %add3A_192 : i32 to vector<16xi32>
      %add3A_194 = arith.addi %mul3A_179, %add3A_193 : vector<16xi32>
      %mul3A_195 = arith.mulf %get3A_181, %gather3A_191 : vector<16xf32>
      tpu.vector_store_idx %arg10[%add3A_169, %add3A_194], %mul3A_195 : memref<128x128xf32, #tpu.memory_space<vmem>>[vector<16xi32>, vector<16xi32>], vector<16xf32>,
      %broadcast_in_dim3A_196 = arith.constant 2 : i32
      %broadcast_in_dim3A_197 = vector.broadcast %broadcast_in_dim3A_196 : i32 to vector<16xi32>
      %gather3A_198 = tpu.vector_load_idx %arg11[%add3A_169, %broadcast_in_dim3A_197] : memref<128x16xf32, #tpu.memory_space<vmem>>[vector<16xi32>, vector<16xi32>], vector<16xf32>,
      %add3A_199 = arith.constant 2 : i32
      %add3A_200 = vector.broadcast %add3A_199 : i32 to vector<16xi32>
      %add3A_201 = arith.addi %mul3A_179, %add3A_200 : vector<16xi32>
      %mul3A_202 = arith.mulf %get3A_181, %gather3A_198 : vector<16xf32>
      tpu.vector_store_idx %arg10[%add3A_169, %add3A_201], %mul3A_202 : memref<128x128xf32, #tpu.memory_space<vmem>>[vector<16xi32>, vector<16xi32>], vector<16xf32>,
      %add3A_203 = arith.constant 80 : i32
      %add3A_204 = vector.broadcast %add3A_203 : i32 to vector<16xi32>
      %add3A_205 = arith.addi %iota3A, %add3A_204 : vector<16xi32>
      %get3A_206 = arith.constant 5 : i32
      %get3A_207 = arith.index_cast %get3A_206 : i32 to index
      %get3A_208 = arith.constant 0 : index
      %get3A_209 = tpu.vector_load %arg8[%get3A_207, %get3A_208] {strides = array<i32>} : memref<8x16xi32, #tpu.memory_space<vmem>>, vector<16xi32>,
      %and3A_210 = arith.constant 7 : i32
      %and3A_211 = vector.broadcast %and3A_210 : i32 to vector<16xi32>
      %and3A_212 = arith.andi %get3A_209, %and3A_211 : vector<16xi32>
      %mul3A_213 = arith.constant 16 : i32
      %mul3A_214 = vector.broadcast %mul3A_213 : i32 to vector<16xi32>
      %mul3A_215 = arith.muli %and3A_212, %mul3A_214 : vector<16xi32>
      %get3A_216 = arith.constant 80 : index
      %get3A_217 = tpu.vector_load %arg12[%get3A_216] {strides = array<i32>} : memref<128xf32, #tpu.memory_space<vmem>>, vector<16xf32>,
      %broadcast_in_dim3A_218 = arith.constant 0 : i32
      %broadcast_in_dim3A_219 = vector.broadcast %broadcast_in_dim3A_218 : i32 to vector<16xi32>
      %gather3A_220 = tpu.vector_load_idx %arg11[%add3A_205, %broadcast_in_dim3A_219] : memref<128x16xf32, #tpu.memory_space<vmem>>[vector<16xi32>, vector<16xi32>], vector<16xf32>,
      %add3A_221 = arith.constant 0 : i32
      %add3A_222 = vector.broadcast %add3A_221 : i32 to vector<16xi32>
      %add3A_223 = arith.addi %mul3A_215, %add3A_222 : vector<16xi32>
      %mul3A_224 = arith.mulf %get3A_217, %gather3A_220 : vector<16xf32>
      tpu.vector_store_idx %arg10[%add3A_205, %add3A_223], %mul3A_224 : memref<128x128xf32, #tpu.memory_space<vmem>>[vector<16xi32>, vector<16xi32>], vector<16xf32>,
      %broadcast_in_dim3A_225 = arith.constant 1 : i32
      %broadcast_in_dim3A_226 = vector.broadcast %broadcast_in_dim3A_225 : i32 to vector<16xi32>
      %gather3A_227 = tpu.vector_load_idx %arg11[%add3A_205, %broadcast_in_dim3A_226] : memref<128x16xf32, #tpu.memory_space<vmem>>[vector<16xi32>, vector<16xi32>], vector<16xf32>,
      %add3A_228 = arith.constant 1 : i32
      %add3A_229 = vector.broadcast %add3A_228 : i32 to vector<16xi32>
      %add3A_230 = arith.addi %mul3A_215, %add3A_229 : vector<16xi32>
      %mul3A_231 = arith.mulf %get3A_217, %gather3A_227 : vector<16xf32>
      tpu.vector_store_idx %arg10[%add3A_205, %add3A_230], %mul3A_231 : memref<128x128xf32, #tpu.memory_space<vmem>>[vector<16xi32>, vector<16xi32>], vector<16xf32>,
      %broadcast_in_dim3A_232 = arith.constant 2 : i32
      %broadcast_in_dim3A_233 = vector.broadcast %broadcast_in_dim3A_232 : i32 to vector<16xi32>
      %gather3A_234 = tpu.vector_load_idx %arg11[%add3A_205, %broadcast_in_dim3A_233] : memref<128x16xf32, #tpu.memory_space<vmem>>[vector<16xi32>, vector<16xi32>], vector<16xf32>,
      %add3A_235 = arith.constant 2 : i32
      %add3A_236 = vector.broadcast %add3A_235 : i32 to vector<16xi32>
      %add3A_237 = arith.addi %mul3A_215, %add3A_236 : vector<16xi32>
      %mul3A_238 = arith.mulf %get3A_217, %gather3A_234 : vector<16xf32>
      tpu.vector_store_idx %arg10[%add3A_205, %add3A_237], %mul3A_238 : memref<128x128xf32, #tpu.memory_space<vmem>>[vector<16xi32>, vector<16xi32>], vector<16xf32>,
      %add3A_239 = arith.constant 96 : i32
      %add3A_240 = vector.broadcast %add3A_239 : i32 to vector<16xi32>
      %add3A_241 = arith.addi %iota3A, %add3A_240 : vector<16xi32>
      %get3A_242 = arith.constant 6 : i32
      %get3A_243 = arith.index_cast %get3A_242 : i32 to index
      %get3A_244 = arith.constant 0 : index
      %get3A_245 = tpu.vector_load %arg8[%get3A_243, %get3A_244] {strides = array<i32>} : memref<8x16xi32, #tpu.memory_space<vmem>>, vector<16xi32>,
      %and3A_246 = arith.constant 7 : i32
      %and3A_247 = vector.broadcast %and3A_246 : i32 to vector<16xi32>
      %and3A_248 = arith.andi %get3A_245, %and3A_247 : vector<16xi32>
      %mul3A_249 = arith.constant 16 : i32
      %mul3A_250 = vector.broadcast %mul3A_249 : i32 to vector<16xi32>
      %mul3A_251 = arith.muli %and3A_248, %mul3A_250 : vector<16xi32>
      %get3A_252 = arith.constant 96 : index
      %get3A_253 = tpu.vector_load %arg12[%get3A_252] {strides = array<i32>} : memref<128xf32, #tpu.memory_space<vmem>>, vector<16xf32>,
      %broadcast_in_dim3A_254 = arith.constant 0 : i32
      %broadcast_in_dim3A_255 = vector.broadcast %broadcast_in_dim3A_254 : i32 to vector<16xi32>
      %gather3A_256 = tpu.vector_load_idx %arg11[%add3A_241, %broadcast_in_dim3A_255] : memref<128x16xf32, #tpu.memory_space<vmem>>[vector<16xi32>, vector<16xi32>], vector<16xf32>,
      %add3A_257 = arith.constant 0 : i32
      %add3A_258 = vector.broadcast %add3A_257 : i32 to vector<16xi32>
      %add3A_259 = arith.addi %mul3A_251, %add3A_258 : vector<16xi32>
      %mul3A_260 = arith.mulf %get3A_253, %gather3A_256 : vector<16xf32>
      tpu.vector_store_idx %arg10[%add3A_241, %add3A_259], %mul3A_260 : memref<128x128xf32, #tpu.memory_space<vmem>>[vector<16xi32>, vector<16xi32>], vector<16xf32>,
      %broadcast_in_dim3A_261 = arith.constant 1 : i32
      %broadcast_in_dim3A_262 = vector.broadcast %broadcast_in_dim3A_261 : i32 to vector<16xi32>
      %gather3A_263 = tpu.vector_load_idx %arg11[%add3A_241, %broadcast_in_dim3A_262] : memref<128x16xf32, #tpu.memory_space<vmem>>[vector<16xi32>, vector<16xi32>], vector<16xf32>,
      %add3A_264 = arith.constant 1 : i32
      %add3A_265 = vector.broadcast %add3A_264 : i32 to vector<16xi32>
      %add3A_266 = arith.addi %mul3A_251, %add3A_265 : vector<16xi32>
      %mul3A_267 = arith.mulf %get3A_253, %gather3A_263 : vector<16xf32>
      tpu.vector_store_idx %arg10[%add3A_241, %add3A_266], %mul3A_267 : memref<128x128xf32, #tpu.memory_space<vmem>>[vector<16xi32>, vector<16xi32>], vector<16xf32>,
      %broadcast_in_dim3A_268 = arith.constant 2 : i32
      %broadcast_in_dim3A_269 = vector.broadcast %broadcast_in_dim3A_268 : i32 to vector<16xi32>
      %gather3A_270 = tpu.vector_load_idx %arg11[%add3A_241, %broadcast_in_dim3A_269] : memref<128x16xf32, #tpu.memory_space<vmem>>[vector<16xi32>, vector<16xi32>], vector<16xf32>,
      %add3A_271 = arith.constant 2 : i32
      %add3A_272 = vector.broadcast %add3A_271 : i32 to vector<16xi32>
      %add3A_273 = arith.addi %mul3A_251, %add3A_272 : vector<16xi32>
      %mul3A_274 = arith.mulf %get3A_253, %gather3A_270 : vector<16xf32>
      tpu.vector_store_idx %arg10[%add3A_241, %add3A_273], %mul3A_274 : memref<128x128xf32, #tpu.memory_space<vmem>>[vector<16xi32>, vector<16xi32>], vector<16xf32>,
      %add3A_275 = arith.constant 112 : i32
      %add3A_276 = vector.broadcast %add3A_275 : i32 to vector<16xi32>
      %add3A_277 = arith.addi %iota3A, %add3A_276 : vector<16xi32>
      %get3A_278 = arith.constant 7 : i32
      %get3A_279 = arith.index_cast %get3A_278 : i32 to index
      %get3A_280 = arith.constant 0 : index
      %get3A_281 = tpu.vector_load %arg8[%get3A_279, %get3A_280] {strides = array<i32>} : memref<8x16xi32, #tpu.memory_space<vmem>>, vector<16xi32>,
      %and3A_282 = arith.constant 7 : i32
      %and3A_283 = vector.broadcast %and3A_282 : i32 to vector<16xi32>
      %and3A_284 = arith.andi %get3A_281, %and3A_283 : vector<16xi32>
      %mul3A_285 = arith.constant 16 : i32
      %mul3A_286 = vector.broadcast %mul3A_285 : i32 to vector<16xi32>
      %mul3A_287 = arith.muli %and3A_284, %mul3A_286 : vector<16xi32>
      %get3A_288 = arith.constant 112 : index
      %get3A_289 = tpu.vector_load %arg12[%get3A_288] {strides = array<i32>} : memref<128xf32, #tpu.memory_space<vmem>>, vector<16xf32>,
      %broadcast_in_dim3A_290 = arith.constant 0 : i32
      %broadcast_in_dim3A_291 = vector.broadcast %broadcast_in_dim3A_290 : i32 to vector<16xi32>
      %gather3A_292 = tpu.vector_load_idx %arg11[%add3A_277, %broadcast_in_dim3A_291] : memref<128x16xf32, #tpu.memory_space<vmem>>[vector<16xi32>, vector<16xi32>], vector<16xf32>,
      %add3A_293 = arith.constant 0 : i32
      %add3A_294 = vector.broadcast %add3A_293 : i32 to vector<16xi32>
      %add3A_295 = arith.addi %mul3A_287, %add3A_294 : vector<16xi32>
      %mul3A_296 = arith.mulf %get3A_289, %gather3A_292 : vector<16xf32>
      tpu.vector_store_idx %arg10[%add3A_277, %add3A_295], %mul3A_296 : memref<128x128xf32, #tpu.memory_space<vmem>>[vector<16xi32>, vector<16xi32>], vector<16xf32>,
      %broadcast_in_dim3A_297 = arith.constant 1 : i32
      %broadcast_in_dim3A_298 = vector.broadcast %broadcast_in_dim3A_297 : i32 to vector<16xi32>
      %gather3A_299 = tpu.vector_load_idx %arg11[%add3A_277, %broadcast_in_dim3A_298] : memref<128x16xf32, #tpu.memory_space<vmem>>[vector<16xi32>, vector<16xi32>], vector<16xf32>,
      %add3A_300 = arith.constant 1 : i32
      %add3A_301 = vector.broadcast %add3A_300 : i32 to vector<16xi32>
      %add3A_302 = arith.addi %mul3A_287, %add3A_301 : vector<16xi32>
      %mul3A_303 = arith.mulf %get3A_289, %gather3A_299 : vector<16xf32>
      tpu.vector_store_idx %arg10[%add3A_277, %add3A_302], %mul3A_303 : memref<128x128xf32, #tpu.memory_space<vmem>>[vector<16xi32>, vector<16xi32>], vector<16xf32>,
      %broadcast_in_dim3A_304 = arith.constant 2 : i32
      %broadcast_in_dim3A_305 = vector.broadcast %broadcast_in_dim3A_304 : i32 to vector<16xi32>
      %gather3A_306 = tpu.vector_load_idx %arg11[%add3A_277, %broadcast_in_dim3A_305] : memref<128x16xf32, #tpu.memory_space<vmem>>[vector<16xi32>, vector<16xi32>], vector<16xf32>,
      %add3A_307 = arith.constant 2 : i32
      %add3A_308 = vector.broadcast %add3A_307 : i32 to vector<16xi32>
      %add3A_309 = arith.addi %mul3A_287, %add3A_308 : vector<16xi32>
      %mul3A_310 = arith.mulf %get3A_289, %gather3A_306 : vector<16xf32>
      tpu.vector_store_idx %arg10[%add3A_277, %add3A_309], %mul3A_310 : memref<128x128xf32, #tpu.memory_space<vmem>>[vector<16xi32>, vector<16xi32>], vector<16xf32>,
      %run_scoped3A = arith.constant 0 : i32
      "tpu.region"() ({
        %run_scoped3A_494 = tpu.sem_alloc : memref<!tpu.dma_semaphore, #tpu.memory_space<semaphore_mem>>
        %dma_start3A = arith.constant 0 : i32
        %dma_start3A_495 = arith.constant 0 : i32
        %dma_start3A_496 = tpu.memref_slice %arg10[%dma_start3A, %dma_start3A_495] : memref<128x128xf32, #tpu.memory_space<vmem>> -> memref<16x128xf32, #tpu.memory_space<vmem>>
        %dma_start3A_497 = arith.constant 0 : i32
        %dma_start3A_498 = tpu.memref_slice %arg9[%run_scoped3A, %dma_start3A_497] : memref<8x16xi32, #tpu.memory_space<vmem>> -> memref<1x16xi32, #tpu.memory_space<vmem>>
        %dma_start3A_499 = tpu.memref_squeeze %dma_start3A_498 : memref<1x16xi32, #tpu.memory_space<vmem>> -> memref<16xi32, #tpu.memory_space<vmem>>
        %dma_start3A_500 = arith.constant 0 : i32
        %dma_start3A_501 = arith.constant 0 : i32
        %dma_start3A_502 = tpu.memref_slice %arg13[%dma_start3A_500, %dma_start3A_501] : memref<1280x128xf32, #tpu.memory_space<vmem_shared>> -> memref<1280x128xf32, #tpu.memory_space<vmem_shared>>
        tpu.enqueue_indirect_dma source(%dma_start3A_496 : memref<16x128xf32, #tpu.memory_space<vmem>>) target(%dma_start3A_502 : memref<1280x128xf32, #tpu.memory_space<vmem_shared>>) offsets(%dma_start3A_499 : memref<16xi32, #tpu.memory_space<vmem>>) semaphore(%run_scoped3A_494 : memref<!tpu.dma_semaphore, #tpu.memory_space<semaphore_mem>>) {add = true}
        %dma_wait3A = arith.constant 0 : i32
        %dma_wait3A_503 = arith.constant 0 : i32
        %dma_wait3A_504 = tpu.memref_slice %arg10[%dma_wait3A, %dma_wait3A_503] : memref<128x128xf32, #tpu.memory_space<vmem>> -> memref<16x128xf32, #tpu.memory_space<vmem>>
        %dma_wait3A_505 = arith.constant 0 : i32
        %dma_wait3A_506 = tpu.memref_slice %arg9[%run_scoped3A, %dma_wait3A_505] : memref<8x16xi32, #tpu.memory_space<vmem>> -> memref<1x16xi32, #tpu.memory_space<vmem>>
        %dma_wait3A_507 = tpu.memref_squeeze %dma_wait3A_506 : memref<1x16xi32, #tpu.memory_space<vmem>> -> memref<16xi32, #tpu.memory_space<vmem>>
        %dma_wait3A_508 = arith.constant 0 : i32
        %dma_wait3A_509 = arith.constant 0 : i32
        %dma_wait3A_510 = tpu.memref_slice %arg13[%dma_wait3A_508, %dma_wait3A_509] : memref<1280x128xf32, #tpu.memory_space<vmem_shared>> -> memref<1280x128xf32, #tpu.memory_space<vmem_shared>>
        tpu.wait_indirect_dma semaphore(%run_scoped3A_494 : memref<!tpu.dma_semaphore, #tpu.memory_space<semaphore_mem>>) src(%dma_wait3A_504 : memref<16x128xf32, #tpu.memory_space<vmem>>) dst(%dma_wait3A_510 : memref<1280x128xf32, #tpu.memory_space<vmem_shared>>)
        tpu.yield
      }) : () -> ()
      %run_scoped3A_311 = arith.constant 1 : i32
      "tpu.region"() ({
        %run_scoped3A_494 = tpu.sem_alloc : memref<!tpu.dma_semaphore, #tpu.memory_space<semaphore_mem>>
        %dma_start3A = arith.constant 16 : i32
        %dma_start3A_495 = arith.constant 0 : i32
        %dma_start3A_496 = tpu.memref_slice %arg10[%dma_start3A, %dma_start3A_495] : memref<128x128xf32, #tpu.memory_space<vmem>> -> memref<16x128xf32, #tpu.memory_space<vmem>>
        %dma_start3A_497 = arith.constant 0 : i32
        %dma_start3A_498 = tpu.memref_slice %arg9[%run_scoped3A_311, %dma_start3A_497] : memref<8x16xi32, #tpu.memory_space<vmem>> -> memref<1x16xi32, #tpu.memory_space<vmem>>
        %dma_start3A_499 = tpu.memref_squeeze %dma_start3A_498 : memref<1x16xi32, #tpu.memory_space<vmem>> -> memref<16xi32, #tpu.memory_space<vmem>>
        %dma_start3A_500 = arith.constant 0 : i32
        %dma_start3A_501 = arith.constant 0 : i32
        %dma_start3A_502 = tpu.memref_slice %arg13[%dma_start3A_500, %dma_start3A_501] : memref<1280x128xf32, #tpu.memory_space<vmem_shared>> -> memref<1280x128xf32, #tpu.memory_space<vmem_shared>>
        tpu.enqueue_indirect_dma source(%dma_start3A_496 : memref<16x128xf32, #tpu.memory_space<vmem>>) target(%dma_start3A_502 : memref<1280x128xf32, #tpu.memory_space<vmem_shared>>) offsets(%dma_start3A_499 : memref<16xi32, #tpu.memory_space<vmem>>) semaphore(%run_scoped3A_494 : memref<!tpu.dma_semaphore, #tpu.memory_space<semaphore_mem>>) {add = true}
        %dma_wait3A = arith.constant 16 : i32
        %dma_wait3A_503 = arith.constant 0 : i32
        %dma_wait3A_504 = tpu.memref_slice %arg10[%dma_wait3A, %dma_wait3A_503] : memref<128x128xf32, #tpu.memory_space<vmem>> -> memref<16x128xf32, #tpu.memory_space<vmem>>
        %dma_wait3A_505 = arith.constant 0 : i32
        %dma_wait3A_506 = tpu.memref_slice %arg9[%run_scoped3A_311, %dma_wait3A_505] : memref<8x16xi32, #tpu.memory_space<vmem>> -> memref<1x16xi32, #tpu.memory_space<vmem>>
        %dma_wait3A_507 = tpu.memref_squeeze %dma_wait3A_506 : memref<1x16xi32, #tpu.memory_space<vmem>> -> memref<16xi32, #tpu.memory_space<vmem>>
        %dma_wait3A_508 = arith.constant 0 : i32
        %dma_wait3A_509 = arith.constant 0 : i32
        %dma_wait3A_510 = tpu.memref_slice %arg13[%dma_wait3A_508, %dma_wait3A_509] : memref<1280x128xf32, #tpu.memory_space<vmem_shared>> -> memref<1280x128xf32, #tpu.memory_space<vmem_shared>>
        tpu.wait_indirect_dma semaphore(%run_scoped3A_494 : memref<!tpu.dma_semaphore, #tpu.memory_space<semaphore_mem>>) src(%dma_wait3A_504 : memref<16x128xf32, #tpu.memory_space<vmem>>) dst(%dma_wait3A_510 : memref<1280x128xf32, #tpu.memory_space<vmem_shared>>)
        tpu.yield
      }) : () -> ()
      %run_scoped3A_312 = arith.constant 2 : i32
      "tpu.region"() ({
        %run_scoped3A_494 = tpu.sem_alloc : memref<!tpu.dma_semaphore, #tpu.memory_space<semaphore_mem>>
        %dma_start3A = arith.constant 32 : i32
        %dma_start3A_495 = arith.constant 0 : i32
        %dma_start3A_496 = tpu.memref_slice %arg10[%dma_start3A, %dma_start3A_495] : memref<128x128xf32, #tpu.memory_space<vmem>> -> memref<16x128xf32, #tpu.memory_space<vmem>>
        %dma_start3A_497 = arith.constant 0 : i32
        %dma_start3A_498 = tpu.memref_slice %arg9[%run_scoped3A_312, %dma_start3A_497] : memref<8x16xi32, #tpu.memory_space<vmem>> -> memref<1x16xi32, #tpu.memory_space<vmem>>
        %dma_start3A_499 = tpu.memref_squeeze %dma_start3A_498 : memref<1x16xi32, #tpu.memory_space<vmem>> -> memref<16xi32, #tpu.memory_space<vmem>>
        %dma_start3A_500 = arith.constant 0 : i32
        %dma_start3A_501 = arith.constant 0 : i32
        %dma_start3A_502 = tpu.memref_slice %arg13[%dma_start3A_500, %dma_start3A_501] : memref<1280x128xf32, #tpu.memory_space<vmem_shared>> -> memref<1280x128xf32, #tpu.memory_space<vmem_shared>>
        tpu.enqueue_indirect_dma source(%dma_start3A_496 : memref<16x128xf32, #tpu.memory_space<vmem>>) target(%dma_start3A_502 : memref<1280x128xf32, #tpu.memory_space<vmem_shared>>) offsets(%dma_start3A_499 : memref<16xi32, #tpu.memory_space<vmem>>) semaphore(%run_scoped3A_494 : memref<!tpu.dma_semaphore, #tpu.memory_space<semaphore_mem>>) {add = true}
        %dma_wait3A = arith.constant 32 : i32
        %dma_wait3A_503 = arith.constant 0 : i32
        %dma_wait3A_504 = tpu.memref_slice %arg10[%dma_wait3A, %dma_wait3A_503] : memref<128x128xf32, #tpu.memory_space<vmem>> -> memref<16x128xf32, #tpu.memory_space<vmem>>
        %dma_wait3A_505 = arith.constant 0 : i32
        %dma_wait3A_506 = tpu.memref_slice %arg9[%run_scoped3A_312, %dma_wait3A_505] : memref<8x16xi32, #tpu.memory_space<vmem>> -> memref<1x16xi32, #tpu.memory_space<vmem>>
        %dma_wait3A_507 = tpu.memref_squeeze %dma_wait3A_506 : memref<1x16xi32, #tpu.memory_space<vmem>> -> memref<16xi32, #tpu.memory_space<vmem>>
        %dma_wait3A_508 = arith.constant 0 : i32
        %dma_wait3A_509 = arith.constant 0 : i32
        %dma_wait3A_510 = tpu.memref_slice %arg13[%dma_wait3A_508, %dma_wait3A_509] : memref<1280x128xf32, #tpu.memory_space<vmem_shared>> -> memref<1280x128xf32, #tpu.memory_space<vmem_shared>>
        tpu.wait_indirect_dma semaphore(%run_scoped3A_494 : memref<!tpu.dma_semaphore, #tpu.memory_space<semaphore_mem>>) src(%dma_wait3A_504 : memref<16x128xf32, #tpu.memory_space<vmem>>) dst(%dma_wait3A_510 : memref<1280x128xf32, #tpu.memory_space<vmem_shared>>)
        tpu.yield
      }) : () -> ()
      %run_scoped3A_313 = arith.constant 3 : i32
      "tpu.region"() ({
        %run_scoped3A_494 = tpu.sem_alloc : memref<!tpu.dma_semaphore, #tpu.memory_space<semaphore_mem>>
        %dma_start3A = arith.constant 48 : i32
        %dma_start3A_495 = arith.constant 0 : i32
        %dma_start3A_496 = tpu.memref_slice %arg10[%dma_start3A, %dma_start3A_495] : memref<128x128xf32, #tpu.memory_space<vmem>> -> memref<16x128xf32, #tpu.memory_space<vmem>>
        %dma_start3A_497 = arith.constant 0 : i32
        %dma_start3A_498 = tpu.memref_slice %arg9[%run_scoped3A_313, %dma_start3A_497] : memref<8x16xi32, #tpu.memory_space<vmem>> -> memref<1x16xi32, #tpu.memory_space<vmem>>
        %dma_start3A_499 = tpu.memref_squeeze %dma_start3A_498 : memref<1x16xi32, #tpu.memory_space<vmem>> -> memref<16xi32, #tpu.memory_space<vmem>>
        %dma_start3A_500 = arith.constant 0 : i32
        %dma_start3A_501 = arith.constant 0 : i32
        %dma_start3A_502 = tpu.memref_slice %arg13[%dma_start3A_500, %dma_start3A_501] : memref<1280x128xf32, #tpu.memory_space<vmem_shared>> -> memref<1280x128xf32, #tpu.memory_space<vmem_shared>>
        tpu.enqueue_indirect_dma source(%dma_start3A_496 : memref<16x128xf32, #tpu.memory_space<vmem>>) target(%dma_start3A_502 : memref<1280x128xf32, #tpu.memory_space<vmem_shared>>) offsets(%dma_start3A_499 : memref<16xi32, #tpu.memory_space<vmem>>) semaphore(%run_scoped3A_494 : memref<!tpu.dma_semaphore, #tpu.memory_space<semaphore_mem>>) {add = true}
        %dma_wait3A = arith.constant 48 : i32
        %dma_wait3A_503 = arith.constant 0 : i32
        %dma_wait3A_504 = tpu.memref_slice %arg10[%dma_wait3A, %dma_wait3A_503] : memref<128x128xf32, #tpu.memory_space<vmem>> -> memref<16x128xf32, #tpu.memory_space<vmem>>
        %dma_wait3A_505 = arith.constant 0 : i32
        %dma_wait3A_506 = tpu.memref_slice %arg9[%run_scoped3A_313, %dma_wait3A_505] : memref<8x16xi32, #tpu.memory_space<vmem>> -> memref<1x16xi32, #tpu.memory_space<vmem>>
        %dma_wait3A_507 = tpu.memref_squeeze %dma_wait3A_506 : memref<1x16xi32, #tpu.memory_space<vmem>> -> memref<16xi32, #tpu.memory_space<vmem>>
        %dma_wait3A_508 = arith.constant 0 : i32
        %dma_wait3A_509 = arith.constant 0 : i32
        %dma_wait3A_510 = tpu.memref_slice %arg13[%dma_wait3A_508, %dma_wait3A_509] : memref<1280x128xf32, #tpu.memory_space<vmem_shared>> -> memref<1280x128xf32, #tpu.memory_space<vmem_shared>>
        tpu.wait_indirect_dma semaphore(%run_scoped3A_494 : memref<!tpu.dma_semaphore, #tpu.memory_space<semaphore_mem>>) src(%dma_wait3A_504 : memref<16x128xf32, #tpu.memory_space<vmem>>) dst(%dma_wait3A_510 : memref<1280x128xf32, #tpu.memory_space<vmem_shared>>)
        tpu.yield
      }) : () -> ()
      %run_scoped3A_314 = arith.constant 4 : i32
      "tpu.region"() ({
        %run_scoped3A_494 = tpu.sem_alloc : memref<!tpu.dma_semaphore, #tpu.memory_space<semaphore_mem>>
        %dma_start3A = arith.constant 64 : i32
        %dma_start3A_495 = arith.constant 0 : i32
        %dma_start3A_496 = tpu.memref_slice %arg10[%dma_start3A, %dma_start3A_495] : memref<128x128xf32, #tpu.memory_space<vmem>> -> memref<16x128xf32, #tpu.memory_space<vmem>>
        %dma_start3A_497 = arith.constant 0 : i32
        %dma_start3A_498 = tpu.memref_slice %arg9[%run_scoped3A_314, %dma_start3A_497] : memref<8x16xi32, #tpu.memory_space<vmem>> -> memref<1x16xi32, #tpu.memory_space<vmem>>
        %dma_start3A_499 = tpu.memref_squeeze %dma_start3A_498 : memref<1x16xi32, #tpu.memory_space<vmem>> -> memref<16xi32, #tpu.memory_space<vmem>>
        %dma_start3A_500 = arith.constant 0 : i32
        %dma_start3A_501 = arith.constant 0 : i32
        %dma_start3A_502 = tpu.memref_slice %arg13[%dma_start3A_500, %dma_start3A_501] : memref<1280x128xf32, #tpu.memory_space<vmem_shared>> -> memref<1280x128xf32, #tpu.memory_space<vmem_shared>>
        tpu.enqueue_indirect_dma source(%dma_start3A_496 : memref<16x128xf32, #tpu.memory_space<vmem>>) target(%dma_start3A_502 : memref<1280x128xf32, #tpu.memory_space<vmem_shared>>) offsets(%dma_start3A_499 : memref<16xi32, #tpu.memory_space<vmem>>) semaphore(%run_scoped3A_494 : memref<!tpu.dma_semaphore, #tpu.memory_space<semaphore_mem>>) {add = true}
        %dma_wait3A = arith.constant 64 : i32
        %dma_wait3A_503 = arith.constant 0 : i32
        %dma_wait3A_504 = tpu.memref_slice %arg10[%dma_wait3A, %dma_wait3A_503] : memref<128x128xf32, #tpu.memory_space<vmem>> -> memref<16x128xf32, #tpu.memory_space<vmem>>
        %dma_wait3A_505 = arith.constant 0 : i32
        %dma_wait3A_506 = tpu.memref_slice %arg9[%run_scoped3A_314, %dma_wait3A_505] : memref<8x16xi32, #tpu.memory_space<vmem>> -> memref<1x16xi32, #tpu.memory_space<vmem>>
        %dma_wait3A_507 = tpu.memref_squeeze %dma_wait3A_506 : memref<1x16xi32, #tpu.memory_space<vmem>> -> memref<16xi32, #tpu.memory_space<vmem>>
        %dma_wait3A_508 = arith.constant 0 : i32
        %dma_wait3A_509 = arith.constant 0 : i32
        %dma_wait3A_510 = tpu.memref_slice %arg13[%dma_wait3A_508, %dma_wait3A_509] : memref<1280x128xf32, #tpu.memory_space<vmem_shared>> -> memref<1280x128xf32, #tpu.memory_space<vmem_shared>>
        tpu.wait_indirect_dma semaphore(%run_scoped3A_494 : memref<!tpu.dma_semaphore, #tpu.memory_space<semaphore_mem>>) src(%dma_wait3A_504 : memref<16x128xf32, #tpu.memory_space<vmem>>) dst(%dma_wait3A_510 : memref<1280x128xf32, #tpu.memory_space<vmem_shared>>)
        tpu.yield
      }) : () -> ()
      %run_scoped3A_315 = arith.constant 5 : i32
      "tpu.region"() ({
        %run_scoped3A_494 = tpu.sem_alloc : memref<!tpu.dma_semaphore, #tpu.memory_space<semaphore_mem>>
        %dma_start3A = arith.constant 80 : i32
        %dma_start3A_495 = arith.constant 0 : i32
        %dma_start3A_496 = tpu.memref_slice %arg10[%dma_start3A, %dma_start3A_495] : memref<128x128xf32, #tpu.memory_space<vmem>> -> memref<16x128xf32, #tpu.memory_space<vmem>>
        %dma_start3A_497 = arith.constant 0 : i32
        %dma_start3A_498 = tpu.memref_slice %arg9[%run_scoped3A_315, %dma_start3A_497] : memref<8x16xi32, #tpu.memory_space<vmem>> -> memref<1x16xi32, #tpu.memory_space<vmem>>
        %dma_start3A_499 = tpu.memref_squeeze %dma_start3A_498 : memref<1x16xi32, #tpu.memory_space<vmem>> -> memref<16xi32, #tpu.memory_space<vmem>>
        %dma_start3A_500 = arith.constant 0 : i32
        %dma_start3A_501 = arith.constant 0 : i32
        %dma_start3A_502 = tpu.memref_slice %arg13[%dma_start3A_500, %dma_start3A_501] : memref<1280x128xf32, #tpu.memory_space<vmem_shared>> -> memref<1280x128xf32, #tpu.memory_space<vmem_shared>>
        tpu.enqueue_indirect_dma source(%dma_start3A_496 : memref<16x128xf32, #tpu.memory_space<vmem>>) target(%dma_start3A_502 : memref<1280x128xf32, #tpu.memory_space<vmem_shared>>) offsets(%dma_start3A_499 : memref<16xi32, #tpu.memory_space<vmem>>) semaphore(%run_scoped3A_494 : memref<!tpu.dma_semaphore, #tpu.memory_space<semaphore_mem>>) {add = true}
        %dma_wait3A = arith.constant 80 : i32
        %dma_wait3A_503 = arith.constant 0 : i32
        %dma_wait3A_504 = tpu.memref_slice %arg10[%dma_wait3A, %dma_wait3A_503] : memref<128x128xf32, #tpu.memory_space<vmem>> -> memref<16x128xf32, #tpu.memory_space<vmem>>
        %dma_wait3A_505 = arith.constant 0 : i32
        %dma_wait3A_506 = tpu.memref_slice %arg9[%run_scoped3A_315, %dma_wait3A_505] : memref<8x16xi32, #tpu.memory_space<vmem>> -> memref<1x16xi32, #tpu.memory_space<vmem>>
        %dma_wait3A_507 = tpu.memref_squeeze %dma_wait3A_506 : memref<1x16xi32, #tpu.memory_space<vmem>> -> memref<16xi32, #tpu.memory_space<vmem>>
        %dma_wait3A_508 = arith.constant 0 : i32
        %dma_wait3A_509 = arith.constant 0 : i32
        %dma_wait3A_510 = tpu.memref_slice %arg13[%dma_wait3A_508, %dma_wait3A_509] : memref<1280x128xf32, #tpu.memory_space<vmem_shared>> -> memref<1280x128xf32, #tpu.memory_space<vmem_shared>>
        tpu.wait_indirect_dma semaphore(%run_scoped3A_494 : memref<!tpu.dma_semaphore, #tpu.memory_space<semaphore_mem>>) src(%dma_wait3A_504 : memref<16x128xf32, #tpu.memory_space<vmem>>) dst(%dma_wait3A_510 : memref<1280x128xf32, #tpu.memory_space<vmem_shared>>)
        tpu.yield
      }) : () -> ()
      %run_scoped3A_316 = arith.constant 6 : i32
      "tpu.region"() ({
        %run_scoped3A_494 = tpu.sem_alloc : memref<!tpu.dma_semaphore, #tpu.memory_space<semaphore_mem>>
        %dma_start3A = arith.constant 96 : i32
        %dma_start3A_495 = arith.constant 0 : i32
        %dma_start3A_496 = tpu.memref_slice %arg10[%dma_start3A, %dma_start3A_495] : memref<128x128xf32, #tpu.memory_space<vmem>> -> memref<16x128xf32, #tpu.memory_space<vmem>>
        %dma_start3A_497 = arith.constant 0 : i32
        %dma_start3A_498 = tpu.memref_slice %arg9[%run_scoped3A_316, %dma_start3A_497] : memref<8x16xi32, #tpu.memory_space<vmem>> -> memref<1x16xi32, #tpu.memory_space<vmem>>
        %dma_start3A_499 = tpu.memref_squeeze %dma_start3A_498 : memref<1x16xi32, #tpu.memory_space<vmem>> -> memref<16xi32, #tpu.memory_space<vmem>>
        %dma_start3A_500 = arith.constant 0 : i32
        %dma_start3A_501 = arith.constant 0 : i32
        %dma_start3A_502 = tpu.memref_slice %arg13[%dma_start3A_500, %dma_start3A_501] : memref<1280x128xf32, #tpu.memory_space<vmem_shared>> -> memref<1280x128xf32, #tpu.memory_space<vmem_shared>>
        tpu.enqueue_indirect_dma source(%dma_start3A_496 : memref<16x128xf32, #tpu.memory_space<vmem>>) target(%dma_start3A_502 : memref<1280x128xf32, #tpu.memory_space<vmem_shared>>) offsets(%dma_start3A_499 : memref<16xi32, #tpu.memory_space<vmem>>) semaphore(%run_scoped3A_494 : memref<!tpu.dma_semaphore, #tpu.memory_space<semaphore_mem>>) {add = true}
        %dma_wait3A = arith.constant 96 : i32
        %dma_wait3A_503 = arith.constant 0 : i32
        %dma_wait3A_504 = tpu.memref_slice %arg10[%dma_wait3A, %dma_wait3A_503] : memref<128x128xf32, #tpu.memory_space<vmem>> -> memref<16x128xf32, #tpu.memory_space<vmem>>
        %dma_wait3A_505 = arith.constant 0 : i32
        %dma_wait3A_506 = tpu.memref_slice %arg9[%run_scoped3A_316, %dma_wait3A_505] : memref<8x16xi32, #tpu.memory_space<vmem>> -> memref<1x16xi32, #tpu.memory_space<vmem>>
        %dma_wait3A_507 = tpu.memref_squeeze %dma_wait3A_506 : memref<1x16xi32, #tpu.memory_space<vmem>> -> memref<16xi32, #tpu.memory_space<vmem>>
        %dma_wait3A_508 = arith.constant 0 : i32
        %dma_wait3A_509 = arith.constant 0 : i32
        %dma_wait3A_510 = tpu.memref_slice %arg13[%dma_wait3A_508, %dma_wait3A_509] : memref<1280x128xf32, #tpu.memory_space<vmem_shared>> -> memref<1280x128xf32, #tpu.memory_space<vmem_shared>>
        tpu.wait_indirect_dma semaphore(%run_scoped3A_494 : memref<!tpu.dma_semaphore, #tpu.memory_space<semaphore_mem>>) src(%dma_wait3A_504 : memref<16x128xf32, #tpu.memory_space<vmem>>) dst(%dma_wait3A_510 : memref<1280x128xf32, #tpu.memory_space<vmem_shared>>)
        tpu.yield
      }) : () -> ()
      %run_scoped3A_317 = arith.constant 7 : i32
      "tpu.region"() ({
        %run_scoped3A_494 = tpu.sem_alloc : memref<!tpu.dma_semaphore, #tpu.memory_space<semaphore_mem>>
        %dma_start3A = arith.constant 112 : i32
        %dma_start3A_495 = arith.constant 0 : i32
        %dma_start3A_496 = tpu.memref_slice %arg10[%dma_start3A, %dma_start3A_495] : memref<128x128xf32, #tpu.memory_space<vmem>> -> memref<16x128xf32, #tpu.memory_space<vmem>>
        %dma_start3A_497 = arith.constant 0 : i32
        %dma_start3A_498 = tpu.memref_slice %arg9[%run_scoped3A_317, %dma_start3A_497] : memref<8x16xi32, #tpu.memory_space<vmem>> -> memref<1x16xi32, #tpu.memory_space<vmem>>
        %dma_start3A_499 = tpu.memref_squeeze %dma_start3A_498 : memref<1x16xi32, #tpu.memory_space<vmem>> -> memref<16xi32, #tpu.memory_space<vmem>>
        %dma_start3A_500 = arith.constant 0 : i32
        %dma_start3A_501 = arith.constant 0 : i32
        %dma_start3A_502 = tpu.memref_slice %arg13[%dma_start3A_500, %dma_start3A_501] : memref<1280x128xf32, #tpu.memory_space<vmem_shared>> -> memref<1280x128xf32, #tpu.memory_space<vmem_shared>>
        tpu.enqueue_indirect_dma source(%dma_start3A_496 : memref<16x128xf32, #tpu.memory_space<vmem>>) target(%dma_start3A_502 : memref<1280x128xf32, #tpu.memory_space<vmem_shared>>) offsets(%dma_start3A_499 : memref<16xi32, #tpu.memory_space<vmem>>) semaphore(%run_scoped3A_494 : memref<!tpu.dma_semaphore, #tpu.memory_space<semaphore_mem>>) {add = true}
        %dma_wait3A = arith.constant 112 : i32
        %dma_wait3A_503 = arith.constant 0 : i32
        %dma_wait3A_504 = tpu.memref_slice %arg10[%dma_wait3A, %dma_wait3A_503] : memref<128x128xf32, #tpu.memory_space<vmem>> -> memref<16x128xf32, #tpu.memory_space<vmem>>
        %dma_wait3A_505 = arith.constant 0 : i32
        %dma_wait3A_506 = tpu.memref_slice %arg9[%run_scoped3A_317, %dma_wait3A_505] : memref<8x16xi32, #tpu.memory_space<vmem>> -> memref<1x16xi32, #tpu.memory_space<vmem>>
        %dma_wait3A_507 = tpu.memref_squeeze %dma_wait3A_506 : memref<1x16xi32, #tpu.memory_space<vmem>> -> memref<16xi32, #tpu.memory_space<vmem>>
        %dma_wait3A_508 = arith.constant 0 : i32
        %dma_wait3A_509 = arith.constant 0 : i32
        %dma_wait3A_510 = tpu.memref_slice %arg13[%dma_wait3A_508, %dma_wait3A_509] : memref<1280x128xf32, #tpu.memory_space<vmem_shared>> -> memref<1280x128xf32, #tpu.memory_space<vmem_shared>>
        tpu.wait_indirect_dma semaphore(%run_scoped3A_494 : memref<!tpu.dma_semaphore, #tpu.memory_space<semaphore_mem>>) src(%dma_wait3A_504 : memref<16x128xf32, #tpu.memory_space<vmem>>) dst(%dma_wait3A_510 : memref<1280x128xf32, #tpu.memory_space<vmem_shared>>)
        tpu.yield
      }) : () -> ()
      %add3A_318 = arith.constant 0 : i32
      %add3A_319 = vector.broadcast %add3A_318 : i32 to vector<16xi32>
      %add3A_320 = arith.addi %iota3A, %add3A_319 : vector<16xi32>
      %get3A_321 = arith.constant 0 : i32
      %get3A_322 = arith.index_cast %get3A_321 : i32 to index
      %get3A_323 = arith.constant 0 : index
      %get3A_324 = tpu.vector_load %arg8[%get3A_322, %get3A_323] {strides = array<i32>} : memref<8x16xi32, #tpu.memory_space<vmem>>, vector<16xi32>,
      %and3A_325 = arith.constant 7 : i32
      %and3A_326 = vector.broadcast %and3A_325 : i32 to vector<16xi32>
      %and3A_327 = arith.andi %get3A_324, %and3A_326 : vector<16xi32>
      %mul3A_328 = arith.constant 16 : i32
      %mul3A_329 = vector.broadcast %mul3A_328 : i32 to vector<16xi32>
      %mul3A_330 = arith.muli %and3A_327, %mul3A_329 : vector<16xi32>
      %add3A_331 = arith.constant 0 : i32
      %add3A_332 = vector.broadcast %add3A_331 : i32 to vector<16xi32>
      %add3A_333 = arith.addi %mul3A_330, %add3A_332 : vector<16xi32>
      tpu.vector_store_idx %arg10[%add3A_320, %add3A_333], %broadcast_in_dim3A_7 : memref<128x128xf32, #tpu.memory_space<vmem>>[vector<16xi32>, vector<16xi32>], vector<16xf32>,
      %add3A_334 = arith.constant 1 : i32
      %add3A_335 = vector.broadcast %add3A_334 : i32 to vector<16xi32>
      %add3A_336 = arith.addi %mul3A_330, %add3A_335 : vector<16xi32>
      tpu.vector_store_idx %arg10[%add3A_320, %add3A_336], %broadcast_in_dim3A_7 : memref<128x128xf32, #tpu.memory_space<vmem>>[vector<16xi32>, vector<16xi32>], vector<16xf32>,
      %add3A_337 = arith.constant 2 : i32
      %add3A_338 = vector.broadcast %add3A_337 : i32 to vector<16xi32>
      %add3A_339 = arith.addi %mul3A_330, %add3A_338 : vector<16xi32>
      tpu.vector_store_idx %arg10[%add3A_320, %add3A_339], %broadcast_in_dim3A_7 : memref<128x128xf32, #tpu.memory_space<vmem>>[vector<16xi32>, vector<16xi32>], vector<16xf32>,
      %add3A_340 = arith.constant 16 : i32
      %add3A_341 = vector.broadcast %add3A_340 : i32 to vector<16xi32>
      %add3A_342 = arith.addi %iota3A, %add3A_341 : vector<16xi32>
      %get3A_343 = arith.constant 1 : i32
      %get3A_344 = arith.index_cast %get3A_343 : i32 to index
      %get3A_345 = arith.constant 0 : index
      %get3A_346 = tpu.vector_load %arg8[%get3A_344, %get3A_345] {strides = array<i32>} : memref<8x16xi32, #tpu.memory_space<vmem>>, vector<16xi32>,
      %and3A_347 = arith.constant 7 : i32
      %and3A_348 = vector.broadcast %and3A_347 : i32 to vector<16xi32>
      %and3A_349 = arith.andi %get3A_346, %and3A_348 : vector<16xi32>
      %mul3A_350 = arith.constant 16 : i32
      %mul3A_351 = vector.broadcast %mul3A_350 : i32 to vector<16xi32>
      %mul3A_352 = arith.muli %and3A_349, %mul3A_351 : vector<16xi32>
      %add3A_353 = arith.constant 0 : i32
      %add3A_354 = vector.broadcast %add3A_353 : i32 to vector<16xi32>
      %add3A_355 = arith.addi %mul3A_352, %add3A_354 : vector<16xi32>
      tpu.vector_store_idx %arg10[%add3A_342, %add3A_355], %broadcast_in_dim3A_7 : memref<128x128xf32, #tpu.memory_space<vmem>>[vector<16xi32>, vector<16xi32>], vector<16xf32>,
      %add3A_356 = arith.constant 1 : i32
      %add3A_357 = vector.broadcast %add3A_356 : i32 to vector<16xi32>
      %add3A_358 = arith.addi %mul3A_352, %add3A_357 : vector<16xi32>
      tpu.vector_store_idx %arg10[%add3A_342, %add3A_358], %broadcast_in_dim3A_7 : memref<128x128xf32, #tpu.memory_space<vmem>>[vector<16xi32>, vector<16xi32>], vector<16xf32>,
      %add3A_359 = arith.constant 2 : i32
      %add3A_360 = vector.broadcast %add3A_359 : i32 to vector<16xi32>
      %add3A_361 = arith.addi %mul3A_352, %add3A_360 : vector<16xi32>
      tpu.vector_store_idx %arg10[%add3A_342, %add3A_361], %broadcast_in_dim3A_7 : memref<128x128xf32, #tpu.memory_space<vmem>>[vector<16xi32>, vector<16xi32>], vector<16xf32>,
      %add3A_362 = arith.constant 32 : i32
      %add3A_363 = vector.broadcast %add3A_362 : i32 to vector<16xi32>
      %add3A_364 = arith.addi %iota3A, %add3A_363 : vector<16xi32>
      %get3A_365 = arith.constant 2 : i32
      %get3A_366 = arith.index_cast %get3A_365 : i32 to index
      %get3A_367 = arith.constant 0 : index
      %get3A_368 = tpu.vector_load %arg8[%get3A_366, %get3A_367] {strides = array<i32>} : memref<8x16xi32, #tpu.memory_space<vmem>>, vector<16xi32>,
      %and3A_369 = arith.constant 7 : i32
      %and3A_370 = vector.broadcast %and3A_369 : i32 to vector<16xi32>
      %and3A_371 = arith.andi %get3A_368, %and3A_370 : vector<16xi32>
      %mul3A_372 = arith.constant 16 : i32
      %mul3A_373 = vector.broadcast %mul3A_372 : i32 to vector<16xi32>
      %mul3A_374 = arith.muli %and3A_371, %mul3A_373 : vector<16xi32>
      %add3A_375 = arith.constant 0 : i32
      %add3A_376 = vector.broadcast %add3A_375 : i32 to vector<16xi32>
      %add3A_377 = arith.addi %mul3A_374, %add3A_376 : vector<16xi32>
      tpu.vector_store_idx %arg10[%add3A_364, %add3A_377], %broadcast_in_dim3A_7 : memref<128x128xf32, #tpu.memory_space<vmem>>[vector<16xi32>, vector<16xi32>], vector<16xf32>,
      %add3A_378 = arith.constant 1 : i32
      %add3A_379 = vector.broadcast %add3A_378 : i32 to vector<16xi32>
      %add3A_380 = arith.addi %mul3A_374, %add3A_379 : vector<16xi32>
      tpu.vector_store_idx %arg10[%add3A_364, %add3A_380], %broadcast_in_dim3A_7 : memref<128x128xf32, #tpu.memory_space<vmem>>[vector<16xi32>, vector<16xi32>], vector<16xf32>,
      %add3A_381 = arith.constant 2 : i32
      %add3A_382 = vector.broadcast %add3A_381 : i32 to vector<16xi32>
      %add3A_383 = arith.addi %mul3A_374, %add3A_382 : vector<16xi32>
      tpu.vector_store_idx %arg10[%add3A_364, %add3A_383], %broadcast_in_dim3A_7 : memref<128x128xf32, #tpu.memory_space<vmem>>[vector<16xi32>, vector<16xi32>], vector<16xf32>,
      %add3A_384 = arith.constant 48 : i32
      %add3A_385 = vector.broadcast %add3A_384 : i32 to vector<16xi32>
      %add3A_386 = arith.addi %iota3A, %add3A_385 : vector<16xi32>
      %get3A_387 = arith.constant 3 : i32
      %get3A_388 = arith.index_cast %get3A_387 : i32 to index
      %get3A_389 = arith.constant 0 : index
      %get3A_390 = tpu.vector_load %arg8[%get3A_388, %get3A_389] {strides = array<i32>} : memref<8x16xi32, #tpu.memory_space<vmem>>, vector<16xi32>,
      %and3A_391 = arith.constant 7 : i32
      %and3A_392 = vector.broadcast %and3A_391 : i32 to vector<16xi32>
      %and3A_393 = arith.andi %get3A_390, %and3A_392 : vector<16xi32>
      %mul3A_394 = arith.constant 16 : i32
      %mul3A_395 = vector.broadcast %mul3A_394 : i32 to vector<16xi32>
      %mul3A_396 = arith.muli %and3A_393, %mul3A_395 : vector<16xi32>
      %add3A_397 = arith.constant 0 : i32
      %add3A_398 = vector.broadcast %add3A_397 : i32 to vector<16xi32>
      %add3A_399 = arith.addi %mul3A_396, %add3A_398 : vector<16xi32>
      tpu.vector_store_idx %arg10[%add3A_386, %add3A_399], %broadcast_in_dim3A_7 : memref<128x128xf32, #tpu.memory_space<vmem>>[vector<16xi32>, vector<16xi32>], vector<16xf32>,
      %add3A_400 = arith.constant 1 : i32
      %add3A_401 = vector.broadcast %add3A_400 : i32 to vector<16xi32>
      %add3A_402 = arith.addi %mul3A_396, %add3A_401 : vector<16xi32>
      tpu.vector_store_idx %arg10[%add3A_386, %add3A_402], %broadcast_in_dim3A_7 : memref<128x128xf32, #tpu.memory_space<vmem>>[vector<16xi32>, vector<16xi32>], vector<16xf32>,
      %add3A_403 = arith.constant 2 : i32
      %add3A_404 = vector.broadcast %add3A_403 : i32 to vector<16xi32>
      %add3A_405 = arith.addi %mul3A_396, %add3A_404 : vector<16xi32>
      tpu.vector_store_idx %arg10[%add3A_386, %add3A_405], %broadcast_in_dim3A_7 : memref<128x128xf32, #tpu.memory_space<vmem>>[vector<16xi32>, vector<16xi32>], vector<16xf32>,
      %add3A_406 = arith.constant 64 : i32
      %add3A_407 = vector.broadcast %add3A_406 : i32 to vector<16xi32>
      %add3A_408 = arith.addi %iota3A, %add3A_407 : vector<16xi32>
      %get3A_409 = arith.constant 4 : i32
      %get3A_410 = arith.index_cast %get3A_409 : i32 to index
      %get3A_411 = arith.constant 0 : index
      %get3A_412 = tpu.vector_load %arg8[%get3A_410, %get3A_411] {strides = array<i32>} : memref<8x16xi32, #tpu.memory_space<vmem>>, vector<16xi32>,
      %and3A_413 = arith.constant 7 : i32
      %and3A_414 = vector.broadcast %and3A_413 : i32 to vector<16xi32>
      %and3A_415 = arith.andi %get3A_412, %and3A_414 : vector<16xi32>
      %mul3A_416 = arith.constant 16 : i32
      %mul3A_417 = vector.broadcast %mul3A_416 : i32 to vector<16xi32>
      %mul3A_418 = arith.muli %and3A_415, %mul3A_417 : vector<16xi32>
      %add3A_419 = arith.constant 0 : i32
      %add3A_420 = vector.broadcast %add3A_419 : i32 to vector<16xi32>
      %add3A_421 = arith.addi %mul3A_418, %add3A_420 : vector<16xi32>
      tpu.vector_store_idx %arg10[%add3A_408, %add3A_421], %broadcast_in_dim3A_7 : memref<128x128xf32, #tpu.memory_space<vmem>>[vector<16xi32>, vector<16xi32>], vector<16xf32>,
      %add3A_422 = arith.constant 1 : i32
      %add3A_423 = vector.broadcast %add3A_422 : i32 to vector<16xi32>
      %add3A_424 = arith.addi %mul3A_418, %add3A_423 : vector<16xi32>
      tpu.vector_store_idx %arg10[%add3A_408, %add3A_424], %broadcast_in_dim3A_7 : memref<128x128xf32, #tpu.memory_space<vmem>>[vector<16xi32>, vector<16xi32>], vector<16xf32>,
      %add3A_425 = arith.constant 2 : i32
      %add3A_426 = vector.broadcast %add3A_425 : i32 to vector<16xi32>
      %add3A_427 = arith.addi %mul3A_418, %add3A_426 : vector<16xi32>
      tpu.vector_store_idx %arg10[%add3A_408, %add3A_427], %broadcast_in_dim3A_7 : memref<128x128xf32, #tpu.memory_space<vmem>>[vector<16xi32>, vector<16xi32>], vector<16xf32>,
      %add3A_428 = arith.constant 80 : i32
      %add3A_429 = vector.broadcast %add3A_428 : i32 to vector<16xi32>
      %add3A_430 = arith.addi %iota3A, %add3A_429 : vector<16xi32>
      %get3A_431 = arith.constant 5 : i32
      %get3A_432 = arith.index_cast %get3A_431 : i32 to index
      %get3A_433 = arith.constant 0 : index
      %get3A_434 = tpu.vector_load %arg8[%get3A_432, %get3A_433] {strides = array<i32>} : memref<8x16xi32, #tpu.memory_space<vmem>>, vector<16xi32>,
      %and3A_435 = arith.constant 7 : i32
      %and3A_436 = vector.broadcast %and3A_435 : i32 to vector<16xi32>
      %and3A_437 = arith.andi %get3A_434, %and3A_436 : vector<16xi32>
      %mul3A_438 = arith.constant 16 : i32
      %mul3A_439 = vector.broadcast %mul3A_438 : i32 to vector<16xi32>
      %mul3A_440 = arith.muli %and3A_437, %mul3A_439 : vector<16xi32>
      %add3A_441 = arith.constant 0 : i32
      %add3A_442 = vector.broadcast %add3A_441 : i32 to vector<16xi32>
      %add3A_443 = arith.addi %mul3A_440, %add3A_442 : vector<16xi32>
      tpu.vector_store_idx %arg10[%add3A_430, %add3A_443], %broadcast_in_dim3A_7 : memref<128x128xf32, #tpu.memory_space<vmem>>[vector<16xi32>, vector<16xi32>], vector<16xf32>,
      %add3A_444 = arith.constant 1 : i32
      %add3A_445 = vector.broadcast %add3A_444 : i32 to vector<16xi32>
      %add3A_446 = arith.addi %mul3A_440, %add3A_445 : vector<16xi32>
      tpu.vector_store_idx %arg10[%add3A_430, %add3A_446], %broadcast_in_dim3A_7 : memref<128x128xf32, #tpu.memory_space<vmem>>[vector<16xi32>, vector<16xi32>], vector<16xf32>,
      %add3A_447 = arith.constant 2 : i32
      %add3A_448 = vector.broadcast %add3A_447 : i32 to vector<16xi32>
      %add3A_449 = arith.addi %mul3A_440, %add3A_448 : vector<16xi32>
      tpu.vector_store_idx %arg10[%add3A_430, %add3A_449], %broadcast_in_dim3A_7 : memref<128x128xf32, #tpu.memory_space<vmem>>[vector<16xi32>, vector<16xi32>], vector<16xf32>,
      %add3A_450 = arith.constant 96 : i32
      %add3A_451 = vector.broadcast %add3A_450 : i32 to vector<16xi32>
      %add3A_452 = arith.addi %iota3A, %add3A_451 : vector<16xi32>
      %get3A_453 = arith.constant 6 : i32
      %get3A_454 = arith.index_cast %get3A_453 : i32 to index
      %get3A_455 = arith.constant 0 : index
      %get3A_456 = tpu.vector_load %arg8[%get3A_454, %get3A_455] {strides = array<i32>} : memref<8x16xi32, #tpu.memory_space<vmem>>, vector<16xi32>,
      %and3A_457 = arith.constant 7 : i32
      %and3A_458 = vector.broadcast %and3A_457 : i32 to vector<16xi32>
      %and3A_459 = arith.andi %get3A_456, %and3A_458 : vector<16xi32>
      %mul3A_460 = arith.constant 16 : i32
      %mul3A_461 = vector.broadcast %mul3A_460 : i32 to vector<16xi32>
      %mul3A_462 = arith.muli %and3A_459, %mul3A_461 : vector<16xi32>
      %add3A_463 = arith.constant 0 : i32
      %add3A_464 = vector.broadcast %add3A_463 : i32 to vector<16xi32>
      %add3A_465 = arith.addi %mul3A_462, %add3A_464 : vector<16xi32>
      tpu.vector_store_idx %arg10[%add3A_452, %add3A_465], %broadcast_in_dim3A_7 : memref<128x128xf32, #tpu.memory_space<vmem>>[vector<16xi32>, vector<16xi32>], vector<16xf32>,
      %add3A_466 = arith.constant 1 : i32
      %add3A_467 = vector.broadcast %add3A_466 : i32 to vector<16xi32>
      %add3A_468 = arith.addi %mul3A_462, %add3A_467 : vector<16xi32>
      tpu.vector_store_idx %arg10[%add3A_452, %add3A_468], %broadcast_in_dim3A_7 : memref<128x128xf32, #tpu.memory_space<vmem>>[vector<16xi32>, vector<16xi32>], vector<16xf32>,
      %add3A_469 = arith.constant 2 : i32
      %add3A_470 = vector.broadcast %add3A_469 : i32 to vector<16xi32>
      %add3A_471 = arith.addi %mul3A_462, %add3A_470 : vector<16xi32>
      tpu.vector_store_idx %arg10[%add3A_452, %add3A_471], %broadcast_in_dim3A_7 : memref<128x128xf32, #tpu.memory_space<vmem>>[vector<16xi32>, vector<16xi32>], vector<16xf32>,
      %add3A_472 = arith.constant 112 : i32
      %add3A_473 = vector.broadcast %add3A_472 : i32 to vector<16xi32>
      %add3A_474 = arith.addi %iota3A, %add3A_473 : vector<16xi32>
      %get3A_475 = arith.constant 7 : i32
      %get3A_476 = arith.index_cast %get3A_475 : i32 to index
      %get3A_477 = arith.constant 0 : index
      %get3A_478 = tpu.vector_load %arg8[%get3A_476, %get3A_477] {strides = array<i32>} : memref<8x16xi32, #tpu.memory_space<vmem>>, vector<16xi32>,
      %and3A_479 = arith.constant 7 : i32
      %and3A_480 = vector.broadcast %and3A_479 : i32 to vector<16xi32>
      %and3A_481 = arith.andi %get3A_478, %and3A_480 : vector<16xi32>
      %mul3A_482 = arith.constant 16 : i32
      %mul3A_483 = vector.broadcast %mul3A_482 : i32 to vector<16xi32>
      %mul3A_484 = arith.muli %and3A_481, %mul3A_483 : vector<16xi32>
      %add3A_485 = arith.constant 0 : i32
      %add3A_486 = vector.broadcast %add3A_485 : i32 to vector<16xi32>
      %add3A_487 = arith.addi %mul3A_484, %add3A_486 : vector<16xi32>
      tpu.vector_store_idx %arg10[%add3A_474, %add3A_487], %broadcast_in_dim3A_7 : memref<128x128xf32, #tpu.memory_space<vmem>>[vector<16xi32>, vector<16xi32>], vector<16xf32>,
      %add3A_488 = arith.constant 1 : i32
      %add3A_489 = vector.broadcast %add3A_488 : i32 to vector<16xi32>
      %add3A_490 = arith.addi %mul3A_484, %add3A_489 : vector<16xi32>
      tpu.vector_store_idx %arg10[%add3A_474, %add3A_490], %broadcast_in_dim3A_7 : memref<128x128xf32, #tpu.memory_space<vmem>>[vector<16xi32>, vector<16xi32>], vector<16xf32>,
      %add3A_491 = arith.constant 2 : i32
      %add3A_492 = vector.broadcast %add3A_491 : i32 to vector<16xi32>
      %add3A_493 = arith.addi %mul3A_484, %add3A_492 : vector<16xi32>
      tpu.vector_store_idx %arg10[%add3A_474, %add3A_493], %broadcast_in_dim3A_7 : memref<128x128xf32, #tpu.memory_space<vmem>>[vector<16xi32>, vector<16xi32>], vector<16xf32>,
    }
    %barrier3A_17 = arith.constant 0 : index
    tpu.barrier barrier_id(%barrier3A_17)
    "tpu.region"() ({
      %run_scoped3A = tpu.sem_alloc : memref<!tpu.dma_semaphore, #tpu.memory_space<semaphore_mem>>
      %dma_start3A = arith.constant 0 : i32
      %dma_start3A_18 = tpu.memref_slice %arg7[%arg0, %mul3A_2, %dma_start3A] : memref<2x1280x128xf32, #tpu.memory_space<hbm>> -> memref<1x80x128xf32, #tpu.memory_space<hbm>>
      %dma_start3A_19 = tpu.memref_squeeze %dma_start3A_18 : memref<1x80x128xf32, #tpu.memory_space<hbm>> -> memref<80x128xf32, #tpu.memory_space<hbm>>
      %dma_start3A_20 = arith.constant 0 : i32
      %dma_start3A_21 = tpu.memref_slice %arg13[%mul3A_2, %dma_start3A_20] : memref<1280x128xf32, #tpu.memory_space<vmem_shared>> -> memref<80x128xf32, #tpu.memory_space<vmem_shared>>
      tpu.enqueue_dma source(%dma_start3A_21 : memref<80x128xf32, #tpu.memory_space<vmem_shared>>) target(%dma_start3A_19 : memref<80x128xf32, #tpu.memory_space<hbm>>) target_semaphore(%run_scoped3A : memref<!tpu.dma_semaphore, #tpu.memory_space<semaphore_mem>>)
      %dma_wait3A = arith.constant 0 : i32
      %dma_wait3A_22 = tpu.memref_slice %arg7[%arg0, %mul3A_2, %dma_wait3A] : memref<2x1280x128xf32, #tpu.memory_space<hbm>> -> memref<1x80x128xf32, #tpu.memory_space<hbm>>
      %dma_wait3A_23 = tpu.memref_squeeze %dma_wait3A_22 : memref<1x80x128xf32, #tpu.memory_space<hbm>> -> memref<80x128xf32, #tpu.memory_space<hbm>>
      %dma_wait3A_24 = arith.constant 0 : i32
      %dma_wait3A_25 = tpu.memref_slice %arg13[%mul3A_2, %dma_wait3A_24] : memref<1280x128xf32, #tpu.memory_space<vmem_shared>> -> memref<80x128xf32, #tpu.memory_space<vmem_shared>>
      tpu.wait_dma2 semaphore(%run_scoped3A : memref<!tpu.dma_semaphore, #tpu.memory_space<semaphore_mem>>) src(%dma_wait3A_25 : memref<80x128xf32, #tpu.memory_space<vmem_shared>>) dst(%dma_wait3A_23 : memref<80x128xf32, #tpu.memory_space<hbm>>)
      tpu.yield
    }) : () -> ()
    return
  }
}

module attributes {stable_mosaic.version = 14 : i64} {
  func.func @_edge_body(%arg0: i32, %arg1: memref<1000x128xf32, #tpu.memory_space<vmem>>, %arg2: memref<1000x128xf32, #tpu.memory_space<vmem>>, %arg3: memref<1000x16xf32, #tpu.memory_space<vmem>>, %arg4: memref<128x256xf32, #tpu.memory_space<vmem>>, %arg5: memref<128x256xf32, #tpu.memory_space<vmem>>, %arg6: memref<1x256xf32, #tpu.memory_space<vmem>>, %arg7: memref<1x256xf32, #tpu.memory_space<vmem>>, %arg8: memref<256x128xf32, #tpu.memory_space<vmem>>, %arg9: memref<1x128xf32, #tpu.memory_space<vmem>>, %arg10: memref<128x128xf32, #tpu.memory_space<vmem>>, %arg11: memref<1x128xf32, #tpu.memory_space<vmem>>, %arg12: memref<128x128xf32, #tpu.memory_space<vmem>>, %arg13: memref<1x128xf32, #tpu.memory_space<vmem>>, %arg14: memref<1x128xf32, #tpu.memory_space<vmem>>, %arg15: memref<1000x128xf32, #tpu.memory_space<vmem>>, %arg16: memref<1000x1xf32, #tpu.memory_space<vmem>>) attributes {dimension_semantics = [#tpu.dimension_semantics<arbitrary>], iteration_bounds = array<i64: 320>, scalar_prefetch = 0 : i64, scratch_operands = 0 : i64, tpu.core_type = #tpu.core_type<tc>, window_params = [{transform_indices = @transform_0, window_bounds = array<i64: 1000, 128>}, {transform_indices = @transform_1, window_bounds = array<i64: 1000, 128>}, {transform_indices = @transform_2, window_bounds = array<i64: 1000, 16>}, {pipeline_mode = #tpu.pipeline_mode<synchronous>, transform_indices = @transform_3, window_bounds = array<i64: 128, 256>}, {pipeline_mode = #tpu.pipeline_mode<synchronous>, transform_indices = @transform_4, window_bounds = array<i64: 128, 256>}, {pipeline_mode = #tpu.pipeline_mode<synchronous>, transform_indices = @transform_5, window_bounds = array<i64: 1, 256>}, {pipeline_mode = #tpu.pipeline_mode<synchronous>, transform_indices = @transform_6, window_bounds = array<i64: 1, 256>}, {pipeline_mode = #tpu.pipeline_mode<synchronous>, transform_indices = @transform_7, window_bounds = array<i64: 256, 128>}, {pipeline_mode = #tpu.pipeline_mode<synchronous>, transform_indices = @transform_8, window_bounds = array<i64: 1, 128>}, {pipeline_mode = #tpu.pipeline_mode<synchronous>, transform_indices = @transform_9, window_bounds = array<i64: 128, 128>}, {pipeline_mode = #tpu.pipeline_mode<synchronous>, transform_indices = @transform_10, window_bounds = array<i64: 1, 128>}, {pipeline_mode = #tpu.pipeline_mode<synchronous>, transform_indices = @transform_11, window_bounds = array<i64: 128, 128>}, {pipeline_mode = #tpu.pipeline_mode<synchronous>, transform_indices = @transform_12, window_bounds = array<i64: 1, 128>}, {pipeline_mode = #tpu.pipeline_mode<synchronous>, transform_indices = @transform_13, window_bounds = array<i64: 1, 128>}, {transform_indices = @transform_14, window_bounds = array<i64: 1000, 128>}, {transform_indices = @transform_15, window_bounds = array<i64: 1000, 1>}]} {
    %get3A = arith.constant 0 : index
    %get3A_0 = arith.constant 0 : index
    %get3A_1 = vector.load %arg3[%get3A, %get3A_0] : memref<1000x16xf32, #tpu.memory_space<vmem>>, vector<1000x16xf32>
    %mul3A = arith.mulf %get3A_1, %get3A_1 : vector<1000x16xf32>
    %reduce_sum3A = arith.constant dense<0.000000e+00> : vector<1000xf32>
    %reduce_sum3A_2 = vector.multi_reduction <add>, %mul3A, %reduce_sum3A [1] : vector<1000x16xf32> to vector<1000xf32>
    %broadcast_in_dim3A = vector.shape_cast %reduce_sum3A_2 : vector<1000xf32> to vector<1000x1xf32>
    %get3A_3 = arith.constant 0 : index
    %get3A_4 = arith.constant 0 : index
    %get3A_5 = vector.load %arg1[%get3A_3, %get3A_4] : memref<1000x128xf32, #tpu.memory_space<vmem>>, vector<1000x128xf32>
    %get3A_6 = arith.constant 0 : index
    %get3A_7 = arith.constant 0 : index
    %get3A_8 = vector.load %arg4[%get3A_6, %get3A_7] : memref<128x256xf32, #tpu.memory_space<vmem>>, vector<128x256xf32>
    %dot_general3A = arith.constant dense<0.000000e+00> : vector<1000x256xf32>
    %dot_general3A_9 = tpu.matmul %get3A_5, %get3A_8, %dot_general3A {dimension_numbers = #tpu.dot_dimension_numbers<[1], [0], [0], [1], [0, 0, 1, 1], [], []>, transpose_lhs_hint = false} : vector<1000x128xf32>, vector<128x256xf32>, vector<1000x256xf32> -> vector<1000x256xf32>
    %get3A_10 = arith.constant 0 : index
    %get3A_11 = arith.constant 0 : index
    %get3A_12 = vector.load %arg2[%get3A_10, %get3A_11] : memref<1000x128xf32, #tpu.memory_space<vmem>>, vector<1000x128xf32>
    %get3A_13 = arith.constant 0 : index
    %get3A_14 = arith.constant 0 : index
    %get3A_15 = vector.load %arg5[%get3A_13, %get3A_14] : memref<128x256xf32, #tpu.memory_space<vmem>>, vector<128x256xf32>
    %dot_general3A_16 = arith.constant dense<0.000000e+00> : vector<1000x256xf32>
    %dot_general3A_17 = tpu.matmul %get3A_12, %get3A_15, %dot_general3A_16 {dimension_numbers = #tpu.dot_dimension_numbers<[1], [0], [0], [1], [0, 0, 1, 1], [], []>, transpose_lhs_hint = false} : vector<1000x128xf32>, vector<128x256xf32>, vector<1000x256xf32> -> vector<1000x256xf32>
    %add3A = arith.addf %dot_general3A_9, %dot_general3A_17 : vector<1000x256xf32>
    %get3A_18 = arith.constant 0 : index
    %get3A_19 = arith.constant 0 : index
    %get3A_20 = vector.load %arg6[%get3A_18, %get3A_19] : memref<1x256xf32, #tpu.memory_space<vmem>>, vector<1x256xf32>
    %mul3A_21 = vector.broadcast %broadcast_in_dim3A : vector<1000x1xf32> to vector<1000x256xf32>
    %mul3A_22 = vector.broadcast %get3A_20 : vector<1x256xf32> to vector<1000x256xf32>
    %mul3A_23 = arith.mulf %mul3A_21, %mul3A_22 : vector<1000x256xf32>
    %add3A_24 = arith.addf %add3A, %mul3A_23 : vector<1000x256xf32>
    %get3A_25 = arith.constant 0 : index
    %get3A_26 = arith.constant 0 : index
    %get3A_27 = vector.load %arg7[%get3A_25, %get3A_26] : memref<1x256xf32, #tpu.memory_space<vmem>>, vector<1x256xf32>
    %add3A_28 = vector.broadcast %get3A_27 : vector<1x256xf32> to vector<1000x256xf32>
    %add3A_29 = arith.addf %add3A_24, %add3A_28 : vector<1000x256xf32>
    %neg3A = arith.constant 0.000000e+00 : f32
    %neg3A_30 = vector.broadcast %neg3A : f32 to vector<1000x256xf32>
    %neg3A_31 = arith.subf %neg3A_30, %add3A_29 : vector<1000x256xf32>
    %exp3A = math.exp %neg3A_31 : vector<1000x256xf32>
    %add3A_32 = arith.constant 1.000000e+00 : f32
    %add3A_33 = vector.broadcast %add3A_32 : f32 to vector<1000x256xf32>
    %add3A_34 = arith.addf %add3A_33, %exp3A : vector<1000x256xf32>
    %div3A = arith.divf %add3A_29, %add3A_34 : vector<1000x256xf32>
    %get3A_35 = arith.constant 0 : index
    %get3A_36 = arith.constant 0 : index
    %get3A_37 = vector.load %arg8[%get3A_35, %get3A_36] : memref<256x128xf32, #tpu.memory_space<vmem>>, vector<256x128xf32>
    %dot_general3A_38 = arith.constant dense<0.000000e+00> : vector<1000x128xf32>
    %dot_general3A_39 = tpu.matmul %div3A, %get3A_37, %dot_general3A_38 {dimension_numbers = #tpu.dot_dimension_numbers<[1], [0], [0], [1], [0, 0, 1, 1], [], []>, transpose_lhs_hint = false} : vector<1000x256xf32>, vector<256x128xf32>, vector<1000x128xf32> -> vector<1000x128xf32>
    %get3A_40 = arith.constant 0 : index
    %get3A_41 = arith.constant 0 : index
    %get3A_42 = vector.load %arg9[%get3A_40, %get3A_41] : memref<1x128xf32, #tpu.memory_space<vmem>>, vector<1x128xf32>
    %add3A_43 = vector.broadcast %get3A_42 : vector<1x128xf32> to vector<1000x128xf32>
    %add3A_44 = arith.addf %dot_general3A_39, %add3A_43 : vector<1000x128xf32>
    %neg3A_45 = arith.constant 0.000000e+00 : f32
    %neg3A_46 = vector.broadcast %neg3A_45 : f32 to vector<1000x128xf32>
    %neg3A_47 = arith.subf %neg3A_46, %add3A_44 : vector<1000x128xf32>
    %exp3A_48 = math.exp %neg3A_47 : vector<1000x128xf32>
    %add3A_49 = arith.constant 1.000000e+00 : f32
    %add3A_50 = vector.broadcast %add3A_49 : f32 to vector<1000x128xf32>
    %add3A_51 = arith.addf %add3A_50, %exp3A_48 : vector<1000x128xf32>
    %div3A_52 = arith.divf %add3A_44, %add3A_51 : vector<1000x128xf32>
    %get3A_53 = arith.constant 0 : index
    %get3A_54 = arith.constant 0 : index
    %get3A_55 = vector.load %arg10[%get3A_53, %get3A_54] : memref<128x128xf32, #tpu.memory_space<vmem>>, vector<128x128xf32>
    %dot_general3A_56 = arith.constant dense<0.000000e+00> : vector<1000x128xf32>
    %dot_general3A_57 = tpu.matmul %div3A_52, %get3A_55, %dot_general3A_56 {dimension_numbers = #tpu.dot_dimension_numbers<[1], [0], [0], [1], [0, 0, 1, 1], [], []>, transpose_lhs_hint = false} : vector<1000x128xf32>, vector<128x128xf32>, vector<1000x128xf32> -> vector<1000x128xf32>
    %get3A_58 = arith.constant 0 : index
    %get3A_59 = arith.constant 0 : index
    %get3A_60 = vector.load %arg11[%get3A_58, %get3A_59] : memref<1x128xf32, #tpu.memory_space<vmem>>, vector<1x128xf32>
    %add3A_61 = vector.broadcast %get3A_60 : vector<1x128xf32> to vector<1000x128xf32>
    %add3A_62 = arith.addf %dot_general3A_57, %add3A_61 : vector<1000x128xf32>
    %get3A_63 = arith.constant 0 : index
    %get3A_64 = arith.constant 0 : index
    %get3A_65 = vector.load %arg12[%get3A_63, %get3A_64] : memref<128x128xf32, #tpu.memory_space<vmem>>, vector<128x128xf32>
    %dot_general3A_66 = arith.constant dense<0.000000e+00> : vector<1000x128xf32>
    %dot_general3A_67 = tpu.matmul %add3A_62, %get3A_65, %dot_general3A_66 {dimension_numbers = #tpu.dot_dimension_numbers<[1], [0], [0], [1], [0, 0, 1, 1], [], []>, transpose_lhs_hint = false} : vector<1000x128xf32>, vector<128x128xf32>, vector<1000x128xf32> -> vector<1000x128xf32>
    %get3A_68 = arith.constant 0 : index
    %get3A_69 = arith.constant 0 : index
    %get3A_70 = vector.load %arg13[%get3A_68, %get3A_69] : memref<1x128xf32, #tpu.memory_space<vmem>>, vector<1x128xf32>
    %add3A_71 = vector.broadcast %get3A_70 : vector<1x128xf32> to vector<1000x128xf32>
    %add3A_72 = arith.addf %dot_general3A_67, %add3A_71 : vector<1000x128xf32>
    %neg3A_73 = arith.constant 0.000000e+00 : f32
    %neg3A_74 = vector.broadcast %neg3A_73 : f32 to vector<1000x128xf32>
    %neg3A_75 = arith.subf %neg3A_74, %add3A_72 : vector<1000x128xf32>
    %exp3A_76 = math.exp %neg3A_75 : vector<1000x128xf32>
    %add3A_77 = arith.constant 1.000000e+00 : f32
    %add3A_78 = vector.broadcast %add3A_77 : f32 to vector<1000x128xf32>
    %add3A_79 = arith.addf %add3A_78, %exp3A_76 : vector<1000x128xf32>
    %div3A_80 = arith.divf %add3A_72, %add3A_79 : vector<1000x128xf32>
    %swap3A = arith.constant 0 : index
    %swap3A_81 = arith.constant 0 : index
    %swap3A_82 = vector.load %arg15[%swap3A, %swap3A_81] : memref<1000x128xf32, #tpu.memory_space<vmem>>, vector<1000x128xf32>
    tpu.vector_store %arg15[%swap3A, %swap3A_81], %add3A_62 {strides = array<i32>} : memref<1000x128xf32, #tpu.memory_space<vmem>>, vector<1000x128xf32>,
    %get3A_83 = arith.constant 0 : index
    %get3A_84 = arith.constant 0 : index
    %get3A_85 = vector.load %arg14[%get3A_83, %get3A_84] : memref<1x128xf32, #tpu.memory_space<vmem>>, vector<1x128xf32>
    %mul3A_86 = vector.broadcast %get3A_85 : vector<1x128xf32> to vector<1000x128xf32>
    %mul3A_87 = arith.mulf %div3A_80, %mul3A_86 : vector<1000x128xf32>
    %reduce_sum3A_88 = arith.constant dense<0.000000e+00> : vector<1000xf32>
    %reduce_sum3A_89 = vector.multi_reduction <add>, %mul3A_87, %reduce_sum3A_88 [1] : vector<1000x128xf32> to vector<1000xf32>
    %broadcast_in_dim3A_90 = vector.shape_cast %reduce_sum3A_89 : vector<1000xf32> to vector<1000x1xf32>
    %swap3A_91 = arith.constant 0 : index
    %swap3A_92 = arith.constant 0 : index
    %swap3A_93 = vector.load %arg16[%swap3A_91, %swap3A_92] : memref<1000x1xf32, #tpu.memory_space<vmem>>, vector<1000x1xf32>
    tpu.vector_store %arg16[%swap3A_91, %swap3A_92], %broadcast_in_dim3A_90 {strides = array<i32>} : memref<1000x1xf32, #tpu.memory_space<vmem>>, vector<1000x1xf32>,
    return
  }
  func.func @transform_0(%arg0: i32) -> (i32, i32) {
    %c0_i32 = arith.constant 0 : i32
    %c0_i32_0 = arith.constant 0 : i32
    return %arg0, %c0_i32 : i32, i32
  }
  func.func @transform_1(%arg0: i32) -> (i32, i32) {
    %c0_i32 = arith.constant 0 : i32
    %c0_i32_0 = arith.constant 0 : i32
    return %arg0, %c0_i32 : i32, i32
  }
  func.func @transform_2(%arg0: i32) -> (i32, i32) {
    %c0_i32 = arith.constant 0 : i32
    %c0_i32_0 = arith.constant 0 : i32
    return %arg0, %c0_i32 : i32, i32
  }
  func.func @transform_3(%arg0: i32) -> (i32, i32) {
    %c0_i32 = arith.constant 0 : i32
    %c0_i32_0 = arith.constant 0 : i32
    %c0_i32_1 = arith.constant 0 : i32
    return %c0_i32, %c0_i32_0 : i32, i32
  }
  func.func @transform_4(%arg0: i32) -> (i32, i32) {
    %c0_i32 = arith.constant 0 : i32
    %c0_i32_0 = arith.constant 0 : i32
    %c0_i32_1 = arith.constant 0 : i32
    return %c0_i32, %c0_i32_0 : i32, i32
  }
  func.func @transform_5(%arg0: i32) -> (i32, i32) {
    %c0_i32 = arith.constant 0 : i32
    %c0_i32_0 = arith.constant 0 : i32
    %c0_i32_1 = arith.constant 0 : i32
    return %c0_i32, %c0_i32_0 : i32, i32
  }
  func.func @transform_6(%arg0: i32) -> (i32, i32) {
    %c0_i32 = arith.constant 0 : i32
    %c0_i32_0 = arith.constant 0 : i32
    %c0_i32_1 = arith.constant 0 : i32
    return %c0_i32, %c0_i32_0 : i32, i32
  }
  func.func @transform_7(%arg0: i32) -> (i32, i32) {
    %c0_i32 = arith.constant 0 : i32
    %c0_i32_0 = arith.constant 0 : i32
    %c0_i32_1 = arith.constant 0 : i32
    return %c0_i32, %c0_i32_0 : i32, i32
  }
  func.func @transform_8(%arg0: i32) -> (i32, i32) {
    %c0_i32 = arith.constant 0 : i32
    %c0_i32_0 = arith.constant 0 : i32
    %c0_i32_1 = arith.constant 0 : i32
    return %c0_i32, %c0_i32_0 : i32, i32
  }
  func.func @transform_9(%arg0: i32) -> (i32, i32) {
    %c0_i32 = arith.constant 0 : i32
    %c0_i32_0 = arith.constant 0 : i32
    %c0_i32_1 = arith.constant 0 : i32
    return %c0_i32, %c0_i32_0 : i32, i32
  }
  func.func @transform_10(%arg0: i32) -> (i32, i32) {
    %c0_i32 = arith.constant 0 : i32
    %c0_i32_0 = arith.constant 0 : i32
    %c0_i32_1 = arith.constant 0 : i32
    return %c0_i32, %c0_i32_0 : i32, i32
  }
  func.func @transform_11(%arg0: i32) -> (i32, i32) {
    %c0_i32 = arith.constant 0 : i32
    %c0_i32_0 = arith.constant 0 : i32
    %c0_i32_1 = arith.constant 0 : i32
    return %c0_i32, %c0_i32_0 : i32, i32
  }
  func.func @transform_12(%arg0: i32) -> (i32, i32) {
    %c0_i32 = arith.constant 0 : i32
    %c0_i32_0 = arith.constant 0 : i32
    %c0_i32_1 = arith.constant 0 : i32
    return %c0_i32, %c0_i32_0 : i32, i32
  }
  func.func @transform_13(%arg0: i32) -> (i32, i32) {
    %c0_i32 = arith.constant 0 : i32
    %c0_i32_0 = arith.constant 0 : i32
    %c0_i32_1 = arith.constant 0 : i32
    return %c0_i32, %c0_i32_0 : i32, i32
  }
  func.func @transform_14(%arg0: i32) -> (i32, i32) {
    %c0_i32 = arith.constant 0 : i32
    %c0_i32_0 = arith.constant 0 : i32
    return %arg0, %c0_i32 : i32, i32
  }
  func.func @transform_15(%arg0: i32) -> (i32, i32) {
    %c0_i32 = arith.constant 0 : i32
    %c0_i32_0 = arith.constant 0 : i32
    return %arg0, %c0_i32 : i32, i32
  }
}

module attributes {stable_mosaic.version = 14 : i64} {
  func.func @_node_body(%arg0: i32, %arg1: memref<1000x128xf32, #tpu.memory_space<vmem>>, %arg2: memref<2x1000x128xf32, #tpu.memory_space<vmem>>, %arg3: memref<1000x16xf32, #tpu.memory_space<vmem>>, %arg4: memref<2x1000x16xf32, #tpu.memory_space<vmem>>, %arg5: memref<128x256xf32, #tpu.memory_space<vmem>>, %arg6: memref<128x256xf32, #tpu.memory_space<vmem>>, %arg7: memref<1x256xf32, #tpu.memory_space<vmem>>, %arg8: memref<256x128xf32, #tpu.memory_space<vmem>>, %arg9: memref<1x128xf32, #tpu.memory_space<vmem>>, %arg10: memref<128x128xf32, #tpu.memory_space<vmem>>, %arg11: memref<1x128xf32, #tpu.memory_space<vmem>>, %arg12: memref<1x128xf32, #tpu.memory_space<vmem>>, %arg13: memref<1x128xf32, #tpu.memory_space<vmem>>, %arg14: memref<1000x128xf32, #tpu.memory_space<vmem>>, %arg15: memref<1000x16xf32, #tpu.memory_space<vmem>>) attributes {dimension_semantics = [#tpu.dimension_semantics<arbitrary>], iteration_bounds = array<i64: 10>, scalar_prefetch = 0 : i64, scratch_operands = 0 : i64, tpu.core_type = #tpu.core_type<tc>, window_params = [{transform_indices = @transform_0, window_bounds = array<i64: 1000, 128>}, {transform_indices = @transform_1, window_bounds = array<i64: 2, 1000, 128>}, {transform_indices = @transform_2, window_bounds = array<i64: 1000, 16>}, {transform_indices = @transform_3, window_bounds = array<i64: 2, 1000, 16>}, {pipeline_mode = #tpu.pipeline_mode<synchronous>, transform_indices = @transform_4, window_bounds = array<i64: 128, 256>}, {pipeline_mode = #tpu.pipeline_mode<synchronous>, transform_indices = @transform_5, window_bounds = array<i64: 128, 256>}, {pipeline_mode = #tpu.pipeline_mode<synchronous>, transform_indices = @transform_6, window_bounds = array<i64: 1, 256>}, {pipeline_mode = #tpu.pipeline_mode<synchronous>, transform_indices = @transform_7, window_bounds = array<i64: 256, 128>}, {pipeline_mode = #tpu.pipeline_mode<synchronous>, transform_indices = @transform_8, window_bounds = array<i64: 1, 128>}, {pipeline_mode = #tpu.pipeline_mode<synchronous>, transform_indices = @transform_9, window_bounds = array<i64: 128, 128>}, {pipeline_mode = #tpu.pipeline_mode<synchronous>, transform_indices = @transform_10, window_bounds = array<i64: 1, 128>}, {pipeline_mode = #tpu.pipeline_mode<synchronous>, transform_indices = @transform_11, window_bounds = array<i64: 1, 128>}, {pipeline_mode = #tpu.pipeline_mode<synchronous>, transform_indices = @transform_12, window_bounds = array<i64: 1, 128>}, {transform_indices = @transform_13, window_bounds = array<i64: 1000, 128>}, {transform_indices = @transform_14, window_bounds = array<i64: 1000, 16>}]} {
    %get3A = arith.constant 0 : index
    %get3A_0 = arith.constant 0 : index
    %get3A_1 = arith.constant 0 : index
    %get3A_2 = vector.load %arg2[%get3A, %get3A_0, %get3A_1] : memref<2x1000x128xf32, #tpu.memory_space<vmem>>, vector<1x1000x128xf32>
    %get3A_3 = vector.shape_cast %get3A_2 : vector<1x1000x128xf32> to vector<1000x128xf32>
    %get3A_4 = arith.constant 1 : index
    %get3A_5 = arith.constant 0 : index
    %get3A_6 = arith.constant 0 : index
    %get3A_7 = vector.load %arg2[%get3A_4, %get3A_5, %get3A_6] : memref<2x1000x128xf32, #tpu.memory_space<vmem>>, vector<1x1000x128xf32>
    %get3A_8 = vector.shape_cast %get3A_7 : vector<1x1000x128xf32> to vector<1000x128xf32>
    %add3A = arith.addf %get3A_3, %get3A_8 : vector<1000x128xf32>
    %get3A_9 = arith.constant 0 : index
    %get3A_10 = arith.constant 0 : index
    %get3A_11 = vector.load %arg1[%get3A_9, %get3A_10] : memref<1000x128xf32, #tpu.memory_space<vmem>>, vector<1000x128xf32>
    %get3A_12 = arith.constant 0 : index
    %get3A_13 = arith.constant 0 : index
    %get3A_14 = vector.load %arg5[%get3A_12, %get3A_13] : memref<128x256xf32, #tpu.memory_space<vmem>>, vector<128x256xf32>
    %dot_general3A = arith.constant dense<0.000000e+00> : vector<1000x256xf32>
    %dot_general3A_15 = tpu.matmul %get3A_11, %get3A_14, %dot_general3A {dimension_numbers = #tpu.dot_dimension_numbers<[1], [0], [0], [1], [0, 0, 1, 1], [], []>, transpose_lhs_hint = false} : vector<1000x128xf32>, vector<128x256xf32>, vector<1000x256xf32> -> vector<1000x256xf32>
    %get3A_16 = arith.constant 0 : index
    %get3A_17 = arith.constant 0 : index
    %get3A_18 = vector.load %arg6[%get3A_16, %get3A_17] : memref<128x256xf32, #tpu.memory_space<vmem>>, vector<128x256xf32>
    %dot_general3A_19 = arith.constant dense<0.000000e+00> : vector<1000x256xf32>
    %dot_general3A_20 = tpu.matmul %add3A, %get3A_18, %dot_general3A_19 {dimension_numbers = #tpu.dot_dimension_numbers<[1], [0], [0], [1], [0, 0, 1, 1], [], []>, transpose_lhs_hint = false} : vector<1000x128xf32>, vector<128x256xf32>, vector<1000x256xf32> -> vector<1000x256xf32>
    %add3A_21 = arith.addf %dot_general3A_15, %dot_general3A_20 : vector<1000x256xf32>
    %get3A_22 = arith.constant 0 : index
    %get3A_23 = arith.constant 0 : index
    %get3A_24 = vector.load %arg7[%get3A_22, %get3A_23] : memref<1x256xf32, #tpu.memory_space<vmem>>, vector<1x256xf32>
    %add3A_25 = vector.broadcast %get3A_24 : vector<1x256xf32> to vector<1000x256xf32>
    %add3A_26 = arith.addf %add3A_21, %add3A_25 : vector<1000x256xf32>
    %neg3A = arith.constant 0.000000e+00 : f32
    %neg3A_27 = vector.broadcast %neg3A : f32 to vector<1000x256xf32>
    %neg3A_28 = arith.subf %neg3A_27, %add3A_26 : vector<1000x256xf32>
    %exp3A = math.exp %neg3A_28 : vector<1000x256xf32>
    %add3A_29 = arith.constant 1.000000e+00 : f32
    %add3A_30 = vector.broadcast %add3A_29 : f32 to vector<1000x256xf32>
    %add3A_31 = arith.addf %add3A_30, %exp3A : vector<1000x256xf32>
    %div3A = arith.divf %add3A_26, %add3A_31 : vector<1000x256xf32>
    %get3A_32 = arith.constant 0 : index
    %get3A_33 = arith.constant 0 : index
    %get3A_34 = vector.load %arg8[%get3A_32, %get3A_33] : memref<256x128xf32, #tpu.memory_space<vmem>>, vector<256x128xf32>
    %dot_general3A_35 = arith.constant dense<0.000000e+00> : vector<1000x128xf32>
    %dot_general3A_36 = tpu.matmul %div3A, %get3A_34, %dot_general3A_35 {dimension_numbers = #tpu.dot_dimension_numbers<[1], [0], [0], [1], [0, 0, 1, 1], [], []>, transpose_lhs_hint = false} : vector<1000x256xf32>, vector<256x128xf32>, vector<1000x128xf32> -> vector<1000x128xf32>
    %get3A_37 = arith.constant 0 : index
    %get3A_38 = arith.constant 0 : index
    %get3A_39 = vector.load %arg9[%get3A_37, %get3A_38] : memref<1x128xf32, #tpu.memory_space<vmem>>, vector<1x128xf32>
    %add3A_40 = vector.broadcast %get3A_39 : vector<1x128xf32> to vector<1000x128xf32>
    %add3A_41 = arith.addf %dot_general3A_36, %add3A_40 : vector<1000x128xf32>
    %neg3A_42 = arith.constant 0.000000e+00 : f32
    %neg3A_43 = vector.broadcast %neg3A_42 : f32 to vector<1000x128xf32>
    %neg3A_44 = arith.subf %neg3A_43, %add3A_41 : vector<1000x128xf32>
    %exp3A_45 = math.exp %neg3A_44 : vector<1000x128xf32>
    %add3A_46 = arith.constant 1.000000e+00 : f32
    %add3A_47 = vector.broadcast %add3A_46 : f32 to vector<1000x128xf32>
    %add3A_48 = arith.addf %add3A_47, %exp3A_45 : vector<1000x128xf32>
    %div3A_49 = arith.divf %add3A_41, %add3A_48 : vector<1000x128xf32>
    %get3A_50 = arith.constant 0 : index
    %get3A_51 = arith.constant 0 : index
    %get3A_52 = vector.load %arg1[%get3A_50, %get3A_51] : memref<1000x128xf32, #tpu.memory_space<vmem>>, vector<1000x128xf32>
    %get3A_53 = arith.constant 0 : index
    %get3A_54 = arith.constant 0 : index
    %get3A_55 = vector.load %arg10[%get3A_53, %get3A_54] : memref<128x128xf32, #tpu.memory_space<vmem>>, vector<128x128xf32>
    %dot_general3A_56 = arith.constant dense<0.000000e+00> : vector<1000x128xf32>
    %dot_general3A_57 = tpu.matmul %div3A_49, %get3A_55, %dot_general3A_56 {dimension_numbers = #tpu.dot_dimension_numbers<[1], [0], [0], [1], [0, 0, 1, 1], [], []>, transpose_lhs_hint = false} : vector<1000x128xf32>, vector<128x128xf32>, vector<1000x128xf32> -> vector<1000x128xf32>
    %add3A_58 = arith.addf %get3A_52, %dot_general3A_57 : vector<1000x128xf32>
    %get3A_59 = arith.constant 0 : index
    %get3A_60 = arith.constant 0 : index
    %get3A_61 = vector.load %arg11[%get3A_59, %get3A_60] : memref<1x128xf32, #tpu.memory_space<vmem>>, vector<1x128xf32>
    %add3A_62 = vector.broadcast %get3A_61 : vector<1x128xf32> to vector<1000x128xf32>
    %add3A_63 = arith.addf %add3A_58, %add3A_62 : vector<1000x128xf32>
    %reduce_sum3A = arith.constant dense<0.000000e+00> : vector<1000xf32>
    %reduce_sum3A_64 = vector.multi_reduction <add>, %add3A_63, %reduce_sum3A [1] : vector<1000x128xf32> to vector<1000xf32>
    %broadcast_in_dim3A = vector.shape_cast %reduce_sum3A_64 : vector<1000xf32> to vector<1000x1xf32>
    %div3A_65 = arith.constant 1.280000e+02 : f32
    %div3A_66 = vector.broadcast %div3A_65 : f32 to vector<1000x1xf32>
    %div3A_67 = arith.divf %broadcast_in_dim3A, %div3A_66 : vector<1000x1xf32>
    %sub3A = vector.broadcast %div3A_67 : vector<1000x1xf32> to vector<1000x128xf32>
    %sub3A_68 = arith.subf %add3A_63, %sub3A : vector<1000x128xf32>
    %mul3A = arith.mulf %sub3A_68, %sub3A_68 : vector<1000x128xf32>
    %reduce_sum3A_69 = arith.constant dense<0.000000e+00> : vector<1000xf32>
    %reduce_sum3A_70 = vector.multi_reduction <add>, %mul3A, %reduce_sum3A_69 [1] : vector<1000x128xf32> to vector<1000xf32>
    %broadcast_in_dim3A_71 = vector.shape_cast %reduce_sum3A_70 : vector<1000xf32> to vector<1000x1xf32>
    %div3A_72 = arith.constant 1.280000e+02 : f32
    %div3A_73 = vector.broadcast %div3A_72 : f32 to vector<1000x1xf32>
    %div3A_74 = arith.divf %broadcast_in_dim3A_71, %div3A_73 : vector<1000x1xf32>
    %add3A_75 = arith.constant 9.99999974E-6 : f32
    %add3A_76 = vector.broadcast %add3A_75 : f32 to vector<1000x1xf32>
    %add3A_77 = arith.addf %div3A_74, %add3A_76 : vector<1000x1xf32>
    %rsqrt3A = math.rsqrt %add3A_77 : vector<1000x1xf32>
    %mul3A_78 = vector.broadcast %rsqrt3A : vector<1000x1xf32> to vector<1000x128xf32>
    %mul3A_79 = arith.mulf %sub3A_68, %mul3A_78 : vector<1000x128xf32>
    %get3A_80 = arith.constant 0 : index
    %get3A_81 = arith.constant 0 : index
    %get3A_82 = vector.load %arg12[%get3A_80, %get3A_81] : memref<1x128xf32, #tpu.memory_space<vmem>>, vector<1x128xf32>
    %mul3A_83 = vector.broadcast %get3A_82 : vector<1x128xf32> to vector<1000x128xf32>
    %mul3A_84 = arith.mulf %mul3A_79, %mul3A_83 : vector<1000x128xf32>
    %get3A_85 = arith.constant 0 : index
    %get3A_86 = arith.constant 0 : index
    %get3A_87 = vector.load %arg13[%get3A_85, %get3A_86] : memref<1x128xf32, #tpu.memory_space<vmem>>, vector<1x128xf32>
    %add3A_88 = vector.broadcast %get3A_87 : vector<1x128xf32> to vector<1000x128xf32>
    %add3A_89 = arith.addf %mul3A_84, %add3A_88 : vector<1000x128xf32>
    %swap3A = arith.constant 0 : index
    %swap3A_90 = arith.constant 0 : index
    %swap3A_91 = vector.load %arg14[%swap3A, %swap3A_90] : memref<1000x128xf32, #tpu.memory_space<vmem>>, vector<1000x128xf32>
    tpu.vector_store %arg14[%swap3A, %swap3A_90], %add3A_89 {strides = array<i32>} : memref<1000x128xf32, #tpu.memory_space<vmem>>, vector<1000x128xf32>,
    %get3A_92 = arith.constant 0 : index
    %get3A_93 = arith.constant 0 : index
    %get3A_94 = vector.load %arg3[%get3A_92, %get3A_93] : memref<1000x16xf32, #tpu.memory_space<vmem>>, vector<1000x16xf32>
    %get3A_95 = arith.constant 0 : index
    %get3A_96 = arith.constant 0 : index
    %get3A_97 = arith.constant 0 : index
    %get3A_98 = vector.load %arg4[%get3A_95, %get3A_96, %get3A_97] : memref<2x1000x16xf32, #tpu.memory_space<vmem>>, vector<1x1000x16xf32>
    %get3A_99 = vector.shape_cast %get3A_98 : vector<1x1000x16xf32> to vector<1000x16xf32>
    %add3A_100 = arith.addf %get3A_94, %get3A_99 : vector<1000x16xf32>
    %get3A_101 = arith.constant 1 : index
    %get3A_102 = arith.constant 0 : index
    %get3A_103 = arith.constant 0 : index
    %get3A_104 = vector.load %arg4[%get3A_101, %get3A_102, %get3A_103] : memref<2x1000x16xf32, #tpu.memory_space<vmem>>, vector<1x1000x16xf32>
    %get3A_105 = vector.shape_cast %get3A_104 : vector<1x1000x16xf32> to vector<1000x16xf32>
    %add3A_106 = arith.addf %add3A_100, %get3A_105 : vector<1000x16xf32>
    %swap3A_107 = arith.constant 0 : index
    %swap3A_108 = arith.constant 0 : index
    %swap3A_109 = vector.load %arg15[%swap3A_107, %swap3A_108] : memref<1000x16xf32, #tpu.memory_space<vmem>>, vector<1000x16xf32>
    tpu.vector_store %arg15[%swap3A_107, %swap3A_108], %add3A_106 {strides = array<i32>} : memref<1000x16xf32, #tpu.memory_space<vmem>>, vector<1000x16xf32>,
    return
  }
  func.func @transform_0(%arg0: i32) -> (i32, i32) {
    %c0_i32 = arith.constant 0 : i32
    %c0_i32_0 = arith.constant 0 : i32
    return %arg0, %c0_i32 : i32, i32
  }
  func.func @transform_1(%arg0: i32) -> (i32, i32, i32) {
    %c0_i32 = arith.constant 0 : i32
    %c0_i32_0 = arith.constant 0 : i32
    %c0_i32_1 = arith.constant 0 : i32
    return %c0_i32, %arg0, %c0_i32_0 : i32, i32, i32
  }
  func.func @transform_2(%arg0: i32) -> (i32, i32) {
    %c0_i32 = arith.constant 0 : i32
    %c0_i32_0 = arith.constant 0 : i32
    return %arg0, %c0_i32 : i32, i32
  }
  func.func @transform_3(%arg0: i32) -> (i32, i32, i32) {
    %c0_i32 = arith.constant 0 : i32
    %c0_i32_0 = arith.constant 0 : i32
    %c0_i32_1 = arith.constant 0 : i32
    return %c0_i32, %arg0, %c0_i32_0 : i32, i32, i32
  }
  func.func @transform_4(%arg0: i32) -> (i32, i32) {
    %c0_i32 = arith.constant 0 : i32
    %c0_i32_0 = arith.constant 0 : i32
    %c0_i32_1 = arith.constant 0 : i32
    return %c0_i32, %c0_i32_0 : i32, i32
  }
  func.func @transform_5(%arg0: i32) -> (i32, i32) {
    %c0_i32 = arith.constant 0 : i32
    %c0_i32_0 = arith.constant 0 : i32
    %c0_i32_1 = arith.constant 0 : i32
    return %c0_i32, %c0_i32_0 : i32, i32
  }
  func.func @transform_6(%arg0: i32) -> (i32, i32) {
    %c0_i32 = arith.constant 0 : i32
    %c0_i32_0 = arith.constant 0 : i32
    %c0_i32_1 = arith.constant 0 : i32
    return %c0_i32, %c0_i32_0 : i32, i32
  }
  func.func @transform_7(%arg0: i32) -> (i32, i32) {
    %c0_i32 = arith.constant 0 : i32
    %c0_i32_0 = arith.constant 0 : i32
    %c0_i32_1 = arith.constant 0 : i32
    return %c0_i32, %c0_i32_0 : i32, i32
  }
  func.func @transform_8(%arg0: i32) -> (i32, i32) {
    %c0_i32 = arith.constant 0 : i32
    %c0_i32_0 = arith.constant 0 : i32
    %c0_i32_1 = arith.constant 0 : i32
    return %c0_i32, %c0_i32_0 : i32, i32
  }
  func.func @transform_9(%arg0: i32) -> (i32, i32) {
    %c0_i32 = arith.constant 0 : i32
    %c0_i32_0 = arith.constant 0 : i32
    %c0_i32_1 = arith.constant 0 : i32
    return %c0_i32, %c0_i32_0 : i32, i32
  }
  func.func @transform_10(%arg0: i32) -> (i32, i32) {
    %c0_i32 = arith.constant 0 : i32
    %c0_i32_0 = arith.constant 0 : i32
    %c0_i32_1 = arith.constant 0 : i32
    return %c0_i32, %c0_i32_0 : i32, i32
  }
  func.func @transform_11(%arg0: i32) -> (i32, i32) {
    %c0_i32 = arith.constant 0 : i32
    %c0_i32_0 = arith.constant 0 : i32
    %c0_i32_1 = arith.constant 0 : i32
    return %c0_i32, %c0_i32_0 : i32, i32
  }
  func.func @transform_12(%arg0: i32) -> (i32, i32) {
    %c0_i32 = arith.constant 0 : i32
    %c0_i32_0 = arith.constant 0 : i32
    %c0_i32_1 = arith.constant 0 : i32
    return %c0_i32, %c0_i32_0 : i32, i32
  }
  func.func @transform_13(%arg0: i32) -> (i32, i32) {
    %c0_i32 = arith.constant 0 : i32
    %c0_i32_0 = arith.constant 0 : i32
    return %arg0, %c0_i32 : i32, i32
  }
  func.func @transform_14(%arg0: i32) -> (i32, i32) {
    %c0_i32 = arith.constant 0 : i32
    %c0_i32_0 = arith.constant 0 : i32
    return %arg0, %c0_i32 : i32, i32
  }
}

</mosaic_0001>

<sc_bundles>
// kernel: kernel.11.cloned.1.call-start
scs
__scs_entry_jumppad:
0x0: {  	(pc) =	sbr.rel $0x88, $3  }
0x1: {  	(tag) =	ssettag $0x0;
	lr =	simm.s32 $0x1  }
0x2: {  	[smem:$0x3F8D] =	sst lr;
	_ =	strace $0xD0000000  }
0x3: {  	_ = 	snop  }
0x4: {  	_ = 	snop  }
0x5: {  	_ = 	snop  }
0x6: {  	_ = 	snop  }
0x7: {  	_ = 	snop  }
__scs_overlays_trampoline_lowered:
0x8: {  	[smem:$0x3F9C] =	sst s0  }
0x9: {  	[smem:$0x3F9D] =	sst s1  }
0xa: {  	[smem:$0x3F9E] =	sst s2  }
0xb: {  	[smem:$0x3F9F] =	sst s3  }
0xc: {  	[smem:$0x3FA0] =	sst s4  }
0xd: {  	[smem:$0x3FA1] =	sst s5  }
0xe: {  	[smem:$0x3FA2] =	sst s6  }
0xf: {  	[smem:$0x3FA3] =	sst s7  }
0x10: {  	[smem:$0x3FA4] =	sst s8  }
0x11: {  	[smem:$0x3FA5] =	sst s9;
	s0 =	simm.s32 @!p0 $0x0  }
0x12: {  	s1 =	sld [smem:$0x3F8B];
	s0 =	simm.s32 @p0 $0x1  }
0x13: {  	[smem:$0x3FA6] =	sst s0;
	s0 =	simm.s32 @!p1 $0x0  }
0x14: {  	s2 =	sld [smem:$0x3F8A];
	s0 =	simm.s32 @p1 $0x1  }
0x15: {  	[smem:$0x3FA7] =	sst s0;
	s0 =	simm.s32 @!p2 $0x0  }
0x16: {  	s3 =	sld [smem:$0x3FDB];
	s0 =	simm.s32 @p2 $0x1  }
0x17: {  	s4 =	simm.s32 $0x1BF5;
	[smem:$0x3FA9] =	sst s0  }
0x18: {  	s0 =	sld [smem:$0x3F8C];
	_ =	swait.ge [sflag:s4], $0x0  }
0x19: {  	s7 =	sld [smem:$0x3F8D]  }
0x1a: {  	s8 =	sadd.s32 $0xFFFFE003, lr  }
0x1b: {  	s9 =	sadd.s32 $0xFFFFFEF7, lr;
	s5 =	simm.s32 $0xFFFFFFFF;
	p2 =	slt.u32 s8, $0xFFFFF086  }
0x1c: {  	p1 =	slt.u32 s9, $0xF7A;
	s5 =	simm.s32 @!p2 $0x0  }
0x1d: {  	s5 =	simm.s32 @p1 $0x1;
	p0 =	seq.s32 s7, s2  }
0x1e: {  	s7 =	smul.u32 @!p0 $0xF7A, s2;
	p2 =	seq.s32 @!p0 s5, $0x0  }
0x1f: {  	s9 =	smul.u32 $0xF7A, s1;
	s8 =	simm.s32 @!p0 $0x1BF5;
	p2 =	por !p2, p0  }
0x20: {  	[sflag:s8] =	ssyncset.s32 @!p0 $0xFFFFF086;
	s6 =	sadd.s32 @!p0 s3, s7;
	s7 =	simm.s32 @!p0 $0x108  }
0x21: {  	s3 =	sadd.s32 s3, s9;
	s6 =	sadd.s32 @!p0 $0x88, s6;
	s7 =	simm.s32 @p2 $0x1082  }
0x22: {  	[simem:s7], [sflag:s8] =	dma.local @!p0 [hbm:s6], $0xF7A  }
0x23: {  	s9 =	sor.u32 $0xD0000000, s2;
	s6 =	simm.s32 $0x108;
	_ =	swait.ge @!p0 [sflag:s8], $0x0  }
0x24: {  	s3 =	sadd.s32 $0x88, s3;
	s6 =	simm.s32 @!p1 $0x1082;
	[sflag:s4] =	ssyncset.s32 $0xFFFFF086  }
0x25: {  	[simem:s6], [sflag:s4] =	dma.local [hbm:s3], $0xF7A  }
0x26: {  	[smem:$0x3F8D] =	sst s1;
	(tag) =	ssettag s2;
	_ =	strace s9  }
0x27: {  	s1 =	sld [smem:$0x3F9D]  }
0x28: {  	s2 =	sld [smem:$0x3F9E]  }
0x29: {  	s4 =	sld [smem:$0x3FA0]  }
0x2a: {  	p0 =	seq.s32 s5, $0x0;
	s5 =	sld [smem:$0x3FA1]  }
0x2b: {  	s6 =	sld [smem:$0x3FA2]  }
0x2c: {  	s7 =	sld [smem:$0x3FA3]  }
0x2d: {  	s3 =	simm.s32 $0x108;
	s8 =	sld [smem:$0x3FA4]  }
0x2e: {  	s3 =	simm.s32 @!p0 $0x1082;
	s9 =	sld [smem:$0x3FA5]  }
0x2f: {  	lr =	sadd.s32 s0, s3;
	s0 =	sld [smem:$0x3F9C]  }
0x30: {  	s3 =	sld [smem:$0x3F9F]  }
0x31: {  	[smem:$0x3FA8] =	sst s10  }
0x32: {  	s10 =	sld [smem:$0x3FA6];
	_ =	sdelay $0x3  }
0x33: {  	p0 =	seq.s32 s10, $0x1;
	s10 =	sld [smem:$0x3FA8];
	_ =	sdelay $0x3  }
0x34: {  	[smem:$0x3FA8] =	sst s10  }
0x35: {  	s10 =	sld [smem:$0x3FA7];
	_ =	sdelay $0x3  }
0x36: {  	p1 =	seq.s32 s10, $0x1;
	s10 =	sld [smem:$0x3FA8];
	_ =	sdelay $0x3  }
0x37: {  	[smem:$0x3FA8] =	sst s10  }
0x38: {  	s10 =	sld [smem:$0x3FA9]  }
0x39: {  	_ = 	snop;
	(pc) =	sbr.ind lr, $3  }
0x3a: {  	_ = 	snop  }
0x3b: {  	_ = 	snop  }
0x3c: {  	p2 =	seq.s32 s10, $0x1;
	s10 =	sld [smem:$0x3FA8]  }
0x3d: {  	_ =	shalt  }
0x3e: {  	_ =	shalt  }
0x3f: {  	_ =	shalt  }
0x40: {  	_ =	shalt  }
0x41: {  	_ =	shalt  }
0x42: {  	_ =	shalt  }
0x43: {  	_ =	shalt  }
0x44: {  	_ =	shalt  }
0x45: {  	_ =	shalt  }
0x46: {  	_ =	shalt  }
0x47: {  	_ =	shalt  }
0x48: {  	_ =	shalt  }
0x49: {  	_ =	shalt  }
0x4a: {  	_ =	shalt  }
0x4b: {  	_ =	shalt  }
0x4c: {  	_ =	shalt  }
0x4d: {  	_ =	shalt  }
0x4e: {  	_ =	shalt  }
0x4f: {  	_ =	shalt  }
0x50: {  	_ =	shalt  }
0x51: {  	_ =	shalt  }
0x52: {  	_ =	shalt  }
0x53: {  	_ =	shalt  }
0x54: {  	_ =	shalt  }
0x55: {  	_ =	shalt  }
0x56: {  	_ =	shalt  }
0x57: {  	_ =	shalt  }
0x58: {  	_ =	shalt  }
0x59: {  	_ =	shalt  }
0x5a: {  	_ =	shalt  }
0x5b: {  	_ =	shalt  }
0x5c: {  	_ =	shalt  }
0x5d: {  	_ =	shalt  }
0x5e: {  	_ =	shalt  }
0x5f: {  	_ =	shalt  }
0x60: {  	_ =	shalt  }
0x61: {  	_ =	shalt  }
0x62: {  	_ =	shalt  }
0x63: {  	_ =	shalt  }
0x64: {  	_ =	shalt  }
0x65: {  	_ =	shalt  }
0x66: {  	_ =	shalt  }
0x67: {  	_ =	shalt  }
0x68: {  	_ =	shalt  }
0x69: {  	_ =	shalt  }
0x6a: {  	_ =	shalt  }
0x6b: {  	_ =	shalt  }
0x6c: {  	_ =	shalt  }
0x6d: {  	_ =	shalt  }
0x6e: {  	_ =	shalt  }
0x6f: {  	_ =	shalt  }
0x70: {  	_ =	shalt  }
0x71: {  	_ =	shalt  }
0x72: {  	_ =	shalt  }
0x73: {  	_ =	shalt  }
0x74: {  	_ =	shalt  }
0x75: {  	_ =	shalt  }
0x76: {  	_ =	shalt  }
0x77: {  	_ =	shalt  }
0x78: {  	_ =	shalt  }
0x79: {  	_ =	shalt  }
0x7a: {  	_ =	shalt  }
0x7b: {  	_ =	shalt  }
0x7c: {  	_ =	shalt  }
0x7d: {  	_ =	shalt  }
0x7e: {  	_ =	shalt  }
0x7f: {  	_ =	shalt  }
0x80: {  	_ =	shalt  }
0x81: {  	_ =	shalt  }
0x82: {  	_ =	shalt  }
0x83: {  	_ =	shalt  }
0x84: {  	_ =	shalt  }
0x85: {  	_ =	shalt  }
0x86: {  	_ =	shalt  }
0x87: {  	_ =	shalt  }
.Lfunc_end0:
.L_simem_size_0:
called_computation.1_lowered:
.L_overlay_start_0:
0x88: {  	s2 =	sld [smem:$0x3FD9]  }
0x89: {  	s3 =	sld [smem:$0x3FFE];
	_ =	sdelay $0x1  }
0x8a: {  	s1 =	srdreg.scid  }
0x8b: {  	s0 =	sand.u32 $0x1, s1  }
0x8c: {  	s14 =	sshll.u32 s0, $0xA;
	s2 =	sadd.s32 s3, s2  }
0x8d: {  	s2 =	sadd.s32 s2, s14  }
0x8e: {  	[smem:$0x3FB4] =	sst s2  }
0x8f: {  	_ = 	snop  }
0x90: {  	s2 =	sld [smem:$0x3FD0];
	_ =	sdelay $0x2  }
0x91: {  	s15 =	simm.s32 $0xB;
	s4 =	simm.s32 $0x10  }
0x92: {  	[smem:s4], [sflag:s15] =	dma.local [hbm:s2], $0x1  }
0x93: {  	_ =	swait.eq [sflag:s15], $0x1  }
0x94: {  	[sflag:s15] =	ssyncset.done $0x0  }
0x95: {  	[sflag:s15] =	ssyncadd.s32 $0xFFFFFFFF  }
0x96: {  	s16 =	sld [smem:$0x11];
	(tm) =	ssettm $0x1  }
0x97: {  	s17 =	sld [smem:$0x3FFB];
	_ =	sdelay $0x3  }
0x98: {  	_ =	strace s17  }
0x99: {  	s3 =	sld [smem:$0x3FFC];
	_ =	sdelay $0x3  }
0x9a: {  	_ =	strace s3  }
0x9b: {  	s3 =	sld [smem:$0x3FFD];
	_ =	sdelay $0x3  }
0x9c: {  	_ =	strace s3  }
0x9d: {  	_ =	strace $0x8FFFFFFF  }
0x9e: {  	s18 =	sld [smem:$0x3FDB];
	_ =	sdelay $0x1  }
0x9f: {  	s19 =	simm.s32 $_scs_section_size  }
0xa0: {  	s5 =	simm.s32 $_size__tile_overlayer_lowered;
	s6 =	simm.s32 $_tile_overlayer_lowered  }
0xa1: {  	s22 =	simm.s32 $0x1BFF;
	s21 =	sshll.u32 s6, $0x1;
	s3 =	sadd.s32 s19, s18  }
0xa2: {  	s7 =	simm.s32 $0x0;
	s20 =	sshll.u32 s5, $0x1;
	s5 =	sadd.s32 s21, s3  }
0xa3: {  	[timem:s7], [sflag:s22] =	dma.local [hbm:s5], s20  }
0xa4: {  	_ =	swait.ge [sflag:s22], s20  }
0xa5: {  	s4 =	ssub.s32 $0x0, s20;
	[sflag:s22] =	ssyncset.done $0x0  }
0xa6: {  	[sflag:s22] =	ssyncadd.s32 s4;
	_ =	sdelay $0x1  }
0xa7: {  	s23 =	simm.s32 $0x1B8B  }
0xa8: {  	_ =	swait.ge [sflag:s23], $0x1  }
0xa9: {  	[sflag:s23] =	ssyncset.done $0x0  }
0xaa: {  	s25 =	simm.s32 $0x1B8E;
	s24 =	sld [smem:$0x3FFE];
	[sflag:s23] =	ssyncadd.s32 $0xFFFFFFFF  }
0xab: {  	s26 =	simm.s32 $execute0_lowered;
	[smem:$0x3FD2] =	sst s25  }
0xac: {  	s5 =	sshll.u32 s26, $0x1;
	_ =	strace $0x80000046;
	[dreg:$0x1] =	wrdreg $0xFFFFFFFF  }
0xad: {  	s28 =	simm.s32 $_size_execute0_lowered;
	s3 =	sadd.s32 s3, s5;
	[dreg:$0x0] =	wrdreg $0x0  }
0xae: {  	s5 =	sshll.u32 s28, $0x1;
	[dreg:$0x2] =	wrdreg s3  }
0xaf: {  	[dreg:$0x3] =	wrdreg s5  }
0xb0: {  	[dreg:$0x4] =	wrdreg $0xC0  }
0xb1: {  	_ =	task [dreg:s7], $0x5FFFF  }
0xb2: {  	[dreg:$0x1] =	wrdreg $0xFFFFFFFF  }
0xb3: {  	[dreg:$0x0] =	wrdreg $0x60  }
0xb4: {  	[dreg:$0x2] =	wrdreg s24  }
0xb5: {  	[dreg:$0x3] =	wrdreg s16  }
0xb6: {  	[dreg:$0x4] =	wrdreg $0xA  }
0xb7: {  	_ =	task.clear_ibuf [dreg:s7], $0x5FFFF;
	_ =	strace $0x90000046  }
0xb8: {  	s29 =	simm.s32 $0xA;
	_ =	strace $0x80000048  }
0xb9: {  	_ =	swait.ge [sflag:s29], $0x1  }
0xba: {  	[sflag:s29] =	ssyncadd.s32 $0xFFFFFFFF  }
0xbb: {  	_ =	strace $0x90000048  }
0xbc: {  	_ =	sfence  }
0xbd: {  	s30 =	sld [smem:$0x0];
	_ =	sdelay $0x2  }
0xbe: {  	s31 =	sshll.u32 s1, $0xD;
	s1 =	sshrl.u32 s1, $0x2  }
0xbf: {  	s3 =	sand.u32 $0x4000, s31;
	s1 =	sadd.s32 s1, s30  }
0xc0: {  	s0 =	sor.u32 s3, s0;
	s1 =	sshll.u32 s1, $0x11  }
0xc1: {  	s0 =	sor.u32 s1, s0  }
0xc2: {  	s0 =	sadd.s32 $0x8F2B, s0  }
0xc3: {  	[sflag:s0] =	ssyncadd.remote.s32 $0x1  }
0xc4: {  	_ =	sfence.sel $0xFFFF  }
0xc5: {  	[dreg:$0x0] =	wrdreg $0xFFFFFFFF;
	(pc) =	sbr.abs _section_cstart, $3  }
0xc6: {  	[dreg:$0x1] =	wrdreg $0xFFFFFFFF  }
0xc7: {  	_ =	task.clear_ibuf [dreg:s7], $0x2FFFF;
	_ =	strace $0x9FFFFFFF  }
0xc8: {  	(tm) =	ssettm $0x7FFFFFFF  }
0xc9: {  	_ =	shalt  }
tec
execute0_lowered:
.L_overlay_start_1:
0x0: {  	(tag) =	ssettag $0x1  }
0x1: {  	s6 =	rddreg [dreg:$0x0]  }
0x2: {  	s1 =	rddreg [dreg:$0x1]  }
0x3: {  	s0 =	rddreg [dreg:$0x2]  }
0x4: {  	s2 =	simm.s32 $0x0;
	s3 =	srdreg.scid;
	v0 =	vlaneseq.u32;
	s12 =	simm.s32 $0x2780  }
0x5: {  	s13 =	simm.s32 $0x4F00;
	s14 =	simm.s32 $0x7680;
	s15 =	simm.s32 $0x7A80;
	v0 =	vmul.u32 $0x10, v0  }
0x6: {  	s16 =	simm.s32 $0x7E80;
	s17 =	simm.s32 $0x0;
	[smem:$0x7FF] =	sst s2  }
0x7: {  	v1 =	vimm.f32 $0.0e+00;
	s4 =	sadd.s32 $0x9FC00, s6;
	s7 =	sand.u32 $0x1, s3;
	s5 =	sadd.s32 $0x9F600, s6;
	v2 =	vor.u32 $0x1, v0;
	v3 =	vor.u32 $0x2, v0  }
0x8: {  	s3 =	stileid.u32;
	_ =	strace $0x80000047;
	s8 =	ssub.s32 $0x2, s7;
	v4 =	vor.u32 $0x100, v0;
	v5 =	vor.u32 $0x101, v0;
	v6 =	vor.u32 $0x102, v0  }
0x9: {  	s9 =	sshll.u32 s3, $0x8;
	s10 =	sshll.u32 s3, $0x9;
	p0 =	slt.u32 s3, $0x2;
	v7 =	vor.u32 $0x200, v0;
	v8 =	vor.u32 $0x201, v0;
	v9 =	vor.u32 $0x202, v0  }
0xa: {  	s29 =	sshll.u32 s7, $0x8;
	s30 =	sshll.u32 s7, $0x7;
	s11 =	sshrl.u32 s8, $0x1;
	v10 =	vor.u32 $0x300, v0;
	v11 =	vor.u32 $0x301, v0;
	v12 =	vor.u32 $0x302, v0  }
0xb: {  	s9 =	sadd.s32 s9, s6;
	s10 =	sadd.s32 s10, s6;
	s6 =	simm.s32 $0x4F;
	v13 =	vor.u32 $0x400, v0;
	v14 =	vor.u32 $0x401, v0;
	v15 =	vor.u32 $0x402, v0  }
0xc: {  	v16 =	vor.u32 $0x500, v0;
	v17 =	vor.u32 $0x501, v0;
	v18 =	vor.u32 $0x502, v0;
	s8 =	ssub.s32 s8, s11;
	s6 =	simm.s32 @!p0 $0x4E;
	s10 =	sadd.s32 s29, s10  }
0xd: {  	v19 =	vor.u32 $0x600, v0;
	v20 =	vor.u32 $0x601, v0;
	v21 =	vor.u32 $0x602, v0;
	s31 =	sadd.s32 s30, s9;
	s11 =	simm.s32 $0x1;
	s7 =	smax.u32 s8, $0x1  }
0xe: {  	v22 =	vor.u32 $0x700, v0;
	v23 =	vor.u32 $0x701, v0;
	v24 =	vor.u32 $0x702, v0;
	s8 =	sadd.s32 $0xA0200, s10;
	s9 =	sadd.s32 $0x51400, s31;
	s10 =	sadd.s32 $0x3200, s31  }
.LBB2_1:
0xf: {  	[tilespmem:s2], [sflag:$0x1] =	stream.linear.gather [hbm4b:s4+s2], $0x2780, $0x38;
	[tilespmem:$0x8680] =	vst v63  }
0x10: {  	_ =	swait.ge [sflag:s11], $0x2780  }
0x11: {  	[sflag:s11] =	ssyncset.done $0x0  }
0x12: {  	[sflag:s11] =	ssyncadd.s32 $0xFFFFD880  }
0x13: {  	[tilespmem:s12], [sflag:$0x1] =	stream.linear.gather [hbm4b:s5+s2], $0x2780, $0x38;
	[tilespmem:$0x8680] =	vst v63  }
0x14: {  	_ =	swait.ge [sflag:s11], $0x2780  }
0x15: {  	[sflag:s11] =	ssyncset.done $0x0  }
0x16: {  	[sflag:s11] =	ssyncadd.s32 $0xFFFFD880  }
0x17: {  	[tilespmem:s13], [sflag:$0x1] =	stream.linear.gather [hbm4b:s1+s2], $0x2780, $0x38;
	[tilespmem:$0x8680] =	vst v63  }
0x18: {  	_ =	swait.ge [sflag:s11], $0x2780  }
0x19: {  	[sflag:s11] =	ssyncset.done $0x0  }
0x1a: {  	s18 =	simm.s32 $0x40;
	s19 =	simm.s32 $0x0;
	[sflag:s11] =	ssyncadd.s32 $0xFFFFD880  }
.LBB2_2:
0x1b: {  	p0 =	sne.s32 s18, $0x1FC0;
	[tilespmem:s19+$0x7E80] =	vst v1;
	s19 =	smov.u32 s18;
	s18 =	sadd.s32 $0x40, s18  }
.Ltmp0:
0x1c: {  	(pc) =	sbr.rel @p0 .LBB2_2-.Ltmp0, $2  }
0x1d: {  	_ =	sdelay $0x2  }
0x1e: {  	s19 =	sshra.s32 s19, $0x2  }
0x1f: {  	s18 =	smov.u32 s10  }
0x20: {  	[tilespmem:s19+$0x7E80] =	vst v1;
	s19 =	smov.u32 s9;
	s20 =	smov.u32 s8;
	s21 =	smov.u32 s6  }
.LBB2_4:
0x21: {  	[tilespmem:s14], [sflag:$0x1] =	stream.linear.gather [hbm4b:s18+s2], $0x400, $0x38;
	[tilespmem:$0x8680] =	vst v63  }
0x22: {  	_ =	swait.ge [sflag:s11], $0x400  }
0x23: {  	[sflag:s11] =	ssyncset.done $0x0  }
0x24: {  	[sflag:s11] =	ssyncadd.s32 $0xFFFFFC00  }
0x25: {  	[tilespmem:s15], [sflag:$0x1] =	stream.linear.gather [hbm4b:s19+s2], $0x400, $0x38;
	[tilespmem:$0x8680] =	vst v63  }
0x26: {  	_ =	swait.ge [sflag:s11], $0x400  }
0x27: {  	[sflag:s11] =	ssyncset.done $0x0  }
0x28: {  	[sflag:s11] =	ssyncadd.s32 $0xFFFFFC00  }
0x29: {  	v25 =	vld [tilespmem:$0x7680]  }
0x2a: {  	v26 =	vld [tilespmem:$0x7A80];
	_ =	sdelay $0x6  }
0x2b: {  	v27 =	vld.idx.msk [tilespmem:v25+s2+$0x0], $0xffff  }
0x2c: {  	v28 =	vld.idx.msk [tilespmem:v26+s2+$0x0], $0xffff  }
0x2d: {  	v29 =	vld.idx.msk [tilespmem:v25+s12+$0x0], $0xffff  }
0x2e: {  	v30 =	vld.idx.msk [tilespmem:v26+s12+$0x0], $0xffff  }
0x2f: {  	v25 =	vld.idx.msk [tilespmem:v25+s13+$0x0], $0xffff  }
0x30: {  	v26 =	vld.idx.msk [tilespmem:v26+s13+$0x0], $0xffff;
	_ =	sdelay $0x2  }
0x31: {  	v27 =	vsub.f32 v27, v28  }
0x32: {  	v42 =	vsub.f32 v29, v30  }
0x33: {  	v25 =	vsub.f32 v25, v26;
	[tilespmem:v0+s16+$0x0] =	vst.idx.msk $0xffff, v27  }
0x34: {  	[tilespmem:v2+s16+$0x0] =	vst.idx.msk $0xffff, v42  }
0x35: {  	[tilespmem:v3+s16+$0x0] =	vst.idx.msk $0xffff, v25  }
0x36: {  	v25 =	vld [tilespmem:$0x7700]  }
0x37: {  	v26 =	vld [tilespmem:$0x7B00];
	_ =	sdelay $0x6  }
0x38: {  	v27 =	vld.idx.msk [tilespmem:v25+s2+$0x0], $0xffff  }
0x39: {  	v28 =	vld.idx.msk [tilespmem:v26+s2+$0x0], $0xffff  }
0x3a: {  	v43 =	vld.idx.msk [tilespmem:v25+s12+$0x0], $0xffff  }
0x3b: {  	v44 =	vld.idx.msk [tilespmem:v26+s12+$0x0], $0xffff  }
0x3c: {  	v25 =	vld.idx.msk [tilespmem:v25+s13+$0x0], $0xffff  }
0x3d: {  	v26 =	vld.idx.msk [tilespmem:v26+s13+$0x0], $0xffff;
	_ =	sdelay $0x2  }
0x3e: {  	v27 =	vsub.f32 v27, v28  }
0x3f: {  	v45 =	vsub.f32 v43, v44  }
0x40: {  	v25 =	vsub.f32 v25, v26;
	[tilespmem:v4+s16+$0x0] =	vst.idx.msk $0xffff, v27  }
0x41: {  	[tilespmem:v5+s16+$0x0] =	vst.idx.msk $0xffff, v45  }
0x42: {  	[tilespmem:v6+s16+$0x0] =	vst.idx.msk $0xffff, v25  }
0x43: {  	v25 =	vld [tilespmem:$0x7780]  }
0x44: {  	v26 =	vld [tilespmem:$0x7B80];
	_ =	sdelay $0x6  }
0x45: {  	v27 =	vld.idx.msk [tilespmem:v25+s2+$0x0], $0xffff  }
0x46: {  	v28 =	vld.idx.msk [tilespmem:v26+s2+$0x0], $0xffff  }
0x47: {  	v46 =	vld.idx.msk [tilespmem:v25+s12+$0x0], $0xffff  }
0x48: {  	v47 =	vld.idx.msk [tilespmem:v26+s12+$0x0], $0xffff  }
0x49: {  	v25 =	vld.idx.msk [tilespmem:v25+s13+$0x0], $0xffff  }
0x4a: {  	v26 =	vld.idx.msk [tilespmem:v26+s13+$0x0], $0xffff;
	_ =	sdelay $0x2  }
0x4b: {  	v27 =	vsub.f32 v27, v28  }
0x4c: {  	v48 =	vsub.f32 v46, v47  }
0x4d: {  	v25 =	vsub.f32 v25, v26;
	[tilespmem:v7+s16+$0x0] =	vst.idx.msk $0xffff, v27  }
0x4e: {  	[tilespmem:v8+s16+$0x0] =	vst.idx.msk $0xffff, v48  }
0x4f: {  	[tilespmem:v9+s16+$0x0] =	vst.idx.msk $0xffff, v25  }
0x50: {  	v25 =	vld [tilespmem:$0x7800]  }
0x51: {  	v26 =	vld [tilespmem:$0x7C00];
	_ =	sdelay $0x6  }
0x52: {  	v27 =	vld.idx.msk [tilespmem:v25+s2+$0x0], $0xffff  }
0x53: {  	v28 =	vld.idx.msk [tilespmem:v26+s2+$0x0], $0xffff  }
0x54: {  	v49 =	vld.idx.msk [tilespmem:v25+s12+$0x0], $0xffff  }
0x55: {  	v50 =	vld.idx.msk [tilespmem:v26+s12+$0x0], $0xffff  }
0x56: {  	v25 =	vld.idx.msk [tilespmem:v25+s13+$0x0], $0xffff  }
0x57: {  	v26 =	vld.idx.msk [tilespmem:v26+s13+$0x0], $0xffff;
	_ =	sdelay $0x2  }
0x58: {  	v27 =	vsub.f32 v27, v28  }
0x59: {  	v51 =	vsub.f32 v49, v50  }
0x5a: {  	v25 =	vsub.f32 v25, v26;
	[tilespmem:v10+s16+$0x0] =	vst.idx.msk $0xffff, v27  }
0x5b: {  	[tilespmem:v11+s16+$0x0] =	vst.idx.msk $0xffff, v51  }
0x5c: {  	[tilespmem:v12+s16+$0x0] =	vst.idx.msk $0xffff, v25  }
0x5d: {  	v25 =	vld [tilespmem:$0x7880]  }
0x5e: {  	v26 =	vld [tilespmem:$0x7C80];
	_ =	sdelay $0x6  }
0x5f: {  	v27 =	vld.idx.msk [tilespmem:v25+s2+$0x0], $0xffff  }
0x60: {  	v28 =	vld.idx.msk [tilespmem:v26+s2+$0x0], $0xffff  }
0x61: {  	v52 =	vld.idx.msk [tilespmem:v25+s12+$0x0], $0xffff  }
0x62: {  	v53 =	vld.idx.msk [tilespmem:v26+s12+$0x0], $0xffff  }
0x63: {  	v25 =	vld.idx.msk [tilespmem:v25+s13+$0x0], $0xffff  }
0x64: {  	v26 =	vld.idx.msk [tilespmem:v26+s13+$0x0], $0xffff;
	_ =	sdelay $0x2  }
0x65: {  	v27 =	vsub.f32 v27, v28  }
0x66: {  	v54 =	vsub.f32 v52, v53  }
0x67: {  	v25 =	vsub.f32 v25, v26;
	[tilespmem:v13+s16+$0x0] =	vst.idx.msk $0xffff, v27  }
0x68: {  	[tilespmem:v14+s16+$0x0] =	vst.idx.msk $0xffff, v54  }
0x69: {  	[tilespmem:v15+s16+$0x0] =	vst.idx.msk $0xffff, v25  }
0x6a: {  	v25 =	vld [tilespmem:$0x7900]  }
0x6b: {  	v26 =	vld [tilespmem:$0x7D00];
	_ =	sdelay $0x6  }
0x6c: {  	v27 =	vld.idx.msk [tilespmem:v25+s2+$0x0], $0xffff  }
0x6d: {  	v28 =	vld.idx.msk [tilespmem:v26+s2+$0x0], $0xffff  }
0x6e: {  	v55 =	vld.idx.msk [tilespmem:v25+s12+$0x0], $0xffff  }
0x6f: {  	v56 =	vld.idx.msk [tilespmem:v26+s12+$0x0], $0xffff  }
0x70: {  	v25 =	vld.idx.msk [tilespmem:v25+s13+$0x0], $0xffff  }
0x71: {  	v26 =	vld.idx.msk [tilespmem:v26+s13+$0x0], $0xffff;
	_ =	sdelay $0x2  }
0x72: {  	v27 =	vsub.f32 v27, v28  }
0x73: {  	v57 =	vsub.f32 v55, v56  }
0x74: {  	v25 =	vsub.f32 v25, v26;
	[tilespmem:v16+s16+$0x0] =	vst.idx.msk $0xffff, v27  }
0x75: {  	[tilespmem:v17+s16+$0x0] =	vst.idx.msk $0xffff, v57  }
0x76: {  	[tilespmem:v18+s16+$0x0] =	vst.idx.msk $0xffff, v25  }
0x77: {  	v25 =	vld [tilespmem:$0x7980]  }
0x78: {  	v26 =	vld [tilespmem:$0x7D80];
	_ =	sdelay $0x6  }
0x79: {  	v27 =	vld.idx.msk [tilespmem:v25+s2+$0x0], $0xffff  }
0x7a: {  	v28 =	vld.idx.msk [tilespmem:v26+s2+$0x0], $0xffff  }
0x7b: {  	v58 =	vld.idx.msk [tilespmem:v25+s12+$0x0], $0xffff  }
0x7c: {  	v59 =	vld.idx.msk [tilespmem:v26+s12+$0x0], $0xffff  }
0x7d: {  	v25 =	vld.idx.msk [tilespmem:v25+s13+$0x0], $0xffff  }
0x7e: {  	v26 =	vld.idx.msk [tilespmem:v26+s13+$0x0], $0xffff;
	_ =	sdelay $0x2  }
0x7f: {  	v27 =	vsub.f32 v27, v28  }
0x80: {  	v60 =	vsub.f32 v58, v59  }
0x81: {  	v25 =	vsub.f32 v25, v26;
	[tilespmem:v19+s16+$0x0] =	vst.idx.msk $0xffff, v27  }
0x82: {  	[tilespmem:v20+s16+$0x0] =	vst.idx.msk $0xffff, v60  }
0x83: {  	[tilespmem:v21+s16+$0x0] =	vst.idx.msk $0xffff, v25  }
0x84: {  	v25 =	vld [tilespmem:$0x7A00]  }
0x85: {  	v26 =	vld [tilespmem:$0x7E00];
	_ =	sdelay $0x6  }
0x86: {  	v27 =	vld.idx.msk [tilespmem:v25+s2+$0x0], $0xffff  }
0x87: {  	v28 =	vld.idx.msk [tilespmem:v26+s2+$0x0], $0xffff  }
0x88: {  	v61 =	vld.idx.msk [tilespmem:v25+s12+$0x0], $0xffff  }
0x89: {  	v62 =	vld.idx.msk [tilespmem:v26+s12+$0x0], $0xffff  }
0x8a: {  	v25 =	vld.idx.msk [tilespmem:v25+s13+$0x0], $0xffff  }
0x8b: {  	v26 =	vld.idx.msk [tilespmem:v26+s13+$0x0], $0xffff;
	_ =	sdelay $0x2  }
0x8c: {  	v27 =	vsub.f32 v27, v28  }
0x8d: {  	v63 =	vsub.f32 v61, v62  }
0x8e: {  	v25 =	vsub.f32 v25, v26;
	[tilespmem:v22+s16+$0x0] =	vst.idx.msk $0xffff, v27  }
0x8f: {  	p0 =	sne.s32 s21, $0x1;
	[tilespmem:v23+s16+$0x0] =	vst.idx.msk $0xffff, v63  }
.Ltmp1:
0x90: {  	[tilespmem:v24+s16+$0x0] =	vst.idx.msk $0xffff, v25;
	(pc) =	sbr.rel @p0 .LBB2_4-.Ltmp1, $4  }
0x91: {  	[hbm4b:s20+s2] =	stream.linear.scatter [tilespmem:s16], [sflag:$0x1], $0x800, $0x38;
	[tilespmem:$0x8680] =	vst v63  }
0x92: {  	_ =	swait.ge [sflag:s11], $0x800  }
0x93: {  	s18 =	sadd.s32 $0x1000, s18;
	s21 =	sadd.s32 $0xFFFFFFFF, s21;
	[sflag:s11] =	ssyncset.done $0x0  }
0x94: {  	s19 =	sadd.s32 $0x1000, s19;
	s20 =	sadd.s32 $0x2000, s20;
	[sflag:s11] =	ssyncadd.s32 $0xFFFFF800  }
0x95: {  	s17 =	sadd.s32 $0x1, s17  }
0x96: {  	p0 =	sne.s32 s17, s7  }
.Ltmp2:
0x97: {  	_ = 	snop;
	(pc) =	sbr.rel @p0 .LBB2_1-.Ltmp2, $1  }
0x98: {  	_ =	sdelay $0x3  }
0x99: {  	_ =	sfence.sel $0x180000  }
0x9a: {  	[bflag:$0x0] =	sbarrier.arrive $0xFFFF  }
0x9b: {  	p0 =	sne.s32 s3, $0x0;
	_ =	strace $0x90000047  }
0x9c: {  	s0 =	sadd.s32 @!p0 $0x100000, s0;
	[bflag:$0x2] =	sbarrier.arrive $0xFFFF  }
0x9d: {  	[sflag:s0] =	ssyncadd.tile.s32 @!p0 $0x1;
	_ =	shalt  }
.Lfunc_end2:
_tile_overlayer_lowered:
.L_overlay_start_2:
0x9e: {  	(tag) =	ssettag $0x2  }
0x9f: {  	s0 =	rddreg [dreg:$0x0];
	s2 =	stileid.u32  }
0xa0: {  	s1 =	rddreg [dreg:$0x1];
	p0 =	sne.s32 s2, $0x0  }
0xa1: {  	s3 =	rddreg [dreg:$0x2];
	[bflag:$0x3] =	sbarrier.arrive $0xFFFF;
	s2 =	simm.s32 @!p0 $0x1C01  }
0xa2: {  	[timem:s3], [sflag:s2] =	dma.local @!p0 [hbm:s0], s1  }
0xa3: {  	s0 =	simm.s32 @!p0 $0x1  }
0xa4: {  	_ =	swait.ge @!p0 [sflag:s0], s1  }
0xa5: {  	s1 =	ssub.s32 @!p0 $0x0, s1;
	[sflag:s0] =	ssyncset.done @!p0 $0x0  }
0xa6: {  	[sflag:s0] =	ssyncadd.s32 @!p0 s1  }
0xa7: {  	[bflag:$0x3] =	sbarrier.arrive $0xFFFF  }
0xa8: {  	_ =	shalt  }

// kernel: kernel.14.cloned.1.call-start
scs
__scs_entry_jumppad:
0x0: {  	(pc) =	sbr.rel $0x88, $3  }
0x1: {  	(tag) =	ssettag $0x0;
	lr =	simm.s32 $0x1  }
0x2: {  	[smem:$0x3F8D] =	sst lr;
	_ =	strace $0xD0000000  }
0x3: {  	_ = 	snop  }
0x4: {  	_ = 	snop  }
0x5: {  	_ = 	snop  }
0x6: {  	_ = 	snop  }
0x7: {  	_ = 	snop  }
__scs_overlays_trampoline_lowered:
0x8: {  	[smem:$0x3F9C] =	sst s0  }
0x9: {  	[smem:$0x3F9D] =	sst s1  }
0xa: {  	[smem:$0x3F9E] =	sst s2  }
0xb: {  	[smem:$0x3F9F] =	sst s3  }
0xc: {  	[smem:$0x3FA0] =	sst s4  }
0xd: {  	[smem:$0x3FA1] =	sst s5  }
0xe: {  	[smem:$0x3FA2] =	sst s6  }
0xf: {  	[smem:$0x3FA3] =	sst s7  }
0x10: {  	[smem:$0x3FA4] =	sst s8  }
0x11: {  	[smem:$0x3FA5] =	sst s9;
	s0 =	simm.s32 @!p0 $0x0  }
0x12: {  	s1 =	sld [smem:$0x3F8B];
	s0 =	simm.s32 @p0 $0x1  }
0x13: {  	[smem:$0x3FA6] =	sst s0;
	s0 =	simm.s32 @!p1 $0x0  }
0x14: {  	s2 =	sld [smem:$0x3F8A];
	s0 =	simm.s32 @p1 $0x1  }
0x15: {  	[smem:$0x3FA7] =	sst s0;
	s0 =	simm.s32 @!p2 $0x0  }
0x16: {  	s3 =	sld [smem:$0x3FDB];
	s0 =	simm.s32 @p2 $0x1  }
0x17: {  	s4 =	simm.s32 $0x1BF5;
	[smem:$0x3FA9] =	sst s0  }
0x18: {  	s0 =	sld [smem:$0x3F8C];
	_ =	swait.ge [sflag:s4], $0x0  }
0x19: {  	s7 =	sld [smem:$0x3F8D]  }
0x1a: {  	s8 =	sadd.s32 $0xFFFFE003, lr  }
0x1b: {  	s9 =	sadd.s32 $0xFFFFFEF7, lr;
	s5 =	simm.s32 $0xFFFFFFFF;
	p2 =	slt.u32 s8, $0xFFFFF086  }
0x1c: {  	p1 =	slt.u32 s9, $0xF7A;
	s5 =	simm.s32 @!p2 $0x0  }
0x1d: {  	s5 =	simm.s32 @p1 $0x1;
	p0 =	seq.s32 s7, s2  }
0x1e: {  	s7 =	smul.u32 @!p0 $0xF7A, s2;
	p2 =	seq.s32 @!p0 s5, $0x0  }
0x1f: {  	s9 =	smul.u32 $0xF7A, s1;
	s8 =	simm.s32 @!p0 $0x1BF5;
	p2 =	por !p2, p0  }
0x20: {  	[sflag:s8] =	ssyncset.s32 @!p0 $0xFFFFF086;
	s6 =	sadd.s32 @!p0 s3, s7;
	s7 =	simm.s32 @!p0 $0x108  }
0x21: {  	s3 =	sadd.s32 s3, s9;
	s6 =	sadd.s32 @!p0 $0x88, s6;
	s7 =	simm.s32 @p2 $0x1082  }
0x22: {  	[simem:s7], [sflag:s8] =	dma.local @!p0 [hbm:s6], $0xF7A  }
0x23: {  	s9 =	sor.u32 $0xD0000000, s2;
	s6 =	simm.s32 $0x108;
	_ =	swait.ge @!p0 [sflag:s8], $0x0  }
0x24: {  	s3 =	sadd.s32 $0x88, s3;
	s6 =	simm.s32 @!p1 $0x1082;
	[sflag:s4] =	ssyncset.s32 $0xFFFFF086  }
0x25: {  	[simem:s6], [sflag:s4] =	dma.local [hbm:s3], $0xF7A  }
0x26: {  	[smem:$0x3F8D] =	sst s1;
	(tag) =	ssettag s2;
	_ =	strace s9  }
0x27: {  	s1 =	sld [smem:$0x3F9D]  }
0x28: {  	s2 =	sld [smem:$0x3F9E]  }
0x29: {  	s4 =	sld [smem:$0x3FA0]  }
0x2a: {  	p0 =	seq.s32 s5, $0x0;
	s5 =	sld [smem:$0x3FA1]  }
0x2b: {  	s6 =	sld [smem:$0x3FA2]  }
0x2c: {  	s7 =	sld [smem:$0x3FA3]  }
0x2d: {  	s3 =	simm.s32 $0x108;
	s8 =	sld [smem:$0x3FA4]  }
0x2e: {  	s3 =	simm.s32 @!p0 $0x1082;
	s9 =	sld [smem:$0x3FA5]  }
0x2f: {  	lr =	sadd.s32 s0, s3;
	s0 =	sld [smem:$0x3F9C]  }
0x30: {  	s3 =	sld [smem:$0x3F9F]  }
0x31: {  	[smem:$0x3FA8] =	sst s10  }
0x32: {  	s10 =	sld [smem:$0x3FA6];
	_ =	sdelay $0x3  }
0x33: {  	p0 =	seq.s32 s10, $0x1;
	s10 =	sld [smem:$0x3FA8];
	_ =	sdelay $0x3  }
0x34: {  	[smem:$0x3FA8] =	sst s10  }
0x35: {  	s10 =	sld [smem:$0x3FA7];
	_ =	sdelay $0x3  }
0x36: {  	p1 =	seq.s32 s10, $0x1;
	s10 =	sld [smem:$0x3FA8];
	_ =	sdelay $0x3  }
0x37: {  	[smem:$0x3FA8] =	sst s10  }
0x38: {  	s10 =	sld [smem:$0x3FA9]  }
0x39: {  	_ = 	snop;
	(pc) =	sbr.ind lr, $3  }
0x3a: {  	_ = 	snop  }
0x3b: {  	_ = 	snop  }
0x3c: {  	p2 =	seq.s32 s10, $0x1;
	s10 =	sld [smem:$0x3FA8]  }
0x3d: {  	_ =	shalt  }
0x3e: {  	_ =	shalt  }
0x3f: {  	_ =	shalt  }
0x40: {  	_ =	shalt  }
0x41: {  	_ =	shalt  }
0x42: {  	_ =	shalt  }
0x43: {  	_ =	shalt  }
0x44: {  	_ =	shalt  }
0x45: {  	_ =	shalt  }
0x46: {  	_ =	shalt  }
0x47: {  	_ =	shalt  }
0x48: {  	_ =	shalt  }
0x49: {  	_ =	shalt  }
0x4a: {  	_ =	shalt  }
0x4b: {  	_ =	shalt  }
0x4c: {  	_ =	shalt  }
0x4d: {  	_ =	shalt  }
0x4e: {  	_ =	shalt  }
0x4f: {  	_ =	shalt  }
0x50: {  	_ =	shalt  }
0x51: {  	_ =	shalt  }
0x52: {  	_ =	shalt  }
0x53: {  	_ =	shalt  }
0x54: {  	_ =	shalt  }
0x55: {  	_ =	shalt  }
0x56: {  	_ =	shalt  }
0x57: {  	_ =	shalt  }
0x58: {  	_ =	shalt  }
0x59: {  	_ =	shalt  }
0x5a: {  	_ =	shalt  }
0x5b: {  	_ =	shalt  }
0x5c: {  	_ =	shalt  }
0x5d: {  	_ =	shalt  }
0x5e: {  	_ =	shalt  }
0x5f: {  	_ =	shalt  }
0x60: {  	_ =	shalt  }
0x61: {  	_ =	shalt  }
0x62: {  	_ =	shalt  }
0x63: {  	_ =	shalt  }
0x64: {  	_ =	shalt  }
0x65: {  	_ =	shalt  }
0x66: {  	_ =	shalt  }
0x67: {  	_ =	shalt  }
0x68: {  	_ =	shalt  }
0x69: {  	_ =	shalt  }
0x6a: {  	_ =	shalt  }
0x6b: {  	_ =	shalt  }
0x6c: {  	_ =	shalt  }
0x6d: {  	_ =	shalt  }
0x6e: {  	_ =	shalt  }
0x6f: {  	_ =	shalt  }
0x70: {  	_ =	shalt  }
0x71: {  	_ =	shalt  }
0x72: {  	_ =	shalt  }
0x73: {  	_ =	shalt  }
0x74: {  	_ =	shalt  }
0x75: {  	_ =	shalt  }
0x76: {  	_ =	shalt  }
0x77: {  	_ =	shalt  }
0x78: {  	_ =	shalt  }
0x79: {  	_ =	shalt  }
0x7a: {  	_ =	shalt  }
0x7b: {  	_ =	shalt  }
0x7c: {  	_ =	shalt  }
0x7d: {  	_ =	shalt  }
0x7e: {  	_ =	shalt  }
0x7f: {  	_ =	shalt  }
0x80: {  	_ =	shalt  }
0x81: {  	_ =	shalt  }
0x82: {  	_ =	shalt  }
0x83: {  	_ =	shalt  }
0x84: {  	_ =	shalt  }
0x85: {  	_ =	shalt  }
0x86: {  	_ =	shalt  }
0x87: {  	_ =	shalt  }
.Lfunc_end0:
.L_simem_size_0:
called_computation.2_lowered:
.L_overlay_start_0:
0x88: {  	s2 =	sld [smem:$0x3FD9]  }
0x89: {  	s3 =	sld [smem:$0x3FFE];
	_ =	sdelay $0x1  }
0x8a: {  	s1 =	srdreg.scid  }
0x8b: {  	s0 =	sand.u32 $0x1, s1  }
0x8c: {  	s17 =	sshll.u32 s0, $0xA;
	s2 =	sadd.s32 s3, s2  }
0x8d: {  	s2 =	sadd.s32 s2, s17  }
0x8e: {  	[smem:$0x3FB4] =	sst s2  }
0x8f: {  	_ = 	snop  }
0x90: {  	(tm) =	ssettm $0x1  }
0x91: {  	s18 =	sld [smem:$0x3FFB];
	_ =	sdelay $0x3  }
0x92: {  	_ =	strace s18  }
0x93: {  	s2 =	sld [smem:$0x3FFC];
	_ =	sdelay $0x3  }
0x94: {  	_ =	strace s2  }
0x95: {  	s2 =	sld [smem:$0x3FFD];
	_ =	sdelay $0x3  }
0x96: {  	_ =	strace s2  }
0x97: {  	_ =	strace $0x8FFFFFFF  }
0x98: {  	s19 =	sld [smem:$0x3FDB];
	_ =	sdelay $0x1  }
0x99: {  	s20 =	simm.s32 $_scs_section_size  }
0x9a: {  	s4 =	simm.s32 $_size__tile_overlayer_lowered;
	s5 =	simm.s32 $_tile_overlayer_lowered  }
0x9b: {  	s6 =	simm.s32 $0x1BFF;
	s21 =	sshll.u32 s5, $0x1;
	s3 =	sadd.s32 s20, s19  }
0x9c: {  	s22 =	simm.s32 $0x0;
	s4 =	sshll.u32 s4, $0x1;
	s5 =	sadd.s32 s21, s3  }
0x9d: {  	[timem:s22], [sflag:s6] =	dma.local [hbm:s5], s4  }
0x9e: {  	_ =	swait.ge [sflag:s6], s4  }
0x9f: {  	s4 =	ssub.s32 $0x0, s4;
	[sflag:s6] =	ssyncset.done $0x0  }
0xa0: {  	[sflag:s6] =	ssyncadd.s32 s4;
	_ =	sdelay $0x1  }
0xa1: {  	s23 =	simm.s32 $0x1B8B  }
0xa2: {  	_ =	swait.ge [sflag:s23], $0x1  }
0xa3: {  	[sflag:s23] =	ssyncset.done $0x0  }
0xa4: {  	[sflag:s23] =	ssyncadd.s32 $0xFFFFFFFF  }
0xa5: {  	s4 =	sld [smem:$0x0]  }
0xa6: {  	s5 =	sand.u32 $0xFFFFFFFE, s1  }
0xa7: {  	p0 =	sne.s32 s1, s5  }
0xa8: {  	s5 =	sshll.u32 @p0 s5, $0xE  }
0xa9: {  	s5 =	sadd.s32 @p0 $0x11B8D, s5;
	s6 =	sshll.u32 @p0 s4, $0x11  }
0xaa: {  	s5 =	sor.u32 @p0 s6, s5  }
0xab: {  	[sflag:s5] =	ssyncadd.remote.s32 @p0 $0x1;
	_ =	sdelay $0x1  }
0xac: {  	s5 =	simm.s32 @p0 $0x1B8D  }
0xad: {  	_ =	swait.eq @p0 [sflag:s5], $0x1  }
0xae: {  	[sflag:s5] =	ssyncadd.s32 @p0 $0xFFFFFFFF  }
0xaf: {  	s6 =	sshll.u32 @!p0 s1, $0xE  }
0xb0: {  	s6 =	sor.u32 @!p0 $0x4000, s6;
	s5 =	simm.s32 @!p0 $0x1B8D  }
0xb1: {  	s4 =	sshll.u32 @!p0 s4, $0x11;
	s6 =	sadd.s32 @!p0 $0x11B8D, s6;
	_ =	swait.eq @!p0 [sflag:s5], $0x1  }
0xb2: {  	s4 =	sor.u32 @!p0 s4, s6;
	[sflag:s5] =	ssyncadd.s32 @!p0 $0xFFFFFFFF  }
0xb3: {  	s25 =	simm.s32 $0x1B8E;
	s24 =	sld [smem:$0x3FFE];
	[sflag:s4] =	ssyncadd.remote.s32 @!p0 $0x1  }
0xb4: {  	s26 =	simm.s32 $execute0_lowered;
	[smem:$0x3FD2] =	sst s25  }
0xb5: {  	s5 =	sshll.u32 s26, $0x1;
	_ =	strace $0x8000004F;
	[dreg:$0x1] =	wrdreg $0xFFFFFFFF  }
0xb6: {  	s28 =	simm.s32 $_size_execute0_lowered;
	s3 =	sadd.s32 s3, s5;
	[dreg:$0x0] =	wrdreg $0x0  }
0xb7: {  	s5 =	sshll.u32 s28, $0x1;
	[dreg:$0x2] =	wrdreg s3  }
0xb8: {  	[dreg:$0x3] =	wrdreg s5  }
0xb9: {  	[dreg:$0x4] =	wrdreg $0xC0  }
0xba: {  	_ =	task [dreg:s22], $0x5FFFF  }
0xbb: {  	[dreg:$0x1] =	wrdreg $0xFFFFFFFF  }
0xbc: {  	[dreg:$0x0] =	wrdreg $0x60  }
0xbd: {  	[dreg:$0x2] =	wrdreg s24  }
0xbe: {  	[dreg:$0x3] =	wrdreg $0x44000  }
0xbf: {  	[dreg:$0x4] =	wrdreg $0x9  }
0xc0: {  	_ =	task.clear_ibuf [dreg:s22], $0x5FFFF;
	_ =	strace $0x9000004F  }
0xc1: {  	s29 =	simm.s32 $0x9;
	_ =	strace $0x80000051  }
0xc2: {  	_ =	swait.ge [sflag:s29], $0x1  }
0xc3: {  	[sflag:s29] =	ssyncadd.s32 $0xFFFFFFFF  }
0xc4: {  	_ =	strace $0x90000051  }
0xc5: {  	_ =	sfence  }
0xc6: {  	s30 =	sld [smem:$0x0];
	_ =	sdelay $0x2  }
0xc7: {  	s31 =	sshll.u32 s1, $0xD;
	s1 =	sshrl.u32 s1, $0x2  }
0xc8: {  	s4 =	sand.u32 $0x4000, s31;
	s1 =	sadd.s32 s1, s30  }
0xc9: {  	s0 =	sor.u32 s4, s0;
	s1 =	sshll.u32 s1, $0x11  }
0xca: {  	s0 =	sor.u32 s1, s0  }
0xcb: {  	s0 =	sadd.s32 $0x8F2B, s0  }
0xcc: {  	[sflag:s0] =	ssyncadd.remote.s32 $0x1  }
0xcd: {  	_ =	sfence.sel $0xFFFF  }
0xce: {  	[dreg:$0x0] =	wrdreg $0xFFFFFFFF;
	(pc) =	sbr.abs _section_cstart, $3  }
0xcf: {  	[dreg:$0x1] =	wrdreg $0xFFFFFFFF  }
0xd0: {  	_ =	task.clear_ibuf [dreg:s22], $0x2FFFF;
	_ =	strace $0x9FFFFFFF  }
0xd1: {  	(tm) =	ssettm $0x7FFFFFFF  }
tec
execute0_lowered:
.L_overlay_start_1:
0x0: {  	(tag) =	ssettag $0x1  }
0x1: {  	s0 =	rddreg [dreg:$0x0]  }
0x2: {  	s1 =	rddreg [dreg:$0x1];
	s2 =	srdreg.scid  }
0x3: {  	s3 =	simm.s32 $0x0;
	s12 =	stileid.u32;
	s14 =	simm.s32 $0x1  }
0x4: {  	s15 =	simm.s32 $0x400;
	s16 =	simm.s32 $0x10;
	s17 =	simm.s32 $0x80  }
0x5: {  	s18 =	simm.s32 $0xC00;
	s19 =	simm.s32 $0x100;
	s28 =	simm.s32 $0x300  }
0x6: {  	s29 =	simm.s32 $0x3400;
	s30 =	simm.s32 $0x380;
	s31 =	simm.s32 $0x3C00  }
0x7: {  	s2 =	sand.u32 $0x1, s2;
	[smem:$0x7FF] =	sst s3;
	s5 =	sshll.u32 s12, $0xC  }
0x8: {  	s6 =	smul.u32 $0x13C00, s12;
	s20 =	sshll.u32 s12, $0x8;
	s22 =	sadd.s32 $0x1049800, s0  }
0x9: {  	s7 =	smul.u32 $0x4F000, s12;
	p0 =	seq.s32 s12, $0xF;
	s10 =	sshll.u32 s12, $0x6  }
0xa: {  	s4 =	smul.u32 $0x138800, s2;
	_ =	strace $0x80000050;
	s9 =	sadd.s32 s5, s0  }
0xb: {  	s11 =	sadd.s32 s20, s0;
	s21 =	ssub.s32 $0x2, s2;
	[dreg:$0x3] =	wrdreg s22  }
0xc: {  	s5 =	simm.s32 $0xFFFFDF80;
	s26 =	sshll.u32 s2, $0xB;
	s2 =	sshll.u32 s2, $0x7  }
0xd: {  	s20 =	simm.s32 $0x1400;
	s22 =	simm.s32 $0x1C00;
	s23 =	sshrl.u32 s21, $0x1  }
0xe: {  	s8 =	sshrl.u32 s7, $0x2;
	s5 =	simm.s32 @!p0 $0xFFFFD880;
	s7 =	simm.s32 $0x4F  }
0xf: {  	s2 =	sadd.s32 s2, s11;
	s4 =	sadd.s32 s6, s4;
	s24 =	ssub.s32 s21, s23  }
0x10: {  	s6 =	simm.s32 $0x2080;
	s25 =	sadd.s32 s8, s1;
	s8 =	sor.u32 $0x1C01, s10  }
0x11: {  	s21 =	simm.s32 $0x180;
	s23 =	simm.s32 $0x200;
	s4 =	sshrl.u32 s4, $0x3  }
0x12: {  	s6 =	simm.s32 @!p0 $0x2780;
	p0 =	slt.u32 s12, $0x2;
	s10 =	smax.u32 s24, $0x1  }
0x13: {  	s13 =	sshrl.u32 s25, $0x3;
	s24 =	simm.s32 $0x2400;
	s0 =	sadd.s32 s4, s0  }
0x14: {  	s25 =	simm.s32 $0x280;
	s7 =	simm.s32 @!p0 $0x4E;
	s0 =	sadd.s32 $0x104C000, s0  }
0x15: {  	[dreg:$0x4] =	wrdreg s0;
	s0 =	sadd.s32 s26, s9;
	s9 =	sadd.s32 $0x3200, s2  }
0x16: {  	s26 =	simm.s32 $0x2C00;
	s4 =	sadd.s32 $0x152B800, s0;
	s0 =	simm.s32 $0x0  }
.LBB2_1:
0x17: {  	s2 =	rddreg [dreg:$0x3]  }
0x18: {  	[spmem:s13], [sflag:s8] =	dma.local [hbm:s2], s6  }
0x19: {  	_ =	swait.ge [sflag:s14], s6  }
0x1a: {  	[sflag:s14] =	ssyncset.done $0x0  }
0x1b: {  	[sflag:s14] =	ssyncadd.s32 s5  }
0x1c: {  	[bflag:$0x0] =	sbarrier.arrive $0xFFFF  }
0x1d: {  	[tilespmem:s3], [sflag:$0x1] =	stream.linear.gather [hbm4b:s9+s3], $0x400, $0x38;
	[tilespmem:$0x17C80] =	vst v63  }
0x1e: {  	_ =	swait.ge [sflag:s14], $0x400  }
0x1f: {  	[sflag:s14] =	ssyncset.done $0x0  }
0x20: {  	[sflag:s14] =	ssyncadd.s32 $0xFFFFFC00  }
0x21: {  	[tilespmem:s15], [sflag:$0x1] =	stream.linear.gather [hbm4b:s4+s3], $0x4000, $0x38;
	[tilespmem:$0x17C80] =	vst v63  }
0x22: {  	_ =	swait.ge [sflag:s14], $0x4000  }
0x23: {  	[sflag:s14] =	ssyncset.done $0x0  }
0x24: {  	[sflag:s14] =	ssyncadd.s32 $0xFFFFC000  }
0x25: {  	[spmem:s1] =	stream.indirect.scatter.add.f32 [tilespmem:s15], [sflag:$0x1], $0x80, s3, s16, $0xb8;
	[tilespmem:$0x17C80] =	vst v63  }
0x26: {  	_ =	swait.ge [sflag:s14], $0x800  }
0x27: {  	[sflag:s14] =	ssyncset.done $0x0  }
0x28: {  	[sflag:s14] =	ssyncadd.s32 $0xFFFFF800  }
0x29: {  	[spmem:s1] =	stream.indirect.scatter.add.f32 [tilespmem:s18], [sflag:$0x1], $0x80, s17, s16, $0xb8;
	[tilespmem:$0x17C80] =	vst v63  }
0x2a: {  	_ =	swait.ge [sflag:s14], $0x800  }
0x2b: {  	[sflag:s14] =	ssyncset.done $0x0  }
0x2c: {  	[sflag:s14] =	ssyncadd.s32 $0xFFFFF800  }
0x2d: {  	[spmem:s1] =	stream.indirect.scatter.add.f32 [tilespmem:s20], [sflag:$0x1], $0x80, s19, s16, $0xb8;
	[tilespmem:$0x17C80] =	vst v63  }
0x2e: {  	_ =	swait.ge [sflag:s14], $0x800  }
0x2f: {  	[sflag:s14] =	ssyncset.done $0x0  }
0x30: {  	[sflag:s14] =	ssyncadd.s32 $0xFFFFF800  }
0x31: {  	[spmem:s1] =	stream.indirect.scatter.add.f32 [tilespmem:s22], [sflag:$0x1], $0x80, s21, s16, $0xb8;
	[tilespmem:$0x17C80] =	vst v63  }
0x32: {  	_ =	swait.ge [sflag:s14], $0x800  }
0x33: {  	[sflag:s14] =	ssyncset.done $0x0  }
0x34: {  	[sflag:s14] =	ssyncadd.s32 $0xFFFFF800  }
0x35: {  	[spmem:s1] =	stream.indirect.scatter.add.f32 [tilespmem:s24], [sflag:$0x1], $0x80, s23, s16, $0xb8;
	[tilespmem:$0x17C80] =	vst v63  }
0x36: {  	_ =	swait.ge [sflag:s14], $0x800  }
0x37: {  	[sflag:s14] =	ssyncset.done $0x0  }
0x38: {  	[sflag:s14] =	ssyncadd.s32 $0xFFFFF800  }
0x39: {  	[spmem:s1] =	stream.indirect.scatter.add.f32 [tilespmem:s26], [sflag:$0x1], $0x80, s25, s16, $0xb8;
	[tilespmem:$0x17C80] =	vst v63  }
0x3a: {  	_ =	swait.ge [sflag:s14], $0x800  }
0x3b: {  	[sflag:s14] =	ssyncset.done $0x0  }
0x3c: {  	[sflag:s14] =	ssyncadd.s32 $0xFFFFF800  }
0x3d: {  	[spmem:s1] =	stream.indirect.scatter.add.f32 [tilespmem:s29], [sflag:$0x1], $0x80, s28, s16, $0xb8;
	[tilespmem:$0x17C80] =	vst v63  }
0x3e: {  	p0 =	sne.s32 s7, $0x1;
	_ =	swait.ge [sflag:s14], $0x800  }
.Ltmp0:
0x3f: {  	[sflag:s14] =	ssyncset.done $0x0;
	(pc) =	sbr.rel @!p0 .LBB2_3-.Ltmp0, $4  }
0x40: {  	[sflag:s14] =	ssyncadd.s32 $0xFFFFF800  }
0x41: {  	[spmem:s1] =	stream.indirect.scatter.add.f32 [tilespmem:s31], [sflag:$0x1], $0x80, s30, s16, $0xb8;
	[tilespmem:$0x17C80] =	vst v63  }
0x42: {  	s11 =	smov.u32 s4;
	_ =	swait.ge [sflag:s14], $0x800  }
0x43: {  	s12 =	smov.u32 s9;
	s2 =	sadd.s32 $0xFFFFFFFF, s7;
	[sflag:s14] =	ssyncset.done $0x0  }
.LBB2_2:
0x44: {  	[sflag:s14] =	ssyncadd.s32 $0xFFFFF800;
	s11 =	sadd.s32 $0x10000, s11;
	s12 =	sadd.s32 $0x1000, s12  }
0x45: {  	[tilespmem:s3], [sflag:$0x1] =	stream.linear.gather [hbm4b:s12+s3], $0x400, $0x38;
	[tilespmem:$0x17C80] =	vst v63  }
0x46: {  	p0 =	sne.s32 s2, $0x1;
	s2 =	sadd.s32 $0xFFFFFFFF, s2;
	_ =	swait.ge [sflag:s14], $0x400  }
0x47: {  	[sflag:s14] =	ssyncset.done $0x0  }
0x48: {  	[sflag:s14] =	ssyncadd.s32 $0xFFFFFC00  }
0x49: {  	[tilespmem:s15], [sflag:$0x1] =	stream.linear.gather [hbm4b:s11+s3], $0x4000, $0x38;
	[tilespmem:$0x17C80] =	vst v63  }
0x4a: {  	_ =	swait.ge [sflag:s14], $0x4000  }
0x4b: {  	[sflag:s14] =	ssyncset.done $0x0  }
0x4c: {  	[sflag:s14] =	ssyncadd.s32 $0xFFFFC000  }
0x4d: {  	[spmem:s1] =	stream.indirect.scatter.add.f32 [tilespmem:s15], [sflag:$0x1], $0x80, s3, s16, $0xb8;
	[tilespmem:$0x17C80] =	vst v63  }
0x4e: {  	_ =	swait.ge [sflag:s14], $0x800  }
0x4f: {  	[sflag:s14] =	ssyncset.done $0x0  }
0x50: {  	[sflag:s14] =	ssyncadd.s32 $0xFFFFF800  }
0x51: {  	[spmem:s1] =	stream.indirect.scatter.add.f32 [tilespmem:s18], [sflag:$0x1], $0x80, s17, s16, $0xb8;
	[tilespmem:$0x17C80] =	vst v63  }
0x52: {  	_ =	swait.ge [sflag:s14], $0x800  }
0x53: {  	[sflag:s14] =	ssyncset.done $0x0  }
0x54: {  	[sflag:s14] =	ssyncadd.s32 $0xFFFFF800  }
0x55: {  	[spmem:s1] =	stream.indirect.scatter.add.f32 [tilespmem:s20], [sflag:$0x1], $0x80, s19, s16, $0xb8;
	[tilespmem:$0x17C80] =	vst v63  }
0x56: {  	_ =	swait.ge [sflag:s14], $0x800  }
0x57: {  	[sflag:s14] =	ssyncset.done $0x0  }
0x58: {  	[sflag:s14] =	ssyncadd.s32 $0xFFFFF800  }
0x59: {  	[spmem:s1] =	stream.indirect.scatter.add.f32 [tilespmem:s22], [sflag:$0x1], $0x80, s21, s16, $0xb8;
	[tilespmem:$0x17C80] =	vst v63  }
0x5a: {  	_ =	swait.ge [sflag:s14], $0x800  }
0x5b: {  	[sflag:s14] =	ssyncset.done $0x0  }
0x5c: {  	[sflag:s14] =	ssyncadd.s32 $0xFFFFF800  }
0x5d: {  	[spmem:s1] =	stream.indirect.scatter.add.f32 [tilespmem:s24], [sflag:$0x1], $0x80, s23, s16, $0xb8;
	[tilespmem:$0x17C80] =	vst v63  }
0x5e: {  	_ =	swait.ge [sflag:s14], $0x800  }
0x5f: {  	[sflag:s14] =	ssyncset.done $0x0  }
0x60: {  	[sflag:s14] =	ssyncadd.s32 $0xFFFFF800  }
0x61: {  	[spmem:s1] =	stream.indirect.scatter.add.f32 [tilespmem:s26], [sflag:$0x1], $0x80, s25, s16, $0xb8;
	[tilespmem:$0x17C80] =	vst v63  }
0x62: {  	_ =	swait.ge [sflag:s14], $0x800  }
0x63: {  	[sflag:s14] =	ssyncset.done $0x0  }
0x64: {  	[sflag:s14] =	ssyncadd.s32 $0xFFFFF800  }
0x65: {  	[spmem:s1] =	stream.indirect.scatter.add.f32 [tilespmem:s29], [sflag:$0x1], $0x80, s28, s16, $0xb8;
	[tilespmem:$0x17C80] =	vst v63  }
0x66: {  	_ =	swait.ge [sflag:s14], $0x800  }
.Ltmp1:
0x67: {  	[sflag:s14] =	ssyncset.done $0x0;
	(pc) =	sbr.rel @p0 .LBB2_2-.Ltmp1, $4  }
0x68: {  	[sflag:s14] =	ssyncadd.s32 $0xFFFFF800  }
0x69: {  	[spmem:s1] =	stream.indirect.scatter.add.f32 [tilespmem:s31], [sflag:$0x1], $0x80, s30, s16, $0xb8;
	[tilespmem:$0x17C80] =	vst v63  }
0x6a: {  	_ =	swait.ge [sflag:s14], $0x800  }
0x6b: {  	[sflag:s14] =	ssyncset.done $0x0  }
.LBB2_3:
0x6c: {  	[sflag:s14] =	ssyncadd.s32 $0xFFFFF800;
	s0 =	sadd.s32 $0x1, s0  }
0x6d: {  	[bflag:$0x0] =	sbarrier.arrive $0xFFFF;
	p0 =	sne.s32 s0, s10  }
.Ltmp2:
0x6e: {  	s2 =	rddreg [dreg:$0x4];
	(pc) =	sbr.rel @p0 .LBB2_1-.Ltmp2, $4  }
0x6f: {  	[hbm:s2], [sflag:s8] =	dma.local [spmem:s13], s6  }
0x70: {  	_ =	swait.ge [sflag:s14], s6  }
0x71: {  	[sflag:s14] =	ssyncset.done $0x0  }
0x72: {  	[sflag:s14] =	ssyncadd.s32 s5  }
0x73: {  	_ =	sfence.sel $0x180000  }
0x74: {  	[bflag:$0x0] =	sbarrier.arrive $0xFFFF  }
0x75: {  	_ =	strace $0x90000050  }
0x76: {  	s0 =	stileid.u32;
	[bflag:$0x2] =	sbarrier.arrive $0xFFFF  }
0x77: {  	p0 =	sne.s32 s0, $0x0;
	s0 =	rddreg [dreg:$0x2]  }
0x78: {  	s0 =	sadd.s32 @!p0 $0x100000, s0  }
0x79: {  	[sflag:s0] =	ssyncadd.tile.s32 @!p0 $0x1;
	_ =	shalt  }
.Lfunc_end2:
_tile_overlayer_lowered:
.L_overlay_start_2:
0x7a: {  	(tag) =	ssettag $0x2  }
0x7b: {  	s0 =	rddreg [dreg:$0x0];
	s2 =	stileid.u32  }
0x7c: {  	s1 =	rddreg [dreg:$0x1];
	p0 =	sne.s32 s2, $0x0  }
0x7d: {  	s3 =	rddreg [dreg:$0x2];
	[bflag:$0x3] =	sbarrier.arrive $0xFFFF;
	s2 =	simm.s32 @!p0 $0x1C01  }
0x7e: {  	[timem:s3], [sflag:s2] =	dma.local @!p0 [hbm:s0], s1  }
0x7f: {  	s0 =	simm.s32 @!p0 $0x1  }
0x80: {  	_ =	swait.ge @!p0 [sflag:s0], s1  }
0x81: {  	s1 =	ssub.s32 @!p0 $0x0, s1;
	[sflag:s0] =	ssyncset.done @!p0 $0x0  }
0x82: {  	[sflag:s0] =	ssyncadd.s32 @!p0 s1  }
0x83: {  	[bflag:$0x3] =	sbarrier.arrive $0xFFFF  }
0x84: {  	_ =	shalt  }

// kernel: kernel.17.cloned.1.call-start
scs
__scs_entry_jumppad:
0x0: {  	(pc) =	sbr.rel $0x88, $3  }
0x1: {  	(tag) =	ssettag $0x0;
	lr =	simm.s32 $0x1  }
0x2: {  	[smem:$0x3F8D] =	sst lr;
	_ =	strace $0xD0000000  }
0x3: {  	_ = 	snop  }
0x4: {  	_ = 	snop  }
0x5: {  	_ = 	snop  }
0x6: {  	_ = 	snop  }
0x7: {  	_ = 	snop  }
__scs_overlays_trampoline_lowered:
0x8: {  	[smem:$0x3F9C] =	sst s0  }
0x9: {  	[smem:$0x3F9D] =	sst s1  }
0xa: {  	[smem:$0x3F9E] =	sst s2  }
0xb: {  	[smem:$0x3F9F] =	sst s3  }
0xc: {  	[smem:$0x3FA0] =	sst s4  }
0xd: {  	[smem:$0x3FA1] =	sst s5  }
0xe: {  	[smem:$0x3FA2] =	sst s6  }
0xf: {  	[smem:$0x3FA3] =	sst s7  }
0x10: {  	[smem:$0x3FA4] =	sst s8  }
0x11: {  	[smem:$0x3FA5] =	sst s9;
	s0 =	simm.s32 @!p0 $0x0  }
0x12: {  	s1 =	sld [smem:$0x3F8B];
	s0 =	simm.s32 @p0 $0x1  }
0x13: {  	[smem:$0x3FA6] =	sst s0;
	s0 =	simm.s32 @!p1 $0x0  }
0x14: {  	s2 =	sld [smem:$0x3F8A];
	s0 =	simm.s32 @p1 $0x1  }
0x15: {  	[smem:$0x3FA7] =	sst s0;
	s0 =	simm.s32 @!p2 $0x0  }
0x16: {  	s3 =	sld [smem:$0x3FDB];
	s0 =	simm.s32 @p2 $0x1  }
0x17: {  	s4 =	simm.s32 $0x1BF5;
	[smem:$0x3FA9] =	sst s0  }
0x18: {  	s0 =	sld [smem:$0x3F8C];
	_ =	swait.ge [sflag:s4], $0x0  }
0x19: {  	s7 =	sld [smem:$0x3F8D]  }
0x1a: {  	s8 =	sadd.s32 $0xFFFFE003, lr  }
0x1b: {  	s9 =	sadd.s32 $0xFFFFFEF7, lr;
	s5 =	simm.s32 $0xFFFFFFFF;
	p2 =	slt.u32 s8, $0xFFFFF086  }
0x1c: {  	p1 =	slt.u32 s9, $0xF7A;
	s5 =	simm.s32 @!p2 $0x0  }
0x1d: {  	s5 =	simm.s32 @p1 $0x1;
	p0 =	seq.s32 s7, s2  }
0x1e: {  	s7 =	smul.u32 @!p0 $0xF7A, s2;
	p2 =	seq.s32 @!p0 s5, $0x0  }
0x1f: {  	s9 =	smul.u32 $0xF7A, s1;
	s8 =	simm.s32 @!p0 $0x1BF5;
	p2 =	por !p2, p0  }
0x20: {  	[sflag:s8] =	ssyncset.s32 @!p0 $0xFFFFF086;
	s6 =	sadd.s32 @!p0 s3, s7;
	s7 =	simm.s32 @!p0 $0x108  }
0x21: {  	s3 =	sadd.s32 s3, s9;
	s6 =	sadd.s32 @!p0 $0x88, s6;
	s7 =	simm.s32 @p2 $0x1082  }
0x22: {  	[simem:s7], [sflag:s8] =	dma.local @!p0 [hbm:s6], $0xF7A  }
0x23: {  	s9 =	sor.u32 $0xD0000000, s2;
	s6 =	simm.s32 $0x108;
	_ =	swait.ge @!p0 [sflag:s8], $0x0  }
0x24: {  	s3 =	sadd.s32 $0x88, s3;
	s6 =	simm.s32 @!p1 $0x1082;
	[sflag:s4] =	ssyncset.s32 $0xFFFFF086  }
0x25: {  	[simem:s6], [sflag:s4] =	dma.local [hbm:s3], $0xF7A  }
0x26: {  	[smem:$0x3F8D] =	sst s1;
	(tag) =	ssettag s2;
	_ =	strace s9  }
0x27: {  	s1 =	sld [smem:$0x3F9D]  }
0x28: {  	s2 =	sld [smem:$0x3F9E]  }
0x29: {  	s4 =	sld [smem:$0x3FA0]  }
0x2a: {  	p0 =	seq.s32 s5, $0x0;
	s5 =	sld [smem:$0x3FA1]  }
0x2b: {  	s6 =	sld [smem:$0x3FA2]  }
0x2c: {  	s7 =	sld [smem:$0x3FA3]  }
0x2d: {  	s3 =	simm.s32 $0x108;
	s8 =	sld [smem:$0x3FA4]  }
0x2e: {  	s3 =	simm.s32 @!p0 $0x1082;
	s9 =	sld [smem:$0x3FA5]  }
0x2f: {  	lr =	sadd.s32 s0, s3;
	s0 =	sld [smem:$0x3F9C]  }
0x30: {  	s3 =	sld [smem:$0x3F9F]  }
0x31: {  	[smem:$0x3FA8] =	sst s10  }
0x32: {  	s10 =	sld [smem:$0x3FA6];
	_ =	sdelay $0x3  }
0x33: {  	p0 =	seq.s32 s10, $0x1;
	s10 =	sld [smem:$0x3FA8];
	_ =	sdelay $0x3  }
0x34: {  	[smem:$0x3FA8] =	sst s10  }
0x35: {  	s10 =	sld [smem:$0x3FA7];
	_ =	sdelay $0x3  }
0x36: {  	p1 =	seq.s32 s10, $0x1;
	s10 =	sld [smem:$0x3FA8];
	_ =	sdelay $0x3  }
0x37: {  	[smem:$0x3FA8] =	sst s10  }
0x38: {  	s10 =	sld [smem:$0x3FA9]  }
0x39: {  	_ = 	snop;
	(pc) =	sbr.ind lr, $3  }
0x3a: {  	_ = 	snop  }
0x3b: {  	_ = 	snop  }
0x3c: {  	p2 =	seq.s32 s10, $0x1;
	s10 =	sld [smem:$0x3FA8]  }
0x3d: {  	_ =	shalt  }
0x3e: {  	_ =	shalt  }
0x3f: {  	_ =	shalt  }
0x40: {  	_ =	shalt  }
0x41: {  	_ =	shalt  }
0x42: {  	_ =	shalt  }
0x43: {  	_ =	shalt  }
0x44: {  	_ =	shalt  }
0x45: {  	_ =	shalt  }
0x46: {  	_ =	shalt  }
0x47: {  	_ =	shalt  }
0x48: {  	_ =	shalt  }
0x49: {  	_ =	shalt  }
0x4a: {  	_ =	shalt  }
0x4b: {  	_ =	shalt  }
0x4c: {  	_ =	shalt  }
0x4d: {  	_ =	shalt  }
0x4e: {  	_ =	shalt  }
0x4f: {  	_ =	shalt  }
0x50: {  	_ =	shalt  }
0x51: {  	_ =	shalt  }
0x52: {  	_ =	shalt  }
0x53: {  	_ =	shalt  }
0x54: {  	_ =	shalt  }
0x55: {  	_ =	shalt  }
0x56: {  	_ =	shalt  }
0x57: {  	_ =	shalt  }
0x58: {  	_ =	shalt  }
0x59: {  	_ =	shalt  }
0x5a: {  	_ =	shalt  }
0x5b: {  	_ =	shalt  }
0x5c: {  	_ =	shalt  }
0x5d: {  	_ =	shalt  }
0x5e: {  	_ =	shalt  }
0x5f: {  	_ =	shalt  }
0x60: {  	_ =	shalt  }
0x61: {  	_ =	shalt  }
0x62: {  	_ =	shalt  }
0x63: {  	_ =	shalt  }
0x64: {  	_ =	shalt  }
0x65: {  	_ =	shalt  }
0x66: {  	_ =	shalt  }
0x67: {  	_ =	shalt  }
0x68: {  	_ =	shalt  }
0x69: {  	_ =	shalt  }
0x6a: {  	_ =	shalt  }
0x6b: {  	_ =	shalt  }
0x6c: {  	_ =	shalt  }
0x6d: {  	_ =	shalt  }
0x6e: {  	_ =	shalt  }
0x6f: {  	_ =	shalt  }
0x70: {  	_ =	shalt  }
0x71: {  	_ =	shalt  }
0x72: {  	_ =	shalt  }
0x73: {  	_ =	shalt  }
0x74: {  	_ =	shalt  }
0x75: {  	_ =	shalt  }
0x76: {  	_ =	shalt  }
0x77: {  	_ =	shalt  }
0x78: {  	_ =	shalt  }
0x79: {  	_ =	shalt  }
0x7a: {  	_ =	shalt  }
0x7b: {  	_ =	shalt  }
0x7c: {  	_ =	shalt  }
0x7d: {  	_ =	shalt  }
0x7e: {  	_ =	shalt  }
0x7f: {  	_ =	shalt  }
0x80: {  	_ =	shalt  }
0x81: {  	_ =	shalt  }
0x82: {  	_ =	shalt  }
0x83: {  	_ =	shalt  }
0x84: {  	_ =	shalt  }
0x85: {  	_ =	shalt  }
0x86: {  	_ =	shalt  }
0x87: {  	_ =	shalt  }
.Lfunc_end0:
.L_simem_size_0:
called_computation.3_lowered:
.L_overlay_start_0:
0x88: {  	s2 =	sld [smem:$0x3FD9]  }
0x89: {  	s3 =	sld [smem:$0x3FFE];
	_ =	sdelay $0x1  }
0x8a: {  	s1 =	srdreg.scid  }
0x8b: {  	s0 =	sand.u32 $0x1, s1  }
0x8c: {  	s14 =	sshll.u32 s0, $0xA;
	s2 =	sadd.s32 s3, s2  }
0x8d: {  	s2 =	sadd.s32 s2, s14  }
0x8e: {  	[smem:$0x3FB4] =	sst s2  }
0x8f: {  	_ = 	snop  }
0x90: {  	s2 =	sld [smem:$0x3FD0];
	_ =	sdelay $0x2  }
0x91: {  	s15 =	simm.s32 $0xB;
	s4 =	simm.s32 $0x10  }
0x92: {  	[smem:s4], [sflag:s15] =	dma.local [hbm:s2], $0x1  }
0x93: {  	_ =	swait.eq [sflag:s15], $0x1  }
0x94: {  	[sflag:s15] =	ssyncset.done $0x0  }
0x95: {  	[sflag:s15] =	ssyncadd.s32 $0xFFFFFFFF  }
0x96: {  	s16 =	sld [smem:$0x10];
	(tm) =	ssettm $0x1  }
0x97: {  	s17 =	sld [smem:$0x3FFB];
	_ =	sdelay $0x3  }
0x98: {  	_ =	strace s17  }
0x99: {  	s3 =	sld [smem:$0x3FFC];
	_ =	sdelay $0x3  }
0x9a: {  	_ =	strace s3  }
0x9b: {  	s3 =	sld [smem:$0x3FFD];
	_ =	sdelay $0x3  }
0x9c: {  	_ =	strace s3  }
0x9d: {  	_ =	strace $0x8FFFFFFF  }
0x9e: {  	s18 =	sld [smem:$0x3FDB];
	_ =	sdelay $0x1  }
0x9f: {  	s19 =	simm.s32 $_scs_section_size  }
0xa0: {  	s5 =	simm.s32 $_size__tile_overlayer_lowered;
	s6 =	simm.s32 $_tile_overlayer_lowered  }
0xa1: {  	s22 =	simm.s32 $0x1BFF;
	s21 =	sshll.u32 s6, $0x1;
	s3 =	sadd.s32 s19, s18  }
0xa2: {  	s7 =	simm.s32 $0x0;
	s20 =	sshll.u32 s5, $0x1;
	s5 =	sadd.s32 s21, s3  }
0xa3: {  	[timem:s7], [sflag:s22] =	dma.local [hbm:s5], s20  }
0xa4: {  	_ =	swait.ge [sflag:s22], s20  }
0xa5: {  	s4 =	ssub.s32 $0x0, s20;
	[sflag:s22] =	ssyncset.done $0x0  }
0xa6: {  	[sflag:s22] =	ssyncadd.s32 s4;
	_ =	sdelay $0x1  }
0xa7: {  	s23 =	simm.s32 $0x1B8B  }
0xa8: {  	_ =	swait.ge [sflag:s23], $0x1  }
0xa9: {  	[sflag:s23] =	ssyncset.done $0x0  }
0xaa: {  	s25 =	simm.s32 $0x1B8E;
	s24 =	sld [smem:$0x3FFE];
	[sflag:s23] =	ssyncadd.s32 $0xFFFFFFFF  }
0xab: {  	s26 =	simm.s32 $execute0_lowered;
	[smem:$0x3FD2] =	sst s25  }
0xac: {  	s5 =	sshll.u32 s26, $0x1;
	_ =	strace $0x8000004C;
	[dreg:$0x1] =	wrdreg $0xFFFFFFFF  }
0xad: {  	s28 =	simm.s32 $_size_execute0_lowered;
	s3 =	sadd.s32 s3, s5;
	[dreg:$0x0] =	wrdreg $0x0  }
0xae: {  	s5 =	sshll.u32 s28, $0x1;
	[dreg:$0x2] =	wrdreg s3  }
0xaf: {  	[dreg:$0x3] =	wrdreg s5  }
0xb0: {  	[dreg:$0x4] =	wrdreg $0xC0  }
0xb1: {  	_ =	task [dreg:s7], $0x5FFFF  }
0xb2: {  	[dreg:$0x1] =	wrdreg $0xFFFFFFFF  }
0xb3: {  	[dreg:$0x0] =	wrdreg $0x60  }
0xb4: {  	[dreg:$0x2] =	wrdreg s24  }
0xb5: {  	[dreg:$0x3] =	wrdreg s16  }
0xb6: {  	[dreg:$0x4] =	wrdreg $0x88800  }
0xb7: {  	[dreg:$0x5] =	wrdreg $0xA  }
0xb8: {  	_ =	task.clear_ibuf [dreg:s7], $0x6FFFF;
	_ =	strace $0x9000004C  }
0xb9: {  	s29 =	simm.s32 $0xA;
	_ =	strace $0x8000004E  }
0xba: {  	_ =	swait.ge [sflag:s29], $0x1  }
0xbb: {  	[sflag:s29] =	ssyncadd.s32 $0xFFFFFFFF  }
0xbc: {  	_ =	strace $0x9000004E  }
0xbd: {  	_ =	sfence  }
0xbe: {  	s30 =	sld [smem:$0x0];
	_ =	sdelay $0x2  }
0xbf: {  	s31 =	sshll.u32 s1, $0xD;
	s1 =	sshrl.u32 s1, $0x2  }
0xc0: {  	s3 =	sand.u32 $0x4000, s31;
	s1 =	sadd.s32 s1, s30  }
0xc1: {  	s0 =	sor.u32 s3, s0;
	s1 =	sshll.u32 s1, $0x11  }
0xc2: {  	s0 =	sor.u32 s1, s0  }
0xc3: {  	s0 =	sadd.s32 $0x8F2B, s0  }
0xc4: {  	[sflag:s0] =	ssyncadd.remote.s32 $0x1  }
0xc5: {  	_ =	sfence.sel $0xFFFF  }
0xc6: {  	[dreg:$0x0] =	wrdreg $0xFFFFFFFF;
	(pc) =	sbr.abs _section_cstart, $3  }
0xc7: {  	[dreg:$0x1] =	wrdreg $0xFFFFFFFF  }
0xc8: {  	_ =	task.clear_ibuf [dreg:s7], $0x2FFFF;
	_ =	strace $0x9FFFFFFF  }
0xc9: {  	(tm) =	ssettm $0x7FFFFFFF  }
tec
execute0_lowered:
.L_overlay_start_1:
0x0: {  	(tag) =	ssettag $0x1  }
0x1: {  	s0 =	rddreg [dreg:$0x0]  }
0x2: {  	s1 =	rddreg [dreg:$0x1]  }
0x3: {  	s2 =	rddreg [dreg:$0x2];
	s3 =	simm.s32 $0x0  }
0x4: {  	s14 =	stileid.u32;
	s12 =	srdreg.scid;
	s26 =	simm.s32 $0x8800  }
0x5: {  	s28 =	simm.s32 $0x680;
	s29 =	simm.s32 $0x3000;
	s30 =	simm.s32 $0x700  }
0x6: {  	s31 =	simm.s32 $0x3800;
	[smem:$0x7FF] =	sst s3;
	s4 =	sshll.u32 s14, $0x5  }
0x7: {  	s5 =	sshll.u32 s14, $0xC;
	s13 =	sshll.u32 s14, $0x8;
	s8 =	smul.u32 $0xA000, s14  }
0x8: {  	s9 =	sand.u32 $0x1, s12;
	s12 =	smul.u32 $0x2800, s14;
	s18 =	sshll.u32 s14, $0x6  }
0x9: {  	p0 =	slt.u32 s14, $0x2;
	s14 =	simm.s32 $0x1;
	_ =	strace $0x8000004D  }
0xa: {  	s6 =	sadd.s32 s4, s0;
	s7 =	sadd.s32 s5, s0;
	s10 =	sadd.s32 s13, s0  }
0xb: {  	s15 =	ssub.s32 $0x2, s9;
	s11 =	smul.u32 $0x28000, s9;
	s4 =	sadd.s32 $0x1049800, s0  }
0xc: {  	s5 =	sor.u32 $0x1C01, s18;
	s19 =	sshll.u32 s9, $0x4;
	s20 =	sshll.u32 s9, $0xB  }
0xd: {  	s9 =	sshll.u32 s9, $0x7;
	[dreg:$0x4] =	wrdreg s26;
	s18 =	simm.s32 $0x10  }
0xe: {  	s26 =	simm.s32 $0x2800;
	s16 =	sshrl.u32 s15, $0x1;
	s17 =	sshrl.u32 s8, $0x2  }
0xf: {  	s8 =	simm.s32 $0x4F;
	s21 =	sadd.s32 s20, s7;
	s22 =	sadd.s32 s9, s10  }
0x10: {  	v0 =	vlaneseq.u32;
	s20 =	simm.s32 $0x1000;
	s7 =	simm.s32 $0x0;
	s0 =	ssub.s32 s15, s16  }
0x11: {  	v0 =	vmul.u32 $0x80, v0;
	s13 =	sadd.s32 s17, s2;
	s11 =	sadd.s32 s12, s11;
	s23 =	sadd.s32 $0xB67800, s21  }
0x12: {  	s8 =	simm.s32 @!p0 $0x4E;
	s24 =	sadd.s32 $0xB19600, s22;
	s25 =	sadd.s32 $0x3200, s22  }
0x13: {  	v24 =	vimm.f32 $0.0e+00;
	v1 =	vor.u32 $0x1, v0;
	v2 =	vor.u32 $0x2, v0;
	s15 =	simm.s32 $0x800;
	s16 =	simm.s32 $0x400;
	[dreg:$0x5] =	wrdreg s8  }
0x14: {  	v3 =	vor.u32 $0x800, v0;
	v4 =	vor.u32 $0x801, v0;
	v5 =	vor.u32 $0x802, v0;
	s17 =	simm.s32 $0x4800;
	s21 =	simm.s32 $0x500;
	[dreg:$0x9] =	wrdreg s23  }
0x15: {  	v6 =	vor.u32 $0x1000, v0;
	v7 =	vor.u32 $0x1001, v0;
	v8 =	vor.u32 $0x1002, v0;
	s22 =	simm.s32 $0x1800;
	s11 =	sshrl.u32 s11, $0x3;
	[dreg:$0xa] =	wrdreg s24  }
0x16: {  	v9 =	vor.u32 $0x1800, v0;
	v10 =	vor.u32 $0x1801, v0;
	v11 =	vor.u32 $0x1802, v0;
	s0 =	smax.u32 s0, $0x1;
	[dreg:$0xb] =	wrdreg s25;
	s13 =	sshrl.u32 s13, $0x3  }
0x17: {  	v12 =	vor.u32 $0x2000, v0;
	v13 =	vor.u32 $0x2001, v0;
	v14 =	vor.u32 $0x2002, v0;
	s23 =	simm.s32 $0x580;
	s24 =	simm.s32 $0x2000;
	s1 =	sadd.s32 s1, s11  }
0x18: {  	v15 =	vor.u32 $0x2800, v0;
	v16 =	vor.u32 $0x2801, v0;
	v17 =	vor.u32 $0x2802, v0;
	s25 =	simm.s32 $0x600;
	[dreg:$0x6] =	wrdreg s1;
	s1 =	sadd.s32 s19, s6  }
0x19: {  	v18 =	vor.u32 $0x3000, v0;
	v19 =	vor.u32 $0x3001, v0;
	v20 =	vor.u32 $0x3002, v0;
	[dreg:$0x8] =	wrdreg s0;
	s0 =	simm.s32 $0x780;
	s1 =	sadd.s32 $0x51400, s1  }
0x1a: {  	v21 =	vor.u32 $0x3800, v0;
	v22 =	vor.u32 $0x3801, v0;
	v23 =	vor.u32 $0x3802, v0;
	s19 =	simm.s32 $0x480;
	[dreg:$0x7] =	wrdreg s1;
	s1 =	simm.s32 $0x4000  }
.LBB2_1:
0x1b: {  	[spmem:s13], [sflag:s5] =	dma.local [hbm:s4], $0x500  }
0x1c: {  	_ =	swait.ge [sflag:s14], $0x500  }
0x1d: {  	[sflag:s14] =	ssyncset.done $0x0  }
0x1e: {  	[sflag:s14] =	ssyncadd.s32 $0xFFFFFB00  }
0x1f: {  	[tilespmem:s15], [sflag:$0x1] =	stream.linear.gather [hbm4b:s4+s3], $0x4000, $0x38;
	[tilespmem:$0xB080] =	vst v63  }
0x20: {  	_ =	swait.ge [sflag:s14], $0x4000  }
0x21: {  	[sflag:s14] =	ssyncset.done $0x0  }
0x22: {  	[sflag:s14] =	ssyncadd.s32 $0xFFFFC000  }
0x23: {  	[bflag:$0x0] =	sbarrier.arrive $0xFFFF  }
0x24: {  	s12 =	rddreg [dreg:$0xb]  }
0x25: {  	s11 =	rddreg [dreg:$0xa]  }
0x26: {  	s10 =	rddreg [dreg:$0x9]  }
0x27: {  	s9 =	rddreg [dreg:$0x7]  }
0x28: {  	s6 =	rddreg [dreg:$0x5]  }
.LBB2_2:
0x29: {  	[tilespmem:s3], [sflag:$0x1] =	stream.linear.gather [hbm4b:s12+s3], $0x400, $0x38;
	[tilespmem:$0xB080] =	vst v63  }
0x2a: {  	_ =	swait.ge [sflag:s14], $0x400  }
0x2b: {  	[sflag:s14] =	ssyncset.done $0x0  }
0x2c: {  	[sflag:s14] =	ssyncadd.s32 $0xFFFFFC00  }
0x2d: {  	[tilespmem:s16], [sflag:$0x1] =	stream.linear.gather [hbm4b:s11+s3], $0x400, $0x38;
	[tilespmem:$0xB080] =	vst v63  }
0x2e: {  	_ =	swait.ge [sflag:s14], $0x400  }
0x2f: {  	[sflag:s14] =	ssyncset.done $0x0  }
0x30: {  	[sflag:s14] =	ssyncadd.s32 $0xFFFFFC00  }
0x31: {  	[tilespmem:s17], [sflag:$0x1] =	stream.linear.gather [hbm4b:s10+s3], $0x4000, $0x38;
	[tilespmem:$0xB080] =	vst v63  }
0x32: {  	_ =	swait.ge [sflag:s14], $0x4000  }
0x33: {  	[sflag:s14] =	ssyncset.done $0x0  }
0x34: {  	s8 =	rddreg [dreg:$0x4];
	[sflag:s14] =	ssyncadd.s32 $0xFFFFC000  }
0x35: {  	[tilespmem:s8], [sflag:$0x1] =	stream.linear.gather [hbm4b:s9+s3], $0x80, $0x38;
	[tilespmem:$0xB080] =	vst v63  }
0x36: {  	_ =	swait.ge [sflag:s14], $0x80  }
0x37: {  	[sflag:s14] =	ssyncset.done $0x0  }
0x38: {  	[sflag:s14] =	ssyncadd.s32 $0xFFFFFF80  }
0x39: {  	v25 =	vld [tilespmem:$0x0];
	_ =	sdelay $0x3  }
0x3a: {  	v26 =	vld [tilespmem:$0x8800]  }
0x3b: {  	v27 =	vld.idx.msk [tilespmem:v0+s17+$0x0], $0xffff;
	v25 =	vshll.u32 v25, $0x4  }
0x3c: {  	v25 =	vand.u32 $0x70, v25  }
0x3d: {  	v28 =	vor.u32 v0, v25;
	_ =	sdelay $0x2  }
0x3e: {  	v27 =	vmul.f32 v27, v26;
	_ =	sdelay $0x1  }
0x3f: {  	[tilespmem:v28+s15+$0x0] =	vst.idx.msk $0xffff, v27  }
0x40: {  	v27 =	vld.idx.msk [tilespmem:v1+s17+$0x0], $0xffff;
	_ =	sdelay $0x1  }
0x41: {  	v49 =	vor.u32 v1, v25;
	_ =	sdelay $0x2  }
0x42: {  	v27 =	vmul.f32 v27, v26;
	_ =	sdelay $0x1  }
0x43: {  	[tilespmem:v49+s15+$0x0] =	vst.idx.msk $0xffff, v27  }
0x44: {  	v27 =	vld.idx.msk [tilespmem:v2+s17+$0x0], $0xffff;
	_ =	sdelay $0x1  }
0x45: {  	v25 =	vor.u32 v2, v25;
	_ =	sdelay $0x2  }
0x46: {  	v26 =	vmul.f32 v27, v26;
	_ =	sdelay $0x1  }
0x47: {  	[tilespmem:v25+s15+$0x0] =	vst.idx.msk $0xffff, v26  }
0x48: {  	v25 =	vld [tilespmem:$0x80];
	_ =	sdelay $0x3  }
0x49: {  	v26 =	vld [tilespmem:$0x8810]  }
0x4a: {  	v27 =	vld.idx.msk [tilespmem:v3+s17+$0x0], $0xffff;
	v25 =	vshll.u32 v25, $0x4  }
0x4b: {  	v25 =	vand.u32 $0x70, v25  }
0x4c: {  	v50 =	vor.u32 v3, v25;
	_ =	sdelay $0x2  }
0x4d: {  	v27 =	vmul.f32 v27, v26;
	_ =	sdelay $0x1  }
0x4e: {  	[tilespmem:v50+s15+$0x0] =	vst.idx.msk $0xffff, v27  }
0x4f: {  	v27 =	vld.idx.msk [tilespmem:v4+s17+$0x0], $0xffff;
	_ =	sdelay $0x1  }
0x50: {  	v51 =	vor.u32 v4, v25;
	_ =	sdelay $0x2  }
0x51: {  	v27 =	vmul.f32 v27, v26;
	_ =	sdelay $0x1  }
0x52: {  	[tilespmem:v51+s15+$0x0] =	vst.idx.msk $0xffff, v27  }
0x53: {  	v27 =	vld.idx.msk [tilespmem:v5+s17+$0x0], $0xffff;
	_ =	sdelay $0x1  }
0x54: {  	v25 =	vor.u32 v5, v25;
	_ =	sdelay $0x2  }
0x55: {  	v26 =	vmul.f32 v27, v26;
	_ =	sdelay $0x1  }
0x56: {  	[tilespmem:v25+s15+$0x0] =	vst.idx.msk $0xffff, v26  }
0x57: {  	v25 =	vld [tilespmem:$0x100];
	_ =	sdelay $0x3  }
0x58: {  	v26 =	vld [tilespmem:$0x8820]  }
0x59: {  	v27 =	vld.idx.msk [tilespmem:v6+s17+$0x0], $0xffff;
	v25 =	vshll.u32 v25, $0x4  }
0x5a: {  	v25 =	vand.u32 $0x70, v25  }
0x5b: {  	v52 =	vor.u32 v6, v25;
	_ =	sdelay $0x2  }
0x5c: {  	v27 =	vmul.f32 v27, v26;
	_ =	sdelay $0x1  }
0x5d: {  	[tilespmem:v52+s15+$0x0] =	vst.idx.msk $0xffff, v27  }
0x5e: {  	v27 =	vld.idx.msk [tilespmem:v7+s17+$0x0], $0xffff;
	_ =	sdelay $0x1  }
0x5f: {  	v53 =	vor.u32 v7, v25;
	_ =	sdelay $0x2  }
0x60: {  	v27 =	vmul.f32 v27, v26;
	_ =	sdelay $0x1  }
0x61: {  	[tilespmem:v53+s15+$0x0] =	vst.idx.msk $0xffff, v27  }
0x62: {  	v27 =	vld.idx.msk [tilespmem:v8+s17+$0x0], $0xffff;
	_ =	sdelay $0x1  }
0x63: {  	v25 =	vor.u32 v8, v25;
	_ =	sdelay $0x2  }
0x64: {  	v26 =	vmul.f32 v27, v26;
	_ =	sdelay $0x1  }
0x65: {  	[tilespmem:v25+s15+$0x0] =	vst.idx.msk $0xffff, v26  }
0x66: {  	v25 =	vld [tilespmem:$0x180];
	_ =	sdelay $0x3  }
0x67: {  	v26 =	vld [tilespmem:$0x8830]  }
0x68: {  	v27 =	vld.idx.msk [tilespmem:v9+s17+$0x0], $0xffff;
	v25 =	vshll.u32 v25, $0x4  }
0x69: {  	v25 =	vand.u32 $0x70, v25  }
0x6a: {  	v54 =	vor.u32 v9, v25;
	_ =	sdelay $0x2  }
0x6b: {  	v27 =	vmul.f32 v27, v26;
	_ =	sdelay $0x1  }
0x6c: {  	[tilespmem:v54+s15+$0x0] =	vst.idx.msk $0xffff, v27  }
0x6d: {  	v27 =	vld.idx.msk [tilespmem:v10+s17+$0x0], $0xffff;
	_ =	sdelay $0x1  }
0x6e: {  	v55 =	vor.u32 v10, v25;
	_ =	sdelay $0x2  }
0x6f: {  	v27 =	vmul.f32 v27, v26;
	_ =	sdelay $0x1  }
0x70: {  	[tilespmem:v55+s15+$0x0] =	vst.idx.msk $0xffff, v27  }
0x71: {  	v27 =	vld.idx.msk [tilespmem:v11+s17+$0x0], $0xffff;
	_ =	sdelay $0x1  }
0x72: {  	v25 =	vor.u32 v11, v25;
	_ =	sdelay $0x2  }
0x73: {  	v26 =	vmul.f32 v27, v26;
	_ =	sdelay $0x1  }
0x74: {  	[tilespmem:v25+s15+$0x0] =	vst.idx.msk $0xffff, v26  }
0x75: {  	v25 =	vld [tilespmem:$0x200];
	_ =	sdelay $0x3  }
0x76: {  	v26 =	vld [tilespmem:$0x8840]  }
0x77: {  	v27 =	vld.idx.msk [tilespmem:v12+s17+$0x0], $0xffff;
	v25 =	vshll.u32 v25, $0x4  }
0x78: {  	v25 =	vand.u32 $0x70, v25  }
0x79: {  	v56 =	vor.u32 v12, v25;
	_ =	sdelay $0x2  }
0x7a: {  	v27 =	vmul.f32 v27, v26;
	_ =	sdelay $0x1  }
0x7b: {  	[tilespmem:v56+s15+$0x0] =	vst.idx.msk $0xffff, v27  }
0x7c: {  	v27 =	vld.idx.msk [tilespmem:v13+s17+$0x0], $0xffff;
	_ =	sdelay $0x1  }
0x7d: {  	v57 =	vor.u32 v13, v25;
	_ =	sdelay $0x2  }
0x7e: {  	v27 =	vmul.f32 v27, v26;
	_ =	sdelay $0x1  }
0x7f: {  	[tilespmem:v57+s15+$0x0] =	vst.idx.msk $0xffff, v27  }
0x80: {  	v27 =	vld.idx.msk [tilespmem:v14+s17+$0x0], $0xffff;
	_ =	sdelay $0x1  }
0x81: {  	v25 =	vor.u32 v14, v25;
	_ =	sdelay $0x2  }
0x82: {  	v26 =	vmul.f32 v27, v26;
	_ =	sdelay $0x1  }
0x83: {  	[tilespmem:v25+s15+$0x0] =	vst.idx.msk $0xffff, v26  }
0x84: {  	v25 =	vld [tilespmem:$0x280];
	_ =	sdelay $0x3  }
0x85: {  	v26 =	vld [tilespmem:$0x8850]  }
0x86: {  	v27 =	vld.idx.msk [tilespmem:v15+s17+$0x0], $0xffff;
	v25 =	vshll.u32 v25, $0x4  }
0x87: {  	v25 =	vand.u32 $0x70, v25  }
0x88: {  	v58 =	vor.u32 v15, v25;
	_ =	sdelay $0x2  }
0x89: {  	v27 =	vmul.f32 v27, v26;
	_ =	sdelay $0x1  }
0x8a: {  	[tilespmem:v58+s15+$0x0] =	vst.idx.msk $0xffff, v27  }
0x8b: {  	v27 =	vld.idx.msk [tilespmem:v16+s17+$0x0], $0xffff;
	_ =	sdelay $0x1  }
0x8c: {  	v59 =	vor.u32 v16, v25;
	_ =	sdelay $0x2  }
0x8d: {  	v27 =	vmul.f32 v27, v26;
	_ =	sdelay $0x1  }
0x8e: {  	[tilespmem:v59+s15+$0x0] =	vst.idx.msk $0xffff, v27  }
0x8f: {  	v27 =	vld.idx.msk [tilespmem:v17+s17+$0x0], $0xffff;
	_ =	sdelay $0x1  }
0x90: {  	v25 =	vor.u32 v17, v25;
	_ =	sdelay $0x2  }
0x91: {  	v26 =	vmul.f32 v27, v26;
	_ =	sdelay $0x1  }
0x92: {  	[tilespmem:v25+s15+$0x0] =	vst.idx.msk $0xffff, v26  }
0x93: {  	v25 =	vld [tilespmem:$0x300];
	_ =	sdelay $0x3  }
0x94: {  	v26 =	vld [tilespmem:$0x8860]  }
0x95: {  	v27 =	vld.idx.msk [tilespmem:v18+s17+$0x0], $0xffff;
	v25 =	vshll.u32 v25, $0x4  }
0x96: {  	v25 =	vand.u32 $0x70, v25  }
0x97: {  	v60 =	vor.u32 v18, v25;
	_ =	sdelay $0x2  }
0x98: {  	v27 =	vmul.f32 v27, v26;
	_ =	sdelay $0x1  }
0x99: {  	[tilespmem:v60+s15+$0x0] =	vst.idx.msk $0xffff, v27  }
0x9a: {  	v27 =	vld.idx.msk [tilespmem:v19+s17+$0x0], $0xffff;
	_ =	sdelay $0x1  }
0x9b: {  	v61 =	vor.u32 v19, v25;
	_ =	sdelay $0x2  }
0x9c: {  	v27 =	vmul.f32 v27, v26;
	_ =	sdelay $0x1  }
0x9d: {  	[tilespmem:v61+s15+$0x0] =	vst.idx.msk $0xffff, v27  }
0x9e: {  	v27 =	vld.idx.msk [tilespmem:v20+s17+$0x0], $0xffff;
	_ =	sdelay $0x1  }
0x9f: {  	v25 =	vor.u32 v20, v25;
	_ =	sdelay $0x2  }
0xa0: {  	v26 =	vmul.f32 v27, v26;
	_ =	sdelay $0x1  }
0xa1: {  	[tilespmem:v25+s15+$0x0] =	vst.idx.msk $0xffff, v26  }
0xa2: {  	v25 =	vld [tilespmem:$0x380];
	_ =	sdelay $0x3  }
0xa3: {  	v26 =	vld [tilespmem:$0x8870]  }
0xa4: {  	v27 =	vld.idx.msk [tilespmem:v21+s17+$0x0], $0xffff;
	v25 =	vshll.u32 v25, $0x4  }
0xa5: {  	v25 =	vand.u32 $0x70, v25  }
0xa6: {  	v62 =	vor.u32 v21, v25;
	_ =	sdelay $0x2  }
0xa7: {  	v27 =	vmul.f32 v27, v26;
	_ =	sdelay $0x1  }
0xa8: {  	[tilespmem:v62+s15+$0x0] =	vst.idx.msk $0xffff, v27  }
0xa9: {  	v27 =	vld.idx.msk [tilespmem:v22+s17+$0x0], $0xffff;
	_ =	sdelay $0x1  }
0xaa: {  	v63 =	vor.u32 v22, v25;
	_ =	sdelay $0x2  }
0xab: {  	v27 =	vmul.f32 v27, v26;
	_ =	sdelay $0x1  }
0xac: {  	[tilespmem:v63+s15+$0x0] =	vst.idx.msk $0xffff, v27  }
0xad: {  	v27 =	vld.idx.msk [tilespmem:v23+s17+$0x0], $0xffff;
	_ =	sdelay $0x1  }
0xae: {  	v25 =	vor.u32 v23, v25;
	_ =	sdelay $0x2  }
0xaf: {  	v26 =	vmul.f32 v27, v26;
	_ =	sdelay $0x1  }
0xb0: {  	[tilespmem:v25+s15+$0x0] =	vst.idx.msk $0xffff, v26  }
0xb1: {  	[spmem:s2] =	stream.indirect.scatter.add.f32 [tilespmem:s15], [sflag:$0x1], $0x80, s16, s18, $0xb8;
	[tilespmem:$0xB080] =	vst v63  }
0xb2: {  	_ =	swait.ge [sflag:s14], $0x800  }
0xb3: {  	[sflag:s14] =	ssyncset.done $0x0  }
0xb4: {  	[sflag:s14] =	ssyncadd.s32 $0xFFFFF800  }
0xb5: {  	[spmem:s2] =	stream.indirect.scatter.add.f32 [tilespmem:s20], [sflag:$0x1], $0x80, s19, s18, $0xb8;
	[tilespmem:$0xB080] =	vst v63  }
0xb6: {  	_ =	swait.ge [sflag:s14], $0x800  }
0xb7: {  	[sflag:s14] =	ssyncset.done $0x0  }
0xb8: {  	[sflag:s14] =	ssyncadd.s32 $0xFFFFF800  }
0xb9: {  	[spmem:s2] =	stream.indirect.scatter.add.f32 [tilespmem:s22], [sflag:$0x1], $0x80, s21, s18, $0xb8;
	[tilespmem:$0xB080] =	vst v63  }
0xba: {  	_ =	swait.ge [sflag:s14], $0x800  }
0xbb: {  	[sflag:s14] =	ssyncset.done $0x0  }
0xbc: {  	[sflag:s14] =	ssyncadd.s32 $0xFFFFF800  }
0xbd: {  	[spmem:s2] =	stream.indirect.scatter.add.f32 [tilespmem:s24], [sflag:$0x1], $0x80, s23, s18, $0xb8;
	[tilespmem:$0xB080] =	vst v63  }
0xbe: {  	_ =	swait.ge [sflag:s14], $0x800  }
0xbf: {  	[sflag:s14] =	ssyncset.done $0x0  }
0xc0: {  	[sflag:s14] =	ssyncadd.s32 $0xFFFFF800  }
0xc1: {  	[spmem:s2] =	stream.indirect.scatter.add.f32 [tilespmem:s26], [sflag:$0x1], $0x80, s25, s18, $0xb8;
	[tilespmem:$0xB080] =	vst v63  }
0xc2: {  	_ =	swait.ge [sflag:s14], $0x800  }
0xc3: {  	[sflag:s14] =	ssyncset.done $0x0  }
0xc4: {  	[sflag:s14] =	ssyncadd.s32 $0xFFFFF800  }
0xc5: {  	[spmem:s2] =	stream.indirect.scatter.add.f32 [tilespmem:s29], [sflag:$0x1], $0x80, s28, s18, $0xb8;
	[tilespmem:$0xB080] =	vst v63  }
0xc6: {  	_ =	swait.ge [sflag:s14], $0x800  }
0xc7: {  	[sflag:s14] =	ssyncset.done $0x0  }
0xc8: {  	[sflag:s14] =	ssyncadd.s32 $0xFFFFF800  }
0xc9: {  	[spmem:s2] =	stream.indirect.scatter.add.f32 [tilespmem:s31], [sflag:$0x1], $0x80, s30, s18, $0xb8;
	[tilespmem:$0xB080] =	vst v63  }
0xca: {  	_ =	swait.ge [sflag:s14], $0x800  }
0xcb: {  	[sflag:s14] =	ssyncset.done $0x0  }
0xcc: {  	[sflag:s14] =	ssyncadd.s32 $0xFFFFF800  }
0xcd: {  	[spmem:s2] =	stream.indirect.scatter.add.f32 [tilespmem:s1], [sflag:$0x1], $0x80, s0, s18, $0xb8;
	[tilespmem:$0xB080] =	vst v63  }
0xce: {  	_ =	swait.ge [sflag:s14], $0x800  }
0xcf: {  	[sflag:s14] =	ssyncset.done $0x0  }
0xd0: {  	[sflag:s14] =	ssyncadd.s32 $0xFFFFF800  }
0xd1: {  	v25 =	vld [tilespmem:$0x0];
	_ =	sdelay $0x4  }
0xd2: {  	v25 =	vshll.u32 v25, $0x4  }
0xd3: {  	v25 =	vand.u32 $0x70, v25  }
0xd4: {  	v26 =	vor.u32 v0, v25  }
0xd5: {  	v27 =	vor.u32 v1, v25  }
0xd6: {  	v25 =	vor.u32 v2, v25;
	_ =	sdelay $0x2  }
0xd7: {  	[tilespmem:v26+s15+$0x0] =	vst.idx.msk $0xffff, v24  }
0xd8: {  	[tilespmem:v27+s15+$0x0] =	vst.idx.msk $0xffff, v24  }
0xd9: {  	[tilespmem:v25+s15+$0x0] =	vst.idx.msk $0xffff, v24  }
0xda: {  	v25 =	vld [tilespmem:$0x80];
	_ =	sdelay $0x4  }
0xdb: {  	v25 =	vshll.u32 v25, $0x4  }
0xdc: {  	v25 =	vand.u32 $0x70, v25  }
0xdd: {  	v26 =	vor.u32 v3, v25  }
0xde: {  	v27 =	vor.u32 v4, v25  }
0xdf: {  	v25 =	vor.u32 v5, v25;
	_ =	sdelay $0x2  }
0xe0: {  	[tilespmem:v26+s15+$0x0] =	vst.idx.msk $0xffff, v24  }
0xe1: {  	[tilespmem:v27+s15+$0x0] =	vst.idx.msk $0xffff, v24  }
0xe2: {  	[tilespmem:v25+s15+$0x0] =	vst.idx.msk $0xffff, v24  }
0xe3: {  	v25 =	vld [tilespmem:$0x100];
	_ =	sdelay $0x4  }
0xe4: {  	v25 =	vshll.u32 v25, $0x4  }
0xe5: {  	v25 =	vand.u32 $0x70, v25  }
0xe6: {  	v26 =	vor.u32 v6, v25  }
0xe7: {  	v27 =	vor.u32 v7, v25  }
0xe8: {  	v25 =	vor.u32 v8, v25;
	_ =	sdelay $0x2  }
0xe9: {  	[tilespmem:v26+s15+$0x0] =	vst.idx.msk $0xffff, v24  }
0xea: {  	[tilespmem:v27+s15+$0x0] =	vst.idx.msk $0xffff, v24  }
0xeb: {  	[tilespmem:v25+s15+$0x0] =	vst.idx.msk $0xffff, v24  }
0xec: {  	v25 =	vld [tilespmem:$0x180];
	_ =	sdelay $0x4  }
0xed: {  	v25 =	vshll.u32 v25, $0x4  }
0xee: {  	v25 =	vand.u32 $0x70, v25  }
0xef: {  	v26 =	vor.u32 v9, v25  }
0xf0: {  	v27 =	vor.u32 v10, v25  }
0xf1: {  	v25 =	vor.u32 v11, v25;
	_ =	sdelay $0x2  }
0xf2: {  	[tilespmem:v26+s15+$0x0] =	vst.idx.msk $0xffff, v24  }
0xf3: {  	[tilespmem:v27+s15+$0x0] =	vst.idx.msk $0xffff, v24  }
0xf4: {  	[tilespmem:v25+s15+$0x0] =	vst.idx.msk $0xffff, v24  }
0xf5: {  	v25 =	vld [tilespmem:$0x200];
	_ =	sdelay $0x4  }
0xf6: {  	v25 =	vshll.u32 v25, $0x4  }
0xf7: {  	v25 =	vand.u32 $0x70, v25  }
0xf8: {  	v26 =	vor.u32 v12, v25  }
0xf9: {  	v27 =	vor.u32 v13, v25  }
0xfa: {  	v25 =	vor.u32 v14, v25;
	_ =	sdelay $0x2  }
0xfb: {  	[tilespmem:v26+s15+$0x0] =	vst.idx.msk $0xffff, v24  }
0xfc: {  	[tilespmem:v27+s15+$0x0] =	vst.idx.msk $0xffff, v24  }
0xfd: {  	[tilespmem:v25+s15+$0x0] =	vst.idx.msk $0xffff, v24  }
0xfe: {  	v25 =	vld [tilespmem:$0x280];
	_ =	sdelay $0x4  }
0xff: {  	v25 =	vshll.u32 v25, $0x4  }
0x100: {  	v25 =	vand.u32 $0x70, v25  }
0x101: {  	v26 =	vor.u32 v15, v25  }
0x102: {  	v27 =	vor.u32 v16, v25  }
0x103: {  	v25 =	vor.u32 v17, v25;
	_ =	sdelay $0x2  }
0x104: {  	[tilespmem:v26+s15+$0x0] =	vst.idx.msk $0xffff, v24  }
0x105: {  	[tilespmem:v27+s15+$0x0] =	vst.idx.msk $0xffff, v24  }
0x106: {  	[tilespmem:v25+s15+$0x0] =	vst.idx.msk $0xffff, v24  }
0x107: {  	v25 =	vld [tilespmem:$0x300];
	_ =	sdelay $0x4  }
0x108: {  	v25 =	vshll.u32 v25, $0x4  }
0x109: {  	v25 =	vand.u32 $0x70, v25  }
0x10a: {  	v26 =	vor.u32 v18, v25  }
0x10b: {  	v27 =	vor.u32 v19, v25  }
0x10c: {  	v25 =	vor.u32 v20, v25;
	_ =	sdelay $0x2  }
0x10d: {  	[tilespmem:v26+s15+$0x0] =	vst.idx.msk $0xffff, v24  }
0x10e: {  	[tilespmem:v27+s15+$0x0] =	vst.idx.msk $0xffff, v24  }
0x10f: {  	[tilespmem:v25+s15+$0x0] =	vst.idx.msk $0xffff, v24  }
0x110: {  	v25 =	vld [tilespmem:$0x380];
	_ =	sdelay $0x4  }
0x111: {  	v25 =	vshll.u32 v25, $0x4  }
0x112: {  	v25 =	vand.u32 $0x70, v25  }
0x113: {  	v26 =	vor.u32 v21, v25  }
0x114: {  	v27 =	vor.u32 v22, v25  }
0x115: {  	p0 =	sne.s32 s6, $0x1;
	v25 =	vor.u32 v23, v25  }
.Ltmp0:
0x116: {  	_ = 	snop;
	(pc) =	sbr.rel @p0 .LBB2_2-.Ltmp0, $4  }
0x117: {  	_ = 	snop  }
0x118: {  	[tilespmem:v26+s15+$0x0] =	vst.idx.msk $0xffff, v24  }
0x119: {  	s12 =	sadd.s32 $0x1000, s12;
	s6 =	sadd.s32 $0xFFFFFFFF, s6;
	[tilespmem:v27+s15+$0x0] =	vst.idx.msk $0xffff, v24  }
0x11a: {  	s11 =	sadd.s32 $0x1000, s11;
	s10 =	sadd.s32 $0x10000, s10;
	s9 =	sadd.s32 $0x200, s9;
	[tilespmem:v25+s15+$0x0] =	vst.idx.msk $0xffff, v24  }
0x11b: {  	[bflag:$0x0] =	sbarrier.arrive $0xFFFF  }
0x11c: {  	s6 =	rddreg [dreg:$0x6]  }
0x11d: {  	[hbm:s6], [sflag:s5] =	dma.local [spmem:s13], $0x500  }
0x11e: {  	_ =	swait.ge [sflag:s14], $0x500  }
0x11f: {  	s7 =	sadd.s32 $0x1, s7;
	s12 =	rddreg [dreg:$0x8]  }
0x120: {  	p0 =	sne.s32 s7, s12  }
.Ltmp1:
0x121: {  	_ = 	snop;
	(pc) =	sbr.rel @p0 .LBB2_1-.Ltmp1, $3  }
0x122: {  	_ =	sdelay $0x1  }
0x123: {  	[sflag:s14] =	ssyncset.done $0x0  }
0x124: {  	[sflag:s14] =	ssyncadd.s32 $0xFFFFFB00  }
0x125: {  	_ =	sfence.sel $0x180000  }
0x126: {  	[bflag:$0x0] =	sbarrier.arrive $0xFFFF  }
0x127: {  	_ =	strace $0x9000004D  }
0x128: {  	s0 =	stileid.u32;
	[bflag:$0x2] =	sbarrier.arrive $0xFFFF  }
0x129: {  	p0 =	sne.s32 s0, $0x0;
	s0 =	rddreg [dreg:$0x3]  }
0x12a: {  	s0 =	sadd.s32 @!p0 $0x100000, s0  }
0x12b: {  	[sflag:s0] =	ssyncadd.tile.s32 @!p0 $0x1;
	_ =	shalt  }
.Lfunc_end2:
_tile_overlayer_lowered:
.L_overlay_start_2:
0x12c: {  	(tag) =	ssettag $0x2  }
0x12d: {  	s0 =	rddreg [dreg:$0x0];
	s2 =	stileid.u32  }
0x12e: {  	s1 =	rddreg [dreg:$0x1];
	p0 =	sne.s32 s2, $0x0  }
0x12f: {  	s3 =	rddreg [dreg:$0x2];
	[bflag:$0x3] =	sbarrier.arrive $0xFFFF;
	s2 =	simm.s32 @!p0 $0x1C01  }
0x130: {  	[timem:s3], [sflag:s2] =	dma.local @!p0 [hbm:s0], s1  }
0x131: {  	s0 =	simm.s32 @!p0 $0x1  }
0x132: {  	_ =	swait.ge @!p0 [sflag:s0], s1  }
0x133: {  	s1 =	ssub.s32 @!p0 $0x0, s1;
	[sflag:s0] =	ssyncset.done @!p0 $0x0  }
0x134: {  	[sflag:s0] =	ssyncadd.s32 @!p0 s1  }
0x135: {  	[bflag:$0x3] =	sbarrier.arrive $0xFFFF  }
0x136: {  	_ =	shalt  }

// kernel: kernel.8.cloned.1.call-start
scs
__scs_entry_jumppad:
0x0: {  	(pc) =	sbr.rel $0x88, $3  }
0x1: {  	(tag) =	ssettag $0x0;
	lr =	simm.s32 $0x1  }
0x2: {  	[smem:$0x3F8D] =	sst lr;
	_ =	strace $0xD0000000  }
0x3: {  	_ = 	snop  }
0x4: {  	_ = 	snop  }
0x5: {  	_ = 	snop  }
0x6: {  	_ = 	snop  }
0x7: {  	_ = 	snop  }
__scs_overlays_trampoline_lowered:
0x8: {  	[smem:$0x3F9C] =	sst s0  }
0x9: {  	[smem:$0x3F9D] =	sst s1  }
0xa: {  	[smem:$0x3F9E] =	sst s2  }
0xb: {  	[smem:$0x3F9F] =	sst s3  }
0xc: {  	[smem:$0x3FA0] =	sst s4  }
0xd: {  	[smem:$0x3FA1] =	sst s5  }
0xe: {  	[smem:$0x3FA2] =	sst s6  }
0xf: {  	[smem:$0x3FA3] =	sst s7  }
0x10: {  	[smem:$0x3FA4] =	sst s8  }
0x11: {  	[smem:$0x3FA5] =	sst s9;
	s0 =	simm.s32 @!p0 $0x0  }
0x12: {  	s1 =	sld [smem:$0x3F8B];
	s0 =	simm.s32 @p0 $0x1  }
0x13: {  	[smem:$0x3FA6] =	sst s0;
	s0 =	simm.s32 @!p1 $0x0  }
0x14: {  	s2 =	sld [smem:$0x3F8A];
	s0 =	simm.s32 @p1 $0x1  }
0x15: {  	[smem:$0x3FA7] =	sst s0;
	s0 =	simm.s32 @!p2 $0x0  }
0x16: {  	s3 =	sld [smem:$0x3FDB];
	s0 =	simm.s32 @p2 $0x1  }
0x17: {  	s4 =	simm.s32 $0x1BF5;
	[smem:$0x3FA9] =	sst s0  }
0x18: {  	s0 =	sld [smem:$0x3F8C];
	_ =	swait.ge [sflag:s4], $0x0  }
0x19: {  	s7 =	sld [smem:$0x3F8D]  }
0x1a: {  	s8 =	sadd.s32 $0xFFFFE003, lr  }
0x1b: {  	s9 =	sadd.s32 $0xFFFFFEF7, lr;
	s5 =	simm.s32 $0xFFFFFFFF;
	p2 =	slt.u32 s8, $0xFFFFF086  }
0x1c: {  	p1 =	slt.u32 s9, $0xF7A;
	s5 =	simm.s32 @!p2 $0x0  }
0x1d: {  	s5 =	simm.s32 @p1 $0x1;
	p0 =	seq.s32 s7, s2  }
0x1e: {  	s7 =	smul.u32 @!p0 $0xF7A, s2;
	p2 =	seq.s32 @!p0 s5, $0x0  }
0x1f: {  	s9 =	smul.u32 $0xF7A, s1;
	s8 =	simm.s32 @!p0 $0x1BF5;
	p2 =	por !p2, p0  }
0x20: {  	[sflag:s8] =	ssyncset.s32 @!p0 $0xFFFFF086;
	s6 =	sadd.s32 @!p0 s3, s7;
	s7 =	simm.s32 @!p0 $0x108  }
0x21: {  	s3 =	sadd.s32 s3, s9;
	s6 =	sadd.s32 @!p0 $0x88, s6;
	s7 =	simm.s32 @p2 $0x1082  }
0x22: {  	[simem:s7], [sflag:s8] =	dma.local @!p0 [hbm:s6], $0xF7A  }
0x23: {  	s9 =	sor.u32 $0xD0000000, s2;
	s6 =	simm.s32 $0x108;
	_ =	swait.ge @!p0 [sflag:s8], $0x0  }
0x24: {  	s3 =	sadd.s32 $0x88, s3;
	s6 =	simm.s32 @!p1 $0x1082;
	[sflag:s4] =	ssyncset.s32 $0xFFFFF086  }
0x25: {  	[simem:s6], [sflag:s4] =	dma.local [hbm:s3], $0xF7A  }
0x26: {  	[smem:$0x3F8D] =	sst s1;
	(tag) =	ssettag s2;
	_ =	strace s9  }
0x27: {  	s1 =	sld [smem:$0x3F9D]  }
0x28: {  	s2 =	sld [smem:$0x3F9E]  }
0x29: {  	s4 =	sld [smem:$0x3FA0]  }
0x2a: {  	p0 =	seq.s32 s5, $0x0;
	s5 =	sld [smem:$0x3FA1]  }
0x2b: {  	s6 =	sld [smem:$0x3FA2]  }
0x2c: {  	s7 =	sld [smem:$0x3FA3]  }
0x2d: {  	s3 =	simm.s32 $0x108;
	s8 =	sld [smem:$0x3FA4]  }
0x2e: {  	s3 =	simm.s32 @!p0 $0x1082;
	s9 =	sld [smem:$0x3FA5]  }
0x2f: {  	lr =	sadd.s32 s0, s3;
	s0 =	sld [smem:$0x3F9C]  }
0x30: {  	s3 =	sld [smem:$0x3F9F]  }
0x31: {  	[smem:$0x3FA8] =	sst s10  }
0x32: {  	s10 =	sld [smem:$0x3FA6];
	_ =	sdelay $0x3  }
0x33: {  	p0 =	seq.s32 s10, $0x1;
	s10 =	sld [smem:$0x3FA8];
	_ =	sdelay $0x3  }
0x34: {  	[smem:$0x3FA8] =	sst s10  }
0x35: {  	s10 =	sld [smem:$0x3FA7];
	_ =	sdelay $0x3  }
0x36: {  	p1 =	seq.s32 s10, $0x1;
	s10 =	sld [smem:$0x3FA8];
	_ =	sdelay $0x3  }
0x37: {  	[smem:$0x3FA8] =	sst s10  }
0x38: {  	s10 =	sld [smem:$0x3FA9]  }
0x39: {  	_ = 	snop;
	(pc) =	sbr.ind lr, $3  }
0x3a: {  	_ = 	snop  }
0x3b: {  	_ = 	snop  }
0x3c: {  	p2 =	seq.s32 s10, $0x1;
	s10 =	sld [smem:$0x3FA8]  }
0x3d: {  	_ =	shalt  }
0x3e: {  	_ =	shalt  }
0x3f: {  	_ =	shalt  }
0x40: {  	_ =	shalt  }
0x41: {  	_ =	shalt  }
0x42: {  	_ =	shalt  }
0x43: {  	_ =	shalt  }
0x44: {  	_ =	shalt  }
0x45: {  	_ =	shalt  }
0x46: {  	_ =	shalt  }
0x47: {  	_ =	shalt  }
0x48: {  	_ =	shalt  }
0x49: {  	_ =	shalt  }
0x4a: {  	_ =	shalt  }
0x4b: {  	_ =	shalt  }
0x4c: {  	_ =	shalt  }
0x4d: {  	_ =	shalt  }
0x4e: {  	_ =	shalt  }
0x4f: {  	_ =	shalt  }
0x50: {  	_ =	shalt  }
0x51: {  	_ =	shalt  }
0x52: {  	_ =	shalt  }
0x53: {  	_ =	shalt  }
0x54: {  	_ =	shalt  }
0x55: {  	_ =	shalt  }
0x56: {  	_ =	shalt  }
0x57: {  	_ =	shalt  }
0x58: {  	_ =	shalt  }
0x59: {  	_ =	shalt  }
0x5a: {  	_ =	shalt  }
0x5b: {  	_ =	shalt  }
0x5c: {  	_ =	shalt  }
0x5d: {  	_ =	shalt  }
0x5e: {  	_ =	shalt  }
0x5f: {  	_ =	shalt  }
0x60: {  	_ =	shalt  }
0x61: {  	_ =	shalt  }
0x62: {  	_ =	shalt  }
0x63: {  	_ =	shalt  }
0x64: {  	_ =	shalt  }
0x65: {  	_ =	shalt  }
0x66: {  	_ =	shalt  }
0x67: {  	_ =	shalt  }
0x68: {  	_ =	shalt  }
0x69: {  	_ =	shalt  }
0x6a: {  	_ =	shalt  }
0x6b: {  	_ =	shalt  }
0x6c: {  	_ =	shalt  }
0x6d: {  	_ =	shalt  }
0x6e: {  	_ =	shalt  }
0x6f: {  	_ =	shalt  }
0x70: {  	_ =	shalt  }
0x71: {  	_ =	shalt  }
0x72: {  	_ =	shalt  }
0x73: {  	_ =	shalt  }
0x74: {  	_ =	shalt  }
0x75: {  	_ =	shalt  }
0x76: {  	_ =	shalt  }
0x77: {  	_ =	shalt  }
0x78: {  	_ =	shalt  }
0x79: {  	_ =	shalt  }
0x7a: {  	_ =	shalt  }
0x7b: {  	_ =	shalt  }
0x7c: {  	_ =	shalt  }
0x7d: {  	_ =	shalt  }
0x7e: {  	_ =	shalt  }
0x7f: {  	_ =	shalt  }
0x80: {  	_ =	shalt  }
0x81: {  	_ =	shalt  }
0x82: {  	_ =	shalt  }
0x83: {  	_ =	shalt  }
0x84: {  	_ =	shalt  }
0x85: {  	_ =	shalt  }
0x86: {  	_ =	shalt  }
0x87: {  	_ =	shalt  }
.Lfunc_end0:
.L_simem_size_0:
called_computation_lowered:
.L_overlay_start_0:
0x88: {  	s2 =	sld [smem:$0x3FD9]  }
0x89: {  	s3 =	sld [smem:$0x3FFE];
	_ =	sdelay $0x1  }
0x8a: {  	s1 =	srdreg.scid  }
0x8b: {  	s0 =	sand.u32 $0x1, s1  }
0x8c: {  	s15 =	sshll.u32 s0, $0xA;
	s2 =	sadd.s32 s3, s2  }
0x8d: {  	s2 =	sadd.s32 s2, s15  }
0x8e: {  	[smem:$0x3FB4] =	sst s2  }
0x8f: {  	_ = 	snop  }
0x90: {  	s16 =	sld [smem:$0x3FD0];
	_ =	sdelay $0x2  }
0x91: {  	s4 =	simm.s32 $0xB;
	s5 =	simm.s32 $0x10;
	s2 =	sld [smem:$0x3FC9]  }
0x92: {  	[smem:s5], [sflag:s4] =	dma.local [hbm:s16], $0x1  }
0x93: {  	_ =	swait.eq [sflag:s4], $0x1  }
0x94: {  	[sflag:s4] =	ssyncset.done $0x0  }
0x95: {  	[sflag:s4] =	ssyncadd.s32 $0xFFFFFFFF  }
0x96: {  	s17 =	sld [smem:$0x10];
	(tm) =	ssettm $0x1  }
0x97: {  	s18 =	sld [smem:$0x3FFB];
	_ =	sdelay $0x3  }
0x98: {  	_ =	strace s18  }
0x99: {  	s3 =	sld [smem:$0x3FFC];
	_ =	sdelay $0x3  }
0x9a: {  	_ =	strace s3  }
0x9b: {  	s3 =	sld [smem:$0x3FFD];
	_ =	sdelay $0x3  }
0x9c: {  	_ =	strace s3  }
0x9d: {  	_ =	strace $0x8FFFFFFF  }
0x9e: {  	s19 =	sld [smem:$0x3FDB];
	_ =	sdelay $0x1  }
0x9f: {  	s20 =	simm.s32 $_scs_section_size  }
0xa0: {  	s6 =	simm.s32 $_size__tile_overlayer_lowered;
	s7 =	simm.s32 $_tile_overlayer_lowered  }
0xa1: {  	s8 =	simm.s32 $0x1BFF;
	s21 =	sshll.u32 s7, $0x1;
	s5 =	sadd.s32 s20, s19  }
0xa2: {  	s22 =	simm.s32 $0x0;
	s6 =	sshll.u32 s6, $0x1;
	s7 =	sadd.s32 s21, s5  }
0xa3: {  	[timem:s22], [sflag:s8] =	dma.local [hbm:s7], s6  }
0xa4: {  	_ =	swait.ge [sflag:s8], s6  }
0xa5: {  	s6 =	ssub.s32 $0x0, s6;
	[sflag:s8] =	ssyncset.done $0x0  }
0xa6: {  	[sflag:s8] =	ssyncadd.s32 s6;
	_ =	sdelay $0x1  }
0xa7: {  	s23 =	simm.s32 $0x1B8B  }
0xa8: {  	_ =	swait.ge [sflag:s23], $0x1  }
0xa9: {  	[sflag:s23] =	ssyncset.done $0x0  }
0xaa: {  	[sflag:s23] =	ssyncadd.s32 $0xFFFFFFFF  }
0xab: {  	s6 =	sld [smem:$0x0]  }
0xac: {  	s7 =	sand.u32 $0xFFFFFFFE, s1  }
0xad: {  	p0 =	sne.s32 s1, s7  }
0xae: {  	s7 =	sshll.u32 @p0 s7, $0xE  }
0xaf: {  	s7 =	sadd.s32 @p0 $0x11B8D, s7;
	s8 =	sshll.u32 @p0 s6, $0x11  }
0xb0: {  	s7 =	sor.u32 @p0 s8, s7  }
0xb1: {  	[sflag:s7] =	ssyncadd.remote.s32 @p0 $0x1;
	_ =	sdelay $0x1  }
0xb2: {  	s7 =	simm.s32 @p0 $0x1B8D  }
0xb3: {  	_ =	swait.eq @p0 [sflag:s7], $0x1  }
0xb4: {  	[sflag:s7] =	ssyncadd.s32 @p0 $0xFFFFFFFF  }
0xb5: {  	s8 =	sshll.u32 @!p0 s1, $0xE  }
0xb6: {  	s8 =	sor.u32 @!p0 $0x4000, s8;
	s7 =	simm.s32 @!p0 $0x1B8D  }
0xb7: {  	s6 =	sshll.u32 @!p0 s6, $0x11;
	s8 =	sadd.s32 @!p0 $0x11B8D, s8;
	_ =	swait.eq @!p0 [sflag:s7], $0x1  }
0xb8: {  	s6 =	sor.u32 @!p0 s6, s8;
	[sflag:s7] =	ssyncadd.s32 @!p0 $0xFFFFFFFF  }
0xb9: {  	s25 =	simm.s32 $0x1B8E;
	s24 =	sld [smem:$0x3FFE];
	[sflag:s6] =	ssyncadd.remote.s32 @!p0 $0x1  }
0xba: {  	s26 =	simm.s32 $execute0_lowered;
	[smem:$0x3FD2] =	sst s25  }
0xbb: {  	s7 =	sshll.u32 s26, $0x1;
	_ =	strace $0x80000049;
	[dreg:$0x1] =	wrdreg $0xFFFFFFFF  }
0xbc: {  	s28 =	simm.s32 $_size_execute0_lowered;
	s5 =	sadd.s32 s5, s7;
	[dreg:$0x0] =	wrdreg $0x0  }
0xbd: {  	s7 =	sshll.u32 s28, $0x1;
	[dreg:$0x2] =	wrdreg s5  }
0xbe: {  	[dreg:$0x3] =	wrdreg s7  }
0xbf: {  	[dreg:$0x4] =	wrdreg $0xC0  }
0xc0: {  	_ =	task [dreg:s22], $0x5FFFF  }
0xc1: {  	[dreg:$0x1] =	wrdreg $0xFFFFFFFF  }
0xc2: {  	[dreg:$0x0] =	wrdreg $0x60  }
0xc3: {  	[dreg:$0x2] =	wrdreg s2  }
0xc4: {  	[dreg:$0x3] =	wrdreg s17  }
0xc5: {  	[dreg:$0x4] =	wrdreg s24  }
0xc6: {  	[dreg:$0x5] =	wrdreg $0x9  }
0xc7: {  	_ =	task.clear_ibuf [dreg:s22], $0x6FFFF;
	_ =	strace $0x90000049  }
0xc8: {  	s29 =	simm.s32 $0x9;
	_ =	strace $0x8000004B  }
0xc9: {  	_ =	swait.ge [sflag:s29], $0x1  }
0xca: {  	[sflag:s29] =	ssyncadd.s32 $0xFFFFFFFF  }
0xcb: {  	_ =	strace $0x9000004B  }
0xcc: {  	_ =	sfence  }
0xcd: {  	s30 =	sld [smem:$0x0];
	_ =	sdelay $0x2  }
0xce: {  	s31 =	sshll.u32 s1, $0xD;
	s1 =	sshrl.u32 s1, $0x2  }
0xcf: {  	s4 =	sand.u32 $0x4000, s31;
	s1 =	sadd.s32 s1, s30  }
0xd0: {  	s0 =	sor.u32 s4, s0;
	s1 =	sshll.u32 s1, $0x11  }
0xd1: {  	s0 =	sor.u32 s1, s0  }
0xd2: {  	s0 =	sadd.s32 $0x8F2B, s0  }
0xd3: {  	[sflag:s0] =	ssyncadd.remote.s32 $0x1  }
0xd4: {  	_ =	sfence.sel $0xFFFF  }
0xd5: {  	[dreg:$0x0] =	wrdreg $0xFFFFFFFF;
	(pc) =	sbr.abs _section_cstart, $3  }
0xd6: {  	[dreg:$0x1] =	wrdreg $0xFFFFFFFF  }
0xd7: {  	_ =	task.clear_ibuf [dreg:s22], $0x2FFFF;
	_ =	strace $0x9FFFFFFF  }
0xd8: {  	(tm) =	ssettm $0x7FFFFFFF  }
0xd9: {  	_ =	shalt  }
tec
execute0_lowered:
.L_overlay_start_1:
0x0: {  	(tag) =	ssettag $0x1  }
0x1: {  	s1 =	rddreg [dreg:$0x0]  }
0x2: {  	s2 =	rddreg [dreg:$0x1]  }
0x3: {  	s5 =	rddreg [dreg:$0x2];
	s3 =	simm.s32 $0x0  }
0x4: {  	s8 =	stileid.u32;
	s15 =	simm.s32 $0x80;
	[smem:$0x7FF] =	sst s3  }
0x5: {  	s17 =	simm.s32 $0x2100;
	_ =	strace $0x8000004A;
	[dreg:$0x6] =	wrdreg s15  }
0x6: {  	s0 =	srdreg.scid;
	s18 =	simm.s32 $0x480;
	[dreg:$0x7] =	wrdreg s17  }
0x7: {  	s19 =	simm.s32 $0xE900;
	s20 =	simm.s32 $0x100;
	[dreg:$0x8] =	wrdreg s18  }
0x8: {  	s21 =	simm.s32 $0x3A00;
	s23 =	simm.s32 $0x500;
	[dreg:$0x9] =	wrdreg s19  }
0x9: {  	s24 =	simm.s32 $0x10200;
	s25 =	simm.s32 $0x180;
	[dreg:$0xa] =	wrdreg s20  }
0xa: {  	s26 =	simm.s32 $0x5300;
	s9 =	simm.s32 $0x32;
	[dreg:$0xb] =	wrdreg s21  }
0xb: {  	s29 =	simm.s32 $0x580;
	s10 =	simm.s32 $0x800;
	[dreg:$0xc] =	wrdreg s23  }
0xc: {  	s30 =	simm.s32 $0x11B00;
	s11 =	simm.s32 $0xD000;
	[dreg:$0xd] =	wrdreg s24  }
0xd: {  	s31 =	simm.s32 $0x200;
	s12 =	simm.s32 $0x13400;
	[dreg:$0xe] =	wrdreg s25  }
0xe: {  	s13 =	simm.s32 $0x280;
	s4 =	smul.u32 $0x1900, s8;
	[dreg:$0xf] =	wrdreg s26  }
0xf: {  	s0 =	sand.u32 $0x1, s0;
	s8 =	smul.u32 $0x4E200, s8;
	[dreg:$0x10] =	wrdreg s29  }
0x10: {  	s28 =	simm.s32 $0x1;
	s6 =	smul.u32 $0xC80, s0;
	[dreg:$0x11] =	wrdreg s30  }
0x11: {  	s14 =	ssub.s32 $0x2, s0;
	s0 =	smul.u32 $0x27100, s0;
	[dreg:$0x12] =	wrdreg s31  }
0x12: {  	s17 =	simm.s32 $0x680;
	s18 =	simm.s32 $0x14D00;
	s19 =	simm.s32 $0x300  }
0x13: {  	s20 =	simm.s32 $0x9E00;
	s21 =	simm.s32 $0x700;
	s23 =	simm.s32 $0x380  }
0x14: {  	s24 =	simm.s32 $0xB700;
	s25 =	simm.s32 $0x780;
	s26 =	simm.s32 $0x17F00  }
0x15: {  	s7 =	sadd.s32 s4, s5;
	s2 =	sadd.s32 s4, s2;
	s5 =	sadd.s32 s8, s5  }
0x16: {  	s16 =	sshrl.u32 s14, $0x1;
	s7 =	sadd.s32 s6, s7;
	s2 =	sadd.s32 s6, s2  }
0x17: {  	s4 =	ssub.s32 s14, s16;
	s7 =	sadd.s32 $0x13C600, s7;
	[dreg:$0x5] =	wrdreg s2  }
0x18: {  	s0 =	sadd.s32 s0, s5;
	s4 =	smax.u32 s4, $0x1;
	[dreg:$0x4] =	wrdreg s7  }
0x19: {  	s8 =	simm.s32 $0x400;
	s22 =	sadd.s32 $0x155600, s0;
	[dreg:$0x13] =	wrdreg s4  }
0x1a: {  	s5 =	simm.s32 $0x600;
	s0 =	sadd.s32 $0x637600, s0;
	[dreg:$0x14] =	wrdreg s22  }
0x1b: {  	s16 =	simm.s32 $0x8500;
	s2 =	simm.s32 $0x0;
	[dreg:$0x15] =	wrdreg s0  }
0x1c: {  	s7 =	simm.s32 $0x2;
	s4 =	simm.s32 $0x6C00;
	s22 =	simm.s32 $0x16600  }
.LBB2_1:
0x1d: {  	s6 =	rddreg [dreg:$0x5]  }
0x1e: {  	[dreg:$0x16] =	wrdreg s2;
	s2 =	sadd.s32 $0x0, s6  }
0x1f: {  	[tilespmem:s3], [sflag:$0x2] =	stream.linear.gather [hbm4b:s2+s3], $0x400, $0x38;
	[tilespmem:$0x19800] =	vst v63  }
0x20: {  	_ =	swait.ge [sflag:s7], $0x400  }
0x21: {  	s14 =	rddreg [dreg:$0x4];
	[sflag:s7] =	ssyncset.done $0x0  }
0x22: {  	[sflag:s7] =	ssyncadd.s32 $0xFFFFFC00;
	s2 =	sadd.s32 $0x0, s14  }
0x23: {  	[tilespmem:s8], [sflag:$0x2] =	stream.linear.gather [hbm4b:s2+s3], $0x400, $0x38;
	[tilespmem:$0x19800] =	vst v63  }
0x24: {  	_ =	swait.ge [sflag:s7], $0x400  }
0x25: {  	s15 =	rddreg [dreg:$0x6]  }
0x26: {  	s6 =	rddreg [dreg:$0x7]  }
0x27: {  	s30 =	rddreg [dreg:$0x9]  }
0x28: {  	[sflag:s7] =	ssyncset.done $0x0;
	s31 =	rddreg [dreg:$0x8]  }
0x29: {  	s29 =	rddreg [dreg:$0xb];
	[sflag:s7] =	ssyncadd.s32 $0xFFFFFC00  }
0x2a: {  	[tilespmem:s10], [sflag:$0x1] =	stream.indirect.gather [hbm4b:s1+s9], $0x80, s3, s9, $0xb8;
	[tilespmem:$0x19800] =	vst v63  }
0x2b: {  	s0 =	rddreg [dreg:$0xa]  }
0x2c: {  	[tilespmem:s11], [sflag:$0x1] =	stream.indirect.gather [hbm4b:s1+s9], $0x80, s8, s9, $0xb8;
	[tilespmem:$0x19800] =	vst v63  }
0x2d: {  	s14 =	rddreg [dreg:$0xf]  }
0x2e: {  	[tilespmem:s6], [sflag:$0x1] =	stream.indirect.gather [hbm4b:s1+s9], $0x80, s15, s9, $0xb8;
	[tilespmem:$0x19800] =	vst v63  }
0x2f: {  	s15 =	rddreg [dreg:$0xe]  }
0x30: {  	[tilespmem:s30], [sflag:$0x1] =	stream.indirect.gather [hbm4b:s1+s9], $0x80, s31, s9, $0xb8;
	[tilespmem:$0x19800] =	vst v63  }
0x31: {  	s30 =	rddreg [dreg:$0xd]  }
0x32: {  	[tilespmem:s29], [sflag:$0x1] =	stream.indirect.gather [hbm4b:s1+s9], $0x80, s0, s9, $0xb8;
	[tilespmem:$0x19800] =	vst v63  }
0x33: {  	s31 =	rddreg [dreg:$0xc]  }
0x34: {  	[tilespmem:s30], [sflag:$0x1] =	stream.indirect.gather [hbm4b:s1+s9], $0x80, s31, s9, $0xb8;
	[tilespmem:$0x19800] =	vst v63  }
0x35: {  	s30 =	rddreg [dreg:$0x11]  }
0x36: {  	[tilespmem:s14], [sflag:$0x1] =	stream.indirect.gather [hbm4b:s1+s9], $0x80, s15, s9, $0xb8;
	[tilespmem:$0x19800] =	vst v63  }
0x37: {  	s31 =	rddreg [dreg:$0x10]  }
0x38: {  	[tilespmem:s30], [sflag:$0x1] =	stream.indirect.gather [hbm4b:s1+s9], $0x80, s31, s9, $0xb8;
	[tilespmem:$0x19800] =	vst v63  }
0x39: {  	s29 =	rddreg [dreg:$0x12]  }
0x3a: {  	[tilespmem:s4], [sflag:$0x1] =	stream.indirect.gather [hbm4b:s1+s9], $0x80, s29, s9, $0xb8;
	[tilespmem:$0x19800] =	vst v63  }
0x3b: {  	_ = 	snop  }
0x3c: {  	[tilespmem:s12], [sflag:$0x1] =	stream.indirect.gather [hbm4b:s1+s9], $0x80, s5, s9, $0xb8;
	[tilespmem:$0x19800] =	vst v63  }
0x3d: {  	_ = 	snop  }
0x3e: {  	[tilespmem:s16], [sflag:$0x1] =	stream.indirect.gather [hbm4b:s1+s9], $0x80, s13, s9, $0xb8;
	[tilespmem:$0x19800] =	vst v63  }
0x3f: {  	_ = 	snop  }
0x40: {  	[tilespmem:s18], [sflag:$0x1] =	stream.indirect.gather [hbm4b:s1+s9], $0x80, s17, s9, $0xb8;
	[tilespmem:$0x19800] =	vst v63  }
0x41: {  	_ = 	snop  }
0x42: {  	[tilespmem:s20], [sflag:$0x1] =	stream.indirect.gather [hbm4b:s1+s9], $0x80, s19, s9, $0xb8;
	[tilespmem:$0x19800] =	vst v63  }
0x43: {  	_ = 	snop  }
0x44: {  	[tilespmem:s22], [sflag:$0x1] =	stream.indirect.gather [hbm4b:s1+s9], $0x80, s21, s9, $0xb8;
	[tilespmem:$0x19800] =	vst v63  }
0x45: {  	_ = 	snop  }
0x46: {  	[tilespmem:s24], [sflag:$0x1] =	stream.indirect.gather [hbm4b:s1+s9], $0x80, s23, s9, $0xb8;
	[tilespmem:$0x19800] =	vst v63  }
0x47: {  	_ = 	snop  }
0x48: {  	[tilespmem:s26], [sflag:$0x1] =	stream.indirect.gather [hbm4b:s1+s9], $0x80, s25, s9, $0xb8;
	[tilespmem:$0x19800] =	vst v63  }
0x49: {  	_ =	swait.ge [sflag:s28], $0x1900  }
0x4a: {  	[sflag:s28] =	ssyncset.done $0x0  }
0x4b: {  	[sflag:s28] =	ssyncadd.s32 $0xFFFFE700  }
0x4c: {  	_ =	swait.ge [sflag:s28], $0x1900  }
0x4d: {  	[sflag:s28] =	ssyncset.done $0x0  }
0x4e: {  	[sflag:s28] =	ssyncadd.s32 $0xFFFFE700  }
0x4f: {  	_ =	swait.ge [sflag:s28], $0x1900  }
0x50: {  	[sflag:s28] =	ssyncset.done $0x0  }
0x51: {  	[sflag:s28] =	ssyncadd.s32 $0xFFFFE700  }
0x52: {  	_ =	swait.ge [sflag:s28], $0x1900  }
0x53: {  	[sflag:s28] =	ssyncset.done $0x0  }
0x54: {  	[sflag:s28] =	ssyncadd.s32 $0xFFFFE700  }
0x55: {  	_ =	swait.ge [sflag:s28], $0x1900  }
0x56: {  	[sflag:s28] =	ssyncset.done $0x0  }
0x57: {  	[sflag:s28] =	ssyncadd.s32 $0xFFFFE700  }
0x58: {  	_ =	swait.ge [sflag:s28], $0x1900  }
0x59: {  	[sflag:s28] =	ssyncset.done $0x0  }
0x5a: {  	[sflag:s28] =	ssyncadd.s32 $0xFFFFE700  }
0x5b: {  	_ =	swait.ge [sflag:s28], $0x1900  }
0x5c: {  	[sflag:s28] =	ssyncset.done $0x0  }
0x5d: {  	[sflag:s28] =	ssyncadd.s32 $0xFFFFE700  }
0x5e: {  	_ =	swait.ge [sflag:s28], $0x1900  }
0x5f: {  	[sflag:s28] =	ssyncset.done $0x0  }
0x60: {  	[sflag:s28] =	ssyncadd.s32 $0xFFFFE700  }
0x61: {  	_ =	swait.ge [sflag:s28], $0x1900  }
0x62: {  	[sflag:s28] =	ssyncset.done $0x0  }
0x63: {  	[sflag:s28] =	ssyncadd.s32 $0xFFFFE700  }
0x64: {  	_ =	swait.ge [sflag:s28], $0x1900  }
0x65: {  	[sflag:s28] =	ssyncset.done $0x0  }
0x66: {  	[sflag:s28] =	ssyncadd.s32 $0xFFFFE700  }
0x67: {  	_ =	swait.ge [sflag:s28], $0x1900  }
0x68: {  	[sflag:s28] =	ssyncset.done $0x0  }
0x69: {  	[sflag:s28] =	ssyncadd.s32 $0xFFFFE700  }
0x6a: {  	_ =	swait.ge [sflag:s28], $0x1900  }
0x6b: {  	[sflag:s28] =	ssyncset.done $0x0  }
0x6c: {  	[sflag:s28] =	ssyncadd.s32 $0xFFFFE700  }
0x6d: {  	_ =	swait.ge [sflag:s28], $0x1900  }
0x6e: {  	[sflag:s28] =	ssyncset.done $0x0  }
0x6f: {  	[sflag:s28] =	ssyncadd.s32 $0xFFFFE700  }
0x70: {  	_ =	swait.ge [sflag:s28], $0x1900  }
0x71: {  	[sflag:s28] =	ssyncset.done $0x0  }
0x72: {  	[sflag:s28] =	ssyncadd.s32 $0xFFFFE700  }
0x73: {  	_ =	swait.ge [sflag:s28], $0x1900  }
0x74: {  	[sflag:s28] =	ssyncset.done $0x0  }
0x75: {  	[sflag:s28] =	ssyncadd.s32 $0xFFFFE700  }
0x76: {  	_ =	swait.ge [sflag:s28], $0x1900  }
0x77: {  	[sflag:s28] =	ssyncset.done $0x0  }
0x78: {  	s31 =	rddreg [dreg:$0x14];
	[sflag:s28] =	ssyncadd.s32 $0xFFFFE700  }
0x79: {  	[hbm4b:s31+s3] =	stream.linear.scatter [tilespmem:s10], [sflag:$0x2], $0xC800, $0x38;
	[tilespmem:$0x19800] =	vst v63  }
0x7a: {  	_ =	swait.ge [sflag:s7], $0xC800  }
0x7b: {  	s2 =	rddreg [dreg:$0x15]  }
0x7c: {  	s30 =	simm.s32 $0x80;
	s6 =	smov.u32 s2  }
.LBB2_2:
0x7d: {  	[sflag:s7] =	ssyncset.done $0x0  }
0x7e: {  	[sflag:s7] =	ssyncadd.s32 $0xFFFF3800  }
0x7f: {  	[hbm4b:s2+s3] =	stream.linear.scatter [tilespmem:s11], [sflag:$0x2], $0xC800, $0x38;
	[tilespmem:$0x19800] =	vst v63  }
0x80: {  	_ =	swait.ge [sflag:s7], $0xC800  }
0x81: {  	s4 =	smov.u32 s30;
	s5 =	rddreg [dreg:$0x5];
	[sflag:s7] =	ssyncset.done $0x0  }
0x82: {  	[sflag:s7] =	ssyncadd.s32 $0xFFFF3800;
	s5 =	sadd.s32 s4, s5  }
0x83: {  	[tilespmem:s3], [sflag:$0x2] =	stream.linear.gather [hbm4b:s5+s3], $0x400, $0x38;
	[tilespmem:$0x19800] =	vst v63  }
0x84: {  	_ =	swait.ge [sflag:s7], $0x400  }
0x85: {  	s15 =	rddreg [dreg:$0x4];
	[sflag:s7] =	ssyncset.done $0x0  }
0x86: {  	[sflag:s7] =	ssyncadd.s32 $0xFFFFFC00;
	s4 =	sadd.s32 s4, s15  }
0x87: {  	[tilespmem:s8], [sflag:$0x2] =	stream.linear.gather [hbm4b:s4+s3], $0x400, $0x38;
	[tilespmem:$0x19800] =	vst v63  }
0x88: {  	_ =	swait.ge [sflag:s7], $0x400  }
0x89: {  	s4 =	rddreg [dreg:$0x11]  }
0x8a: {  	s5 =	rddreg [dreg:$0xf]  }
0x8b: {  	s0 =	rddreg [dreg:$0xd]  }
0x8c: {  	s29 =	rddreg [dreg:$0x6];
	[sflag:s7] =	ssyncset.done $0x0  }
0x8d: {  	s12 =	rddreg [dreg:$0x7];
	[sflag:s7] =	ssyncadd.s32 $0xFFFFFC00  }
0x8e: {  	[tilespmem:s10], [sflag:$0x1] =	stream.indirect.gather [hbm4b:s1+s9], $0x80, s3, s9, $0xb8;
	[tilespmem:$0x19800] =	vst v63  }
0x8f: {  	s13 =	rddreg [dreg:$0x9]  }
0x90: {  	[tilespmem:s11], [sflag:$0x1] =	stream.indirect.gather [hbm4b:s1+s9], $0x80, s8, s9, $0xb8;
	[tilespmem:$0x19800] =	vst v63  }
0x91: {  	s14 =	rddreg [dreg:$0xb]  }
0x92: {  	[tilespmem:s12], [sflag:$0x1] =	stream.indirect.gather [hbm4b:s1+s9], $0x80, s29, s9, $0xb8;
	[tilespmem:$0x19800] =	vst v63  }
0x93: {  	s15 =	rddreg [dreg:$0x8]  }
0x94: {  	[tilespmem:s13], [sflag:$0x1] =	stream.indirect.gather [hbm4b:s1+s9], $0x80, s15, s9, $0xb8;
	[tilespmem:$0x19800] =	vst v63  }
0x95: {  	s12 =	rddreg [dreg:$0xa]  }
0x96: {  	[tilespmem:s14], [sflag:$0x1] =	stream.indirect.gather [hbm4b:s1+s9], $0x80, s12, s9, $0xb8;
	[tilespmem:$0x19800] =	vst v63  }
0x97: {  	s29 =	rddreg [dreg:$0xc]  }
0x98: {  	[tilespmem:s0], [sflag:$0x1] =	stream.indirect.gather [hbm4b:s1+s9], $0x80, s29, s9, $0xb8;
	[tilespmem:$0x19800] =	vst v63  }
0x99: {  	s14 =	rddreg [dreg:$0xe]  }
0x9a: {  	[tilespmem:s5], [sflag:$0x1] =	stream.indirect.gather [hbm4b:s1+s9], $0x80, s14, s9, $0xb8;
	[tilespmem:$0x19800] =	vst v63  }
0x9b: {  	s15 =	rddreg [dreg:$0x10]  }
0x9c: {  	[tilespmem:s4], [sflag:$0x1] =	stream.indirect.gather [hbm4b:s1+s9], $0x80, s15, s9, $0xb8;
	[tilespmem:$0x19800] =	vst v63  }
0x9d: {  	s29 =	rddreg [dreg:$0x12];
	s4 =	simm.s32 $0x6C00  }
0x9e: {  	[tilespmem:s4], [sflag:$0x1] =	stream.indirect.gather [hbm4b:s1+s9], $0x80, s29, s9, $0xb8;
	[tilespmem:$0x19800] =	vst v63  }
0x9f: {  	s12 =	simm.s32 $0x13400;
	s5 =	simm.s32 $0x600  }
0xa0: {  	[tilespmem:s12], [sflag:$0x1] =	stream.indirect.gather [hbm4b:s1+s9], $0x80, s5, s9, $0xb8;
	[tilespmem:$0x19800] =	vst v63  }
0xa1: {  	s13 =	simm.s32 $0x280  }
0xa2: {  	[tilespmem:s16], [sflag:$0x1] =	stream.indirect.gather [hbm4b:s1+s9], $0x80, s13, s9, $0xb8;
	[tilespmem:$0x19800] =	vst v63  }
0xa3: {  	_ = 	snop  }
0xa4: {  	[tilespmem:s18], [sflag:$0x1] =	stream.indirect.gather [hbm4b:s1+s9], $0x80, s17, s9, $0xb8;
	[tilespmem:$0x19800] =	vst v63  }
0xa5: {  	_ = 	snop  }
0xa6: {  	[tilespmem:s20], [sflag:$0x1] =	stream.indirect.gather [hbm4b:s1+s9], $0x80, s19, s9, $0xb8;
	[tilespmem:$0x19800] =	vst v63  }
0xa7: {  	_ = 	snop  }
0xa8: {  	[tilespmem:s22], [sflag:$0x1] =	stream.indirect.gather [hbm4b:s1+s9], $0x80, s21, s9, $0xb8;
	[tilespmem:$0x19800] =	vst v63  }
0xa9: {  	_ = 	snop  }
0xaa: {  	[tilespmem:s24], [sflag:$0x1] =	stream.indirect.gather [hbm4b:s1+s9], $0x80, s23, s9, $0xb8;
	[tilespmem:$0x19800] =	vst v63  }
0xab: {  	_ = 	snop  }
0xac: {  	[tilespmem:s26], [sflag:$0x1] =	stream.indirect.gather [hbm4b:s1+s9], $0x80, s25, s9, $0xb8;
	[tilespmem:$0x19800] =	vst v63  }
0xad: {  	_ =	swait.ge [sflag:s28], $0x1900  }
0xae: {  	[sflag:s28] =	ssyncset.done $0x0  }
0xaf: {  	[sflag:s28] =	ssyncadd.s32 $0xFFFFE700  }
0xb0: {  	_ =	swait.ge [sflag:s28], $0x1900  }
0xb1: {  	[sflag:s28] =	ssyncset.done $0x0  }
0xb2: {  	[sflag:s28] =	ssyncadd.s32 $0xFFFFE700  }
0xb3: {  	_ =	swait.ge [sflag:s28], $0x1900  }
0xb4: {  	[sflag:s28] =	ssyncset.done $0x0  }
0xb5: {  	[sflag:s28] =	ssyncadd.s32 $0xFFFFE700  }
0xb6: {  	_ =	swait.ge [sflag:s28], $0x1900  }
0xb7: {  	[sflag:s28] =	ssyncset.done $0x0  }
0xb8: {  	[sflag:s28] =	ssyncadd.s32 $0xFFFFE700  }
0xb9: {  	_ =	swait.ge [sflag:s28], $0x1900  }
0xba: {  	[sflag:s28] =	ssyncset.done $0x0  }
0xbb: {  	[sflag:s28] =	ssyncadd.s32 $0xFFFFE700  }
0xbc: {  	_ =	swait.ge [sflag:s28], $0x1900  }
0xbd: {  	[sflag:s28] =	ssyncset.done $0x0  }
0xbe: {  	[sflag:s28] =	ssyncadd.s32 $0xFFFFE700  }
0xbf: {  	_ =	swait.ge [sflag:s28], $0x1900  }
0xc0: {  	[sflag:s28] =	ssyncset.done $0x0  }
0xc1: {  	[sflag:s28] =	ssyncadd.s32 $0xFFFFE700  }
0xc2: {  	_ =	swait.ge [sflag:s28], $0x1900  }
0xc3: {  	[sflag:s28] =	ssyncset.done $0x0  }
0xc4: {  	[sflag:s28] =	ssyncadd.s32 $0xFFFFE700  }
0xc5: {  	_ =	swait.ge [sflag:s28], $0x1900  }
0xc6: {  	[sflag:s28] =	ssyncset.done $0x0  }
0xc7: {  	[sflag:s28] =	ssyncadd.s32 $0xFFFFE700  }
0xc8: {  	_ =	swait.ge [sflag:s28], $0x1900  }
0xc9: {  	[sflag:s28] =	ssyncset.done $0x0  }
0xca: {  	[sflag:s28] =	ssyncadd.s32 $0xFFFFE700  }
0xcb: {  	_ =	swait.ge [sflag:s28], $0x1900  }
0xcc: {  	[sflag:s28] =	ssyncset.done $0x0  }
0xcd: {  	[sflag:s28] =	ssyncadd.s32 $0xFFFFE700  }
0xce: {  	_ =	swait.ge [sflag:s28], $0x1900  }
0xcf: {  	[sflag:s28] =	ssyncset.done $0x0  }
0xd0: {  	[sflag:s28] =	ssyncadd.s32 $0xFFFFE700  }
0xd1: {  	_ =	swait.ge [sflag:s28], $0x1900  }
0xd2: {  	[sflag:s28] =	ssyncset.done $0x0  }
0xd3: {  	[sflag:s28] =	ssyncadd.s32 $0xFFFFE700  }
0xd4: {  	_ =	swait.ge [sflag:s28], $0x1900  }
0xd5: {  	[sflag:s28] =	ssyncset.done $0x0  }
0xd6: {  	[sflag:s28] =	ssyncadd.s32 $0xFFFFE700  }
0xd7: {  	_ =	swait.ge [sflag:s28], $0x1900  }
0xd8: {  	[sflag:s28] =	ssyncset.done $0x0  }
0xd9: {  	p0 =	sne.s32 s30, $0xC00;
	[sflag:s28] =	ssyncadd.s32 $0xFFFFE700  }
.Ltmp0:
0xda: {  	_ =	swait.ge [sflag:s28], $0x1900;
	(pc) =	sbr.rel @p0 .LBB2_2-.Ltmp0, $4  }
0xdb: {  	[sflag:s28] =	ssyncset.done $0x0  }
0xdc: {  	s31 =	sadd.s32 $0x1900, s31;
	s6 =	sadd.s32 $0x1900, s6;
	[sflag:s28] =	ssyncadd.s32 $0xFFFFE700  }
0xdd: {  	[hbm4b:s31+s3] =	stream.linear.scatter [tilespmem:s10], [sflag:$0x2], $0xC800, $0x38;
	[tilespmem:$0x19800] =	vst v63  }
0xde: {  	s30 =	sadd.s32 $0x80, s30;
	s2 =	smov.u32 s6;
	_ =	swait.ge [sflag:s7], $0xC800  }
0xdf: {  	[sflag:s7] =	ssyncset.done $0x0  }
0xe0: {  	[sflag:s7] =	ssyncadd.s32 $0xFFFF3800  }
0xe1: {  	[hbm4b:s2+s3] =	stream.linear.scatter [tilespmem:s11], [sflag:$0x2], $0xC800, $0x38;
	[tilespmem:$0x19800] =	vst v63  }
0xe2: {  	_ =	swait.ge [sflag:s7], $0xC800  }
0xe3: {  	s31 =	rddreg [dreg:$0x16]  }
0xe4: {  	s0 =	rddreg [dreg:$0x13];
	s2 =	sadd.s32 $0x1, s31  }
0xe5: {  	p0 =	sne.s32 s2, s0  }
.Ltmp1:
0xe6: {  	_ = 	snop;
	(pc) =	sbr.rel @p0 .LBB2_1-.Ltmp1, $3  }
0xe7: {  	_ =	sdelay $0x1  }
0xe8: {  	[sflag:s7] =	ssyncset.done $0x0  }
0xe9: {  	[sflag:s7] =	ssyncadd.s32 $0xFFFF3800  }
0xea: {  	_ =	sfence.sel $0x180000  }
0xeb: {  	[bflag:$0x0] =	sbarrier.arrive $0xFFFF  }
0xec: {  	_ =	strace $0x9000004A  }
0xed: {  	s0 =	stileid.u32;
	[bflag:$0x2] =	sbarrier.arrive $0xFFFF  }
0xee: {  	p0 =	sne.s32 s0, $0x0;
	s0 =	rddreg [dreg:$0x3]  }
0xef: {  	s0 =	sadd.s32 @!p0 $0x100000, s0  }
0xf0: {  	[sflag:s0] =	ssyncadd.tile.s32 @!p0 $0x1;
	_ =	shalt  }
.Lfunc_end2:
_tile_overlayer_lowered:
.L_overlay_start_2:
0xf1: {  	(tag) =	ssettag $0x2  }
0xf2: {  	s0 =	rddreg [dreg:$0x0];
	s2 =	stileid.u32  }
0xf3: {  	s1 =	rddreg [dreg:$0x1];
	p0 =	sne.s32 s2, $0x0  }
0xf4: {  	s3 =	rddreg [dreg:$0x2];
	[bflag:$0x3] =	sbarrier.arrive $0xFFFF;
	s2 =	simm.s32 @!p0 $0x1C02  }
0xf5: {  	[timem:s3], [sflag:s2] =	dma.local @!p0 [hbm:s0], s1  }
0xf6: {  	s0 =	simm.s32 @!p0 $0x2  }
0xf7: {  	_ =	swait.ge @!p0 [sflag:s0], s1  }
0xf8: {  	s1 =	ssub.s32 @!p0 $0x0, s1;
	[sflag:s0] =	ssyncset.done @!p0 $0x0  }
0xf9: {  	[sflag:s0] =	ssyncadd.s32 @!p0 s1  }
0xfa: {  	[bflag:$0x3] =	sbarrier.arrive $0xFFFF  }
0xfb: {  	_ =	shalt  }

</sc_bundles>
